<compile_context>
chip_gen: v7x
topology: tpu7x:2x2x1
jax: 0.10.2.dev20260603
libtpu: 0.0.44.dev20260713+nightly
codegen_flags: <defaults>
</compile_context>

<pallas_src>
import functools

import jax
import jax.numpy as jnp
from jax import lax
from jax.experimental import pallas as pl
from jax.experimental.pallas import tpu as pltpu
from jax.experimental.pallas import tpu_sc as plsc

F = 26
V = 100000
D = 16
B = 16384

NC = 2
NS = 16
NW = NC * NS

P = F * D
PPW = P // NW
L = 16

VA = 99968
TAIL = 32
HB = B // 2
U = 8


def _esmm_kernel(batch_t, tab_t, tail_t, out_t, plane_v, idx_v, out_v, tail_v,
                 semp, semo):
    wid = lax.axis_index("s") * NC + lax.axis_index("c")

    def fd(j):
        p = wid * PPW + j
        return p, p // D, p % D

    def fire_plane(j):
        _, f, d = fd(j)
        return pltpu.async_copy(tab_t.at[f, d, pl.ds(0, VA)],
                                plane_v.at[pl.ds(0, VA)], semp)

    def gather_half(h):
        @plsc.parallel_loop(0, HB, step=L, unroll=U)
        def _(o):
            iv = idx_v[pl.ds(o, L)]
            out_v[pl.ds(h * HB + o, L)] = plsc.load_gather(plane_v, [iv])

    cp = fire_plane(0)
    ocp = None
    for j in range(PPW):
        p, f, d = fd(j)
        h1st = j % 2
        h2nd = 1 - h1st
        if j == 0:
            pltpu.sync_copy(tail_t.at[f], tail_v)
            pltpu.sync_copy(batch_t.at[f, pl.ds(h1st * HB, HB)], idx_v)
        else:
            _, f_prev, _ = fd(j - 1)

            @pl.when(f != f_prev)
            def _():
                pltpu.sync_copy(tail_t.at[f], tail_v)
                pltpu.sync_copy(batch_t.at[f, pl.ds(h1st * HB, HB)], idx_v)

        plane_v[pl.ds(V - 2 * L, L)] = tail_v[pl.ds(d * TAIL, L)]
        plane_v[pl.ds(V - L, L)] = tail_v[pl.ds(d * TAIL + L, L)]

        cp.wait()
        if ocp is not None:
            ocp.wait()
        gather_half(h1st)
        pltpu.sync_copy(batch_t.at[f, pl.ds(h2nd * HB, HB)], idx_v)
        gather_half(h2nd)
        ocp = pltpu.async_copy(out_v, out_t.at[p], semo)
        if j + 1 < PPW:
            cp = fire_plane(j + 1)
    ocp.wait()


@jax.jit
def _esmm(batch, tables):
    batch_t = batch.astype(jnp.int32).T
    tab_t = tables.transpose(0, 2, 1)
    tail_t = lax.slice(tables, (0, V - TAIL, 0), (F, V, D)).transpose(
        0, 2, 1).reshape(F, D * TAIL)
    mesh = plsc.VectorSubcoreMesh(core_axis_name="c", subcore_axis_name="s")
    out_t = pl.kernel(
        _esmm_kernel,
        out_type=jax.ShapeDtypeStruct((P, B), jnp.float32),
        mesh=mesh,
        scratch_types=[
            pltpu.VMEM((V,), jnp.float32),
            pltpu.VMEM((HB,), jnp.int32),
            pltpu.VMEM((B,), jnp.float32),
            pltpu.VMEM((D * TAIL,), jnp.float32),
            pltpu.SemaphoreType.DMA,
            pltpu.SemaphoreType.DMA,
        ],
        compiler_params=pltpu.CompilerParams(
            use_tc_tiling_on_sc=True, needs_layout_passes=False),
    )(batch_t, tab_t, tail_t)
    return out_t.T.reshape(B, F * D)


def kernel(batch, tables):
    return _esmm(batch, tables)

# --- scband reference (transcript-rebuilt; emitter-appended) ---
"""Pipeline reference for scband-esmm-64269890617897 (READ-ONLY COPY).

The authoritative reference and input builder live on the scoring server;
editing this copy changes nothing except your own understanding.
"""

import jax, jax.numpy as jnp
import numpy as np

NUM_FIELDS = 26
VOCAB = 100000
EMBED_DIM = 16
BATCH = 16384

def setup_inputs(seed: int = 0) -> dict:
    key = jax.random.key(seed)
    k_idx, k_tab = jax.random.split(key)
    batch = jax.random.randint(k_idx, (BATCH, NUM_FIELDS), 0, VOCAB, dtype=jnp.int64 if jax.config.jax_enable_x64 else jnp.int32)
    # 26 embedding tables (8 user + 10 item + 8 context), stacked: [F, V, D]
    tables = jax.random.normal(k_tab, (NUM_FIELDS, VOCAB, EMBED_DIM), dtype=jnp.float32) * 0.01
    return {"batch": batch, "tables": tables}

def reference(batch, tables):
    # ESMM shared embedding layer: per-field lookup then concat.
    # batch[:, f] indexes tables[f] -> [B, F, D]
    def gather_field(table, idx):
        return jnp.take(table, idx, axis=0)  # [B, D]
    emb = jax.vmap(gather_field, in_axes=(0, 1), out_axes=1)(tables, batch)  # [B, F, D]
    return emb.reshape(emb.shape[0], -1)  # [B, F*D]

if __name__ == "__main__":
    import jax
    _d = setup_inputs()
    print(jax.jit(kernel)(*tuple(_d.values())))

</pallas_src>

<mosaic_0001>
#map = affine_map<(d0, d1) -> (0, 0)>
#map1 = affine_map<(d0, d1) -> (0, 0, 0)>
module attributes {stable_mosaic.version = 14 : i64} {
  func.func @_esmm_kernel(%arg0: i32, %arg1: i32, %arg2: memref<26x16384xi32, #tpu.memory_space<hbm>>, %arg3: memref<26x16x100000xf32, #tpu.memory_space<hbm>>, %arg4: memref<26x512xf32, #tpu.memory_space<hbm>>, %arg5: memref<416x16384xf32, #tpu.memory_space<hbm>>, %arg6: memref<100000xf32, #tpu.memory_space<vmem>>, %arg7: memref<8192xi32, #tpu.memory_space<vmem>>, %arg8: memref<16384xf32, #tpu.memory_space<vmem>>, %arg9: memref<512xf32, #tpu.memory_space<vmem>>, %arg10: memref<!tpu.dma_semaphore, #tpu.memory_space<semaphore_mem>>, %arg11: memref<!tpu.dma_semaphore, #tpu.memory_space<semaphore_mem>>) attributes {dimension_semantics = [#tpu.dimension_semantics<core_parallel>, #tpu.dimension_semantics<subcore_parallel>], iteration_bounds = array<i64: 2, 16>, scalar_prefetch = 0 : i64, scratch_operands = 6 : i64, tpu.core_type = #tpu.core_type<sc_vector_subcore>, window_params = [{transform_indices = #map}, {transform_indices = #map1}, {transform_indices = #map}, {transform_indices = #map}]} {
    %mul3A = arith.constant 2 : i32
    %mul3A_0 = arith.muli %arg1, %mul3A : i32
    %add3A = arith.addi %mul3A_0, %arg0 : i32
    %mul3A_1 = arith.constant 13 : i32
    %mul3A_2 = arith.muli %add3A, %mul3A_1 : i32
    %add3A_3 = arith.constant 0 : i32
    %add3A_4 = arith.addi %mul3A_2, %add3A_3 : i32
    %jit3A = arith.constant 16 : i32
    %div3A = arith.divsi %add3A_4, %jit3A : i32
    %sign3A = arith.constant 0 : i32
    %sign3A_5 = arith.cmpi sgt, %add3A_4, %sign3A : i32
    %sign3A_6 = arith.extui %sign3A_5 : i1 to i32
    %sign3A_7 = arith.constant 0 : i32
    %sign3A_8 = arith.cmpi slt, %add3A_4, %sign3A_7 : i32
    %sign3A_9 = arith.extui %sign3A_8 : i1 to i32
    %sign3A_10 = arith.subi %sign3A_6, %sign3A_9 : i32
    %sign3A_11 = arith.constant 0 : i32
    %sign3A_12 = arith.cmpi sgt, %jit3A, %sign3A_11 : i32
    %sign3A_13 = arith.extui %sign3A_12 : i1 to i32
    %sign3A_14 = arith.constant 0 : i32
    %sign3A_15 = arith.cmpi slt, %jit3A, %sign3A_14 : i32
    %sign3A_16 = arith.extui %sign3A_15 : i1 to i32
    %sign3A_17 = arith.subi %sign3A_13, %sign3A_16 : i32
    %ne3A = arith.cmpi ne, %sign3A_10, %sign3A_17 : i32
    %rem3A = arith.remsi %add3A_4, %jit3A : i32
    %ne3A_18 = arith.constant 0 : i32
    %ne3A_19 = arith.cmpi ne, %rem3A, %ne3A_18 : i32
    %and3A = arith.andi %ne3A, %ne3A_19 : i1
    %sub3A = arith.constant 1 : i32
    %sub3A_20 = arith.subi %div3A, %sub3A : i32
    %select_n3A = arith.select %and3A, %sub3A_20, %div3A : i32
    %jit3A_21 = arith.constant 16 : i32
    %eq3A = arith.constant 0 : i32
    %eq3A_22 = arith.cmpi eq, %jit3A_21, %eq3A : i32
    %jit3A_23 = arith.constant 1 : i32
    %select_n3A_24 = arith.select %eq3A_22, %jit3A_23, %jit3A_21 : i32
    %rem3A_25 = arith.remsi %add3A_4, %select_n3A_24 : i32
    %ne3A_26 = arith.constant 0 : i32
    %ne3A_27 = arith.cmpi ne, %rem3A_25, %ne3A_26 : i32
    %lt3A = arith.constant 0 : i32
    %lt3A_28 = arith.cmpi slt, %rem3A_25, %lt3A : i32
    %lt3A_29 = arith.constant 0 : i32
    %lt3A_30 = arith.cmpi slt, %select_n3A_24, %lt3A_29 : i32
    %ne3A_31 = arith.xori %lt3A_28, %lt3A_30 : i1
    %and3A_32 = arith.andi %ne3A_31, %ne3A_27 : i1
    %add3A_33 = arith.addi %rem3A_25, %select_n3A_24 : i32
    %select_n3A_34 = arith.select %and3A_32, %add3A_33, %rem3A_25 : i32
    %dma_start3A = arith.constant 0 : i32
    %dma_start3A_35 = tpu.memref_slice %arg6[%dma_start3A] : memref<100000xf32, #tpu.memory_space<vmem>> -> memref<99968xf32, #tpu.memory_space<vmem>>
    %dma_start3A_36 = arith.constant 0 : i32
    %dma_start3A_37 = tpu.memref_slice %arg3[%select_n3A, %select_n3A_34, %dma_start3A_36] : memref<26x16x100000xf32, #tpu.memory_space<hbm>> -> memref<1x1x99968xf32, #tpu.memory_space<hbm>>
    %dma_start3A_38 = tpu.memref_squeeze %dma_start3A_37 : memref<1x1x99968xf32, #tpu.memory_space<hbm>> -> memref<99968xf32, #tpu.memory_space<hbm>>
    %dma_start3A_39 = arith.constant 0 : i32
    %dma_start3A_40 = tpu.memref_slice %arg6[%dma_start3A_39] : memref<100000xf32, #tpu.memory_space<vmem>> -> memref<99968xf32, #tpu.memory_space<vmem>>
    %dma_start3A_41 = arith.constant 0 : i32
    %dma_start3A_42 = tpu.memref_slice %arg3[%select_n3A, %select_n3A_34, %dma_start3A_41] : memref<26x16x100000xf32, #tpu.memory_space<hbm>> -> memref<1x1x99968xf32, #tpu.memory_space<hbm>>
    %dma_start3A_43 = tpu.memref_squeeze %dma_start3A_42 : memref<1x1x99968xf32, #tpu.memory_space<hbm>> -> memref<99968xf32, #tpu.memory_space<hbm>>
    tpu.enqueue_dma source(%dma_start3A_43 : memref<99968xf32, #tpu.memory_space<hbm>>) target(%dma_start3A_40 : memref<99968xf32, #tpu.memory_space<vmem>>) target_semaphore(%arg10 : memref<!tpu.dma_semaphore, #tpu.memory_space<semaphore_mem>>)
    %mul3A_44 = arith.constant 13 : i32
    %mul3A_45 = arith.muli %add3A, %mul3A_44 : i32
    %add3A_46 = arith.constant 0 : i32
    %add3A_47 = arith.addi %mul3A_45, %add3A_46 : i32
    %jit3A_48 = arith.constant 16 : i32
    %div3A_49 = arith.divsi %add3A_47, %jit3A_48 : i32
    %sign3A_50 = arith.constant 0 : i32
    %sign3A_51 = arith.cmpi sgt, %add3A_47, %sign3A_50 : i32
    %sign3A_52 = arith.extui %sign3A_51 : i1 to i32
    %sign3A_53 = arith.constant 0 : i32
    %sign3A_54 = arith.cmpi slt, %add3A_47, %sign3A_53 : i32
    %sign3A_55 = arith.extui %sign3A_54 : i1 to i32
    %sign3A_56 = arith.subi %sign3A_52, %sign3A_55 : i32
    %sign3A_57 = arith.constant 0 : i32
    %sign3A_58 = arith.cmpi sgt, %jit3A_48, %sign3A_57 : i32
    %sign3A_59 = arith.extui %sign3A_58 : i1 to i32
    %sign3A_60 = arith.constant 0 : i32
    %sign3A_61 = arith.cmpi slt, %jit3A_48, %sign3A_60 : i32
    %sign3A_62 = arith.extui %sign3A_61 : i1 to i32
    %sign3A_63 = arith.subi %sign3A_59, %sign3A_62 : i32
    %ne3A_64 = arith.cmpi ne, %sign3A_56, %sign3A_63 : i32
    %rem3A_65 = arith.remsi %add3A_47, %jit3A_48 : i32
    %ne3A_66 = arith.constant 0 : i32
    %ne3A_67 = arith.cmpi ne, %rem3A_65, %ne3A_66 : i32
    %and3A_68 = arith.andi %ne3A_64, %ne3A_67 : i1
    %sub3A_69 = arith.constant 1 : i32
    %sub3A_70 = arith.subi %div3A_49, %sub3A_69 : i32
    %select_n3A_71 = arith.select %and3A_68, %sub3A_70, %div3A_49 : i32
    %jit3A_72 = arith.constant 16 : i32
    %eq3A_73 = arith.constant 0 : i32
    %eq3A_74 = arith.cmpi eq, %jit3A_72, %eq3A_73 : i32
    %jit3A_75 = arith.constant 1 : i32
    %select_n3A_76 = arith.select %eq3A_74, %jit3A_75, %jit3A_72 : i32
    %rem3A_77 = arith.remsi %add3A_47, %select_n3A_76 : i32
    %ne3A_78 = arith.constant 0 : i32
    %ne3A_79 = arith.cmpi ne, %rem3A_77, %ne3A_78 : i32
    %lt3A_80 = arith.constant 0 : i32
    %lt3A_81 = arith.cmpi slt, %rem3A_77, %lt3A_80 : i32
    %lt3A_82 = arith.constant 0 : i32
    %lt3A_83 = arith.cmpi slt, %select_n3A_76, %lt3A_82 : i32
    %ne3A_84 = arith.xori %lt3A_81, %lt3A_83 : i1
    %and3A_85 = arith.andi %ne3A_84, %ne3A_79 : i1
    %add3A_86 = arith.addi %rem3A_77, %select_n3A_76 : i32
    %select_n3A_87 = arith.select %and3A_85, %add3A_86, %rem3A_77 : i32
    "tpu.region"() ({
      %run_scoped3A = tpu.sem_alloc : memref<!tpu.dma_semaphore, #tpu.memory_space<semaphore_mem>>
      %dma_start3A_2380 = arith.constant 0 : i32
      %dma_start3A_2381 = tpu.memref_slice %arg4[%select_n3A_71, %dma_start3A_2380] : memref<26x512xf32, #tpu.memory_space<hbm>> -> memref<1x512xf32, #tpu.memory_space<hbm>>
      %dma_start3A_2382 = tpu.memref_squeeze %dma_start3A_2381 : memref<1x512xf32, #tpu.memory_space<hbm>> -> memref<512xf32, #tpu.memory_space<hbm>>
      %dma_start3A_2383 = arith.constant 0 : i32
      %dma_start3A_2384 = tpu.memref_slice %arg4[%select_n3A_71, %dma_start3A_2383] : memref<26x512xf32, #tpu.memory_space<hbm>> -> memref<1x512xf32, #tpu.memory_space<hbm>>
      %dma_start3A_2385 = tpu.memref_squeeze %dma_start3A_2384 : memref<1x512xf32, #tpu.memory_space<hbm>> -> memref<512xf32, #tpu.memory_space<hbm>>
      tpu.enqueue_dma source(%dma_start3A_2385 : memref<512xf32, #tpu.memory_space<hbm>>) target(%arg9 : memref<512xf32, #tpu.memory_space<vmem>>) target_semaphore(%run_scoped3A : memref<!tpu.dma_semaphore, #tpu.memory_space<semaphore_mem>>)
      %dma_wait3A_2386 = arith.constant 0 : i32
      %dma_wait3A_2387 = tpu.memref_slice %arg4[%select_n3A_71, %dma_wait3A_2386] : memref<26x512xf32, #tpu.memory_space<hbm>> -> memref<1x512xf32, #tpu.memory_space<hbm>>
      %dma_wait3A_2388 = tpu.memref_squeeze %dma_wait3A_2387 : memref<1x512xf32, #tpu.memory_space<hbm>> -> memref<512xf32, #tpu.memory_space<hbm>>
      %dma_wait3A_2389 = arith.constant 0 : i32
      %dma_wait3A_2390 = tpu.memref_slice %arg4[%select_n3A_71, %dma_wait3A_2389] : memref<26x512xf32, #tpu.memory_space<hbm>> -> memref<1x512xf32, #tpu.memory_space<hbm>>
      %dma_wait3A_2391 = tpu.memref_squeeze %dma_wait3A_2390 : memref<1x512xf32, #tpu.memory_space<hbm>> -> memref<512xf32, #tpu.memory_space<hbm>>
      tpu.wait_dma2 semaphore(%run_scoped3A : memref<!tpu.dma_semaphore, #tpu.memory_space<semaphore_mem>>) src(%dma_wait3A_2391 : memref<512xf32, #tpu.memory_space<hbm>>) dst(%arg9 : memref<512xf32, #tpu.memory_space<vmem>>)
      tpu.yield
    }) : () -> ()
    "tpu.region"() ({
      %run_scoped3A = tpu.sem_alloc : memref<!tpu.dma_semaphore, #tpu.memory_space<semaphore_mem>>
      %dma_start3A_2380 = arith.constant 0 : i32
      %dma_start3A_2381 = tpu.memref_slice %arg2[%select_n3A_71, %dma_start3A_2380] : memref<26x16384xi32, #tpu.memory_space<hbm>> -> memref<1x8192xi32, #tpu.memory_space<hbm>>
      %dma_start3A_2382 = tpu.memref_squeeze %dma_start3A_2381 : memref<1x8192xi32, #tpu.memory_space<hbm>> -> memref<8192xi32, #tpu.memory_space<hbm>>
      %dma_start3A_2383 = arith.constant 0 : i32
      %dma_start3A_2384 = tpu.memref_slice %arg2[%select_n3A_71, %dma_start3A_2383] : memref<26x16384xi32, #tpu.memory_space<hbm>> -> memref<1x8192xi32, #tpu.memory_space<hbm>>
      %dma_start3A_2385 = tpu.memref_squeeze %dma_start3A_2384 : memref<1x8192xi32, #tpu.memory_space<hbm>> -> memref<8192xi32, #tpu.memory_space<hbm>>
      tpu.enqueue_dma source(%dma_start3A_2385 : memref<8192xi32, #tpu.memory_space<hbm>>) target(%arg7 : memref<8192xi32, #tpu.memory_space<vmem>>) target_semaphore(%run_scoped3A : memref<!tpu.dma_semaphore, #tpu.memory_space<semaphore_mem>>)
      %dma_wait3A_2386 = arith.constant 0 : i32
      %dma_wait3A_2387 = tpu.memref_slice %arg2[%select_n3A_71, %dma_wait3A_2386] : memref<26x16384xi32, #tpu.memory_space<hbm>> -> memref<1x8192xi32, #tpu.memory_space<hbm>>
      %dma_wait3A_2388 = tpu.memref_squeeze %dma_wait3A_2387 : memref<1x8192xi32, #tpu.memory_space<hbm>> -> memref<8192xi32, #tpu.memory_space<hbm>>
      %dma_wait3A_2389 = arith.constant 0 : i32
      %dma_wait3A_2390 = tpu.memref_slice %arg2[%select_n3A_71, %dma_wait3A_2389] : memref<26x16384xi32, #tpu.memory_space<hbm>> -> memref<1x8192xi32, #tpu.memory_space<hbm>>
      %dma_wait3A_2391 = tpu.memref_squeeze %dma_wait3A_2390 : memref<1x8192xi32, #tpu.memory_space<hbm>> -> memref<8192xi32, #tpu.memory_space<hbm>>
      tpu.wait_dma2 semaphore(%run_scoped3A : memref<!tpu.dma_semaphore, #tpu.memory_space<semaphore_mem>>) src(%dma_wait3A_2391 : memref<8192xi32, #tpu.memory_space<hbm>>) dst(%arg7 : memref<8192xi32, #tpu.memory_space<vmem>>)
      tpu.yield
    }) : () -> ()
    %mul3A_88 = arith.constant 32 : i32
    %mul3A_89 = arith.muli %select_n3A_87, %mul3A_88 : i32
    %get3A = arith.index_cast %mul3A_89 : i32 to index
    %get3A_90 = tpu.vector_load %arg9[%get3A] {strides = array<i32>} : memref<512xf32, #tpu.memory_space<vmem>>, vector<16xf32>,
    %swap3A = arith.constant 99968 : index
    %swap3A_91 = tpu.vector_load %arg6[%swap3A] {strides = array<i32>} : memref<100000xf32, #tpu.memory_space<vmem>>, vector<16xf32>,
    tpu.vector_store %arg6[%swap3A], %get3A_90 {strides = array<i32>} : memref<100000xf32, #tpu.memory_space<vmem>>, vector<16xf32>,
    %mul3A_92 = arith.constant 32 : i32
    %mul3A_93 = arith.muli %select_n3A_87, %mul3A_92 : i32
    %add3A_94 = arith.constant 16 : i32
    %add3A_95 = arith.addi %mul3A_93, %add3A_94 : i32
    %get3A_96 = arith.index_cast %add3A_95 : i32 to index
    %get3A_97 = tpu.vector_load %arg9[%get3A_96] {strides = array<i32>} : memref<512xf32, #tpu.memory_space<vmem>>, vector<16xf32>,
    %swap3A_98 = arith.constant 99984 : index
    %swap3A_99 = tpu.vector_load %arg6[%swap3A_98] {strides = array<i32>} : memref<100000xf32, #tpu.memory_space<vmem>>, vector<16xf32>,
    tpu.vector_store %arg6[%swap3A_98], %get3A_97 {strides = array<i32>} : memref<100000xf32, #tpu.memory_space<vmem>>, vector<16xf32>,
    %dma_wait3A = arith.constant 0 : i32
    %dma_wait3A_100 = tpu.memref_slice %arg6[%dma_wait3A] : memref<100000xf32, #tpu.memory_space<vmem>> -> memref<99968xf32, #tpu.memory_space<vmem>>
    %dma_wait3A_101 = arith.constant 0 : i32
    %dma_wait3A_102 = tpu.memref_slice %arg3[%select_n3A, %select_n3A_34, %dma_wait3A_101] : memref<26x16x100000xf32, #tpu.memory_space<hbm>> -> memref<1x1x99968xf32, #tpu.memory_space<hbm>>
    %dma_wait3A_103 = tpu.memref_squeeze %dma_wait3A_102 : memref<1x1x99968xf32, #tpu.memory_space<hbm>> -> memref<99968xf32, #tpu.memory_space<hbm>>
    %dma_wait3A_104 = arith.constant 0 : i32
    %dma_wait3A_105 = tpu.memref_slice %arg6[%dma_wait3A_104] : memref<100000xf32, #tpu.memory_space<vmem>> -> memref<99968xf32, #tpu.memory_space<vmem>>
    %dma_wait3A_106 = arith.constant 0 : i32
    %dma_wait3A_107 = tpu.memref_slice %arg3[%select_n3A, %select_n3A_34, %dma_wait3A_106] : memref<26x16x100000xf32, #tpu.memory_space<hbm>> -> memref<1x1x99968xf32, #tpu.memory_space<hbm>>
    %dma_wait3A_108 = tpu.memref_squeeze %dma_wait3A_107 : memref<1x1x99968xf32, #tpu.memory_space<hbm>> -> memref<99968xf32, #tpu.memory_space<hbm>>
    tpu.wait_dma2 semaphore(%arg10 : memref<!tpu.dma_semaphore, #tpu.memory_space<semaphore_mem>>) src(%dma_wait3A_108 : memref<99968xf32, #tpu.memory_space<hbm>>) dst(%dma_wait3A_105 : memref<99968xf32, #tpu.memory_space<vmem>>)
    %parallel_loop3A = arith.constant 0 : i32
    %parallel_loop3A_109 = arith.constant 8192 : i32
    %parallel_loop3A_110 = arith.constant 16 : i32
    scf.for %parallel_loop3A_2380 = %parallel_loop3A to %parallel_loop3A_109 step %parallel_loop3A_110  : i32 {
      %parallel_loop3A_2381 = arith.index_cast %parallel_loop3A_2380 : i32 to index
      %parallel_loop3A_2382 = tpu.vector_load %arg7[%parallel_loop3A_2381] {strides = array<i32>} : memref<8192xi32, #tpu.memory_space<vmem>>, vector<16xi32>,
      %parallel_loop3A_2383 = tpu.vector_load_idx %arg6[%parallel_loop3A_2382] : memref<100000xf32, #tpu.memory_space<vmem>>[vector<16xi32>], vector<16xf32>,
      %parallel_loop3A_2384 = arith.constant 0 : i32
      %parallel_loop3A_2385 = arith.addi %parallel_loop3A_2384, %parallel_loop3A_2380 : i32
      %parallel_loop3A_2386 = arith.index_cast %parallel_loop3A_2385 : i32 to index
      %parallel_loop3A_2387 = tpu.vector_load %arg8[%parallel_loop3A_2386] {strides = array<i32>} : memref<16384xf32, #tpu.memory_space<vmem>>, vector<16xf32>,
      tpu.vector_store %arg8[%parallel_loop3A_2386], %parallel_loop3A_2383 {strides = array<i32>} : memref<16384xf32, #tpu.memory_space<vmem>>, vector<16xf32>,
    } {sc.loop_unroll_factor = 8 : i64, sc.parallel_access}
    "tpu.region"() ({
      %run_scoped3A = tpu.sem_alloc : memref<!tpu.dma_semaphore, #tpu.memory_space<semaphore_mem>>
      %dma_start3A_2380 = arith.constant 8192 : i32
      %dma_start3A_2381 = tpu.memref_slice %arg2[%select_n3A_71, %dma_start3A_2380] : memref<26x16384xi32, #tpu.memory_space<hbm>> -> memref<1x8192xi32, #tpu.memory_space<hbm>>
      %dma_start3A_2382 = tpu.memref_squeeze %dma_start3A_2381 : memref<1x8192xi32, #tpu.memory_space<hbm>> -> memref<8192xi32, #tpu.memory_space<hbm>>
      %dma_start3A_2383 = arith.constant 8192 : i32
      %dma_start3A_2384 = tpu.memref_slice %arg2[%select_n3A_71, %dma_start3A_2383] : memref<26x16384xi32, #tpu.memory_space<hbm>> -> memref<1x8192xi32, #tpu.memory_space<hbm>>
      %dma_start3A_2385 = tpu.memref_squeeze %dma_start3A_2384 : memref<1x8192xi32, #tpu.memory_space<hbm>> -> memref<8192xi32, #tpu.memory_space<hbm>>
      tpu.enqueue_dma source(%dma_start3A_2385 : memref<8192xi32, #tpu.memory_space<hbm>>) target(%arg7 : memref<8192xi32, #tpu.memory_space<vmem>>) target_semaphore(%run_scoped3A : memref<!tpu.dma_semaphore, #tpu.memory_space<semaphore_mem>>)
      %dma_wait3A_2386 = arith.constant 8192 : i32
      %dma_wait3A_2387 = tpu.memref_slice %arg2[%select_n3A_71, %dma_wait3A_2386] : memref<26x16384xi32, #tpu.memory_space<hbm>> -> memref<1x8192xi32, #tpu.memory_space<hbm>>
      %dma_wait3A_2388 = tpu.memref_squeeze %dma_wait3A_2387 : memref<1x8192xi32, #tpu.memory_space<hbm>> -> memref<8192xi32, #tpu.memory_space<hbm>>
      %dma_wait3A_2389 = arith.constant 8192 : i32
      %dma_wait3A_2390 = tpu.memref_slice %arg2[%select_n3A_71, %dma_wait3A_2389] : memref<26x16384xi32, #tpu.memory_space<hbm>> -> memref<1x8192xi32, #tpu.memory_space<hbm>>
      %dma_wait3A_2391 = tpu.memref_squeeze %dma_wait3A_2390 : memref<1x8192xi32, #tpu.memory_space<hbm>> -> memref<8192xi32, #tpu.memory_space<hbm>>
      tpu.wait_dma2 semaphore(%run_scoped3A : memref<!tpu.dma_semaphore, #tpu.memory_space<semaphore_mem>>) src(%dma_wait3A_2391 : memref<8192xi32, #tpu.memory_space<hbm>>) dst(%arg7 : memref<8192xi32, #tpu.memory_space<vmem>>)
      tpu.yield
    }) : () -> ()
    %parallel_loop3A_111 = arith.constant 0 : i32
    %parallel_loop3A_112 = arith.constant 8192 : i32
    %parallel_loop3A_113 = arith.constant 16 : i32
    scf.for %parallel_loop3A_2380 = %parallel_loop3A_111 to %parallel_loop3A_112 step %parallel_loop3A_113  : i32 {
      %parallel_loop3A_2381 = arith.index_cast %parallel_loop3A_2380 : i32 to index
      %parallel_loop3A_2382 = tpu.vector_load %arg7[%parallel_loop3A_2381] {strides = array<i32>} : memref<8192xi32, #tpu.memory_space<vmem>>, vector<16xi32>,
      %parallel_loop3A_2383 = tpu.vector_load_idx %arg6[%parallel_loop3A_2382] : memref<100000xf32, #tpu.memory_space<vmem>>[vector<16xi32>], vector<16xf32>,
      %parallel_loop3A_2384 = arith.constant 8192 : i32
      %parallel_loop3A_2385 = arith.addi %parallel_loop3A_2384, %parallel_loop3A_2380 : i32
      %parallel_loop3A_2386 = arith.index_cast %parallel_loop3A_2385 : i32 to index
      %parallel_loop3A_2387 = tpu.vector_load %arg8[%parallel_loop3A_2386] {strides = array<i32>} : memref<16384xf32, #tpu.memory_space<vmem>>, vector<16xf32>,
      tpu.vector_store %arg8[%parallel_loop3A_2386], %parallel_loop3A_2383 {strides = array<i32>} : memref<16384xf32, #tpu.memory_space<vmem>>, vector<16xf32>,
    } {sc.loop_unroll_factor = 8 : i64, sc.parallel_access}
    %dma_start3A_114 = arith.constant 0 : i32
    %dma_start3A_115 = tpu.memref_slice %arg5[%add3A_47, %dma_start3A_114] : memref<416x16384xf32, #tpu.memory_space<hbm>> -> memref<1x16384xf32, #tpu.memory_space<hbm>>
    %dma_start3A_116 = tpu.memref_squeeze %dma_start3A_115 : memref<1x16384xf32, #tpu.memory_space<hbm>> -> memref<16384xf32, #tpu.memory_space<hbm>>
    %dma_start3A_117 = arith.constant 0 : i32
    %dma_start3A_118 = tpu.memref_slice %arg5[%add3A_47, %dma_start3A_117] : memref<416x16384xf32, #tpu.memory_space<hbm>> -> memref<1x16384xf32, #tpu.memory_space<hbm>>
    %dma_start3A_119 = tpu.memref_squeeze %dma_start3A_118 : memref<1x16384xf32, #tpu.memory_space<hbm>> -> memref<16384xf32, #tpu.memory_space<hbm>>
    tpu.enqueue_dma source(%arg8 : memref<16384xf32, #tpu.memory_space<vmem>>) target(%dma_start3A_119 : memref<16384xf32, #tpu.memory_space<hbm>>) target_semaphore(%arg11 : memref<!tpu.dma_semaphore, #tpu.memory_space<semaphore_mem>>)
    %mul3A_120 = arith.constant 13 : i32
    %mul3A_121 = arith.muli %add3A, %mul3A_120 : i32
    %add3A_122 = arith.constant 1 : i32
    %add3A_123 = arith.addi %mul3A_121, %add3A_122 : i32
    %jit3A_124 = arith.constant 16 : i32
    %div3A_125 = arith.divsi %add3A_123, %jit3A_124 : i32
    %sign3A_126 = arith.constant 0 : i32
    %sign3A_127 = arith.cmpi sgt, %add3A_123, %sign3A_126 : i32
    %sign3A_128 = arith.extui %sign3A_127 : i1 to i32
    %sign3A_129 = arith.constant 0 : i32
    %sign3A_130 = arith.cmpi slt, %add3A_123, %sign3A_129 : i32
    %sign3A_131 = arith.extui %sign3A_130 : i1 to i32
    %sign3A_132 = arith.subi %sign3A_128, %sign3A_131 : i32
    %sign3A_133 = arith.constant 0 : i32
    %sign3A_134 = arith.cmpi sgt, %jit3A_124, %sign3A_133 : i32
    %sign3A_135 = arith.extui %sign3A_134 : i1 to i32
    %sign3A_136 = arith.constant 0 : i32
    %sign3A_137 = arith.cmpi slt, %jit3A_124, %sign3A_136 : i32
    %sign3A_138 = arith.extui %sign3A_137 : i1 to i32
    %sign3A_139 = arith.subi %sign3A_135, %sign3A_138 : i32
    %ne3A_140 = arith.cmpi ne, %sign3A_132, %sign3A_139 : i32
    %rem3A_141 = arith.remsi %add3A_123, %jit3A_124 : i32
    %ne3A_142 = arith.constant 0 : i32
    %ne3A_143 = arith.cmpi ne, %rem3A_141, %ne3A_142 : i32
    %and3A_144 = arith.andi %ne3A_140, %ne3A_143 : i1
    %sub3A_145 = arith.constant 1 : i32
    %sub3A_146 = arith.subi %div3A_125, %sub3A_145 : i32
    %select_n3A_147 = arith.select %and3A_144, %sub3A_146, %div3A_125 : i32
    %jit3A_148 = arith.constant 16 : i32
    %eq3A_149 = arith.constant 0 : i32
    %eq3A_150 = arith.cmpi eq, %jit3A_148, %eq3A_149 : i32
    %jit3A_151 = arith.constant 1 : i32
    %select_n3A_152 = arith.select %eq3A_150, %jit3A_151, %jit3A_148 : i32
    %rem3A_153 = arith.remsi %add3A_123, %select_n3A_152 : i32
    %ne3A_154 = arith.constant 0 : i32
    %ne3A_155 = arith.cmpi ne, %rem3A_153, %ne3A_154 : i32
    %lt3A_156 = arith.constant 0 : i32
    %lt3A_157 = arith.cmpi slt, %rem3A_153, %lt3A_156 : i32
    %lt3A_158 = arith.constant 0 : i32
    %lt3A_159 = arith.cmpi slt, %select_n3A_152, %lt3A_158 : i32
    %ne3A_160 = arith.xori %lt3A_157, %lt3A_159 : i1
    %and3A_161 = arith.andi %ne3A_160, %ne3A_155 : i1
    %add3A_162 = arith.addi %rem3A_153, %select_n3A_152 : i32
    %select_n3A_163 = arith.select %and3A_161, %add3A_162, %rem3A_153 : i32
    %dma_start3A_164 = arith.constant 0 : i32
    %dma_start3A_165 = tpu.memref_slice %arg6[%dma_start3A_164] : memref<100000xf32, #tpu.memory_space<vmem>> -> memref<99968xf32, #tpu.memory_space<vmem>>
    %dma_start3A_166 = arith.constant 0 : i32
    %dma_start3A_167 = tpu.memref_slice %arg3[%select_n3A_147, %select_n3A_163, %dma_start3A_166] : memref<26x16x100000xf32, #tpu.memory_space<hbm>> -> memref<1x1x99968xf32, #tpu.memory_space<hbm>>
    %dma_start3A_168 = tpu.memref_squeeze %dma_start3A_167 : memref<1x1x99968xf32, #tpu.memory_space<hbm>> -> memref<99968xf32, #tpu.memory_space<hbm>>
    %dma_start3A_169 = arith.constant 0 : i32
    %dma_start3A_170 = tpu.memref_slice %arg6[%dma_start3A_169] : memref<100000xf32, #tpu.memory_space<vmem>> -> memref<99968xf32, #tpu.memory_space<vmem>>
    %dma_start3A_171 = arith.constant 0 : i32
    %dma_start3A_172 = tpu.memref_slice %arg3[%select_n3A_147, %select_n3A_163, %dma_start3A_171] : memref<26x16x100000xf32, #tpu.memory_space<hbm>> -> memref<1x1x99968xf32, #tpu.memory_space<hbm>>
    %dma_start3A_173 = tpu.memref_squeeze %dma_start3A_172 : memref<1x1x99968xf32, #tpu.memory_space<hbm>> -> memref<99968xf32, #tpu.memory_space<hbm>>
    tpu.enqueue_dma source(%dma_start3A_173 : memref<99968xf32, #tpu.memory_space<hbm>>) target(%dma_start3A_170 : memref<99968xf32, #tpu.memory_space<vmem>>) target_semaphore(%arg10 : memref<!tpu.dma_semaphore, #tpu.memory_space<semaphore_mem>>)
    %mul3A_174 = arith.constant 13 : i32
    %mul3A_175 = arith.muli %add3A, %mul3A_174 : i32
    %add3A_176 = arith.constant 1 : i32
    %add3A_177 = arith.addi %mul3A_175, %add3A_176 : i32
    %jit3A_178 = arith.constant 16 : i32
    %div3A_179 = arith.divsi %add3A_177, %jit3A_178 : i32
    %sign3A_180 = arith.constant 0 : i32
    %sign3A_181 = arith.cmpi sgt, %add3A_177, %sign3A_180 : i32
    %sign3A_182 = arith.extui %sign3A_181 : i1 to i32
    %sign3A_183 = arith.constant 0 : i32
    %sign3A_184 = arith.cmpi slt, %add3A_177, %sign3A_183 : i32
    %sign3A_185 = arith.extui %sign3A_184 : i1 to i32
    %sign3A_186 = arith.subi %sign3A_182, %sign3A_185 : i32
    %sign3A_187 = arith.constant 0 : i32
    %sign3A_188 = arith.cmpi sgt, %jit3A_178, %sign3A_187 : i32
    %sign3A_189 = arith.extui %sign3A_188 : i1 to i32
    %sign3A_190 = arith.constant 0 : i32
    %sign3A_191 = arith.cmpi slt, %jit3A_178, %sign3A_190 : i32
    %sign3A_192 = arith.extui %sign3A_191 : i1 to i32
    %sign3A_193 = arith.subi %sign3A_189, %sign3A_192 : i32
    %ne3A_194 = arith.cmpi ne, %sign3A_186, %sign3A_193 : i32
    %rem3A_195 = arith.remsi %add3A_177, %jit3A_178 : i32
    %ne3A_196 = arith.constant 0 : i32
    %ne3A_197 = arith.cmpi ne, %rem3A_195, %ne3A_196 : i32
    %and3A_198 = arith.andi %ne3A_194, %ne3A_197 : i1
    %sub3A_199 = arith.constant 1 : i32
    %sub3A_200 = arith.subi %div3A_179, %sub3A_199 : i32
    %select_n3A_201 = arith.select %and3A_198, %sub3A_200, %div3A_179 : i32
    %jit3A_202 = arith.constant 16 : i32
    %eq3A_203 = arith.constant 0 : i32
    %eq3A_204 = arith.cmpi eq, %jit3A_202, %eq3A_203 : i32
    %jit3A_205 = arith.constant 1 : i32
    %select_n3A_206 = arith.select %eq3A_204, %jit3A_205, %jit3A_202 : i32
    %rem3A_207 = arith.remsi %add3A_177, %select_n3A_206 : i32
    %ne3A_208 = arith.constant 0 : i32
    %ne3A_209 = arith.cmpi ne, %rem3A_207, %ne3A_208 : i32
    %lt3A_210 = arith.constant 0 : i32
    %lt3A_211 = arith.cmpi slt, %rem3A_207, %lt3A_210 : i32
    %lt3A_212 = arith.constant 0 : i32
    %lt3A_213 = arith.cmpi slt, %select_n3A_206, %lt3A_212 : i32
    %ne3A_214 = arith.xori %lt3A_211, %lt3A_213 : i1
    %and3A_215 = arith.andi %ne3A_214, %ne3A_209 : i1
    %add3A_216 = arith.addi %rem3A_207, %select_n3A_206 : i32
    %select_n3A_217 = arith.select %and3A_215, %add3A_216, %rem3A_207 : i32
    %mul3A_218 = arith.constant 13 : i32
    %mul3A_219 = arith.muli %add3A, %mul3A_218 : i32
    %add3A_220 = arith.constant 0 : i32
    %add3A_221 = arith.addi %mul3A_219, %add3A_220 : i32
    %jit3A_222 = arith.constant 16 : i32
    %div3A_223 = arith.divsi %add3A_221, %jit3A_222 : i32
    %sign3A_224 = arith.constant 0 : i32
    %sign3A_225 = arith.cmpi sgt, %add3A_221, %sign3A_224 : i32
    %sign3A_226 = arith.extui %sign3A_225 : i1 to i32
    %sign3A_227 = arith.constant 0 : i32
    %sign3A_228 = arith.cmpi slt, %add3A_221, %sign3A_227 : i32
    %sign3A_229 = arith.extui %sign3A_228 : i1 to i32
    %sign3A_230 = arith.subi %sign3A_226, %sign3A_229 : i32
    %sign3A_231 = arith.constant 0 : i32
    %sign3A_232 = arith.cmpi sgt, %jit3A_222, %sign3A_231 : i32
    %sign3A_233 = arith.extui %sign3A_232 : i1 to i32
    %sign3A_234 = arith.constant 0 : i32
    %sign3A_235 = arith.cmpi slt, %jit3A_222, %sign3A_234 : i32
    %sign3A_236 = arith.extui %sign3A_235 : i1 to i32
    %sign3A_237 = arith.subi %sign3A_233, %sign3A_236 : i32
    %ne3A_238 = arith.cmpi ne, %sign3A_230, %sign3A_237 : i32
    %rem3A_239 = arith.remsi %add3A_221, %jit3A_222 : i32
    %ne3A_240 = arith.constant 0 : i32
    %ne3A_241 = arith.cmpi ne, %rem3A_239, %ne3A_240 : i32
    %and3A_242 = arith.andi %ne3A_238, %ne3A_241 : i1
    %sub3A_243 = arith.constant 1 : i32
    %sub3A_244 = arith.subi %div3A_223, %sub3A_243 : i32
    %select_n3A_245 = arith.select %and3A_242, %sub3A_244, %div3A_223 : i32
    %jit3A_246 = arith.constant 16 : i32
    %eq3A_247 = arith.constant 0 : i32
    %eq3A_248 = arith.cmpi eq, %jit3A_246, %eq3A_247 : i32
    %jit3A_249 = arith.constant 1 : i32
    %select_n3A_250 = arith.select %eq3A_248, %jit3A_249, %jit3A_246 : i32
    %rem3A_251 = arith.remsi %add3A_221, %select_n3A_250 : i32
    %ne3A_252 = arith.constant 0 : i32
    %ne3A_253 = arith.cmpi ne, %rem3A_251, %ne3A_252 : i32
    %lt3A_254 = arith.constant 0 : i32
    %lt3A_255 = arith.cmpi slt, %rem3A_251, %lt3A_254 : i32
    %lt3A_256 = arith.constant 0 : i32
    %lt3A_257 = arith.cmpi slt, %select_n3A_250, %lt3A_256 : i32
    %ne3A_258 = arith.xori %lt3A_255, %lt3A_257 : i1
    %and3A_259 = arith.andi %ne3A_258, %ne3A_253 : i1
    %add3A_260 = arith.addi %rem3A_251, %select_n3A_250 : i32
    %select_n3A_261 = arith.select %and3A_259, %add3A_260, %rem3A_251 : i32
    %ne3A_262 = arith.cmpi ne, %select_n3A_201, %select_n3A_245 : i32
    %convert_element_type3A = arith.extui %ne3A_262 : i1 to i32
    %cond3A = arith.constant 0 : i32
    %cond3A_263 = arith.cmpi ne, %convert_element_type3A, %cond3A : i32
    scf.if %cond3A_263 {
      "tpu.region"() ({
        %run_scoped3A = tpu.sem_alloc : memref<!tpu.dma_semaphore, #tpu.memory_space<semaphore_mem>>
        %dma_start3A_2380 = arith.constant 0 : i32
        %dma_start3A_2381 = tpu.memref_slice %arg4[%select_n3A_201, %dma_start3A_2380] : memref<26x512xf32, #tpu.memory_space<hbm>> -> memref<1x512xf32, #tpu.memory_space<hbm>>
        %dma_start3A_2382 = tpu.memref_squeeze %dma_start3A_2381 : memref<1x512xf32, #tpu.memory_space<hbm>> -> memref<512xf32, #tpu.memory_space<hbm>>
        %dma_start3A_2383 = arith.constant 0 : i32
        %dma_start3A_2384 = tpu.memref_slice %arg4[%select_n3A_201, %dma_start3A_2383] : memref<26x512xf32, #tpu.memory_space<hbm>> -> memref<1x512xf32, #tpu.memory_space<hbm>>
        %dma_start3A_2385 = tpu.memref_squeeze %dma_start3A_2384 : memref<1x512xf32, #tpu.memory_space<hbm>> -> memref<512xf32, #tpu.memory_space<hbm>>
        tpu.enqueue_dma source(%dma_start3A_2385 : memref<512xf32, #tpu.memory_space<hbm>>) target(%arg9 : memref<512xf32, #tpu.memory_space<vmem>>) target_semaphore(%run_scoped3A : memref<!tpu.dma_semaphore, #tpu.memory_space<semaphore_mem>>)
        %dma_wait3A_2386 = arith.constant 0 : i32
        %dma_wait3A_2387 = tpu.memref_slice %arg4[%select_n3A_201, %dma_wait3A_2386] : memref<26x512xf32, #tpu.memory_space<hbm>> -> memref<1x512xf32, #tpu.memory_space<hbm>>
        %dma_wait3A_2388 = tpu.memref_squeeze %dma_wait3A_2387 : memref<1x512xf32, #tpu.memory_space<hbm>> -> memref<512xf32, #tpu.memory_space<hbm>>
        %dma_wait3A_2389 = arith.constant 0 : i32
        %dma_wait3A_2390 = tpu.memref_slice %arg4[%select_n3A_201, %dma_wait3A_2389] : memref<26x512xf32, #tpu.memory_space<hbm>> -> memref<1x512xf32, #tpu.memory_space<hbm>>
        %dma_wait3A_2391 = tpu.memref_squeeze %dma_wait3A_2390 : memref<1x512xf32, #tpu.memory_space<hbm>> -> memref<512xf32, #tpu.memory_space<hbm>>
        tpu.wait_dma2 semaphore(%run_scoped3A : memref<!tpu.dma_semaphore, #tpu.memory_space<semaphore_mem>>) src(%dma_wait3A_2391 : memref<512xf32, #tpu.memory_space<hbm>>) dst(%arg9 : memref<512xf32, #tpu.memory_space<vmem>>)
        tpu.yield
      }) : () -> ()
      "tpu.region"() ({
        %run_scoped3A = tpu.sem_alloc : memref<!tpu.dma_semaphore, #tpu.memory_space<semaphore_mem>>
        %dma_start3A_2380 = arith.constant 8192 : i32
        %dma_start3A_2381 = tpu.memref_slice %arg2[%select_n3A_201, %dma_start3A_2380] : memref<26x16384xi32, #tpu.memory_space<hbm>> -> memref<1x8192xi32, #tpu.memory_space<hbm>>
        %dma_start3A_2382 = tpu.memref_squeeze %dma_start3A_2381 : memref<1x8192xi32, #tpu.memory_space<hbm>> -> memref<8192xi32, #tpu.memory_space<hbm>>
        %dma_start3A_2383 = arith.constant 8192 : i32
        %dma_start3A_2384 = tpu.memref_slice %arg2[%select_n3A_201, %dma_start3A_2383] : memref<26x16384xi32, #tpu.memory_space<hbm>> -> memref<1x8192xi32, #tpu.memory_space<hbm>>
        %dma_start3A_2385 = tpu.memref_squeeze %dma_start3A_2384 : memref<1x8192xi32, #tpu.memory_space<hbm>> -> memref<8192xi32, #tpu.memory_space<hbm>>
        tpu.enqueue_dma source(%dma_start3A_2385 : memref<8192xi32, #tpu.memory_space<hbm>>) target(%arg7 : memref<8192xi32, #tpu.memory_space<vmem>>) target_semaphore(%run_scoped3A : memref<!tpu.dma_semaphore, #tpu.memory_space<semaphore_mem>>)
        %dma_wait3A_2386 = arith.constant 8192 : i32
        %dma_wait3A_2387 = tpu.memref_slice %arg2[%select_n3A_201, %dma_wait3A_2386] : memref<26x16384xi32, #tpu.memory_space<hbm>> -> memref<1x8192xi32, #tpu.memory_space<hbm>>
        %dma_wait3A_2388 = tpu.memref_squeeze %dma_wait3A_2387 : memref<1x8192xi32, #tpu.memory_space<hbm>> -> memref<8192xi32, #tpu.memory_space<hbm>>
        %dma_wait3A_2389 = arith.constant 8192 : i32
        %dma_wait3A_2390 = tpu.memref_slice %arg2[%select_n3A_201, %dma_wait3A_2389] : memref<26x16384xi32, #tpu.memory_space<hbm>> -> memref<1x8192xi32, #tpu.memory_space<hbm>>
        %dma_wait3A_2391 = tpu.memref_squeeze %dma_wait3A_2390 : memref<1x8192xi32, #tpu.memory_space<hbm>> -> memref<8192xi32, #tpu.memory_space<hbm>>
        tpu.wait_dma2 semaphore(%run_scoped3A : memref<!tpu.dma_semaphore, #tpu.memory_space<semaphore_mem>>) src(%dma_wait3A_2391 : memref<8192xi32, #tpu.memory_space<hbm>>) dst(%arg7 : memref<8192xi32, #tpu.memory_space<vmem>>)
        tpu.yield
      }) : () -> ()
    } else {
    }
    %mul3A_264 = arith.constant 32 : i32
    %mul3A_265 = arith.muli %select_n3A_217, %mul3A_264 : i32
    %get3A_266 = arith.index_cast %mul3A_265 : i32 to index
    %get3A_267 = tpu.vector_load %arg9[%get3A_266] {strides = array<i32>} : memref<512xf32, #tpu.memory_space<vmem>>, vector<16xf32>,
    %swap3A_268 = arith.constant 99968 : index
    %swap3A_269 = tpu.vector_load %arg6[%swap3A_268] {strides = array<i32>} : memref<100000xf32, #tpu.memory_space<vmem>>, vector<16xf32>,
    tpu.vector_store %arg6[%swap3A_268], %get3A_267 {strides = array<i32>} : memref<100000xf32, #tpu.memory_space<vmem>>, vector<16xf32>,
    %mul3A_270 = arith.constant 32 : i32
    %mul3A_271 = arith.muli %select_n3A_217, %mul3A_270 : i32
    %add3A_272 = arith.constant 16 : i32
    %add3A_273 = arith.addi %mul3A_271, %add3A_272 : i32
    %get3A_274 = arith.index_cast %add3A_273 : i32 to index
    %get3A_275 = tpu.vector_load %arg9[%get3A_274] {strides = array<i32>} : memref<512xf32, #tpu.memory_space<vmem>>, vector<16xf32>,
    %swap3A_276 = arith.constant 99984 : index
    %swap3A_277 = tpu.vector_load %arg6[%swap3A_276] {strides = array<i32>} : memref<100000xf32, #tpu.memory_space<vmem>>, vector<16xf32>,
    tpu.vector_store %arg6[%swap3A_276], %get3A_275 {strides = array<i32>} : memref<100000xf32, #tpu.memory_space<vmem>>, vector<16xf32>,
    %dma_wait3A_278 = arith.constant 0 : i32
    %dma_wait3A_279 = tpu.memref_slice %arg6[%dma_wait3A_278] : memref<100000xf32, #tpu.memory_space<vmem>> -> memref<99968xf32, #tpu.memory_space<vmem>>
    %dma_wait3A_280 = arith.constant 0 : i32
    %dma_wait3A_281 = tpu.memref_slice %arg3[%select_n3A_147, %select_n3A_163, %dma_wait3A_280] : memref<26x16x100000xf32, #tpu.memory_space<hbm>> -> memref<1x1x99968xf32, #tpu.memory_space<hbm>>
    %dma_wait3A_282 = tpu.memref_squeeze %dma_wait3A_281 : memref<1x1x99968xf32, #tpu.memory_space<hbm>> -> memref<99968xf32, #tpu.memory_space<hbm>>
    %dma_wait3A_283 = arith.constant 0 : i32
    %dma_wait3A_284 = tpu.memref_slice %arg6[%dma_wait3A_283] : memref<100000xf32, #tpu.memory_space<vmem>> -> memref<99968xf32, #tpu.memory_space<vmem>>
    %dma_wait3A_285 = arith.constant 0 : i32
    %dma_wait3A_286 = tpu.memref_slice %arg3[%select_n3A_147, %select_n3A_163, %dma_wait3A_285] : memref<26x16x100000xf32, #tpu.memory_space<hbm>> -> memref<1x1x99968xf32, #tpu.memory_space<hbm>>
    %dma_wait3A_287 = tpu.memref_squeeze %dma_wait3A_286 : memref<1x1x99968xf32, #tpu.memory_space<hbm>> -> memref<99968xf32, #tpu.memory_space<hbm>>
    tpu.wait_dma2 semaphore(%arg10 : memref<!tpu.dma_semaphore, #tpu.memory_space<semaphore_mem>>) src(%dma_wait3A_287 : memref<99968xf32, #tpu.memory_space<hbm>>) dst(%dma_wait3A_284 : memref<99968xf32, #tpu.memory_space<vmem>>)
    %dma_wait3A_288 = arith.constant 0 : i32
    %dma_wait3A_289 = tpu.memref_slice %arg5[%add3A_47, %dma_wait3A_288] : memref<416x16384xf32, #tpu.memory_space<hbm>> -> memref<1x16384xf32, #tpu.memory_space<hbm>>
    %dma_wait3A_290 = tpu.memref_squeeze %dma_wait3A_289 : memref<1x16384xf32, #tpu.memory_space<hbm>> -> memref<16384xf32, #tpu.memory_space<hbm>>
    %dma_wait3A_291 = arith.constant 0 : i32
    %dma_wait3A_292 = tpu.memref_slice %arg5[%add3A_47, %dma_wait3A_291] : memref<416x16384xf32, #tpu.memory_space<hbm>> -> memref<1x16384xf32, #tpu.memory_space<hbm>>
    %dma_wait3A_293 = tpu.memref_squeeze %dma_wait3A_292 : memref<1x16384xf32, #tpu.memory_space<hbm>> -> memref<16384xf32, #tpu.memory_space<hbm>>
    tpu.wait_dma2 semaphore(%arg11 : memref<!tpu.dma_semaphore, #tpu.memory_space<semaphore_mem>>) src(%arg8 : memref<16384xf32, #tpu.memory_space<vmem>>) dst(%dma_wait3A_293 : memref<16384xf32, #tpu.memory_space<hbm>>)
    %parallel_loop3A_294 = arith.constant 0 : i32
    %parallel_loop3A_295 = arith.constant 8192 : i32
    %parallel_loop3A_296 = arith.constant 16 : i32
    scf.for %parallel_loop3A_2380 = %parallel_loop3A_294 to %parallel_loop3A_295 step %parallel_loop3A_296  : i32 {
      %parallel_loop3A_2381 = arith.index_cast %parallel_loop3A_2380 : i32 to index
      %parallel_loop3A_2382 = tpu.vector_load %arg7[%parallel_loop3A_2381] {strides = array<i32>} : memref<8192xi32, #tpu.memory_space<vmem>>, vector<16xi32>,
      %parallel_loop3A_2383 = tpu.vector_load_idx %arg6[%parallel_loop3A_2382] : memref<100000xf32, #tpu.memory_space<vmem>>[vector<16xi32>], vector<16xf32>,
      %parallel_loop3A_2384 = arith.constant 8192 : i32
      %parallel_loop3A_2385 = arith.addi %parallel_loop3A_2384, %parallel_loop3A_2380 : i32
      %parallel_loop3A_2386 = arith.index_cast %parallel_loop3A_2385 : i32 to index
      %parallel_loop3A_2387 = tpu.vector_load %arg8[%parallel_loop3A_2386] {strides = array<i32>} : memref<16384xf32, #tpu.memory_space<vmem>>, vector<16xf32>,
      tpu.vector_store %arg8[%parallel_loop3A_2386], %parallel_loop3A_2383 {strides = array<i32>} : memref<16384xf32, #tpu.memory_space<vmem>>, vector<16xf32>,
    } {sc.loop_unroll_factor = 8 : i64, sc.parallel_access}
    "tpu.region"() ({
      %run_scoped3A = tpu.sem_alloc : memref<!tpu.dma_semaphore, #tpu.memory_space<semaphore_mem>>
      %dma_start3A_2380 = arith.constant 0 : i32
      %dma_start3A_2381 = tpu.memref_slice %arg2[%select_n3A_201, %dma_start3A_2380] : memref<26x16384xi32, #tpu.memory_space<hbm>> -> memref<1x8192xi32, #tpu.memory_space<hbm>>
      %dma_start3A_2382 = tpu.memref_squeeze %dma_start3A_2381 : memref<1x8192xi32, #tpu.memory_space<hbm>> -> memref<8192xi32, #tpu.memory_space<hbm>>
      %dma_start3A_2383 = arith.constant 0 : i32
      %dma_start3A_2384 = tpu.memref_slice %arg2[%select_n3A_201, %dma_start3A_2383] : memref<26x16384xi32, #tpu.memory_space<hbm>> -> memref<1x8192xi32, #tpu.memory_space<hbm>>
      %dma_start3A_2385 = tpu.memref_squeeze %dma_start3A_2384 : memref<1x8192xi32, #tpu.memory_space<hbm>> -> memref<8192xi32, #tpu.memory_space<hbm>>
      tpu.enqueue_dma source(%dma_start3A_2385 : memref<8192xi32, #tpu.memory_space<hbm>>) target(%arg7 : memref<8192xi32, #tpu.memory_space<vmem>>) target_semaphore(%run_scoped3A : memref<!tpu.dma_semaphore, #tpu.memory_space<semaphore_mem>>)
      %dma_wait3A_2386 = arith.constant 0 : i32
      %dma_wait3A_2387 = tpu.memref_slice %arg2[%select_n3A_201, %dma_wait3A_2386] : memref<26x16384xi32, #tpu.memory_space<hbm>> -> memref<1x8192xi32, #tpu.memory_space<hbm>>
      %dma_wait3A_2388 = tpu.memref_squeeze %dma_wait3A_2387 : memref<1x8192xi32, #tpu.memory_space<hbm>> -> memref<8192xi32, #tpu.memory_space<hbm>>
      %dma_wait3A_2389 = arith.constant 0 : i32
      %dma_wait3A_2390 = tpu.memref_slice %arg2[%select_n3A_201, %dma_wait3A_2389] : memref<26x16384xi32, #tpu.memory_space<hbm>> -> memref<1x8192xi32, #tpu.memory_space<hbm>>
      %dma_wait3A_2391 = tpu.memref_squeeze %dma_wait3A_2390 : memref<1x8192xi32, #tpu.memory_space<hbm>> -> memref<8192xi32, #tpu.memory_space<hbm>>
      tpu.wait_dma2 semaphore(%run_scoped3A : memref<!tpu.dma_semaphore, #tpu.memory_space<semaphore_mem>>) src(%dma_wait3A_2391 : memref<8192xi32, #tpu.memory_space<hbm>>) dst(%arg7 : memref<8192xi32, #tpu.memory_space<vmem>>)
      tpu.yield
    }) : () -> ()
    %parallel_loop3A_297 = arith.constant 0 : i32
    %parallel_loop3A_298 = arith.constant 8192 : i32
    %parallel_loop3A_299 = arith.constant 16 : i32
    scf.for %parallel_loop3A_2380 = %parallel_loop3A_297 to %parallel_loop3A_298 step %parallel_loop3A_299  : i32 {
      %parallel_loop3A_2381 = arith.index_cast %parallel_loop3A_2380 : i32 to index
      %parallel_loop3A_2382 = tpu.vector_load %arg7[%parallel_loop3A_2381] {strides = array<i32>} : memref<8192xi32, #tpu.memory_space<vmem>>, vector<16xi32>,
      %parallel_loop3A_2383 = tpu.vector_load_idx %arg6[%parallel_loop3A_2382] : memref<100000xf32, #tpu.memory_space<vmem>>[vector<16xi32>], vector<16xf32>,
      %parallel_loop3A_2384 = arith.constant 0 : i32
      %parallel_loop3A_2385 = arith.addi %parallel_loop3A_2384, %parallel_loop3A_2380 : i32
      %parallel_loop3A_2386 = arith.index_cast %parallel_loop3A_2385 : i32 to index
      %parallel_loop3A_2387 = tpu.vector_load %arg8[%parallel_loop3A_2386] {strides = array<i32>} : memref<16384xf32, #tpu.memory_space<vmem>>, vector<16xf32>,
      tpu.vector_store %arg8[%parallel_loop3A_2386], %parallel_loop3A_2383 {strides = array<i32>} : memref<16384xf32, #tpu.memory_space<vmem>>, vector<16xf32>,
    } {sc.loop_unroll_factor = 8 : i64, sc.parallel_access}
    %dma_start3A_300 = arith.constant 0 : i32
    %dma_start3A_301 = tpu.memref_slice %arg5[%add3A_177, %dma_start3A_300] : memref<416x16384xf32, #tpu.memory_space<hbm>> -> memref<1x16384xf32, #tpu.memory_space<hbm>>
    %dma_start3A_302 = tpu.memref_squeeze %dma_start3A_301 : memref<1x16384xf32, #tpu.memory_space<hbm>> -> memref<16384xf32, #tpu.memory_space<hbm>>
    %dma_start3A_303 = arith.constant 0 : i32
    %dma_start3A_304 = tpu.memref_slice %arg5[%add3A_177, %dma_start3A_303] : memref<416x16384xf32, #tpu.memory_space<hbm>> -> memref<1x16384xf32, #tpu.memory_space<hbm>>
    %dma_start3A_305 = tpu.memref_squeeze %dma_start3A_304 : memref<1x16384xf32, #tpu.memory_space<hbm>> -> memref<16384xf32, #tpu.memory_space<hbm>>
    tpu.enqueue_dma source(%arg8 : memref<16384xf32, #tpu.memory_space<vmem>>) target(%dma_start3A_305 : memref<16384xf32, #tpu.memory_space<hbm>>) target_semaphore(%arg11 : memref<!tpu.dma_semaphore, #tpu.memory_space<semaphore_mem>>)
    %mul3A_306 = arith.constant 13 : i32
    %mul3A_307 = arith.muli %add3A, %mul3A_306 : i32
    %add3A_308 = arith.constant 2 : i32
    %add3A_309 = arith.addi %mul3A_307, %add3A_308 : i32
    %jit3A_310 = arith.constant 16 : i32
    %div3A_311 = arith.divsi %add3A_309, %jit3A_310 : i32
    %sign3A_312 = arith.constant 0 : i32
    %sign3A_313 = arith.cmpi sgt, %add3A_309, %sign3A_312 : i32
    %sign3A_314 = arith.extui %sign3A_313 : i1 to i32
    %sign3A_315 = arith.constant 0 : i32
    %sign3A_316 = arith.cmpi slt, %add3A_309, %sign3A_315 : i32
    %sign3A_317 = arith.extui %sign3A_316 : i1 to i32
    %sign3A_318 = arith.subi %sign3A_314, %sign3A_317 : i32
    %sign3A_319 = arith.constant 0 : i32
    %sign3A_320 = arith.cmpi sgt, %jit3A_310, %sign3A_319 : i32
    %sign3A_321 = arith.extui %sign3A_320 : i1 to i32
    %sign3A_322 = arith.constant 0 : i32
    %sign3A_323 = arith.cmpi slt, %jit3A_310, %sign3A_322 : i32
    %sign3A_324 = arith.extui %sign3A_323 : i1 to i32
    %sign3A_325 = arith.subi %sign3A_321, %sign3A_324 : i32
    %ne3A_326 = arith.cmpi ne, %sign3A_318, %sign3A_325 : i32
    %rem3A_327 = arith.remsi %add3A_309, %jit3A_310 : i32
    %ne3A_328 = arith.constant 0 : i32
    %ne3A_329 = arith.cmpi ne, %rem3A_327, %ne3A_328 : i32
    %and3A_330 = arith.andi %ne3A_326, %ne3A_329 : i1
    %sub3A_331 = arith.constant 1 : i32
    %sub3A_332 = arith.subi %div3A_311, %sub3A_331 : i32
    %select_n3A_333 = arith.select %and3A_330, %sub3A_332, %div3A_311 : i32
    %jit3A_334 = arith.constant 16 : i32
    %eq3A_335 = arith.constant 0 : i32
    %eq3A_336 = arith.cmpi eq, %jit3A_334, %eq3A_335 : i32
    %jit3A_337 = arith.constant 1 : i32
    %select_n3A_338 = arith.select %eq3A_336, %jit3A_337, %jit3A_334 : i32
    %rem3A_339 = arith.remsi %add3A_309, %select_n3A_338 : i32
    %ne3A_340 = arith.constant 0 : i32
    %ne3A_341 = arith.cmpi ne, %rem3A_339, %ne3A_340 : i32
    %lt3A_342 = arith.constant 0 : i32
    %lt3A_343 = arith.cmpi slt, %rem3A_339, %lt3A_342 : i32
    %lt3A_344 = arith.constant 0 : i32
    %lt3A_345 = arith.cmpi slt, %select_n3A_338, %lt3A_344 : i32
    %ne3A_346 = arith.xori %lt3A_343, %lt3A_345 : i1
    %and3A_347 = arith.andi %ne3A_346, %ne3A_341 : i1
    %add3A_348 = arith.addi %rem3A_339, %select_n3A_338 : i32
    %select_n3A_349 = arith.select %and3A_347, %add3A_348, %rem3A_339 : i32
    %dma_start3A_350 = arith.constant 0 : i32
    %dma_start3A_351 = tpu.memref_slice %arg6[%dma_start3A_350] : memref<100000xf32, #tpu.memory_space<vmem>> -> memref<99968xf32, #tpu.memory_space<vmem>>
    %dma_start3A_352 = arith.constant 0 : i32
    %dma_start3A_353 = tpu.memref_slice %arg3[%select_n3A_333, %select_n3A_349, %dma_start3A_352] : memref<26x16x100000xf32, #tpu.memory_space<hbm>> -> memref<1x1x99968xf32, #tpu.memory_space<hbm>>
    %dma_start3A_354 = tpu.memref_squeeze %dma_start3A_353 : memref<1x1x99968xf32, #tpu.memory_space<hbm>> -> memref<99968xf32, #tpu.memory_space<hbm>>
    %dma_start3A_355 = arith.constant 0 : i32
    %dma_start3A_356 = tpu.memref_slice %arg6[%dma_start3A_355] : memref<100000xf32, #tpu.memory_space<vmem>> -> memref<99968xf32, #tpu.memory_space<vmem>>
    %dma_start3A_357 = arith.constant 0 : i32
    %dma_start3A_358 = tpu.memref_slice %arg3[%select_n3A_333, %select_n3A_349, %dma_start3A_357] : memref<26x16x100000xf32, #tpu.memory_space<hbm>> -> memref<1x1x99968xf32, #tpu.memory_space<hbm>>
    %dma_start3A_359 = tpu.memref_squeeze %dma_start3A_358 : memref<1x1x99968xf32, #tpu.memory_space<hbm>> -> memref<99968xf32, #tpu.memory_space<hbm>>
    tpu.enqueue_dma source(%dma_start3A_359 : memref<99968xf32, #tpu.memory_space<hbm>>) target(%dma_start3A_356 : memref<99968xf32, #tpu.memory_space<vmem>>) target_semaphore(%arg10 : memref<!tpu.dma_semaphore, #tpu.memory_space<semaphore_mem>>)
    %mul3A_360 = arith.constant 13 : i32
    %mul3A_361 = arith.muli %add3A, %mul3A_360 : i32
    %add3A_362 = arith.constant 2 : i32
    %add3A_363 = arith.addi %mul3A_361, %add3A_362 : i32
    %jit3A_364 = arith.constant 16 : i32
    %div3A_365 = arith.divsi %add3A_363, %jit3A_364 : i32
    %sign3A_366 = arith.constant 0 : i32
    %sign3A_367 = arith.cmpi sgt, %add3A_363, %sign3A_366 : i32
    %sign3A_368 = arith.extui %sign3A_367 : i1 to i32
    %sign3A_369 = arith.constant 0 : i32
    %sign3A_370 = arith.cmpi slt, %add3A_363, %sign3A_369 : i32
    %sign3A_371 = arith.extui %sign3A_370 : i1 to i32
    %sign3A_372 = arith.subi %sign3A_368, %sign3A_371 : i32
    %sign3A_373 = arith.constant 0 : i32
    %sign3A_374 = arith.cmpi sgt, %jit3A_364, %sign3A_373 : i32
    %sign3A_375 = arith.extui %sign3A_374 : i1 to i32
    %sign3A_376 = arith.constant 0 : i32
    %sign3A_377 = arith.cmpi slt, %jit3A_364, %sign3A_376 : i32
    %sign3A_378 = arith.extui %sign3A_377 : i1 to i32
    %sign3A_379 = arith.subi %sign3A_375, %sign3A_378 : i32
    %ne3A_380 = arith.cmpi ne, %sign3A_372, %sign3A_379 : i32
    %rem3A_381 = arith.remsi %add3A_363, %jit3A_364 : i32
    %ne3A_382 = arith.constant 0 : i32
    %ne3A_383 = arith.cmpi ne, %rem3A_381, %ne3A_382 : i32
    %and3A_384 = arith.andi %ne3A_380, %ne3A_383 : i1
    %sub3A_385 = arith.constant 1 : i32
    %sub3A_386 = arith.subi %div3A_365, %sub3A_385 : i32
    %select_n3A_387 = arith.select %and3A_384, %sub3A_386, %div3A_365 : i32
    %jit3A_388 = arith.constant 16 : i32
    %eq3A_389 = arith.constant 0 : i32
    %eq3A_390 = arith.cmpi eq, %jit3A_388, %eq3A_389 : i32
    %jit3A_391 = arith.constant 1 : i32
    %select_n3A_392 = arith.select %eq3A_390, %jit3A_391, %jit3A_388 : i32
    %rem3A_393 = arith.remsi %add3A_363, %select_n3A_392 : i32
    %ne3A_394 = arith.constant 0 : i32
    %ne3A_395 = arith.cmpi ne, %rem3A_393, %ne3A_394 : i32
    %lt3A_396 = arith.constant 0 : i32
    %lt3A_397 = arith.cmpi slt, %rem3A_393, %lt3A_396 : i32
    %lt3A_398 = arith.constant 0 : i32
    %lt3A_399 = arith.cmpi slt, %select_n3A_392, %lt3A_398 : i32
    %ne3A_400 = arith.xori %lt3A_397, %lt3A_399 : i1
    %and3A_401 = arith.andi %ne3A_400, %ne3A_395 : i1
    %add3A_402 = arith.addi %rem3A_393, %select_n3A_392 : i32
    %select_n3A_403 = arith.select %and3A_401, %add3A_402, %rem3A_393 : i32
    %mul3A_404 = arith.constant 13 : i32
    %mul3A_405 = arith.muli %add3A, %mul3A_404 : i32
    %add3A_406 = arith.constant 1 : i32
    %add3A_407 = arith.addi %mul3A_405, %add3A_406 : i32
    %jit3A_408 = arith.constant 16 : i32
    %div3A_409 = arith.divsi %add3A_407, %jit3A_408 : i32
    %sign3A_410 = arith.constant 0 : i32
    %sign3A_411 = arith.cmpi sgt, %add3A_407, %sign3A_410 : i32
    %sign3A_412 = arith.extui %sign3A_411 : i1 to i32
    %sign3A_413 = arith.constant 0 : i32
    %sign3A_414 = arith.cmpi slt, %add3A_407, %sign3A_413 : i32
    %sign3A_415 = arith.extui %sign3A_414 : i1 to i32
    %sign3A_416 = arith.subi %sign3A_412, %sign3A_415 : i32
    %sign3A_417 = arith.constant 0 : i32
    %sign3A_418 = arith.cmpi sgt, %jit3A_408, %sign3A_417 : i32
    %sign3A_419 = arith.extui %sign3A_418 : i1 to i32
    %sign3A_420 = arith.constant 0 : i32
    %sign3A_421 = arith.cmpi slt, %jit3A_408, %sign3A_420 : i32
    %sign3A_422 = arith.extui %sign3A_421 : i1 to i32
    %sign3A_423 = arith.subi %sign3A_419, %sign3A_422 : i32
    %ne3A_424 = arith.cmpi ne, %sign3A_416, %sign3A_423 : i32
    %rem3A_425 = arith.remsi %add3A_407, %jit3A_408 : i32
    %ne3A_426 = arith.constant 0 : i32
    %ne3A_427 = arith.cmpi ne, %rem3A_425, %ne3A_426 : i32
    %and3A_428 = arith.andi %ne3A_424, %ne3A_427 : i1
    %sub3A_429 = arith.constant 1 : i32
    %sub3A_430 = arith.subi %div3A_409, %sub3A_429 : i32
    %select_n3A_431 = arith.select %and3A_428, %sub3A_430, %div3A_409 : i32
    %jit3A_432 = arith.constant 16 : i32
    %eq3A_433 = arith.constant 0 : i32
    %eq3A_434 = arith.cmpi eq, %jit3A_432, %eq3A_433 : i32
    %jit3A_435 = arith.constant 1 : i32
    %select_n3A_436 = arith.select %eq3A_434, %jit3A_435, %jit3A_432 : i32
    %rem3A_437 = arith.remsi %add3A_407, %select_n3A_436 : i32
    %ne3A_438 = arith.constant 0 : i32
    %ne3A_439 = arith.cmpi ne, %rem3A_437, %ne3A_438 : i32
    %lt3A_440 = arith.constant 0 : i32
    %lt3A_441 = arith.cmpi slt, %rem3A_437, %lt3A_440 : i32
    %lt3A_442 = arith.constant 0 : i32
    %lt3A_443 = arith.cmpi slt, %select_n3A_436, %lt3A_442 : i32
    %ne3A_444 = arith.xori %lt3A_441, %lt3A_443 : i1
    %and3A_445 = arith.andi %ne3A_444, %ne3A_439 : i1
    %add3A_446 = arith.addi %rem3A_437, %select_n3A_436 : i32
    %select_n3A_447 = arith.select %and3A_445, %add3A_446, %rem3A_437 : i32
    %ne3A_448 = arith.cmpi ne, %select_n3A_387, %select_n3A_431 : i32
    %convert_element_type3A_449 = arith.extui %ne3A_448 : i1 to i32
    %cond3A_450 = arith.constant 0 : i32
    %cond3A_451 = arith.cmpi ne, %convert_element_type3A_449, %cond3A_450 : i32
    scf.if %cond3A_451 {
      "tpu.region"() ({
        %run_scoped3A = tpu.sem_alloc : memref<!tpu.dma_semaphore, #tpu.memory_space<semaphore_mem>>
        %dma_start3A_2380 = arith.constant 0 : i32
        %dma_start3A_2381 = tpu.memref_slice %arg4[%select_n3A_387, %dma_start3A_2380] : memref<26x512xf32, #tpu.memory_space<hbm>> -> memref<1x512xf32, #tpu.memory_space<hbm>>
        %dma_start3A_2382 = tpu.memref_squeeze %dma_start3A_2381 : memref<1x512xf32, #tpu.memory_space<hbm>> -> memref<512xf32, #tpu.memory_space<hbm>>
        %dma_start3A_2383 = arith.constant 0 : i32
        %dma_start3A_2384 = tpu.memref_slice %arg4[%select_n3A_387, %dma_start3A_2383] : memref<26x512xf32, #tpu.memory_space<hbm>> -> memref<1x512xf32, #tpu.memory_space<hbm>>
        %dma_start3A_2385 = tpu.memref_squeeze %dma_start3A_2384 : memref<1x512xf32, #tpu.memory_space<hbm>> -> memref<512xf32, #tpu.memory_space<hbm>>
        tpu.enqueue_dma source(%dma_start3A_2385 : memref<512xf32, #tpu.memory_space<hbm>>) target(%arg9 : memref<512xf32, #tpu.memory_space<vmem>>) target_semaphore(%run_scoped3A : memref<!tpu.dma_semaphore, #tpu.memory_space<semaphore_mem>>)
        %dma_wait3A_2386 = arith.constant 0 : i32
        %dma_wait3A_2387 = tpu.memref_slice %arg4[%select_n3A_387, %dma_wait3A_2386] : memref<26x512xf32, #tpu.memory_space<hbm>> -> memref<1x512xf32, #tpu.memory_space<hbm>>
        %dma_wait3A_2388 = tpu.memref_squeeze %dma_wait3A_2387 : memref<1x512xf32, #tpu.memory_space<hbm>> -> memref<512xf32, #tpu.memory_space<hbm>>
        %dma_wait3A_2389 = arith.constant 0 : i32
        %dma_wait3A_2390 = tpu.memref_slice %arg4[%select_n3A_387, %dma_wait3A_2389] : memref<26x512xf32, #tpu.memory_space<hbm>> -> memref<1x512xf32, #tpu.memory_space<hbm>>
        %dma_wait3A_2391 = tpu.memref_squeeze %dma_wait3A_2390 : memref<1x512xf32, #tpu.memory_space<hbm>> -> memref<512xf32, #tpu.memory_space<hbm>>
        tpu.wait_dma2 semaphore(%run_scoped3A : memref<!tpu.dma_semaphore, #tpu.memory_space<semaphore_mem>>) src(%dma_wait3A_2391 : memref<512xf32, #tpu.memory_space<hbm>>) dst(%arg9 : memref<512xf32, #tpu.memory_space<vmem>>)
        tpu.yield
      }) : () -> ()
      "tpu.region"() ({
        %run_scoped3A = tpu.sem_alloc : memref<!tpu.dma_semaphore, #tpu.memory_space<semaphore_mem>>
        %dma_start3A_2380 = arith.constant 0 : i32
        %dma_start3A_2381 = tpu.memref_slice %arg2[%select_n3A_387, %dma_start3A_2380] : memref<26x16384xi32, #tpu.memory_space<hbm>> -> memref<1x8192xi32, #tpu.memory_space<hbm>>
        %dma_start3A_2382 = tpu.memref_squeeze %dma_start3A_2381 : memref<1x8192xi32, #tpu.memory_space<hbm>> -> memref<8192xi32, #tpu.memory_space<hbm>>
        %dma_start3A_2383 = arith.constant 0 : i32
        %dma_start3A_2384 = tpu.memref_slice %arg2[%select_n3A_387, %dma_start3A_2383] : memref<26x16384xi32, #tpu.memory_space<hbm>> -> memref<1x8192xi32, #tpu.memory_space<hbm>>
        %dma_start3A_2385 = tpu.memref_squeeze %dma_start3A_2384 : memref<1x8192xi32, #tpu.memory_space<hbm>> -> memref<8192xi32, #tpu.memory_space<hbm>>
        tpu.enqueue_dma source(%dma_start3A_2385 : memref<8192xi32, #tpu.memory_space<hbm>>) target(%arg7 : memref<8192xi32, #tpu.memory_space<vmem>>) target_semaphore(%run_scoped3A : memref<!tpu.dma_semaphore, #tpu.memory_space<semaphore_mem>>)
        %dma_wait3A_2386 = arith.constant 0 : i32
        %dma_wait3A_2387 = tpu.memref_slice %arg2[%select_n3A_387, %dma_wait3A_2386] : memref<26x16384xi32, #tpu.memory_space<hbm>> -> memref<1x8192xi32, #tpu.memory_space<hbm>>
        %dma_wait3A_2388 = tpu.memref_squeeze %dma_wait3A_2387 : memref<1x8192xi32, #tpu.memory_space<hbm>> -> memref<8192xi32, #tpu.memory_space<hbm>>
        %dma_wait3A_2389 = arith.constant 0 : i32
        %dma_wait3A_2390 = tpu.memref_slice %arg2[%select_n3A_387, %dma_wait3A_2389] : memref<26x16384xi32, #tpu.memory_space<hbm>> -> memref<1x8192xi32, #tpu.memory_space<hbm>>
        %dma_wait3A_2391 = tpu.memref_squeeze %dma_wait3A_2390 : memref<1x8192xi32, #tpu.memory_space<hbm>> -> memref<8192xi32, #tpu.memory_space<hbm>>
        tpu.wait_dma2 semaphore(%run_scoped3A : memref<!tpu.dma_semaphore, #tpu.memory_space<semaphore_mem>>) src(%dma_wait3A_2391 : memref<8192xi32, #tpu.memory_space<hbm>>) dst(%arg7 : memref<8192xi32, #tpu.memory_space<vmem>>)
        tpu.yield
      }) : () -> ()
    } else {
    }
    %mul3A_452 = arith.constant 32 : i32
    %mul3A_453 = arith.muli %select_n3A_403, %mul3A_452 : i32
    %get3A_454 = arith.index_cast %mul3A_453 : i32 to index
    %get3A_455 = tpu.vector_load %arg9[%get3A_454] {strides = array<i32>} : memref<512xf32, #tpu.memory_space<vmem>>, vector<16xf32>,
    %swap3A_456 = arith.constant 99968 : index
    %swap3A_457 = tpu.vector_load %arg6[%swap3A_456] {strides = array<i32>} : memref<100000xf32, #tpu.memory_space<vmem>>, vector<16xf32>,
    tpu.vector_store %arg6[%swap3A_456], %get3A_455 {strides = array<i32>} : memref<100000xf32, #tpu.memory_space<vmem>>, vector<16xf32>,
    %mul3A_458 = arith.constant 32 : i32
    %mul3A_459 = arith.muli %select_n3A_403, %mul3A_458 : i32
    %add3A_460 = arith.constant 16 : i32
    %add3A_461 = arith.addi %mul3A_459, %add3A_460 : i32
    %get3A_462 = arith.index_cast %add3A_461 : i32 to index
    %get3A_463 = tpu.vector_load %arg9[%get3A_462] {strides = array<i32>} : memref<512xf32, #tpu.memory_space<vmem>>, vector<16xf32>,
    %swap3A_464 = arith.constant 99984 : index
    %swap3A_465 = tpu.vector_load %arg6[%swap3A_464] {strides = array<i32>} : memref<100000xf32, #tpu.memory_space<vmem>>, vector<16xf32>,
    tpu.vector_store %arg6[%swap3A_464], %get3A_463 {strides = array<i32>} : memref<100000xf32, #tpu.memory_space<vmem>>, vector<16xf32>,
    %dma_wait3A_466 = arith.constant 0 : i32
    %dma_wait3A_467 = tpu.memref_slice %arg6[%dma_wait3A_466] : memref<100000xf32, #tpu.memory_space<vmem>> -> memref<99968xf32, #tpu.memory_space<vmem>>
    %dma_wait3A_468 = arith.constant 0 : i32
    %dma_wait3A_469 = tpu.memref_slice %arg3[%select_n3A_333, %select_n3A_349, %dma_wait3A_468] : memref<26x16x100000xf32, #tpu.memory_space<hbm>> -> memref<1x1x99968xf32, #tpu.memory_space<hbm>>
    %dma_wait3A_470 = tpu.memref_squeeze %dma_wait3A_469 : memref<1x1x99968xf32, #tpu.memory_space<hbm>> -> memref<99968xf32, #tpu.memory_space<hbm>>
    %dma_wait3A_471 = arith.constant 0 : i32
    %dma_wait3A_472 = tpu.memref_slice %arg6[%dma_wait3A_471] : memref<100000xf32, #tpu.memory_space<vmem>> -> memref<99968xf32, #tpu.memory_space<vmem>>
    %dma_wait3A_473 = arith.constant 0 : i32
    %dma_wait3A_474 = tpu.memref_slice %arg3[%select_n3A_333, %select_n3A_349, %dma_wait3A_473] : memref<26x16x100000xf32, #tpu.memory_space<hbm>> -> memref<1x1x99968xf32, #tpu.memory_space<hbm>>
    %dma_wait3A_475 = tpu.memref_squeeze %dma_wait3A_474 : memref<1x1x99968xf32, #tpu.memory_space<hbm>> -> memref<99968xf32, #tpu.memory_space<hbm>>
    tpu.wait_dma2 semaphore(%arg10 : memref<!tpu.dma_semaphore, #tpu.memory_space<semaphore_mem>>) src(%dma_wait3A_475 : memref<99968xf32, #tpu.memory_space<hbm>>) dst(%dma_wait3A_472 : memref<99968xf32, #tpu.memory_space<vmem>>)
    %dma_wait3A_476 = arith.constant 0 : i32
    %dma_wait3A_477 = tpu.memref_slice %arg5[%add3A_177, %dma_wait3A_476] : memref<416x16384xf32, #tpu.memory_space<hbm>> -> memref<1x16384xf32, #tpu.memory_space<hbm>>
    %dma_wait3A_478 = tpu.memref_squeeze %dma_wait3A_477 : memref<1x16384xf32, #tpu.memory_space<hbm>> -> memref<16384xf32, #tpu.memory_space<hbm>>
    %dma_wait3A_479 = arith.constant 0 : i32
    %dma_wait3A_480 = tpu.memref_slice %arg5[%add3A_177, %dma_wait3A_479] : memref<416x16384xf32, #tpu.memory_space<hbm>> -> memref<1x16384xf32, #tpu.memory_space<hbm>>
    %dma_wait3A_481 = tpu.memref_squeeze %dma_wait3A_480 : memref<1x16384xf32, #tpu.memory_space<hbm>> -> memref<16384xf32, #tpu.memory_space<hbm>>
    tpu.wait_dma2 semaphore(%arg11 : memref<!tpu.dma_semaphore, #tpu.memory_space<semaphore_mem>>) src(%arg8 : memref<16384xf32, #tpu.memory_space<vmem>>) dst(%dma_wait3A_481 : memref<16384xf32, #tpu.memory_space<hbm>>)
    %parallel_loop3A_482 = arith.constant 0 : i32
    %parallel_loop3A_483 = arith.constant 8192 : i32
    %parallel_loop3A_484 = arith.constant 16 : i32
    scf.for %parallel_loop3A_2380 = %parallel_loop3A_482 to %parallel_loop3A_483 step %parallel_loop3A_484  : i32 {
      %parallel_loop3A_2381 = arith.index_cast %parallel_loop3A_2380 : i32 to index
      %parallel_loop3A_2382 = tpu.vector_load %arg7[%parallel_loop3A_2381] {strides = array<i32>} : memref<8192xi32, #tpu.memory_space<vmem>>, vector<16xi32>,
      %parallel_loop3A_2383 = tpu.vector_load_idx %arg6[%parallel_loop3A_2382] : memref<100000xf32, #tpu.memory_space<vmem>>[vector<16xi32>], vector<16xf32>,
      %parallel_loop3A_2384 = arith.constant 0 : i32
      %parallel_loop3A_2385 = arith.addi %parallel_loop3A_2384, %parallel_loop3A_2380 : i32
      %parallel_loop3A_2386 = arith.index_cast %parallel_loop3A_2385 : i32 to index
      %parallel_loop3A_2387 = tpu.vector_load %arg8[%parallel_loop3A_2386] {strides = array<i32>} : memref<16384xf32, #tpu.memory_space<vmem>>, vector<16xf32>,
      tpu.vector_store %arg8[%parallel_loop3A_2386], %parallel_loop3A_2383 {strides = array<i32>} : memref<16384xf32, #tpu.memory_space<vmem>>, vector<16xf32>,
    } {sc.loop_unroll_factor = 8 : i64, sc.parallel_access}
    "tpu.region"() ({
      %run_scoped3A = tpu.sem_alloc : memref<!tpu.dma_semaphore, #tpu.memory_space<semaphore_mem>>
      %dma_start3A_2380 = arith.constant 8192 : i32
      %dma_start3A_2381 = tpu.memref_slice %arg2[%select_n3A_387, %dma_start3A_2380] : memref<26x16384xi32, #tpu.memory_space<hbm>> -> memref<1x8192xi32, #tpu.memory_space<hbm>>
      %dma_start3A_2382 = tpu.memref_squeeze %dma_start3A_2381 : memref<1x8192xi32, #tpu.memory_space<hbm>> -> memref<8192xi32, #tpu.memory_space<hbm>>
      %dma_start3A_2383 = arith.constant 8192 : i32
      %dma_start3A_2384 = tpu.memref_slice %arg2[%select_n3A_387, %dma_start3A_2383] : memref<26x16384xi32, #tpu.memory_space<hbm>> -> memref<1x8192xi32, #tpu.memory_space<hbm>>
      %dma_start3A_2385 = tpu.memref_squeeze %dma_start3A_2384 : memref<1x8192xi32, #tpu.memory_space<hbm>> -> memref<8192xi32, #tpu.memory_space<hbm>>
      tpu.enqueue_dma source(%dma_start3A_2385 : memref<8192xi32, #tpu.memory_space<hbm>>) target(%arg7 : memref<8192xi32, #tpu.memory_space<vmem>>) target_semaphore(%run_scoped3A : memref<!tpu.dma_semaphore, #tpu.memory_space<semaphore_mem>>)
      %dma_wait3A_2386 = arith.constant 8192 : i32
      %dma_wait3A_2387 = tpu.memref_slice %arg2[%select_n3A_387, %dma_wait3A_2386] : memref<26x16384xi32, #tpu.memory_space<hbm>> -> memref<1x8192xi32, #tpu.memory_space<hbm>>
      %dma_wait3A_2388 = tpu.memref_squeeze %dma_wait3A_2387 : memref<1x8192xi32, #tpu.memory_space<hbm>> -> memref<8192xi32, #tpu.memory_space<hbm>>
      %dma_wait3A_2389 = arith.constant 8192 : i32
      %dma_wait3A_2390 = tpu.memref_slice %arg2[%select_n3A_387, %dma_wait3A_2389] : memref<26x16384xi32, #tpu.memory_space<hbm>> -> memref<1x8192xi32, #tpu.memory_space<hbm>>
      %dma_wait3A_2391 = tpu.memref_squeeze %dma_wait3A_2390 : memref<1x8192xi32, #tpu.memory_space<hbm>> -> memref<8192xi32, #tpu.memory_space<hbm>>
      tpu.wait_dma2 semaphore(%run_scoped3A : memref<!tpu.dma_semaphore, #tpu.memory_space<semaphore_mem>>) src(%dma_wait3A_2391 : memref<8192xi32, #tpu.memory_space<hbm>>) dst(%arg7 : memref<8192xi32, #tpu.memory_space<vmem>>)
      tpu.yield
    }) : () -> ()
    %parallel_loop3A_485 = arith.constant 0 : i32
    %parallel_loop3A_486 = arith.constant 8192 : i32
    %parallel_loop3A_487 = arith.constant 16 : i32
    scf.for %parallel_loop3A_2380 = %parallel_loop3A_485 to %parallel_loop3A_486 step %parallel_loop3A_487  : i32 {
      %parallel_loop3A_2381 = arith.index_cast %parallel_loop3A_2380 : i32 to index
      %parallel_loop3A_2382 = tpu.vector_load %arg7[%parallel_loop3A_2381] {strides = array<i32>} : memref<8192xi32, #tpu.memory_space<vmem>>, vector<16xi32>,
      %parallel_loop3A_2383 = tpu.vector_load_idx %arg6[%parallel_loop3A_2382] : memref<100000xf32, #tpu.memory_space<vmem>>[vector<16xi32>], vector<16xf32>,
      %parallel_loop3A_2384 = arith.constant 8192 : i32
      %parallel_loop3A_2385 = arith.addi %parallel_loop3A_2384, %parallel_loop3A_2380 : i32
      %parallel_loop3A_2386 = arith.index_cast %parallel_loop3A_2385 : i32 to index
      %parallel_loop3A_2387 = tpu.vector_load %arg8[%parallel_loop3A_2386] {strides = array<i32>} : memref<16384xf32, #tpu.memory_space<vmem>>, vector<16xf32>,
      tpu.vector_store %arg8[%parallel_loop3A_2386], %parallel_loop3A_2383 {strides = array<i32>} : memref<16384xf32, #tpu.memory_space<vmem>>, vector<16xf32>,
    } {sc.loop_unroll_factor = 8 : i64, sc.parallel_access}
    %dma_start3A_488 = arith.constant 0 : i32
    %dma_start3A_489 = tpu.memref_slice %arg5[%add3A_363, %dma_start3A_488] : memref<416x16384xf32, #tpu.memory_space<hbm>> -> memref<1x16384xf32, #tpu.memory_space<hbm>>
    %dma_start3A_490 = tpu.memref_squeeze %dma_start3A_489 : memref<1x16384xf32, #tpu.memory_space<hbm>> -> memref<16384xf32, #tpu.memory_space<hbm>>
    %dma_start3A_491 = arith.constant 0 : i32
    %dma_start3A_492 = tpu.memref_slice %arg5[%add3A_363, %dma_start3A_491] : memref<416x16384xf32, #tpu.memory_space<hbm>> -> memref<1x16384xf32, #tpu.memory_space<hbm>>
    %dma_start3A_493 = tpu.memref_squeeze %dma_start3A_492 : memref<1x16384xf32, #tpu.memory_space<hbm>> -> memref<16384xf32, #tpu.memory_space<hbm>>
    tpu.enqueue_dma source(%arg8 : memref<16384xf32, #tpu.memory_space<vmem>>) target(%dma_start3A_493 : memref<16384xf32, #tpu.memory_space<hbm>>) target_semaphore(%arg11 : memref<!tpu.dma_semaphore, #tpu.memory_space<semaphore_mem>>)
    %mul3A_494 = arith.constant 13 : i32
    %mul3A_495 = arith.muli %add3A, %mul3A_494 : i32
    %add3A_496 = arith.constant 3 : i32
    %add3A_497 = arith.addi %mul3A_495, %add3A_496 : i32
    %jit3A_498 = arith.constant 16 : i32
    %div3A_499 = arith.divsi %add3A_497, %jit3A_498 : i32
    %sign3A_500 = arith.constant 0 : i32
    %sign3A_501 = arith.cmpi sgt, %add3A_497, %sign3A_500 : i32
    %sign3A_502 = arith.extui %sign3A_501 : i1 to i32
    %sign3A_503 = arith.constant 0 : i32
    %sign3A_504 = arith.cmpi slt, %add3A_497, %sign3A_503 : i32
    %sign3A_505 = arith.extui %sign3A_504 : i1 to i32
    %sign3A_506 = arith.subi %sign3A_502, %sign3A_505 : i32
    %sign3A_507 = arith.constant 0 : i32
    %sign3A_508 = arith.cmpi sgt, %jit3A_498, %sign3A_507 : i32
    %sign3A_509 = arith.extui %sign3A_508 : i1 to i32
    %sign3A_510 = arith.constant 0 : i32
    %sign3A_511 = arith.cmpi slt, %jit3A_498, %sign3A_510 : i32
    %sign3A_512 = arith.extui %sign3A_511 : i1 to i32
    %sign3A_513 = arith.subi %sign3A_509, %sign3A_512 : i32
    %ne3A_514 = arith.cmpi ne, %sign3A_506, %sign3A_513 : i32
    %rem3A_515 = arith.remsi %add3A_497, %jit3A_498 : i32
    %ne3A_516 = arith.constant 0 : i32
    %ne3A_517 = arith.cmpi ne, %rem3A_515, %ne3A_516 : i32
    %and3A_518 = arith.andi %ne3A_514, %ne3A_517 : i1
    %sub3A_519 = arith.constant 1 : i32
    %sub3A_520 = arith.subi %div3A_499, %sub3A_519 : i32
    %select_n3A_521 = arith.select %and3A_518, %sub3A_520, %div3A_499 : i32
    %jit3A_522 = arith.constant 16 : i32
    %eq3A_523 = arith.constant 0 : i32
    %eq3A_524 = arith.cmpi eq, %jit3A_522, %eq3A_523 : i32
    %jit3A_525 = arith.constant 1 : i32
    %select_n3A_526 = arith.select %eq3A_524, %jit3A_525, %jit3A_522 : i32
    %rem3A_527 = arith.remsi %add3A_497, %select_n3A_526 : i32
    %ne3A_528 = arith.constant 0 : i32
    %ne3A_529 = arith.cmpi ne, %rem3A_527, %ne3A_528 : i32
    %lt3A_530 = arith.constant 0 : i32
    %lt3A_531 = arith.cmpi slt, %rem3A_527, %lt3A_530 : i32
    %lt3A_532 = arith.constant 0 : i32
    %lt3A_533 = arith.cmpi slt, %select_n3A_526, %lt3A_532 : i32
    %ne3A_534 = arith.xori %lt3A_531, %lt3A_533 : i1
    %and3A_535 = arith.andi %ne3A_534, %ne3A_529 : i1
    %add3A_536 = arith.addi %rem3A_527, %select_n3A_526 : i32
    %select_n3A_537 = arith.select %and3A_535, %add3A_536, %rem3A_527 : i32
    %dma_start3A_538 = arith.constant 0 : i32
    %dma_start3A_539 = tpu.memref_slice %arg6[%dma_start3A_538] : memref<100000xf32, #tpu.memory_space<vmem>> -> memref<99968xf32, #tpu.memory_space<vmem>>
    %dma_start3A_540 = arith.constant 0 : i32
    %dma_start3A_541 = tpu.memref_slice %arg3[%select_n3A_521, %select_n3A_537, %dma_start3A_540] : memref<26x16x100000xf32, #tpu.memory_space<hbm>> -> memref<1x1x99968xf32, #tpu.memory_space<hbm>>
    %dma_start3A_542 = tpu.memref_squeeze %dma_start3A_541 : memref<1x1x99968xf32, #tpu.memory_space<hbm>> -> memref<99968xf32, #tpu.memory_space<hbm>>
    %dma_start3A_543 = arith.constant 0 : i32
    %dma_start3A_544 = tpu.memref_slice %arg6[%dma_start3A_543] : memref<100000xf32, #tpu.memory_space<vmem>> -> memref<99968xf32, #tpu.memory_space<vmem>>
    %dma_start3A_545 = arith.constant 0 : i32
    %dma_start3A_546 = tpu.memref_slice %arg3[%select_n3A_521, %select_n3A_537, %dma_start3A_545] : memref<26x16x100000xf32, #tpu.memory_space<hbm>> -> memref<1x1x99968xf32, #tpu.memory_space<hbm>>
    %dma_start3A_547 = tpu.memref_squeeze %dma_start3A_546 : memref<1x1x99968xf32, #tpu.memory_space<hbm>> -> memref<99968xf32, #tpu.memory_space<hbm>>
    tpu.enqueue_dma source(%dma_start3A_547 : memref<99968xf32, #tpu.memory_space<hbm>>) target(%dma_start3A_544 : memref<99968xf32, #tpu.memory_space<vmem>>) target_semaphore(%arg10 : memref<!tpu.dma_semaphore, #tpu.memory_space<semaphore_mem>>)
    %mul3A_548 = arith.constant 13 : i32
    %mul3A_549 = arith.muli %add3A, %mul3A_548 : i32
    %add3A_550 = arith.constant 3 : i32
    %add3A_551 = arith.addi %mul3A_549, %add3A_550 : i32
    %jit3A_552 = arith.constant 16 : i32
    %div3A_553 = arith.divsi %add3A_551, %jit3A_552 : i32
    %sign3A_554 = arith.constant 0 : i32
    %sign3A_555 = arith.cmpi sgt, %add3A_551, %sign3A_554 : i32
    %sign3A_556 = arith.extui %sign3A_555 : i1 to i32
    %sign3A_557 = arith.constant 0 : i32
    %sign3A_558 = arith.cmpi slt, %add3A_551, %sign3A_557 : i32
    %sign3A_559 = arith.extui %sign3A_558 : i1 to i32
    %sign3A_560 = arith.subi %sign3A_556, %sign3A_559 : i32
    %sign3A_561 = arith.constant 0 : i32
    %sign3A_562 = arith.cmpi sgt, %jit3A_552, %sign3A_561 : i32
    %sign3A_563 = arith.extui %sign3A_562 : i1 to i32
    %sign3A_564 = arith.constant 0 : i32
    %sign3A_565 = arith.cmpi slt, %jit3A_552, %sign3A_564 : i32
    %sign3A_566 = arith.extui %sign3A_565 : i1 to i32
    %sign3A_567 = arith.subi %sign3A_563, %sign3A_566 : i32
    %ne3A_568 = arith.cmpi ne, %sign3A_560, %sign3A_567 : i32
    %rem3A_569 = arith.remsi %add3A_551, %jit3A_552 : i32
    %ne3A_570 = arith.constant 0 : i32
    %ne3A_571 = arith.cmpi ne, %rem3A_569, %ne3A_570 : i32
    %and3A_572 = arith.andi %ne3A_568, %ne3A_571 : i1
    %sub3A_573 = arith.constant 1 : i32
    %sub3A_574 = arith.subi %div3A_553, %sub3A_573 : i32
    %select_n3A_575 = arith.select %and3A_572, %sub3A_574, %div3A_553 : i32
    %jit3A_576 = arith.constant 16 : i32
    %eq3A_577 = arith.constant 0 : i32
    %eq3A_578 = arith.cmpi eq, %jit3A_576, %eq3A_577 : i32
    %jit3A_579 = arith.constant 1 : i32
    %select_n3A_580 = arith.select %eq3A_578, %jit3A_579, %jit3A_576 : i32
    %rem3A_581 = arith.remsi %add3A_551, %select_n3A_580 : i32
    %ne3A_582 = arith.constant 0 : i32
    %ne3A_583 = arith.cmpi ne, %rem3A_581, %ne3A_582 : i32
    %lt3A_584 = arith.constant 0 : i32
    %lt3A_585 = arith.cmpi slt, %rem3A_581, %lt3A_584 : i32
    %lt3A_586 = arith.constant 0 : i32
    %lt3A_587 = arith.cmpi slt, %select_n3A_580, %lt3A_586 : i32
    %ne3A_588 = arith.xori %lt3A_585, %lt3A_587 : i1
    %and3A_589 = arith.andi %ne3A_588, %ne3A_583 : i1
    %add3A_590 = arith.addi %rem3A_581, %select_n3A_580 : i32
    %select_n3A_591 = arith.select %and3A_589, %add3A_590, %rem3A_581 : i32
    %mul3A_592 = arith.constant 13 : i32
    %mul3A_593 = arith.muli %add3A, %mul3A_592 : i32
    %add3A_594 = arith.constant 2 : i32
    %add3A_595 = arith.addi %mul3A_593, %add3A_594 : i32
    %jit3A_596 = arith.constant 16 : i32
    %div3A_597 = arith.divsi %add3A_595, %jit3A_596 : i32
    %sign3A_598 = arith.constant 0 : i32
    %sign3A_599 = arith.cmpi sgt, %add3A_595, %sign3A_598 : i32
    %sign3A_600 = arith.extui %sign3A_599 : i1 to i32
    %sign3A_601 = arith.constant 0 : i32
    %sign3A_602 = arith.cmpi slt, %add3A_595, %sign3A_601 : i32
    %sign3A_603 = arith.extui %sign3A_602 : i1 to i32
    %sign3A_604 = arith.subi %sign3A_600, %sign3A_603 : i32
    %sign3A_605 = arith.constant 0 : i32
    %sign3A_606 = arith.cmpi sgt, %jit3A_596, %sign3A_605 : i32
    %sign3A_607 = arith.extui %sign3A_606 : i1 to i32
    %sign3A_608 = arith.constant 0 : i32
    %sign3A_609 = arith.cmpi slt, %jit3A_596, %sign3A_608 : i32
    %sign3A_610 = arith.extui %sign3A_609 : i1 to i32
    %sign3A_611 = arith.subi %sign3A_607, %sign3A_610 : i32
    %ne3A_612 = arith.cmpi ne, %sign3A_604, %sign3A_611 : i32
    %rem3A_613 = arith.remsi %add3A_595, %jit3A_596 : i32
    %ne3A_614 = arith.constant 0 : i32
    %ne3A_615 = arith.cmpi ne, %rem3A_613, %ne3A_614 : i32
    %and3A_616 = arith.andi %ne3A_612, %ne3A_615 : i1
    %sub3A_617 = arith.constant 1 : i32
    %sub3A_618 = arith.subi %div3A_597, %sub3A_617 : i32
    %select_n3A_619 = arith.select %and3A_616, %sub3A_618, %div3A_597 : i32
    %jit3A_620 = arith.constant 16 : i32
    %eq3A_621 = arith.constant 0 : i32
    %eq3A_622 = arith.cmpi eq, %jit3A_620, %eq3A_621 : i32
    %jit3A_623 = arith.constant 1 : i32
    %select_n3A_624 = arith.select %eq3A_622, %jit3A_623, %jit3A_620 : i32
    %rem3A_625 = arith.remsi %add3A_595, %select_n3A_624 : i32
    %ne3A_626 = arith.constant 0 : i32
    %ne3A_627 = arith.cmpi ne, %rem3A_625, %ne3A_626 : i32
    %lt3A_628 = arith.constant 0 : i32
    %lt3A_629 = arith.cmpi slt, %rem3A_625, %lt3A_628 : i32
    %lt3A_630 = arith.constant 0 : i32
    %lt3A_631 = arith.cmpi slt, %select_n3A_624, %lt3A_630 : i32
    %ne3A_632 = arith.xori %lt3A_629, %lt3A_631 : i1
    %and3A_633 = arith.andi %ne3A_632, %ne3A_627 : i1
    %add3A_634 = arith.addi %rem3A_625, %select_n3A_624 : i32
    %select_n3A_635 = arith.select %and3A_633, %add3A_634, %rem3A_625 : i32
    %ne3A_636 = arith.cmpi ne, %select_n3A_575, %select_n3A_619 : i32
    %convert_element_type3A_637 = arith.extui %ne3A_636 : i1 to i32
    %cond3A_638 = arith.constant 0 : i32
    %cond3A_639 = arith.cmpi ne, %convert_element_type3A_637, %cond3A_638 : i32
    scf.if %cond3A_639 {
      "tpu.region"() ({
        %run_scoped3A = tpu.sem_alloc : memref<!tpu.dma_semaphore, #tpu.memory_space<semaphore_mem>>
        %dma_start3A_2380 = arith.constant 0 : i32
        %dma_start3A_2381 = tpu.memref_slice %arg4[%select_n3A_575, %dma_start3A_2380] : memref<26x512xf32, #tpu.memory_space<hbm>> -> memref<1x512xf32, #tpu.memory_space<hbm>>
        %dma_start3A_2382 = tpu.memref_squeeze %dma_start3A_2381 : memref<1x512xf32, #tpu.memory_space<hbm>> -> memref<512xf32, #tpu.memory_space<hbm>>
        %dma_start3A_2383 = arith.constant 0 : i32
        %dma_start3A_2384 = tpu.memref_slice %arg4[%select_n3A_575, %dma_start3A_2383] : memref<26x512xf32, #tpu.memory_space<hbm>> -> memref<1x512xf32, #tpu.memory_space<hbm>>
        %dma_start3A_2385 = tpu.memref_squeeze %dma_start3A_2384 : memref<1x512xf32, #tpu.memory_space<hbm>> -> memref<512xf32, #tpu.memory_space<hbm>>
        tpu.enqueue_dma source(%dma_start3A_2385 : memref<512xf32, #tpu.memory_space<hbm>>) target(%arg9 : memref<512xf32, #tpu.memory_space<vmem>>) target_semaphore(%run_scoped3A : memref<!tpu.dma_semaphore, #tpu.memory_space<semaphore_mem>>)
        %dma_wait3A_2386 = arith.constant 0 : i32
        %dma_wait3A_2387 = tpu.memref_slice %arg4[%select_n3A_575, %dma_wait3A_2386] : memref<26x512xf32, #tpu.memory_space<hbm>> -> memref<1x512xf32, #tpu.memory_space<hbm>>
        %dma_wait3A_2388 = tpu.memref_squeeze %dma_wait3A_2387 : memref<1x512xf32, #tpu.memory_space<hbm>> -> memref<512xf32, #tpu.memory_space<hbm>>
        %dma_wait3A_2389 = arith.constant 0 : i32
        %dma_wait3A_2390 = tpu.memref_slice %arg4[%select_n3A_575, %dma_wait3A_2389] : memref<26x512xf32, #tpu.memory_space<hbm>> -> memref<1x512xf32, #tpu.memory_space<hbm>>
        %dma_wait3A_2391 = tpu.memref_squeeze %dma_wait3A_2390 : memref<1x512xf32, #tpu.memory_space<hbm>> -> memref<512xf32, #tpu.memory_space<hbm>>
        tpu.wait_dma2 semaphore(%run_scoped3A : memref<!tpu.dma_semaphore, #tpu.memory_space<semaphore_mem>>) src(%dma_wait3A_2391 : memref<512xf32, #tpu.memory_space<hbm>>) dst(%arg9 : memref<512xf32, #tpu.memory_space<vmem>>)
        tpu.yield
      }) : () -> ()
      "tpu.region"() ({
        %run_scoped3A = tpu.sem_alloc : memref<!tpu.dma_semaphore, #tpu.memory_space<semaphore_mem>>
        %dma_start3A_2380 = arith.constant 8192 : i32
        %dma_start3A_2381 = tpu.memref_slice %arg2[%select_n3A_575, %dma_start3A_2380] : memref<26x16384xi32, #tpu.memory_space<hbm>> -> memref<1x8192xi32, #tpu.memory_space<hbm>>
        %dma_start3A_2382 = tpu.memref_squeeze %dma_start3A_2381 : memref<1x8192xi32, #tpu.memory_space<hbm>> -> memref<8192xi32, #tpu.memory_space<hbm>>
        %dma_start3A_2383 = arith.constant 8192 : i32
        %dma_start3A_2384 = tpu.memref_slice %arg2[%select_n3A_575, %dma_start3A_2383] : memref<26x16384xi32, #tpu.memory_space<hbm>> -> memref<1x8192xi32, #tpu.memory_space<hbm>>
        %dma_start3A_2385 = tpu.memref_squeeze %dma_start3A_2384 : memref<1x8192xi32, #tpu.memory_space<hbm>> -> memref<8192xi32, #tpu.memory_space<hbm>>
        tpu.enqueue_dma source(%dma_start3A_2385 : memref<8192xi32, #tpu.memory_space<hbm>>) target(%arg7 : memref<8192xi32, #tpu.memory_space<vmem>>) target_semaphore(%run_scoped3A : memref<!tpu.dma_semaphore, #tpu.memory_space<semaphore_mem>>)
        %dma_wait3A_2386 = arith.constant 8192 : i32
        %dma_wait3A_2387 = tpu.memref_slice %arg2[%select_n3A_575, %dma_wait3A_2386] : memref<26x16384xi32, #tpu.memory_space<hbm>> -> memref<1x8192xi32, #tpu.memory_space<hbm>>
        %dma_wait3A_2388 = tpu.memref_squeeze %dma_wait3A_2387 : memref<1x8192xi32, #tpu.memory_space<hbm>> -> memref<8192xi32, #tpu.memory_space<hbm>>
        %dma_wait3A_2389 = arith.constant 8192 : i32
        %dma_wait3A_2390 = tpu.memref_slice %arg2[%select_n3A_575, %dma_wait3A_2389] : memref<26x16384xi32, #tpu.memory_space<hbm>> -> memref<1x8192xi32, #tpu.memory_space<hbm>>
        %dma_wait3A_2391 = tpu.memref_squeeze %dma_wait3A_2390 : memref<1x8192xi32, #tpu.memory_space<hbm>> -> memref<8192xi32, #tpu.memory_space<hbm>>
        tpu.wait_dma2 semaphore(%run_scoped3A : memref<!tpu.dma_semaphore, #tpu.memory_space<semaphore_mem>>) src(%dma_wait3A_2391 : memref<8192xi32, #tpu.memory_space<hbm>>) dst(%arg7 : memref<8192xi32, #tpu.memory_space<vmem>>)
        tpu.yield
      }) : () -> ()
    } else {
    }
    %mul3A_640 = arith.constant 32 : i32
    %mul3A_641 = arith.muli %select_n3A_591, %mul3A_640 : i32
    %get3A_642 = arith.index_cast %mul3A_641 : i32 to index
    %get3A_643 = tpu.vector_load %arg9[%get3A_642] {strides = array<i32>} : memref<512xf32, #tpu.memory_space<vmem>>, vector<16xf32>,
    %swap3A_644 = arith.constant 99968 : index
    %swap3A_645 = tpu.vector_load %arg6[%swap3A_644] {strides = array<i32>} : memref<100000xf32, #tpu.memory_space<vmem>>, vector<16xf32>,
    tpu.vector_store %arg6[%swap3A_644], %get3A_643 {strides = array<i32>} : memref<100000xf32, #tpu.memory_space<vmem>>, vector<16xf32>,
    %mul3A_646 = arith.constant 32 : i32
    %mul3A_647 = arith.muli %select_n3A_591, %mul3A_646 : i32
    %add3A_648 = arith.constant 16 : i32
    %add3A_649 = arith.addi %mul3A_647, %add3A_648 : i32
    %get3A_650 = arith.index_cast %add3A_649 : i32 to index
    %get3A_651 = tpu.vector_load %arg9[%get3A_650] {strides = array<i32>} : memref<512xf32, #tpu.memory_space<vmem>>, vector<16xf32>,
    %swap3A_652 = arith.constant 99984 : index
    %swap3A_653 = tpu.vector_load %arg6[%swap3A_652] {strides = array<i32>} : memref<100000xf32, #tpu.memory_space<vmem>>, vector<16xf32>,
    tpu.vector_store %arg6[%swap3A_652], %get3A_651 {strides = array<i32>} : memref<100000xf32, #tpu.memory_space<vmem>>, vector<16xf32>,
    %dma_wait3A_654 = arith.constant 0 : i32
    %dma_wait3A_655 = tpu.memref_slice %arg6[%dma_wait3A_654] : memref<100000xf32, #tpu.memory_space<vmem>> -> memref<99968xf32, #tpu.memory_space<vmem>>
    %dma_wait3A_656 = arith.constant 0 : i32
    %dma_wait3A_657 = tpu.memref_slice %arg3[%select_n3A_521, %select_n3A_537, %dma_wait3A_656] : memref<26x16x100000xf32, #tpu.memory_space<hbm>> -> memref<1x1x99968xf32, #tpu.memory_space<hbm>>
    %dma_wait3A_658 = tpu.memref_squeeze %dma_wait3A_657 : memref<1x1x99968xf32, #tpu.memory_space<hbm>> -> memref<99968xf32, #tpu.memory_space<hbm>>
    %dma_wait3A_659 = arith.constant 0 : i32
    %dma_wait3A_660 = tpu.memref_slice %arg6[%dma_wait3A_659] : memref<100000xf32, #tpu.memory_space<vmem>> -> memref<99968xf32, #tpu.memory_space<vmem>>
    %dma_wait3A_661 = arith.constant 0 : i32
    %dma_wait3A_662 = tpu.memref_slice %arg3[%select_n3A_521, %select_n3A_537, %dma_wait3A_661] : memref<26x16x100000xf32, #tpu.memory_space<hbm>> -> memref<1x1x99968xf32, #tpu.memory_space<hbm>>
    %dma_wait3A_663 = tpu.memref_squeeze %dma_wait3A_662 : memref<1x1x99968xf32, #tpu.memory_space<hbm>> -> memref<99968xf32, #tpu.memory_space<hbm>>
    tpu.wait_dma2 semaphore(%arg10 : memref<!tpu.dma_semaphore, #tpu.memory_space<semaphore_mem>>) src(%dma_wait3A_663 : memref<99968xf32, #tpu.memory_space<hbm>>) dst(%dma_wait3A_660 : memref<99968xf32, #tpu.memory_space<vmem>>)
    %dma_wait3A_664 = arith.constant 0 : i32
    %dma_wait3A_665 = tpu.memref_slice %arg5[%add3A_363, %dma_wait3A_664] : memref<416x16384xf32, #tpu.memory_space<hbm>> -> memref<1x16384xf32, #tpu.memory_space<hbm>>
    %dma_wait3A_666 = tpu.memref_squeeze %dma_wait3A_665 : memref<1x16384xf32, #tpu.memory_space<hbm>> -> memref<16384xf32, #tpu.memory_space<hbm>>
    %dma_wait3A_667 = arith.constant 0 : i32
    %dma_wait3A_668 = tpu.memref_slice %arg5[%add3A_363, %dma_wait3A_667] : memref<416x16384xf32, #tpu.memory_space<hbm>> -> memref<1x16384xf32, #tpu.memory_space<hbm>>
    %dma_wait3A_669 = tpu.memref_squeeze %dma_wait3A_668 : memref<1x16384xf32, #tpu.memory_space<hbm>> -> memref<16384xf32, #tpu.memory_space<hbm>>
    tpu.wait_dma2 semaphore(%arg11 : memref<!tpu.dma_semaphore, #tpu.memory_space<semaphore_mem>>) src(%arg8 : memref<16384xf32, #tpu.memory_space<vmem>>) dst(%dma_wait3A_669 : memref<16384xf32, #tpu.memory_space<hbm>>)
    %parallel_loop3A_670 = arith.constant 0 : i32
    %parallel_loop3A_671 = arith.constant 8192 : i32
    %parallel_loop3A_672 = arith.constant 16 : i32
    scf.for %parallel_loop3A_2380 = %parallel_loop3A_670 to %parallel_loop3A_671 step %parallel_loop3A_672  : i32 {
      %parallel_loop3A_2381 = arith.index_cast %parallel_loop3A_2380 : i32 to index
      %parallel_loop3A_2382 = tpu.vector_load %arg7[%parallel_loop3A_2381] {strides = array<i32>} : memref<8192xi32, #tpu.memory_space<vmem>>, vector<16xi32>,
      %parallel_loop3A_2383 = tpu.vector_load_idx %arg6[%parallel_loop3A_2382] : memref<100000xf32, #tpu.memory_space<vmem>>[vector<16xi32>], vector<16xf32>,
      %parallel_loop3A_2384 = arith.constant 8192 : i32
      %parallel_loop3A_2385 = arith.addi %parallel_loop3A_2384, %parallel_loop3A_2380 : i32
      %parallel_loop3A_2386 = arith.index_cast %parallel_loop3A_2385 : i32 to index
      %parallel_loop3A_2387 = tpu.vector_load %arg8[%parallel_loop3A_2386] {strides = array<i32>} : memref<16384xf32, #tpu.memory_space<vmem>>, vector<16xf32>,
      tpu.vector_store %arg8[%parallel_loop3A_2386], %parallel_loop3A_2383 {strides = array<i32>} : memref<16384xf32, #tpu.memory_space<vmem>>, vector<16xf32>,
    } {sc.loop_unroll_factor = 8 : i64, sc.parallel_access}
    "tpu.region"() ({
      %run_scoped3A = tpu.sem_alloc : memref<!tpu.dma_semaphore, #tpu.memory_space<semaphore_mem>>
      %dma_start3A_2380 = arith.constant 0 : i32
      %dma_start3A_2381 = tpu.memref_slice %arg2[%select_n3A_575, %dma_start3A_2380] : memref<26x16384xi32, #tpu.memory_space<hbm>> -> memref<1x8192xi32, #tpu.memory_space<hbm>>
      %dma_start3A_2382 = tpu.memref_squeeze %dma_start3A_2381 : memref<1x8192xi32, #tpu.memory_space<hbm>> -> memref<8192xi32, #tpu.memory_space<hbm>>
      %dma_start3A_2383 = arith.constant 0 : i32
      %dma_start3A_2384 = tpu.memref_slice %arg2[%select_n3A_575, %dma_start3A_2383] : memref<26x16384xi32, #tpu.memory_space<hbm>> -> memref<1x8192xi32, #tpu.memory_space<hbm>>
      %dma_start3A_2385 = tpu.memref_squeeze %dma_start3A_2384 : memref<1x8192xi32, #tpu.memory_space<hbm>> -> memref<8192xi32, #tpu.memory_space<hbm>>
      tpu.enqueue_dma source(%dma_start3A_2385 : memref<8192xi32, #tpu.memory_space<hbm>>) target(%arg7 : memref<8192xi32, #tpu.memory_space<vmem>>) target_semaphore(%run_scoped3A : memref<!tpu.dma_semaphore, #tpu.memory_space<semaphore_mem>>)
      %dma_wait3A_2386 = arith.constant 0 : i32
      %dma_wait3A_2387 = tpu.memref_slice %arg2[%select_n3A_575, %dma_wait3A_2386] : memref<26x16384xi32, #tpu.memory_space<hbm>> -> memref<1x8192xi32, #tpu.memory_space<hbm>>
      %dma_wait3A_2388 = tpu.memref_squeeze %dma_wait3A_2387 : memref<1x8192xi32, #tpu.memory_space<hbm>> -> memref<8192xi32, #tpu.memory_space<hbm>>
      %dma_wait3A_2389 = arith.constant 0 : i32
      %dma_wait3A_2390 = tpu.memref_slice %arg2[%select_n3A_575, %dma_wait3A_2389] : memref<26x16384xi32, #tpu.memory_space<hbm>> -> memref<1x8192xi32, #tpu.memory_space<hbm>>
      %dma_wait3A_2391 = tpu.memref_squeeze %dma_wait3A_2390 : memref<1x8192xi32, #tpu.memory_space<hbm>> -> memref<8192xi32, #tpu.memory_space<hbm>>
      tpu.wait_dma2 semaphore(%run_scoped3A : memref<!tpu.dma_semaphore, #tpu.memory_space<semaphore_mem>>) src(%dma_wait3A_2391 : memref<8192xi32, #tpu.memory_space<hbm>>) dst(%arg7 : memref<8192xi32, #tpu.memory_space<vmem>>)
      tpu.yield
    }) : () -> ()
    %parallel_loop3A_673 = arith.constant 0 : i32
    %parallel_loop3A_674 = arith.constant 8192 : i32
    %parallel_loop3A_675 = arith.constant 16 : i32
    scf.for %parallel_loop3A_2380 = %parallel_loop3A_673 to %parallel_loop3A_674 step %parallel_loop3A_675  : i32 {
      %parallel_loop3A_2381 = arith.index_cast %parallel_loop3A_2380 : i32 to index
      %parallel_loop3A_2382 = tpu.vector_load %arg7[%parallel_loop3A_2381] {strides = array<i32>} : memref<8192xi32, #tpu.memory_space<vmem>>, vector<16xi32>,
      %parallel_loop3A_2383 = tpu.vector_load_idx %arg6[%parallel_loop3A_2382] : memref<100000xf32, #tpu.memory_space<vmem>>[vector<16xi32>], vector<16xf32>,
      %parallel_loop3A_2384 = arith.constant 0 : i32
      %parallel_loop3A_2385 = arith.addi %parallel_loop3A_2384, %parallel_loop3A_2380 : i32
      %parallel_loop3A_2386 = arith.index_cast %parallel_loop3A_2385 : i32 to index
      %parallel_loop3A_2387 = tpu.vector_load %arg8[%parallel_loop3A_2386] {strides = array<i32>} : memref<16384xf32, #tpu.memory_space<vmem>>, vector<16xf32>,
      tpu.vector_store %arg8[%parallel_loop3A_2386], %parallel_loop3A_2383 {strides = array<i32>} : memref<16384xf32, #tpu.memory_space<vmem>>, vector<16xf32>,
    } {sc.loop_unroll_factor = 8 : i64, sc.parallel_access}
    %dma_start3A_676 = arith.constant 0 : i32
    %dma_start3A_677 = tpu.memref_slice %arg5[%add3A_551, %dma_start3A_676] : memref<416x16384xf32, #tpu.memory_space<hbm>> -> memref<1x16384xf32, #tpu.memory_space<hbm>>
    %dma_start3A_678 = tpu.memref_squeeze %dma_start3A_677 : memref<1x16384xf32, #tpu.memory_space<hbm>> -> memref<16384xf32, #tpu.memory_space<hbm>>
    %dma_start3A_679 = arith.constant 0 : i32
    %dma_start3A_680 = tpu.memref_slice %arg5[%add3A_551, %dma_start3A_679] : memref<416x16384xf32, #tpu.memory_space<hbm>> -> memref<1x16384xf32, #tpu.memory_space<hbm>>
    %dma_start3A_681 = tpu.memref_squeeze %dma_start3A_680 : memref<1x16384xf32, #tpu.memory_space<hbm>> -> memref<16384xf32, #tpu.memory_space<hbm>>
    tpu.enqueue_dma source(%arg8 : memref<16384xf32, #tpu.memory_space<vmem>>) target(%dma_start3A_681 : memref<16384xf32, #tpu.memory_space<hbm>>) target_semaphore(%arg11 : memref<!tpu.dma_semaphore, #tpu.memory_space<semaphore_mem>>)
    %mul3A_682 = arith.constant 13 : i32
    %mul3A_683 = arith.muli %add3A, %mul3A_682 : i32
    %add3A_684 = arith.constant 4 : i32
    %add3A_685 = arith.addi %mul3A_683, %add3A_684 : i32
    %jit3A_686 = arith.constant 16 : i32
    %div3A_687 = arith.divsi %add3A_685, %jit3A_686 : i32
    %sign3A_688 = arith.constant 0 : i32
    %sign3A_689 = arith.cmpi sgt, %add3A_685, %sign3A_688 : i32
    %sign3A_690 = arith.extui %sign3A_689 : i1 to i32
    %sign3A_691 = arith.constant 0 : i32
    %sign3A_692 = arith.cmpi slt, %add3A_685, %sign3A_691 : i32
    %sign3A_693 = arith.extui %sign3A_692 : i1 to i32
    %sign3A_694 = arith.subi %sign3A_690, %sign3A_693 : i32
    %sign3A_695 = arith.constant 0 : i32
    %sign3A_696 = arith.cmpi sgt, %jit3A_686, %sign3A_695 : i32
    %sign3A_697 = arith.extui %sign3A_696 : i1 to i32
    %sign3A_698 = arith.constant 0 : i32
    %sign3A_699 = arith.cmpi slt, %jit3A_686, %sign3A_698 : i32
    %sign3A_700 = arith.extui %sign3A_699 : i1 to i32
    %sign3A_701 = arith.subi %sign3A_697, %sign3A_700 : i32
    %ne3A_702 = arith.cmpi ne, %sign3A_694, %sign3A_701 : i32
    %rem3A_703 = arith.remsi %add3A_685, %jit3A_686 : i32
    %ne3A_704 = arith.constant 0 : i32
    %ne3A_705 = arith.cmpi ne, %rem3A_703, %ne3A_704 : i32
    %and3A_706 = arith.andi %ne3A_702, %ne3A_705 : i1
    %sub3A_707 = arith.constant 1 : i32
    %sub3A_708 = arith.subi %div3A_687, %sub3A_707 : i32
    %select_n3A_709 = arith.select %and3A_706, %sub3A_708, %div3A_687 : i32
    %jit3A_710 = arith.constant 16 : i32
    %eq3A_711 = arith.constant 0 : i32
    %eq3A_712 = arith.cmpi eq, %jit3A_710, %eq3A_711 : i32
    %jit3A_713 = arith.constant 1 : i32
    %select_n3A_714 = arith.select %eq3A_712, %jit3A_713, %jit3A_710 : i32
    %rem3A_715 = arith.remsi %add3A_685, %select_n3A_714 : i32
    %ne3A_716 = arith.constant 0 : i32
    %ne3A_717 = arith.cmpi ne, %rem3A_715, %ne3A_716 : i32
    %lt3A_718 = arith.constant 0 : i32
    %lt3A_719 = arith.cmpi slt, %rem3A_715, %lt3A_718 : i32
    %lt3A_720 = arith.constant 0 : i32
    %lt3A_721 = arith.cmpi slt, %select_n3A_714, %lt3A_720 : i32
    %ne3A_722 = arith.xori %lt3A_719, %lt3A_721 : i1
    %and3A_723 = arith.andi %ne3A_722, %ne3A_717 : i1
    %add3A_724 = arith.addi %rem3A_715, %select_n3A_714 : i32
    %select_n3A_725 = arith.select %and3A_723, %add3A_724, %rem3A_715 : i32
    %dma_start3A_726 = arith.constant 0 : i32
    %dma_start3A_727 = tpu.memref_slice %arg6[%dma_start3A_726] : memref<100000xf32, #tpu.memory_space<vmem>> -> memref<99968xf32, #tpu.memory_space<vmem>>
    %dma_start3A_728 = arith.constant 0 : i32
    %dma_start3A_729 = tpu.memref_slice %arg3[%select_n3A_709, %select_n3A_725, %dma_start3A_728] : memref<26x16x100000xf32, #tpu.memory_space<hbm>> -> memref<1x1x99968xf32, #tpu.memory_space<hbm>>
    %dma_start3A_730 = tpu.memref_squeeze %dma_start3A_729 : memref<1x1x99968xf32, #tpu.memory_space<hbm>> -> memref<99968xf32, #tpu.memory_space<hbm>>
    %dma_start3A_731 = arith.constant 0 : i32
    %dma_start3A_732 = tpu.memref_slice %arg6[%dma_start3A_731] : memref<100000xf32, #tpu.memory_space<vmem>> -> memref<99968xf32, #tpu.memory_space<vmem>>
    %dma_start3A_733 = arith.constant 0 : i32
    %dma_start3A_734 = tpu.memref_slice %arg3[%select_n3A_709, %select_n3A_725, %dma_start3A_733] : memref<26x16x100000xf32, #tpu.memory_space<hbm>> -> memref<1x1x99968xf32, #tpu.memory_space<hbm>>
    %dma_start3A_735 = tpu.memref_squeeze %dma_start3A_734 : memref<1x1x99968xf32, #tpu.memory_space<hbm>> -> memref<99968xf32, #tpu.memory_space<hbm>>
    tpu.enqueue_dma source(%dma_start3A_735 : memref<99968xf32, #tpu.memory_space<hbm>>) target(%dma_start3A_732 : memref<99968xf32, #tpu.memory_space<vmem>>) target_semaphore(%arg10 : memref<!tpu.dma_semaphore, #tpu.memory_space<semaphore_mem>>)
    %mul3A_736 = arith.constant 13 : i32
    %mul3A_737 = arith.muli %add3A, %mul3A_736 : i32
    %add3A_738 = arith.constant 4 : i32
    %add3A_739 = arith.addi %mul3A_737, %add3A_738 : i32
    %jit3A_740 = arith.constant 16 : i32
    %div3A_741 = arith.divsi %add3A_739, %jit3A_740 : i32
    %sign3A_742 = arith.constant 0 : i32
    %sign3A_743 = arith.cmpi sgt, %add3A_739, %sign3A_742 : i32
    %sign3A_744 = arith.extui %sign3A_743 : i1 to i32
    %sign3A_745 = arith.constant 0 : i32
    %sign3A_746 = arith.cmpi slt, %add3A_739, %sign3A_745 : i32
    %sign3A_747 = arith.extui %sign3A_746 : i1 to i32
    %sign3A_748 = arith.subi %sign3A_744, %sign3A_747 : i32
    %sign3A_749 = arith.constant 0 : i32
    %sign3A_750 = arith.cmpi sgt, %jit3A_740, %sign3A_749 : i32
    %sign3A_751 = arith.extui %sign3A_750 : i1 to i32
    %sign3A_752 = arith.constant 0 : i32
    %sign3A_753 = arith.cmpi slt, %jit3A_740, %sign3A_752 : i32
    %sign3A_754 = arith.extui %sign3A_753 : i1 to i32
    %sign3A_755 = arith.subi %sign3A_751, %sign3A_754 : i32
    %ne3A_756 = arith.cmpi ne, %sign3A_748, %sign3A_755 : i32
    %rem3A_757 = arith.remsi %add3A_739, %jit3A_740 : i32
    %ne3A_758 = arith.constant 0 : i32
    %ne3A_759 = arith.cmpi ne, %rem3A_757, %ne3A_758 : i32
    %and3A_760 = arith.andi %ne3A_756, %ne3A_759 : i1
    %sub3A_761 = arith.constant 1 : i32
    %sub3A_762 = arith.subi %div3A_741, %sub3A_761 : i32
    %select_n3A_763 = arith.select %and3A_760, %sub3A_762, %div3A_741 : i32
    %jit3A_764 = arith.constant 16 : i32
    %eq3A_765 = arith.constant 0 : i32
    %eq3A_766 = arith.cmpi eq, %jit3A_764, %eq3A_765 : i32
    %jit3A_767 = arith.constant 1 : i32
    %select_n3A_768 = arith.select %eq3A_766, %jit3A_767, %jit3A_764 : i32
    %rem3A_769 = arith.remsi %add3A_739, %select_n3A_768 : i32
    %ne3A_770 = arith.constant 0 : i32
    %ne3A_771 = arith.cmpi ne, %rem3A_769, %ne3A_770 : i32
    %lt3A_772 = arith.constant 0 : i32
    %lt3A_773 = arith.cmpi slt, %rem3A_769, %lt3A_772 : i32
    %lt3A_774 = arith.constant 0 : i32
    %lt3A_775 = arith.cmpi slt, %select_n3A_768, %lt3A_774 : i32
    %ne3A_776 = arith.xori %lt3A_773, %lt3A_775 : i1
    %and3A_777 = arith.andi %ne3A_776, %ne3A_771 : i1
    %add3A_778 = arith.addi %rem3A_769, %select_n3A_768 : i32
    %select_n3A_779 = arith.select %and3A_777, %add3A_778, %rem3A_769 : i32
    %mul3A_780 = arith.constant 13 : i32
    %mul3A_781 = arith.muli %add3A, %mul3A_780 : i32
    %add3A_782 = arith.constant 3 : i32
    %add3A_783 = arith.addi %mul3A_781, %add3A_782 : i32
    %jit3A_784 = arith.constant 16 : i32
    %div3A_785 = arith.divsi %add3A_783, %jit3A_784 : i32
    %sign3A_786 = arith.constant 0 : i32
    %sign3A_787 = arith.cmpi sgt, %add3A_783, %sign3A_786 : i32
    %sign3A_788 = arith.extui %sign3A_787 : i1 to i32
    %sign3A_789 = arith.constant 0 : i32
    %sign3A_790 = arith.cmpi slt, %add3A_783, %sign3A_789 : i32
    %sign3A_791 = arith.extui %sign3A_790 : i1 to i32
    %sign3A_792 = arith.subi %sign3A_788, %sign3A_791 : i32
    %sign3A_793 = arith.constant 0 : i32
    %sign3A_794 = arith.cmpi sgt, %jit3A_784, %sign3A_793 : i32
    %sign3A_795 = arith.extui %sign3A_794 : i1 to i32
    %sign3A_796 = arith.constant 0 : i32
    %sign3A_797 = arith.cmpi slt, %jit3A_784, %sign3A_796 : i32
    %sign3A_798 = arith.extui %sign3A_797 : i1 to i32
    %sign3A_799 = arith.subi %sign3A_795, %sign3A_798 : i32
    %ne3A_800 = arith.cmpi ne, %sign3A_792, %sign3A_799 : i32
    %rem3A_801 = arith.remsi %add3A_783, %jit3A_784 : i32
    %ne3A_802 = arith.constant 0 : i32
    %ne3A_803 = arith.cmpi ne, %rem3A_801, %ne3A_802 : i32
    %and3A_804 = arith.andi %ne3A_800, %ne3A_803 : i1
    %sub3A_805 = arith.constant 1 : i32
    %sub3A_806 = arith.subi %div3A_785, %sub3A_805 : i32
    %select_n3A_807 = arith.select %and3A_804, %sub3A_806, %div3A_785 : i32
    %jit3A_808 = arith.constant 16 : i32
    %eq3A_809 = arith.constant 0 : i32
    %eq3A_810 = arith.cmpi eq, %jit3A_808, %eq3A_809 : i32
    %jit3A_811 = arith.constant 1 : i32
    %select_n3A_812 = arith.select %eq3A_810, %jit3A_811, %jit3A_808 : i32
    %rem3A_813 = arith.remsi %add3A_783, %select_n3A_812 : i32
    %ne3A_814 = arith.constant 0 : i32
    %ne3A_815 = arith.cmpi ne, %rem3A_813, %ne3A_814 : i32
    %lt3A_816 = arith.constant 0 : i32
    %lt3A_817 = arith.cmpi slt, %rem3A_813, %lt3A_816 : i32
    %lt3A_818 = arith.constant 0 : i32
    %lt3A_819 = arith.cmpi slt, %select_n3A_812, %lt3A_818 : i32
    %ne3A_820 = arith.xori %lt3A_817, %lt3A_819 : i1
    %and3A_821 = arith.andi %ne3A_820, %ne3A_815 : i1
    %add3A_822 = arith.addi %rem3A_813, %select_n3A_812 : i32
    %select_n3A_823 = arith.select %and3A_821, %add3A_822, %rem3A_813 : i32
    %ne3A_824 = arith.cmpi ne, %select_n3A_763, %select_n3A_807 : i32
    %convert_element_type3A_825 = arith.extui %ne3A_824 : i1 to i32
    %cond3A_826 = arith.constant 0 : i32
    %cond3A_827 = arith.cmpi ne, %convert_element_type3A_825, %cond3A_826 : i32
    scf.if %cond3A_827 {
      "tpu.region"() ({
        %run_scoped3A = tpu.sem_alloc : memref<!tpu.dma_semaphore, #tpu.memory_space<semaphore_mem>>
        %dma_start3A_2380 = arith.constant 0 : i32
        %dma_start3A_2381 = tpu.memref_slice %arg4[%select_n3A_763, %dma_start3A_2380] : memref<26x512xf32, #tpu.memory_space<hbm>> -> memref<1x512xf32, #tpu.memory_space<hbm>>
        %dma_start3A_2382 = tpu.memref_squeeze %dma_start3A_2381 : memref<1x512xf32, #tpu.memory_space<hbm>> -> memref<512xf32, #tpu.memory_space<hbm>>
        %dma_start3A_2383 = arith.constant 0 : i32
        %dma_start3A_2384 = tpu.memref_slice %arg4[%select_n3A_763, %dma_start3A_2383] : memref<26x512xf32, #tpu.memory_space<hbm>> -> memref<1x512xf32, #tpu.memory_space<hbm>>
        %dma_start3A_2385 = tpu.memref_squeeze %dma_start3A_2384 : memref<1x512xf32, #tpu.memory_space<hbm>> -> memref<512xf32, #tpu.memory_space<hbm>>
        tpu.enqueue_dma source(%dma_start3A_2385 : memref<512xf32, #tpu.memory_space<hbm>>) target(%arg9 : memref<512xf32, #tpu.memory_space<vmem>>) target_semaphore(%run_scoped3A : memref<!tpu.dma_semaphore, #tpu.memory_space<semaphore_mem>>)
        %dma_wait3A_2386 = arith.constant 0 : i32
        %dma_wait3A_2387 = tpu.memref_slice %arg4[%select_n3A_763, %dma_wait3A_2386] : memref<26x512xf32, #tpu.memory_space<hbm>> -> memref<1x512xf32, #tpu.memory_space<hbm>>
        %dma_wait3A_2388 = tpu.memref_squeeze %dma_wait3A_2387 : memref<1x512xf32, #tpu.memory_space<hbm>> -> memref<512xf32, #tpu.memory_space<hbm>>
        %dma_wait3A_2389 = arith.constant 0 : i32
        %dma_wait3A_2390 = tpu.memref_slice %arg4[%select_n3A_763, %dma_wait3A_2389] : memref<26x512xf32, #tpu.memory_space<hbm>> -> memref<1x512xf32, #tpu.memory_space<hbm>>
        %dma_wait3A_2391 = tpu.memref_squeeze %dma_wait3A_2390 : memref<1x512xf32, #tpu.memory_space<hbm>> -> memref<512xf32, #tpu.memory_space<hbm>>
        tpu.wait_dma2 semaphore(%run_scoped3A : memref<!tpu.dma_semaphore, #tpu.memory_space<semaphore_mem>>) src(%dma_wait3A_2391 : memref<512xf32, #tpu.memory_space<hbm>>) dst(%arg9 : memref<512xf32, #tpu.memory_space<vmem>>)
        tpu.yield
      }) : () -> ()
      "tpu.region"() ({
        %run_scoped3A = tpu.sem_alloc : memref<!tpu.dma_semaphore, #tpu.memory_space<semaphore_mem>>
        %dma_start3A_2380 = arith.constant 0 : i32
        %dma_start3A_2381 = tpu.memref_slice %arg2[%select_n3A_763, %dma_start3A_2380] : memref<26x16384xi32, #tpu.memory_space<hbm>> -> memref<1x8192xi32, #tpu.memory_space<hbm>>
        %dma_start3A_2382 = tpu.memref_squeeze %dma_start3A_2381 : memref<1x8192xi32, #tpu.memory_space<hbm>> -> memref<8192xi32, #tpu.memory_space<hbm>>
        %dma_start3A_2383 = arith.constant 0 : i32
        %dma_start3A_2384 = tpu.memref_slice %arg2[%select_n3A_763, %dma_start3A_2383] : memref<26x16384xi32, #tpu.memory_space<hbm>> -> memref<1x8192xi32, #tpu.memory_space<hbm>>
        %dma_start3A_2385 = tpu.memref_squeeze %dma_start3A_2384 : memref<1x8192xi32, #tpu.memory_space<hbm>> -> memref<8192xi32, #tpu.memory_space<hbm>>
        tpu.enqueue_dma source(%dma_start3A_2385 : memref<8192xi32, #tpu.memory_space<hbm>>) target(%arg7 : memref<8192xi32, #tpu.memory_space<vmem>>) target_semaphore(%run_scoped3A : memref<!tpu.dma_semaphore, #tpu.memory_space<semaphore_mem>>)
        %dma_wait3A_2386 = arith.constant 0 : i32
        %dma_wait3A_2387 = tpu.memref_slice %arg2[%select_n3A_763, %dma_wait3A_2386] : memref<26x16384xi32, #tpu.memory_space<hbm>> -> memref<1x8192xi32, #tpu.memory_space<hbm>>
        %dma_wait3A_2388 = tpu.memref_squeeze %dma_wait3A_2387 : memref<1x8192xi32, #tpu.memory_space<hbm>> -> memref<8192xi32, #tpu.memory_space<hbm>>
        %dma_wait3A_2389 = arith.constant 0 : i32
        %dma_wait3A_2390 = tpu.memref_slice %arg2[%select_n3A_763, %dma_wait3A_2389] : memref<26x16384xi32, #tpu.memory_space<hbm>> -> memref<1x8192xi32, #tpu.memory_space<hbm>>
        %dma_wait3A_2391 = tpu.memref_squeeze %dma_wait3A_2390 : memref<1x8192xi32, #tpu.memory_space<hbm>> -> memref<8192xi32, #tpu.memory_space<hbm>>
        tpu.wait_dma2 semaphore(%run_scoped3A : memref<!tpu.dma_semaphore, #tpu.memory_space<semaphore_mem>>) src(%dma_wait3A_2391 : memref<8192xi32, #tpu.memory_space<hbm>>) dst(%arg7 : memref<8192xi32, #tpu.memory_space<vmem>>)
        tpu.yield
      }) : () -> ()
    } else {
    }
    %mul3A_828 = arith.constant 32 : i32
    %mul3A_829 = arith.muli %select_n3A_779, %mul3A_828 : i32
    %get3A_830 = arith.index_cast %mul3A_829 : i32 to index
    %get3A_831 = tpu.vector_load %arg9[%get3A_830] {strides = array<i32>} : memref<512xf32, #tpu.memory_space<vmem>>, vector<16xf32>,
    %swap3A_832 = arith.constant 99968 : index
    %swap3A_833 = tpu.vector_load %arg6[%swap3A_832] {strides = array<i32>} : memref<100000xf32, #tpu.memory_space<vmem>>, vector<16xf32>,
    tpu.vector_store %arg6[%swap3A_832], %get3A_831 {strides = array<i32>} : memref<100000xf32, #tpu.memory_space<vmem>>, vector<16xf32>,
    %mul3A_834 = arith.constant 32 : i32
    %mul3A_835 = arith.muli %select_n3A_779, %mul3A_834 : i32
    %add3A_836 = arith.constant 16 : i32
    %add3A_837 = arith.addi %mul3A_835, %add3A_836 : i32
    %get3A_838 = arith.index_cast %add3A_837 : i32 to index
    %get3A_839 = tpu.vector_load %arg9[%get3A_838] {strides = array<i32>} : memref<512xf32, #tpu.memory_space<vmem>>, vector<16xf32>,
    %swap3A_840 = arith.constant 99984 : index
    %swap3A_841 = tpu.vector_load %arg6[%swap3A_840] {strides = array<i32>} : memref<100000xf32, #tpu.memory_space<vmem>>, vector<16xf32>,
    tpu.vector_store %arg6[%swap3A_840], %get3A_839 {strides = array<i32>} : memref<100000xf32, #tpu.memory_space<vmem>>, vector<16xf32>,
    %dma_wait3A_842 = arith.constant 0 : i32
    %dma_wait3A_843 = tpu.memref_slice %arg6[%dma_wait3A_842] : memref<100000xf32, #tpu.memory_space<vmem>> -> memref<99968xf32, #tpu.memory_space<vmem>>
    %dma_wait3A_844 = arith.constant 0 : i32
    %dma_wait3A_845 = tpu.memref_slice %arg3[%select_n3A_709, %select_n3A_725, %dma_wait3A_844] : memref<26x16x100000xf32, #tpu.memory_space<hbm>> -> memref<1x1x99968xf32, #tpu.memory_space<hbm>>
    %dma_wait3A_846 = tpu.memref_squeeze %dma_wait3A_845 : memref<1x1x99968xf32, #tpu.memory_space<hbm>> -> memref<99968xf32, #tpu.memory_space<hbm>>
    %dma_wait3A_847 = arith.constant 0 : i32
    %dma_wait3A_848 = tpu.memref_slice %arg6[%dma_wait3A_847] : memref<100000xf32, #tpu.memory_space<vmem>> -> memref<99968xf32, #tpu.memory_space<vmem>>
    %dma_wait3A_849 = arith.constant 0 : i32
    %dma_wait3A_850 = tpu.memref_slice %arg3[%select_n3A_709, %select_n3A_725, %dma_wait3A_849] : memref<26x16x100000xf32, #tpu.memory_space<hbm>> -> memref<1x1x99968xf32, #tpu.memory_space<hbm>>
    %dma_wait3A_851 = tpu.memref_squeeze %dma_wait3A_850 : memref<1x1x99968xf32, #tpu.memory_space<hbm>> -> memref<99968xf32, #tpu.memory_space<hbm>>
    tpu.wait_dma2 semaphore(%arg10 : memref<!tpu.dma_semaphore, #tpu.memory_space<semaphore_mem>>) src(%dma_wait3A_851 : memref<99968xf32, #tpu.memory_space<hbm>>) dst(%dma_wait3A_848 : memref<99968xf32, #tpu.memory_space<vmem>>)
    %dma_wait3A_852 = arith.constant 0 : i32
    %dma_wait3A_853 = tpu.memref_slice %arg5[%add3A_551, %dma_wait3A_852] : memref<416x16384xf32, #tpu.memory_space<hbm>> -> memref<1x16384xf32, #tpu.memory_space<hbm>>
    %dma_wait3A_854 = tpu.memref_squeeze %dma_wait3A_853 : memref<1x16384xf32, #tpu.memory_space<hbm>> -> memref<16384xf32, #tpu.memory_space<hbm>>
    %dma_wait3A_855 = arith.constant 0 : i32
    %dma_wait3A_856 = tpu.memref_slice %arg5[%add3A_551, %dma_wait3A_855] : memref<416x16384xf32, #tpu.memory_space<hbm>> -> memref<1x16384xf32, #tpu.memory_space<hbm>>
    %dma_wait3A_857 = tpu.memref_squeeze %dma_wait3A_856 : memref<1x16384xf32, #tpu.memory_space<hbm>> -> memref<16384xf32, #tpu.memory_space<hbm>>
    tpu.wait_dma2 semaphore(%arg11 : memref<!tpu.dma_semaphore, #tpu.memory_space<semaphore_mem>>) src(%arg8 : memref<16384xf32, #tpu.memory_space<vmem>>) dst(%dma_wait3A_857 : memref<16384xf32, #tpu.memory_space<hbm>>)
    %parallel_loop3A_858 = arith.constant 0 : i32
    %parallel_loop3A_859 = arith.constant 8192 : i32
    %parallel_loop3A_860 = arith.constant 16 : i32
    scf.for %parallel_loop3A_2380 = %parallel_loop3A_858 to %parallel_loop3A_859 step %parallel_loop3A_860  : i32 {
      %parallel_loop3A_2381 = arith.index_cast %parallel_loop3A_2380 : i32 to index
      %parallel_loop3A_2382 = tpu.vector_load %arg7[%parallel_loop3A_2381] {strides = array<i32>} : memref<8192xi32, #tpu.memory_space<vmem>>, vector<16xi32>,
      %parallel_loop3A_2383 = tpu.vector_load_idx %arg6[%parallel_loop3A_2382] : memref<100000xf32, #tpu.memory_space<vmem>>[vector<16xi32>], vector<16xf32>,
      %parallel_loop3A_2384 = arith.constant 0 : i32
      %parallel_loop3A_2385 = arith.addi %parallel_loop3A_2384, %parallel_loop3A_2380 : i32
      %parallel_loop3A_2386 = arith.index_cast %parallel_loop3A_2385 : i32 to index
      %parallel_loop3A_2387 = tpu.vector_load %arg8[%parallel_loop3A_2386] {strides = array<i32>} : memref<16384xf32, #tpu.memory_space<vmem>>, vector<16xf32>,
      tpu.vector_store %arg8[%parallel_loop3A_2386], %parallel_loop3A_2383 {strides = array<i32>} : memref<16384xf32, #tpu.memory_space<vmem>>, vector<16xf32>,
    } {sc.loop_unroll_factor = 8 : i64, sc.parallel_access}
    "tpu.region"() ({
      %run_scoped3A = tpu.sem_alloc : memref<!tpu.dma_semaphore, #tpu.memory_space<semaphore_mem>>
      %dma_start3A_2380 = arith.constant 8192 : i32
      %dma_start3A_2381 = tpu.memref_slice %arg2[%select_n3A_763, %dma_start3A_2380] : memref<26x16384xi32, #tpu.memory_space<hbm>> -> memref<1x8192xi32, #tpu.memory_space<hbm>>
      %dma_start3A_2382 = tpu.memref_squeeze %dma_start3A_2381 : memref<1x8192xi32, #tpu.memory_space<hbm>> -> memref<8192xi32, #tpu.memory_space<hbm>>
      %dma_start3A_2383 = arith.constant 8192 : i32
      %dma_start3A_2384 = tpu.memref_slice %arg2[%select_n3A_763, %dma_start3A_2383] : memref<26x16384xi32, #tpu.memory_space<hbm>> -> memref<1x8192xi32, #tpu.memory_space<hbm>>
      %dma_start3A_2385 = tpu.memref_squeeze %dma_start3A_2384 : memref<1x8192xi32, #tpu.memory_space<hbm>> -> memref<8192xi32, #tpu.memory_space<hbm>>
      tpu.enqueue_dma source(%dma_start3A_2385 : memref<8192xi32, #tpu.memory_space<hbm>>) target(%arg7 : memref<8192xi32, #tpu.memory_space<vmem>>) target_semaphore(%run_scoped3A : memref<!tpu.dma_semaphore, #tpu.memory_space<semaphore_mem>>)
      %dma_wait3A_2386 = arith.constant 8192 : i32
      %dma_wait3A_2387 = tpu.memref_slice %arg2[%select_n3A_763, %dma_wait3A_2386] : memref<26x16384xi32, #tpu.memory_space<hbm>> -> memref<1x8192xi32, #tpu.memory_space<hbm>>
      %dma_wait3A_2388 = tpu.memref_squeeze %dma_wait3A_2387 : memref<1x8192xi32, #tpu.memory_space<hbm>> -> memref<8192xi32, #tpu.memory_space<hbm>>
      %dma_wait3A_2389 = arith.constant 8192 : i32
      %dma_wait3A_2390 = tpu.memref_slice %arg2[%select_n3A_763, %dma_wait3A_2389] : memref<26x16384xi32, #tpu.memory_space<hbm>> -> memref<1x8192xi32, #tpu.memory_space<hbm>>
      %dma_wait3A_2391 = tpu.memref_squeeze %dma_wait3A_2390 : memref<1x8192xi32, #tpu.memory_space<hbm>> -> memref<8192xi32, #tpu.memory_space<hbm>>
      tpu.wait_dma2 semaphore(%run_scoped3A : memref<!tpu.dma_semaphore, #tpu.memory_space<semaphore_mem>>) src(%dma_wait3A_2391 : memref<8192xi32, #tpu.memory_space<hbm>>) dst(%arg7 : memref<8192xi32, #tpu.memory_space<vmem>>)
      tpu.yield
    }) : () -> ()
    %parallel_loop3A_861 = arith.constant 0 : i32
    %parallel_loop3A_862 = arith.constant 8192 : i32
    %parallel_loop3A_863 = arith.constant 16 : i32
    scf.for %parallel_loop3A_2380 = %parallel_loop3A_861 to %parallel_loop3A_862 step %parallel_loop3A_863  : i32 {
      %parallel_loop3A_2381 = arith.index_cast %parallel_loop3A_2380 : i32 to index
      %parallel_loop3A_2382 = tpu.vector_load %arg7[%parallel_loop3A_2381] {strides = array<i32>} : memref<8192xi32, #tpu.memory_space<vmem>>, vector<16xi32>,
      %parallel_loop3A_2383 = tpu.vector_load_idx %arg6[%parallel_loop3A_2382] : memref<100000xf32, #tpu.memory_space<vmem>>[vector<16xi32>], vector<16xf32>,
      %parallel_loop3A_2384 = arith.constant 8192 : i32
      %parallel_loop3A_2385 = arith.addi %parallel_loop3A_2384, %parallel_loop3A_2380 : i32
      %parallel_loop3A_2386 = arith.index_cast %parallel_loop3A_2385 : i32 to index
      %parallel_loop3A_2387 = tpu.vector_load %arg8[%parallel_loop3A_2386] {strides = array<i32>} : memref<16384xf32, #tpu.memory_space<vmem>>, vector<16xf32>,
      tpu.vector_store %arg8[%parallel_loop3A_2386], %parallel_loop3A_2383 {strides = array<i32>} : memref<16384xf32, #tpu.memory_space<vmem>>, vector<16xf32>,
    } {sc.loop_unroll_factor = 8 : i64, sc.parallel_access}
    %dma_start3A_864 = arith.constant 0 : i32
    %dma_start3A_865 = tpu.memref_slice %arg5[%add3A_739, %dma_start3A_864] : memref<416x16384xf32, #tpu.memory_space<hbm>> -> memref<1x16384xf32, #tpu.memory_space<hbm>>
    %dma_start3A_866 = tpu.memref_squeeze %dma_start3A_865 : memref<1x16384xf32, #tpu.memory_space<hbm>> -> memref<16384xf32, #tpu.memory_space<hbm>>
    %dma_start3A_867 = arith.constant 0 : i32
    %dma_start3A_868 = tpu.memref_slice %arg5[%add3A_739, %dma_start3A_867] : memref<416x16384xf32, #tpu.memory_space<hbm>> -> memref<1x16384xf32, #tpu.memory_space<hbm>>
    %dma_start3A_869 = tpu.memref_squeeze %dma_start3A_868 : memref<1x16384xf32, #tpu.memory_space<hbm>> -> memref<16384xf32, #tpu.memory_space<hbm>>
    tpu.enqueue_dma source(%arg8 : memref<16384xf32, #tpu.memory_space<vmem>>) target(%dma_start3A_869 : memref<16384xf32, #tpu.memory_space<hbm>>) target_semaphore(%arg11 : memref<!tpu.dma_semaphore, #tpu.memory_space<semaphore_mem>>)
    %mul3A_870 = arith.constant 13 : i32
    %mul3A_871 = arith.muli %add3A, %mul3A_870 : i32
    %add3A_872 = arith.constant 5 : i32
    %add3A_873 = arith.addi %mul3A_871, %add3A_872 : i32
    %jit3A_874 = arith.constant 16 : i32
    %div3A_875 = arith.divsi %add3A_873, %jit3A_874 : i32
    %sign3A_876 = arith.constant 0 : i32
    %sign3A_877 = arith.cmpi sgt, %add3A_873, %sign3A_876 : i32
    %sign3A_878 = arith.extui %sign3A_877 : i1 to i32
    %sign3A_879 = arith.constant 0 : i32
    %sign3A_880 = arith.cmpi slt, %add3A_873, %sign3A_879 : i32
    %sign3A_881 = arith.extui %sign3A_880 : i1 to i32
    %sign3A_882 = arith.subi %sign3A_878, %sign3A_881 : i32
    %sign3A_883 = arith.constant 0 : i32
    %sign3A_884 = arith.cmpi sgt, %jit3A_874, %sign3A_883 : i32
    %sign3A_885 = arith.extui %sign3A_884 : i1 to i32
    %sign3A_886 = arith.constant 0 : i32
    %sign3A_887 = arith.cmpi slt, %jit3A_874, %sign3A_886 : i32
    %sign3A_888 = arith.extui %sign3A_887 : i1 to i32
    %sign3A_889 = arith.subi %sign3A_885, %sign3A_888 : i32
    %ne3A_890 = arith.cmpi ne, %sign3A_882, %sign3A_889 : i32
    %rem3A_891 = arith.remsi %add3A_873, %jit3A_874 : i32
    %ne3A_892 = arith.constant 0 : i32
    %ne3A_893 = arith.cmpi ne, %rem3A_891, %ne3A_892 : i32
    %and3A_894 = arith.andi %ne3A_890, %ne3A_893 : i1
    %sub3A_895 = arith.constant 1 : i32
    %sub3A_896 = arith.subi %div3A_875, %sub3A_895 : i32
    %select_n3A_897 = arith.select %and3A_894, %sub3A_896, %div3A_875 : i32
    %jit3A_898 = arith.constant 16 : i32
    %eq3A_899 = arith.constant 0 : i32
    %eq3A_900 = arith.cmpi eq, %jit3A_898, %eq3A_899 : i32
    %jit3A_901 = arith.constant 1 : i32
    %select_n3A_902 = arith.select %eq3A_900, %jit3A_901, %jit3A_898 : i32
    %rem3A_903 = arith.remsi %add3A_873, %select_n3A_902 : i32
    %ne3A_904 = arith.constant 0 : i32
    %ne3A_905 = arith.cmpi ne, %rem3A_903, %ne3A_904 : i32
    %lt3A_906 = arith.constant 0 : i32
    %lt3A_907 = arith.cmpi slt, %rem3A_903, %lt3A_906 : i32
    %lt3A_908 = arith.constant 0 : i32
    %lt3A_909 = arith.cmpi slt, %select_n3A_902, %lt3A_908 : i32
    %ne3A_910 = arith.xori %lt3A_907, %lt3A_909 : i1
    %and3A_911 = arith.andi %ne3A_910, %ne3A_905 : i1
    %add3A_912 = arith.addi %rem3A_903, %select_n3A_902 : i32
    %select_n3A_913 = arith.select %and3A_911, %add3A_912, %rem3A_903 : i32
    %dma_start3A_914 = arith.constant 0 : i32
    %dma_start3A_915 = tpu.memref_slice %arg6[%dma_start3A_914] : memref<100000xf32, #tpu.memory_space<vmem>> -> memref<99968xf32, #tpu.memory_space<vmem>>
    %dma_start3A_916 = arith.constant 0 : i32
    %dma_start3A_917 = tpu.memref_slice %arg3[%select_n3A_897, %select_n3A_913, %dma_start3A_916] : memref<26x16x100000xf32, #tpu.memory_space<hbm>> -> memref<1x1x99968xf32, #tpu.memory_space<hbm>>
    %dma_start3A_918 = tpu.memref_squeeze %dma_start3A_917 : memref<1x1x99968xf32, #tpu.memory_space<hbm>> -> memref<99968xf32, #tpu.memory_space<hbm>>
    %dma_start3A_919 = arith.constant 0 : i32
    %dma_start3A_920 = tpu.memref_slice %arg6[%dma_start3A_919] : memref<100000xf32, #tpu.memory_space<vmem>> -> memref<99968xf32, #tpu.memory_space<vmem>>
    %dma_start3A_921 = arith.constant 0 : i32
    %dma_start3A_922 = tpu.memref_slice %arg3[%select_n3A_897, %select_n3A_913, %dma_start3A_921] : memref<26x16x100000xf32, #tpu.memory_space<hbm>> -> memref<1x1x99968xf32, #tpu.memory_space<hbm>>
    %dma_start3A_923 = tpu.memref_squeeze %dma_start3A_922 : memref<1x1x99968xf32, #tpu.memory_space<hbm>> -> memref<99968xf32, #tpu.memory_space<hbm>>
    tpu.enqueue_dma source(%dma_start3A_923 : memref<99968xf32, #tpu.memory_space<hbm>>) target(%dma_start3A_920 : memref<99968xf32, #tpu.memory_space<vmem>>) target_semaphore(%arg10 : memref<!tpu.dma_semaphore, #tpu.memory_space<semaphore_mem>>)
    %mul3A_924 = arith.constant 13 : i32
    %mul3A_925 = arith.muli %add3A, %mul3A_924 : i32
    %add3A_926 = arith.constant 5 : i32
    %add3A_927 = arith.addi %mul3A_925, %add3A_926 : i32
    %jit3A_928 = arith.constant 16 : i32
    %div3A_929 = arith.divsi %add3A_927, %jit3A_928 : i32
    %sign3A_930 = arith.constant 0 : i32
    %sign3A_931 = arith.cmpi sgt, %add3A_927, %sign3A_930 : i32
    %sign3A_932 = arith.extui %sign3A_931 : i1 to i32
    %sign3A_933 = arith.constant 0 : i32
    %sign3A_934 = arith.cmpi slt, %add3A_927, %sign3A_933 : i32
    %sign3A_935 = arith.extui %sign3A_934 : i1 to i32
    %sign3A_936 = arith.subi %sign3A_932, %sign3A_935 : i32
    %sign3A_937 = arith.constant 0 : i32
    %sign3A_938 = arith.cmpi sgt, %jit3A_928, %sign3A_937 : i32
    %sign3A_939 = arith.extui %sign3A_938 : i1 to i32
    %sign3A_940 = arith.constant 0 : i32
    %sign3A_941 = arith.cmpi slt, %jit3A_928, %sign3A_940 : i32
    %sign3A_942 = arith.extui %sign3A_941 : i1 to i32
    %sign3A_943 = arith.subi %sign3A_939, %sign3A_942 : i32
    %ne3A_944 = arith.cmpi ne, %sign3A_936, %sign3A_943 : i32
    %rem3A_945 = arith.remsi %add3A_927, %jit3A_928 : i32
    %ne3A_946 = arith.constant 0 : i32
    %ne3A_947 = arith.cmpi ne, %rem3A_945, %ne3A_946 : i32
    %and3A_948 = arith.andi %ne3A_944, %ne3A_947 : i1
    %sub3A_949 = arith.constant 1 : i32
    %sub3A_950 = arith.subi %div3A_929, %sub3A_949 : i32
    %select_n3A_951 = arith.select %and3A_948, %sub3A_950, %div3A_929 : i32
    %jit3A_952 = arith.constant 16 : i32
    %eq3A_953 = arith.constant 0 : i32
    %eq3A_954 = arith.cmpi eq, %jit3A_952, %eq3A_953 : i32
    %jit3A_955 = arith.constant 1 : i32
    %select_n3A_956 = arith.select %eq3A_954, %jit3A_955, %jit3A_952 : i32
    %rem3A_957 = arith.remsi %add3A_927, %select_n3A_956 : i32
    %ne3A_958 = arith.constant 0 : i32
    %ne3A_959 = arith.cmpi ne, %rem3A_957, %ne3A_958 : i32
    %lt3A_960 = arith.constant 0 : i32
    %lt3A_961 = arith.cmpi slt, %rem3A_957, %lt3A_960 : i32
    %lt3A_962 = arith.constant 0 : i32
    %lt3A_963 = arith.cmpi slt, %select_n3A_956, %lt3A_962 : i32
    %ne3A_964 = arith.xori %lt3A_961, %lt3A_963 : i1
    %and3A_965 = arith.andi %ne3A_964, %ne3A_959 : i1
    %add3A_966 = arith.addi %rem3A_957, %select_n3A_956 : i32
    %select_n3A_967 = arith.select %and3A_965, %add3A_966, %rem3A_957 : i32
    %mul3A_968 = arith.constant 13 : i32
    %mul3A_969 = arith.muli %add3A, %mul3A_968 : i32
    %add3A_970 = arith.constant 4 : i32
    %add3A_971 = arith.addi %mul3A_969, %add3A_970 : i32
    %jit3A_972 = arith.constant 16 : i32
    %div3A_973 = arith.divsi %add3A_971, %jit3A_972 : i32
    %sign3A_974 = arith.constant 0 : i32
    %sign3A_975 = arith.cmpi sgt, %add3A_971, %sign3A_974 : i32
    %sign3A_976 = arith.extui %sign3A_975 : i1 to i32
    %sign3A_977 = arith.constant 0 : i32
    %sign3A_978 = arith.cmpi slt, %add3A_971, %sign3A_977 : i32
    %sign3A_979 = arith.extui %sign3A_978 : i1 to i32
    %sign3A_980 = arith.subi %sign3A_976, %sign3A_979 : i32
    %sign3A_981 = arith.constant 0 : i32
    %sign3A_982 = arith.cmpi sgt, %jit3A_972, %sign3A_981 : i32
    %sign3A_983 = arith.extui %sign3A_982 : i1 to i32
    %sign3A_984 = arith.constant 0 : i32
    %sign3A_985 = arith.cmpi slt, %jit3A_972, %sign3A_984 : i32
    %sign3A_986 = arith.extui %sign3A_985 : i1 to i32
    %sign3A_987 = arith.subi %sign3A_983, %sign3A_986 : i32
    %ne3A_988 = arith.cmpi ne, %sign3A_980, %sign3A_987 : i32
    %rem3A_989 = arith.remsi %add3A_971, %jit3A_972 : i32
    %ne3A_990 = arith.constant 0 : i32
    %ne3A_991 = arith.cmpi ne, %rem3A_989, %ne3A_990 : i32
    %and3A_992 = arith.andi %ne3A_988, %ne3A_991 : i1
    %sub3A_993 = arith.constant 1 : i32
    %sub3A_994 = arith.subi %div3A_973, %sub3A_993 : i32
    %select_n3A_995 = arith.select %and3A_992, %sub3A_994, %div3A_973 : i32
    %jit3A_996 = arith.constant 16 : i32
    %eq3A_997 = arith.constant 0 : i32
    %eq3A_998 = arith.cmpi eq, %jit3A_996, %eq3A_997 : i32
    %jit3A_999 = arith.constant 1 : i32
    %select_n3A_1000 = arith.select %eq3A_998, %jit3A_999, %jit3A_996 : i32
    %rem3A_1001 = arith.remsi %add3A_971, %select_n3A_1000 : i32
    %ne3A_1002 = arith.constant 0 : i32
    %ne3A_1003 = arith.cmpi ne, %rem3A_1001, %ne3A_1002 : i32
    %lt3A_1004 = arith.constant 0 : i32
    %lt3A_1005 = arith.cmpi slt, %rem3A_1001, %lt3A_1004 : i32
    %lt3A_1006 = arith.constant 0 : i32
    %lt3A_1007 = arith.cmpi slt, %select_n3A_1000, %lt3A_1006 : i32
    %ne3A_1008 = arith.xori %lt3A_1005, %lt3A_1007 : i1
    %and3A_1009 = arith.andi %ne3A_1008, %ne3A_1003 : i1
    %add3A_1010 = arith.addi %rem3A_1001, %select_n3A_1000 : i32
    %select_n3A_1011 = arith.select %and3A_1009, %add3A_1010, %rem3A_1001 : i32
    %ne3A_1012 = arith.cmpi ne, %select_n3A_951, %select_n3A_995 : i32
    %convert_element_type3A_1013 = arith.extui %ne3A_1012 : i1 to i32
    %cond3A_1014 = arith.constant 0 : i32
    %cond3A_1015 = arith.cmpi ne, %convert_element_type3A_1013, %cond3A_1014 : i32
    scf.if %cond3A_1015 {
      "tpu.region"() ({
        %run_scoped3A = tpu.sem_alloc : memref<!tpu.dma_semaphore, #tpu.memory_space<semaphore_mem>>
        %dma_start3A_2380 = arith.constant 0 : i32
        %dma_start3A_2381 = tpu.memref_slice %arg4[%select_n3A_951, %dma_start3A_2380] : memref<26x512xf32, #tpu.memory_space<hbm>> -> memref<1x512xf32, #tpu.memory_space<hbm>>
        %dma_start3A_2382 = tpu.memref_squeeze %dma_start3A_2381 : memref<1x512xf32, #tpu.memory_space<hbm>> -> memref<512xf32, #tpu.memory_space<hbm>>
        %dma_start3A_2383 = arith.constant 0 : i32
        %dma_start3A_2384 = tpu.memref_slice %arg4[%select_n3A_951, %dma_start3A_2383] : memref<26x512xf32, #tpu.memory_space<hbm>> -> memref<1x512xf32, #tpu.memory_space<hbm>>
        %dma_start3A_2385 = tpu.memref_squeeze %dma_start3A_2384 : memref<1x512xf32, #tpu.memory_space<hbm>> -> memref<512xf32, #tpu.memory_space<hbm>>
        tpu.enqueue_dma source(%dma_start3A_2385 : memref<512xf32, #tpu.memory_space<hbm>>) target(%arg9 : memref<512xf32, #tpu.memory_space<vmem>>) target_semaphore(%run_scoped3A : memref<!tpu.dma_semaphore, #tpu.memory_space<semaphore_mem>>)
        %dma_wait3A_2386 = arith.constant 0 : i32
        %dma_wait3A_2387 = tpu.memref_slice %arg4[%select_n3A_951, %dma_wait3A_2386] : memref<26x512xf32, #tpu.memory_space<hbm>> -> memref<1x512xf32, #tpu.memory_space<hbm>>
        %dma_wait3A_2388 = tpu.memref_squeeze %dma_wait3A_2387 : memref<1x512xf32, #tpu.memory_space<hbm>> -> memref<512xf32, #tpu.memory_space<hbm>>
        %dma_wait3A_2389 = arith.constant 0 : i32
        %dma_wait3A_2390 = tpu.memref_slice %arg4[%select_n3A_951, %dma_wait3A_2389] : memref<26x512xf32, #tpu.memory_space<hbm>> -> memref<1x512xf32, #tpu.memory_space<hbm>>
        %dma_wait3A_2391 = tpu.memref_squeeze %dma_wait3A_2390 : memref<1x512xf32, #tpu.memory_space<hbm>> -> memref<512xf32, #tpu.memory_space<hbm>>
        tpu.wait_dma2 semaphore(%run_scoped3A : memref<!tpu.dma_semaphore, #tpu.memory_space<semaphore_mem>>) src(%dma_wait3A_2391 : memref<512xf32, #tpu.memory_space<hbm>>) dst(%arg9 : memref<512xf32, #tpu.memory_space<vmem>>)
        tpu.yield
      }) : () -> ()
      "tpu.region"() ({
        %run_scoped3A = tpu.sem_alloc : memref<!tpu.dma_semaphore, #tpu.memory_space<semaphore_mem>>
        %dma_start3A_2380 = arith.constant 8192 : i32
        %dma_start3A_2381 = tpu.memref_slice %arg2[%select_n3A_951, %dma_start3A_2380] : memref<26x16384xi32, #tpu.memory_space<hbm>> -> memref<1x8192xi32, #tpu.memory_space<hbm>>
        %dma_start3A_2382 = tpu.memref_squeeze %dma_start3A_2381 : memref<1x8192xi32, #tpu.memory_space<hbm>> -> memref<8192xi32, #tpu.memory_space<hbm>>
        %dma_start3A_2383 = arith.constant 8192 : i32
        %dma_start3A_2384 = tpu.memref_slice %arg2[%select_n3A_951, %dma_start3A_2383] : memref<26x16384xi32, #tpu.memory_space<hbm>> -> memref<1x8192xi32, #tpu.memory_space<hbm>>
        %dma_start3A_2385 = tpu.memref_squeeze %dma_start3A_2384 : memref<1x8192xi32, #tpu.memory_space<hbm>> -> memref<8192xi32, #tpu.memory_space<hbm>>
        tpu.enqueue_dma source(%dma_start3A_2385 : memref<8192xi32, #tpu.memory_space<hbm>>) target(%arg7 : memref<8192xi32, #tpu.memory_space<vmem>>) target_semaphore(%run_scoped3A : memref<!tpu.dma_semaphore, #tpu.memory_space<semaphore_mem>>)
        %dma_wait3A_2386 = arith.constant 8192 : i32
        %dma_wait3A_2387 = tpu.memref_slice %arg2[%select_n3A_951, %dma_wait3A_2386] : memref<26x16384xi32, #tpu.memory_space<hbm>> -> memref<1x8192xi32, #tpu.memory_space<hbm>>
        %dma_wait3A_2388 = tpu.memref_squeeze %dma_wait3A_2387 : memref<1x8192xi32, #tpu.memory_space<hbm>> -> memref<8192xi32, #tpu.memory_space<hbm>>
        %dma_wait3A_2389 = arith.constant 8192 : i32
        %dma_wait3A_2390 = tpu.memref_slice %arg2[%select_n3A_951, %dma_wait3A_2389] : memref<26x16384xi32, #tpu.memory_space<hbm>> -> memref<1x8192xi32, #tpu.memory_space<hbm>>
        %dma_wait3A_2391 = tpu.memref_squeeze %dma_wait3A_2390 : memref<1x8192xi32, #tpu.memory_space<hbm>> -> memref<8192xi32, #tpu.memory_space<hbm>>
        tpu.wait_dma2 semaphore(%run_scoped3A : memref<!tpu.dma_semaphore, #tpu.memory_space<semaphore_mem>>) src(%dma_wait3A_2391 : memref<8192xi32, #tpu.memory_space<hbm>>) dst(%arg7 : memref<8192xi32, #tpu.memory_space<vmem>>)
        tpu.yield
      }) : () -> ()
    } else {
    }
    %mul3A_1016 = arith.constant 32 : i32
    %mul3A_1017 = arith.muli %select_n3A_967, %mul3A_1016 : i32
    %get3A_1018 = arith.index_cast %mul3A_1017 : i32 to index
    %get3A_1019 = tpu.vector_load %arg9[%get3A_1018] {strides = array<i32>} : memref<512xf32, #tpu.memory_space<vmem>>, vector<16xf32>,
    %swap3A_1020 = arith.constant 99968 : index
    %swap3A_1021 = tpu.vector_load %arg6[%swap3A_1020] {strides = array<i32>} : memref<100000xf32, #tpu.memory_space<vmem>>, vector<16xf32>,
    tpu.vector_store %arg6[%swap3A_1020], %get3A_1019 {strides = array<i32>} : memref<100000xf32, #tpu.memory_space<vmem>>, vector<16xf32>,
    %mul3A_1022 = arith.constant 32 : i32
    %mul3A_1023 = arith.muli %select_n3A_967, %mul3A_1022 : i32
    %add3A_1024 = arith.constant 16 : i32
    %add3A_1025 = arith.addi %mul3A_1023, %add3A_1024 : i32
    %get3A_1026 = arith.index_cast %add3A_1025 : i32 to index
    %get3A_1027 = tpu.vector_load %arg9[%get3A_1026] {strides = array<i32>} : memref<512xf32, #tpu.memory_space<vmem>>, vector<16xf32>,
    %swap3A_1028 = arith.constant 99984 : index
    %swap3A_1029 = tpu.vector_load %arg6[%swap3A_1028] {strides = array<i32>} : memref<100000xf32, #tpu.memory_space<vmem>>, vector<16xf32>,
    tpu.vector_store %arg6[%swap3A_1028], %get3A_1027 {strides = array<i32>} : memref<100000xf32, #tpu.memory_space<vmem>>, vector<16xf32>,
    %dma_wait3A_1030 = arith.constant 0 : i32
    %dma_wait3A_1031 = tpu.memref_slice %arg6[%dma_wait3A_1030] : memref<100000xf32, #tpu.memory_space<vmem>> -> memref<99968xf32, #tpu.memory_space<vmem>>
    %dma_wait3A_1032 = arith.constant 0 : i32
    %dma_wait3A_1033 = tpu.memref_slice %arg3[%select_n3A_897, %select_n3A_913, %dma_wait3A_1032] : memref<26x16x100000xf32, #tpu.memory_space<hbm>> -> memref<1x1x99968xf32, #tpu.memory_space<hbm>>
    %dma_wait3A_1034 = tpu.memref_squeeze %dma_wait3A_1033 : memref<1x1x99968xf32, #tpu.memory_space<hbm>> -> memref<99968xf32, #tpu.memory_space<hbm>>
    %dma_wait3A_1035 = arith.constant 0 : i32
    %dma_wait3A_1036 = tpu.memref_slice %arg6[%dma_wait3A_1035] : memref<100000xf32, #tpu.memory_space<vmem>> -> memref<99968xf32, #tpu.memory_space<vmem>>
    %dma_wait3A_1037 = arith.constant 0 : i32
    %dma_wait3A_1038 = tpu.memref_slice %arg3[%select_n3A_897, %select_n3A_913, %dma_wait3A_1037] : memref<26x16x100000xf32, #tpu.memory_space<hbm>> -> memref<1x1x99968xf32, #tpu.memory_space<hbm>>
    %dma_wait3A_1039 = tpu.memref_squeeze %dma_wait3A_1038 : memref<1x1x99968xf32, #tpu.memory_space<hbm>> -> memref<99968xf32, #tpu.memory_space<hbm>>
    tpu.wait_dma2 semaphore(%arg10 : memref<!tpu.dma_semaphore, #tpu.memory_space<semaphore_mem>>) src(%dma_wait3A_1039 : memref<99968xf32, #tpu.memory_space<hbm>>) dst(%dma_wait3A_1036 : memref<99968xf32, #tpu.memory_space<vmem>>)
    %dma_wait3A_1040 = arith.constant 0 : i32
    %dma_wait3A_1041 = tpu.memref_slice %arg5[%add3A_739, %dma_wait3A_1040] : memref<416x16384xf32, #tpu.memory_space<hbm>> -> memref<1x16384xf32, #tpu.memory_space<hbm>>
    %dma_wait3A_1042 = tpu.memref_squeeze %dma_wait3A_1041 : memref<1x16384xf32, #tpu.memory_space<hbm>> -> memref<16384xf32, #tpu.memory_space<hbm>>
    %dma_wait3A_1043 = arith.constant 0 : i32
    %dma_wait3A_1044 = tpu.memref_slice %arg5[%add3A_739, %dma_wait3A_1043] : memref<416x16384xf32, #tpu.memory_space<hbm>> -> memref<1x16384xf32, #tpu.memory_space<hbm>>
    %dma_wait3A_1045 = tpu.memref_squeeze %dma_wait3A_1044 : memref<1x16384xf32, #tpu.memory_space<hbm>> -> memref<16384xf32, #tpu.memory_space<hbm>>
    tpu.wait_dma2 semaphore(%arg11 : memref<!tpu.dma_semaphore, #tpu.memory_space<semaphore_mem>>) src(%arg8 : memref<16384xf32, #tpu.memory_space<vmem>>) dst(%dma_wait3A_1045 : memref<16384xf32, #tpu.memory_space<hbm>>)
    %parallel_loop3A_1046 = arith.constant 0 : i32
    %parallel_loop3A_1047 = arith.constant 8192 : i32
    %parallel_loop3A_1048 = arith.constant 16 : i32
    scf.for %parallel_loop3A_2380 = %parallel_loop3A_1046 to %parallel_loop3A_1047 step %parallel_loop3A_1048  : i32 {
      %parallel_loop3A_2381 = arith.index_cast %parallel_loop3A_2380 : i32 to index
      %parallel_loop3A_2382 = tpu.vector_load %arg7[%parallel_loop3A_2381] {strides = array<i32>} : memref<8192xi32, #tpu.memory_space<vmem>>, vector<16xi32>,
      %parallel_loop3A_2383 = tpu.vector_load_idx %arg6[%parallel_loop3A_2382] : memref<100000xf32, #tpu.memory_space<vmem>>[vector<16xi32>], vector<16xf32>,
      %parallel_loop3A_2384 = arith.constant 8192 : i32
      %parallel_loop3A_2385 = arith.addi %parallel_loop3A_2384, %parallel_loop3A_2380 : i32
      %parallel_loop3A_2386 = arith.index_cast %parallel_loop3A_2385 : i32 to index
      %parallel_loop3A_2387 = tpu.vector_load %arg8[%parallel_loop3A_2386] {strides = array<i32>} : memref<16384xf32, #tpu.memory_space<vmem>>, vector<16xf32>,
      tpu.vector_store %arg8[%parallel_loop3A_2386], %parallel_loop3A_2383 {strides = array<i32>} : memref<16384xf32, #tpu.memory_space<vmem>>, vector<16xf32>,
    } {sc.loop_unroll_factor = 8 : i64, sc.parallel_access}
    "tpu.region"() ({
      %run_scoped3A = tpu.sem_alloc : memref<!tpu.dma_semaphore, #tpu.memory_space<semaphore_mem>>
      %dma_start3A_2380 = arith.constant 0 : i32
      %dma_start3A_2381 = tpu.memref_slice %arg2[%select_n3A_951, %dma_start3A_2380] : memref<26x16384xi32, #tpu.memory_space<hbm>> -> memref<1x8192xi32, #tpu.memory_space<hbm>>
      %dma_start3A_2382 = tpu.memref_squeeze %dma_start3A_2381 : memref<1x8192xi32, #tpu.memory_space<hbm>> -> memref<8192xi32, #tpu.memory_space<hbm>>
      %dma_start3A_2383 = arith.constant 0 : i32
      %dma_start3A_2384 = tpu.memref_slice %arg2[%select_n3A_951, %dma_start3A_2383] : memref<26x16384xi32, #tpu.memory_space<hbm>> -> memref<1x8192xi32, #tpu.memory_space<hbm>>
      %dma_start3A_2385 = tpu.memref_squeeze %dma_start3A_2384 : memref<1x8192xi32, #tpu.memory_space<hbm>> -> memref<8192xi32, #tpu.memory_space<hbm>>
      tpu.enqueue_dma source(%dma_start3A_2385 : memref<8192xi32, #tpu.memory_space<hbm>>) target(%arg7 : memref<8192xi32, #tpu.memory_space<vmem>>) target_semaphore(%run_scoped3A : memref<!tpu.dma_semaphore, #tpu.memory_space<semaphore_mem>>)
      %dma_wait3A_2386 = arith.constant 0 : i32
      %dma_wait3A_2387 = tpu.memref_slice %arg2[%select_n3A_951, %dma_wait3A_2386] : memref<26x16384xi32, #tpu.memory_space<hbm>> -> memref<1x8192xi32, #tpu.memory_space<hbm>>
      %dma_wait3A_2388 = tpu.memref_squeeze %dma_wait3A_2387 : memref<1x8192xi32, #tpu.memory_space<hbm>> -> memref<8192xi32, #tpu.memory_space<hbm>>
      %dma_wait3A_2389 = arith.constant 0 : i32
      %dma_wait3A_2390 = tpu.memref_slice %arg2[%select_n3A_951, %dma_wait3A_2389] : memref<26x16384xi32, #tpu.memory_space<hbm>> -> memref<1x8192xi32, #tpu.memory_space<hbm>>
      %dma_wait3A_2391 = tpu.memref_squeeze %dma_wait3A_2390 : memref<1x8192xi32, #tpu.memory_space<hbm>> -> memref<8192xi32, #tpu.memory_space<hbm>>
      tpu.wait_dma2 semaphore(%run_scoped3A : memref<!tpu.dma_semaphore, #tpu.memory_space<semaphore_mem>>) src(%dma_wait3A_2391 : memref<8192xi32, #tpu.memory_space<hbm>>) dst(%arg7 : memref<8192xi32, #tpu.memory_space<vmem>>)
      tpu.yield
    }) : () -> ()
    %parallel_loop3A_1049 = arith.constant 0 : i32
    %parallel_loop3A_1050 = arith.constant 8192 : i32
    %parallel_loop3A_1051 = arith.constant 16 : i32
    scf.for %parallel_loop3A_2380 = %parallel_loop3A_1049 to %parallel_loop3A_1050 step %parallel_loop3A_1051  : i32 {
      %parallel_loop3A_2381 = arith.index_cast %parallel_loop3A_2380 : i32 to index
      %parallel_loop3A_2382 = tpu.vector_load %arg7[%parallel_loop3A_2381] {strides = array<i32>} : memref<8192xi32, #tpu.memory_space<vmem>>, vector<16xi32>,
      %parallel_loop3A_2383 = tpu.vector_load_idx %arg6[%parallel_loop3A_2382] : memref<100000xf32, #tpu.memory_space<vmem>>[vector<16xi32>], vector<16xf32>,
      %parallel_loop3A_2384 = arith.constant 0 : i32
      %parallel_loop3A_2385 = arith.addi %parallel_loop3A_2384, %parallel_loop3A_2380 : i32
      %parallel_loop3A_2386 = arith.index_cast %parallel_loop3A_2385 : i32 to index
      %parallel_loop3A_2387 = tpu.vector_load %arg8[%parallel_loop3A_2386] {strides = array<i32>} : memref<16384xf32, #tpu.memory_space<vmem>>, vector<16xf32>,
      tpu.vector_store %arg8[%parallel_loop3A_2386], %parallel_loop3A_2383 {strides = array<i32>} : memref<16384xf32, #tpu.memory_space<vmem>>, vector<16xf32>,
    } {sc.loop_unroll_factor = 8 : i64, sc.parallel_access}
    %dma_start3A_1052 = arith.constant 0 : i32
    %dma_start3A_1053 = tpu.memref_slice %arg5[%add3A_927, %dma_start3A_1052] : memref<416x16384xf32, #tpu.memory_space<hbm>> -> memref<1x16384xf32, #tpu.memory_space<hbm>>
    %dma_start3A_1054 = tpu.memref_squeeze %dma_start3A_1053 : memref<1x16384xf32, #tpu.memory_space<hbm>> -> memref<16384xf32, #tpu.memory_space<hbm>>
    %dma_start3A_1055 = arith.constant 0 : i32
    %dma_start3A_1056 = tpu.memref_slice %arg5[%add3A_927, %dma_start3A_1055] : memref<416x16384xf32, #tpu.memory_space<hbm>> -> memref<1x16384xf32, #tpu.memory_space<hbm>>
    %dma_start3A_1057 = tpu.memref_squeeze %dma_start3A_1056 : memref<1x16384xf32, #tpu.memory_space<hbm>> -> memref<16384xf32, #tpu.memory_space<hbm>>
    tpu.enqueue_dma source(%arg8 : memref<16384xf32, #tpu.memory_space<vmem>>) target(%dma_start3A_1057 : memref<16384xf32, #tpu.memory_space<hbm>>) target_semaphore(%arg11 : memref<!tpu.dma_semaphore, #tpu.memory_space<semaphore_mem>>)
    %mul3A_1058 = arith.constant 13 : i32
    %mul3A_1059 = arith.muli %add3A, %mul3A_1058 : i32
    %add3A_1060 = arith.constant 6 : i32
    %add3A_1061 = arith.addi %mul3A_1059, %add3A_1060 : i32
    %jit3A_1062 = arith.constant 16 : i32
    %div3A_1063 = arith.divsi %add3A_1061, %jit3A_1062 : i32
    %sign3A_1064 = arith.constant 0 : i32
    %sign3A_1065 = arith.cmpi sgt, %add3A_1061, %sign3A_1064 : i32
    %sign3A_1066 = arith.extui %sign3A_1065 : i1 to i32
    %sign3A_1067 = arith.constant 0 : i32
    %sign3A_1068 = arith.cmpi slt, %add3A_1061, %sign3A_1067 : i32
    %sign3A_1069 = arith.extui %sign3A_1068 : i1 to i32
    %sign3A_1070 = arith.subi %sign3A_1066, %sign3A_1069 : i32
    %sign3A_1071 = arith.constant 0 : i32
    %sign3A_1072 = arith.cmpi sgt, %jit3A_1062, %sign3A_1071 : i32
    %sign3A_1073 = arith.extui %sign3A_1072 : i1 to i32
    %sign3A_1074 = arith.constant 0 : i32
    %sign3A_1075 = arith.cmpi slt, %jit3A_1062, %sign3A_1074 : i32
    %sign3A_1076 = arith.extui %sign3A_1075 : i1 to i32
    %sign3A_1077 = arith.subi %sign3A_1073, %sign3A_1076 : i32
    %ne3A_1078 = arith.cmpi ne, %sign3A_1070, %sign3A_1077 : i32
    %rem3A_1079 = arith.remsi %add3A_1061, %jit3A_1062 : i32
    %ne3A_1080 = arith.constant 0 : i32
    %ne3A_1081 = arith.cmpi ne, %rem3A_1079, %ne3A_1080 : i32
    %and3A_1082 = arith.andi %ne3A_1078, %ne3A_1081 : i1
    %sub3A_1083 = arith.constant 1 : i32
    %sub3A_1084 = arith.subi %div3A_1063, %sub3A_1083 : i32
    %select_n3A_1085 = arith.select %and3A_1082, %sub3A_1084, %div3A_1063 : i32
    %jit3A_1086 = arith.constant 16 : i32
    %eq3A_1087 = arith.constant 0 : i32
    %eq3A_1088 = arith.cmpi eq, %jit3A_1086, %eq3A_1087 : i32
    %jit3A_1089 = arith.constant 1 : i32
    %select_n3A_1090 = arith.select %eq3A_1088, %jit3A_1089, %jit3A_1086 : i32
    %rem3A_1091 = arith.remsi %add3A_1061, %select_n3A_1090 : i32
    %ne3A_1092 = arith.constant 0 : i32
    %ne3A_1093 = arith.cmpi ne, %rem3A_1091, %ne3A_1092 : i32
    %lt3A_1094 = arith.constant 0 : i32
    %lt3A_1095 = arith.cmpi slt, %rem3A_1091, %lt3A_1094 : i32
    %lt3A_1096 = arith.constant 0 : i32
    %lt3A_1097 = arith.cmpi slt, %select_n3A_1090, %lt3A_1096 : i32
    %ne3A_1098 = arith.xori %lt3A_1095, %lt3A_1097 : i1
    %and3A_1099 = arith.andi %ne3A_1098, %ne3A_1093 : i1
    %add3A_1100 = arith.addi %rem3A_1091, %select_n3A_1090 : i32
    %select_n3A_1101 = arith.select %and3A_1099, %add3A_1100, %rem3A_1091 : i32
    %dma_start3A_1102 = arith.constant 0 : i32
    %dma_start3A_1103 = tpu.memref_slice %arg6[%dma_start3A_1102] : memref<100000xf32, #tpu.memory_space<vmem>> -> memref<99968xf32, #tpu.memory_space<vmem>>
    %dma_start3A_1104 = arith.constant 0 : i32
    %dma_start3A_1105 = tpu.memref_slice %arg3[%select_n3A_1085, %select_n3A_1101, %dma_start3A_1104] : memref<26x16x100000xf32, #tpu.memory_space<hbm>> -> memref<1x1x99968xf32, #tpu.memory_space<hbm>>
    %dma_start3A_1106 = tpu.memref_squeeze %dma_start3A_1105 : memref<1x1x99968xf32, #tpu.memory_space<hbm>> -> memref<99968xf32, #tpu.memory_space<hbm>>
    %dma_start3A_1107 = arith.constant 0 : i32
    %dma_start3A_1108 = tpu.memref_slice %arg6[%dma_start3A_1107] : memref<100000xf32, #tpu.memory_space<vmem>> -> memref<99968xf32, #tpu.memory_space<vmem>>
    %dma_start3A_1109 = arith.constant 0 : i32
    %dma_start3A_1110 = tpu.memref_slice %arg3[%select_n3A_1085, %select_n3A_1101, %dma_start3A_1109] : memref<26x16x100000xf32, #tpu.memory_space<hbm>> -> memref<1x1x99968xf32, #tpu.memory_space<hbm>>
    %dma_start3A_1111 = tpu.memref_squeeze %dma_start3A_1110 : memref<1x1x99968xf32, #tpu.memory_space<hbm>> -> memref<99968xf32, #tpu.memory_space<hbm>>
    tpu.enqueue_dma source(%dma_start3A_1111 : memref<99968xf32, #tpu.memory_space<hbm>>) target(%dma_start3A_1108 : memref<99968xf32, #tpu.memory_space<vmem>>) target_semaphore(%arg10 : memref<!tpu.dma_semaphore, #tpu.memory_space<semaphore_mem>>)
    %mul3A_1112 = arith.constant 13 : i32
    %mul3A_1113 = arith.muli %add3A, %mul3A_1112 : i32
    %add3A_1114 = arith.constant 6 : i32
    %add3A_1115 = arith.addi %mul3A_1113, %add3A_1114 : i32
    %jit3A_1116 = arith.constant 16 : i32
    %div3A_1117 = arith.divsi %add3A_1115, %jit3A_1116 : i32
    %sign3A_1118 = arith.constant 0 : i32
    %sign3A_1119 = arith.cmpi sgt, %add3A_1115, %sign3A_1118 : i32
    %sign3A_1120 = arith.extui %sign3A_1119 : i1 to i32
    %sign3A_1121 = arith.constant 0 : i32
    %sign3A_1122 = arith.cmpi slt, %add3A_1115, %sign3A_1121 : i32
    %sign3A_1123 = arith.extui %sign3A_1122 : i1 to i32
    %sign3A_1124 = arith.subi %sign3A_1120, %sign3A_1123 : i32
    %sign3A_1125 = arith.constant 0 : i32
    %sign3A_1126 = arith.cmpi sgt, %jit3A_1116, %sign3A_1125 : i32
    %sign3A_1127 = arith.extui %sign3A_1126 : i1 to i32
    %sign3A_1128 = arith.constant 0 : i32
    %sign3A_1129 = arith.cmpi slt, %jit3A_1116, %sign3A_1128 : i32
    %sign3A_1130 = arith.extui %sign3A_1129 : i1 to i32
    %sign3A_1131 = arith.subi %sign3A_1127, %sign3A_1130 : i32
    %ne3A_1132 = arith.cmpi ne, %sign3A_1124, %sign3A_1131 : i32
    %rem3A_1133 = arith.remsi %add3A_1115, %jit3A_1116 : i32
    %ne3A_1134 = arith.constant 0 : i32
    %ne3A_1135 = arith.cmpi ne, %rem3A_1133, %ne3A_1134 : i32
    %and3A_1136 = arith.andi %ne3A_1132, %ne3A_1135 : i1
    %sub3A_1137 = arith.constant 1 : i32
    %sub3A_1138 = arith.subi %div3A_1117, %sub3A_1137 : i32
    %select_n3A_1139 = arith.select %and3A_1136, %sub3A_1138, %div3A_1117 : i32
    %jit3A_1140 = arith.constant 16 : i32
    %eq3A_1141 = arith.constant 0 : i32
    %eq3A_1142 = arith.cmpi eq, %jit3A_1140, %eq3A_1141 : i32
    %jit3A_1143 = arith.constant 1 : i32
    %select_n3A_1144 = arith.select %eq3A_1142, %jit3A_1143, %jit3A_1140 : i32
    %rem3A_1145 = arith.remsi %add3A_1115, %select_n3A_1144 : i32
    %ne3A_1146 = arith.constant 0 : i32
    %ne3A_1147 = arith.cmpi ne, %rem3A_1145, %ne3A_1146 : i32
    %lt3A_1148 = arith.constant 0 : i32
    %lt3A_1149 = arith.cmpi slt, %rem3A_1145, %lt3A_1148 : i32
    %lt3A_1150 = arith.constant 0 : i32
    %lt3A_1151 = arith.cmpi slt, %select_n3A_1144, %lt3A_1150 : i32
    %ne3A_1152 = arith.xori %lt3A_1149, %lt3A_1151 : i1
    %and3A_1153 = arith.andi %ne3A_1152, %ne3A_1147 : i1
    %add3A_1154 = arith.addi %rem3A_1145, %select_n3A_1144 : i32
    %select_n3A_1155 = arith.select %and3A_1153, %add3A_1154, %rem3A_1145 : i32
    %mul3A_1156 = arith.constant 13 : i32
    %mul3A_1157 = arith.muli %add3A, %mul3A_1156 : i32
    %add3A_1158 = arith.constant 5 : i32
    %add3A_1159 = arith.addi %mul3A_1157, %add3A_1158 : i32
    %jit3A_1160 = arith.constant 16 : i32
    %div3A_1161 = arith.divsi %add3A_1159, %jit3A_1160 : i32
    %sign3A_1162 = arith.constant 0 : i32
    %sign3A_1163 = arith.cmpi sgt, %add3A_1159, %sign3A_1162 : i32
    %sign3A_1164 = arith.extui %sign3A_1163 : i1 to i32
    %sign3A_1165 = arith.constant 0 : i32
    %sign3A_1166 = arith.cmpi slt, %add3A_1159, %sign3A_1165 : i32
    %sign3A_1167 = arith.extui %sign3A_1166 : i1 to i32
    %sign3A_1168 = arith.subi %sign3A_1164, %sign3A_1167 : i32
    %sign3A_1169 = arith.constant 0 : i32
    %sign3A_1170 = arith.cmpi sgt, %jit3A_1160, %sign3A_1169 : i32
    %sign3A_1171 = arith.extui %sign3A_1170 : i1 to i32
    %sign3A_1172 = arith.constant 0 : i32
    %sign3A_1173 = arith.cmpi slt, %jit3A_1160, %sign3A_1172 : i32
    %sign3A_1174 = arith.extui %sign3A_1173 : i1 to i32
    %sign3A_1175 = arith.subi %sign3A_1171, %sign3A_1174 : i32
    %ne3A_1176 = arith.cmpi ne, %sign3A_1168, %sign3A_1175 : i32
    %rem3A_1177 = arith.remsi %add3A_1159, %jit3A_1160 : i32
    %ne3A_1178 = arith.constant 0 : i32
    %ne3A_1179 = arith.cmpi ne, %rem3A_1177, %ne3A_1178 : i32
    %and3A_1180 = arith.andi %ne3A_1176, %ne3A_1179 : i1
    %sub3A_1181 = arith.constant 1 : i32
    %sub3A_1182 = arith.subi %div3A_1161, %sub3A_1181 : i32
    %select_n3A_1183 = arith.select %and3A_1180, %sub3A_1182, %div3A_1161 : i32
    %jit3A_1184 = arith.constant 16 : i32
    %eq3A_1185 = arith.constant 0 : i32
    %eq3A_1186 = arith.cmpi eq, %jit3A_1184, %eq3A_1185 : i32
    %jit3A_1187 = arith.constant 1 : i32
    %select_n3A_1188 = arith.select %eq3A_1186, %jit3A_1187, %jit3A_1184 : i32
    %rem3A_1189 = arith.remsi %add3A_1159, %select_n3A_1188 : i32
    %ne3A_1190 = arith.constant 0 : i32
    %ne3A_1191 = arith.cmpi ne, %rem3A_1189, %ne3A_1190 : i32
    %lt3A_1192 = arith.constant 0 : i32
    %lt3A_1193 = arith.cmpi slt, %rem3A_1189, %lt3A_1192 : i32
    %lt3A_1194 = arith.constant 0 : i32
    %lt3A_1195 = arith.cmpi slt, %select_n3A_1188, %lt3A_1194 : i32
    %ne3A_1196 = arith.xori %lt3A_1193, %lt3A_1195 : i1
    %and3A_1197 = arith.andi %ne3A_1196, %ne3A_1191 : i1
    %add3A_1198 = arith.addi %rem3A_1189, %select_n3A_1188 : i32
    %select_n3A_1199 = arith.select %and3A_1197, %add3A_1198, %rem3A_1189 : i32
    %ne3A_1200 = arith.cmpi ne, %select_n3A_1139, %select_n3A_1183 : i32
    %convert_element_type3A_1201 = arith.extui %ne3A_1200 : i1 to i32
    %cond3A_1202 = arith.constant 0 : i32
    %cond3A_1203 = arith.cmpi ne, %convert_element_type3A_1201, %cond3A_1202 : i32
    scf.if %cond3A_1203 {
      "tpu.region"() ({
        %run_scoped3A = tpu.sem_alloc : memref<!tpu.dma_semaphore, #tpu.memory_space<semaphore_mem>>
        %dma_start3A_2380 = arith.constant 0 : i32
        %dma_start3A_2381 = tpu.memref_slice %arg4[%select_n3A_1139, %dma_start3A_2380] : memref<26x512xf32, #tpu.memory_space<hbm>> -> memref<1x512xf32, #tpu.memory_space<hbm>>
        %dma_start3A_2382 = tpu.memref_squeeze %dma_start3A_2381 : memref<1x512xf32, #tpu.memory_space<hbm>> -> memref<512xf32, #tpu.memory_space<hbm>>
        %dma_start3A_2383 = arith.constant 0 : i32
        %dma_start3A_2384 = tpu.memref_slice %arg4[%select_n3A_1139, %dma_start3A_2383] : memref<26x512xf32, #tpu.memory_space<hbm>> -> memref<1x512xf32, #tpu.memory_space<hbm>>
        %dma_start3A_2385 = tpu.memref_squeeze %dma_start3A_2384 : memref<1x512xf32, #tpu.memory_space<hbm>> -> memref<512xf32, #tpu.memory_space<hbm>>
        tpu.enqueue_dma source(%dma_start3A_2385 : memref<512xf32, #tpu.memory_space<hbm>>) target(%arg9 : memref<512xf32, #tpu.memory_space<vmem>>) target_semaphore(%run_scoped3A : memref<!tpu.dma_semaphore, #tpu.memory_space<semaphore_mem>>)
        %dma_wait3A_2386 = arith.constant 0 : i32
        %dma_wait3A_2387 = tpu.memref_slice %arg4[%select_n3A_1139, %dma_wait3A_2386] : memref<26x512xf32, #tpu.memory_space<hbm>> -> memref<1x512xf32, #tpu.memory_space<hbm>>
        %dma_wait3A_2388 = tpu.memref_squeeze %dma_wait3A_2387 : memref<1x512xf32, #tpu.memory_space<hbm>> -> memref<512xf32, #tpu.memory_space<hbm>>
        %dma_wait3A_2389 = arith.constant 0 : i32
        %dma_wait3A_2390 = tpu.memref_slice %arg4[%select_n3A_1139, %dma_wait3A_2389] : memref<26x512xf32, #tpu.memory_space<hbm>> -> memref<1x512xf32, #tpu.memory_space<hbm>>
        %dma_wait3A_2391 = tpu.memref_squeeze %dma_wait3A_2390 : memref<1x512xf32, #tpu.memory_space<hbm>> -> memref<512xf32, #tpu.memory_space<hbm>>
        tpu.wait_dma2 semaphore(%run_scoped3A : memref<!tpu.dma_semaphore, #tpu.memory_space<semaphore_mem>>) src(%dma_wait3A_2391 : memref<512xf32, #tpu.memory_space<hbm>>) dst(%arg9 : memref<512xf32, #tpu.memory_space<vmem>>)
        tpu.yield
      }) : () -> ()
      "tpu.region"() ({
        %run_scoped3A = tpu.sem_alloc : memref<!tpu.dma_semaphore, #tpu.memory_space<semaphore_mem>>
        %dma_start3A_2380 = arith.constant 0 : i32
        %dma_start3A_2381 = tpu.memref_slice %arg2[%select_n3A_1139, %dma_start3A_2380] : memref<26x16384xi32, #tpu.memory_space<hbm>> -> memref<1x8192xi32, #tpu.memory_space<hbm>>
        %dma_start3A_2382 = tpu.memref_squeeze %dma_start3A_2381 : memref<1x8192xi32, #tpu.memory_space<hbm>> -> memref<8192xi32, #tpu.memory_space<hbm>>
        %dma_start3A_2383 = arith.constant 0 : i32
        %dma_start3A_2384 = tpu.memref_slice %arg2[%select_n3A_1139, %dma_start3A_2383] : memref<26x16384xi32, #tpu.memory_space<hbm>> -> memref<1x8192xi32, #tpu.memory_space<hbm>>
        %dma_start3A_2385 = tpu.memref_squeeze %dma_start3A_2384 : memref<1x8192xi32, #tpu.memory_space<hbm>> -> memref<8192xi32, #tpu.memory_space<hbm>>
        tpu.enqueue_dma source(%dma_start3A_2385 : memref<8192xi32, #tpu.memory_space<hbm>>) target(%arg7 : memref<8192xi32, #tpu.memory_space<vmem>>) target_semaphore(%run_scoped3A : memref<!tpu.dma_semaphore, #tpu.memory_space<semaphore_mem>>)
        %dma_wait3A_2386 = arith.constant 0 : i32
        %dma_wait3A_2387 = tpu.memref_slice %arg2[%select_n3A_1139, %dma_wait3A_2386] : memref<26x16384xi32, #tpu.memory_space<hbm>> -> memref<1x8192xi32, #tpu.memory_space<hbm>>
        %dma_wait3A_2388 = tpu.memref_squeeze %dma_wait3A_2387 : memref<1x8192xi32, #tpu.memory_space<hbm>> -> memref<8192xi32, #tpu.memory_space<hbm>>
        %dma_wait3A_2389 = arith.constant 0 : i32
        %dma_wait3A_2390 = tpu.memref_slice %arg2[%select_n3A_1139, %dma_wait3A_2389] : memref<26x16384xi32, #tpu.memory_space<hbm>> -> memref<1x8192xi32, #tpu.memory_space<hbm>>
        %dma_wait3A_2391 = tpu.memref_squeeze %dma_wait3A_2390 : memref<1x8192xi32, #tpu.memory_space<hbm>> -> memref<8192xi32, #tpu.memory_space<hbm>>
        tpu.wait_dma2 semaphore(%run_scoped3A : memref<!tpu.dma_semaphore, #tpu.memory_space<semaphore_mem>>) src(%dma_wait3A_2391 : memref<8192xi32, #tpu.memory_space<hbm>>) dst(%arg7 : memref<8192xi32, #tpu.memory_space<vmem>>)
        tpu.yield
      }) : () -> ()
    } else {
    }
    %mul3A_1204 = arith.constant 32 : i32
    %mul3A_1205 = arith.muli %select_n3A_1155, %mul3A_1204 : i32
    %get3A_1206 = arith.index_cast %mul3A_1205 : i32 to index
    %get3A_1207 = tpu.vector_load %arg9[%get3A_1206] {strides = array<i32>} : memref<512xf32, #tpu.memory_space<vmem>>, vector<16xf32>,
    %swap3A_1208 = arith.constant 99968 : index
    %swap3A_1209 = tpu.vector_load %arg6[%swap3A_1208] {strides = array<i32>} : memref<100000xf32, #tpu.memory_space<vmem>>, vector<16xf32>,
    tpu.vector_store %arg6[%swap3A_1208], %get3A_1207 {strides = array<i32>} : memref<100000xf32, #tpu.memory_space<vmem>>, vector<16xf32>,
    %mul3A_1210 = arith.constant 32 : i32
    %mul3A_1211 = arith.muli %select_n3A_1155, %mul3A_1210 : i32
    %add3A_1212 = arith.constant 16 : i32
    %add3A_1213 = arith.addi %mul3A_1211, %add3A_1212 : i32
    %get3A_1214 = arith.index_cast %add3A_1213 : i32 to index
    %get3A_1215 = tpu.vector_load %arg9[%get3A_1214] {strides = array<i32>} : memref<512xf32, #tpu.memory_space<vmem>>, vector<16xf32>,
    %swap3A_1216 = arith.constant 99984 : index
    %swap3A_1217 = tpu.vector_load %arg6[%swap3A_1216] {strides = array<i32>} : memref<100000xf32, #tpu.memory_space<vmem>>, vector<16xf32>,
    tpu.vector_store %arg6[%swap3A_1216], %get3A_1215 {strides = array<i32>} : memref<100000xf32, #tpu.memory_space<vmem>>, vector<16xf32>,
    %dma_wait3A_1218 = arith.constant 0 : i32
    %dma_wait3A_1219 = tpu.memref_slice %arg6[%dma_wait3A_1218] : memref<100000xf32, #tpu.memory_space<vmem>> -> memref<99968xf32, #tpu.memory_space<vmem>>
    %dma_wait3A_1220 = arith.constant 0 : i32
    %dma_wait3A_1221 = tpu.memref_slice %arg3[%select_n3A_1085, %select_n3A_1101, %dma_wait3A_1220] : memref<26x16x100000xf32, #tpu.memory_space<hbm>> -> memref<1x1x99968xf32, #tpu.memory_space<hbm>>
    %dma_wait3A_1222 = tpu.memref_squeeze %dma_wait3A_1221 : memref<1x1x99968xf32, #tpu.memory_space<hbm>> -> memref<99968xf32, #tpu.memory_space<hbm>>
    %dma_wait3A_1223 = arith.constant 0 : i32
    %dma_wait3A_1224 = tpu.memref_slice %arg6[%dma_wait3A_1223] : memref<100000xf32, #tpu.memory_space<vmem>> -> memref<99968xf32, #tpu.memory_space<vmem>>
    %dma_wait3A_1225 = arith.constant 0 : i32
    %dma_wait3A_1226 = tpu.memref_slice %arg3[%select_n3A_1085, %select_n3A_1101, %dma_wait3A_1225] : memref<26x16x100000xf32, #tpu.memory_space<hbm>> -> memref<1x1x99968xf32, #tpu.memory_space<hbm>>
    %dma_wait3A_1227 = tpu.memref_squeeze %dma_wait3A_1226 : memref<1x1x99968xf32, #tpu.memory_space<hbm>> -> memref<99968xf32, #tpu.memory_space<hbm>>
    tpu.wait_dma2 semaphore(%arg10 : memref<!tpu.dma_semaphore, #tpu.memory_space<semaphore_mem>>) src(%dma_wait3A_1227 : memref<99968xf32, #tpu.memory_space<hbm>>) dst(%dma_wait3A_1224 : memref<99968xf32, #tpu.memory_space<vmem>>)
    %dma_wait3A_1228 = arith.constant 0 : i32
    %dma_wait3A_1229 = tpu.memref_slice %arg5[%add3A_927, %dma_wait3A_1228] : memref<416x16384xf32, #tpu.memory_space<hbm>> -> memref<1x16384xf32, #tpu.memory_space<hbm>>
    %dma_wait3A_1230 = tpu.memref_squeeze %dma_wait3A_1229 : memref<1x16384xf32, #tpu.memory_space<hbm>> -> memref<16384xf32, #tpu.memory_space<hbm>>
    %dma_wait3A_1231 = arith.constant 0 : i32
    %dma_wait3A_1232 = tpu.memref_slice %arg5[%add3A_927, %dma_wait3A_1231] : memref<416x16384xf32, #tpu.memory_space<hbm>> -> memref<1x16384xf32, #tpu.memory_space<hbm>>
    %dma_wait3A_1233 = tpu.memref_squeeze %dma_wait3A_1232 : memref<1x16384xf32, #tpu.memory_space<hbm>> -> memref<16384xf32, #tpu.memory_space<hbm>>
    tpu.wait_dma2 semaphore(%arg11 : memref<!tpu.dma_semaphore, #tpu.memory_space<semaphore_mem>>) src(%arg8 : memref<16384xf32, #tpu.memory_space<vmem>>) dst(%dma_wait3A_1233 : memref<16384xf32, #tpu.memory_space<hbm>>)
    %parallel_loop3A_1234 = arith.constant 0 : i32
    %parallel_loop3A_1235 = arith.constant 8192 : i32
    %parallel_loop3A_1236 = arith.constant 16 : i32
    scf.for %parallel_loop3A_2380 = %parallel_loop3A_1234 to %parallel_loop3A_1235 step %parallel_loop3A_1236  : i32 {
      %parallel_loop3A_2381 = arith.index_cast %parallel_loop3A_2380 : i32 to index
      %parallel_loop3A_2382 = tpu.vector_load %arg7[%parallel_loop3A_2381] {strides = array<i32>} : memref<8192xi32, #tpu.memory_space<vmem>>, vector<16xi32>,
      %parallel_loop3A_2383 = tpu.vector_load_idx %arg6[%parallel_loop3A_2382] : memref<100000xf32, #tpu.memory_space<vmem>>[vector<16xi32>], vector<16xf32>,
      %parallel_loop3A_2384 = arith.constant 0 : i32
      %parallel_loop3A_2385 = arith.addi %parallel_loop3A_2384, %parallel_loop3A_2380 : i32
      %parallel_loop3A_2386 = arith.index_cast %parallel_loop3A_2385 : i32 to index
      %parallel_loop3A_2387 = tpu.vector_load %arg8[%parallel_loop3A_2386] {strides = array<i32>} : memref<16384xf32, #tpu.memory_space<vmem>>, vector<16xf32>,
      tpu.vector_store %arg8[%parallel_loop3A_2386], %parallel_loop3A_2383 {strides = array<i32>} : memref<16384xf32, #tpu.memory_space<vmem>>, vector<16xf32>,
    } {sc.loop_unroll_factor = 8 : i64, sc.parallel_access}
    "tpu.region"() ({
      %run_scoped3A = tpu.sem_alloc : memref<!tpu.dma_semaphore, #tpu.memory_space<semaphore_mem>>
      %dma_start3A_2380 = arith.constant 8192 : i32
      %dma_start3A_2381 = tpu.memref_slice %arg2[%select_n3A_1139, %dma_start3A_2380] : memref<26x16384xi32, #tpu.memory_space<hbm>> -> memref<1x8192xi32, #tpu.memory_space<hbm>>
      %dma_start3A_2382 = tpu.memref_squeeze %dma_start3A_2381 : memref<1x8192xi32, #tpu.memory_space<hbm>> -> memref<8192xi32, #tpu.memory_space<hbm>>
      %dma_start3A_2383 = arith.constant 8192 : i32
      %dma_start3A_2384 = tpu.memref_slice %arg2[%select_n3A_1139, %dma_start3A_2383] : memref<26x16384xi32, #tpu.memory_space<hbm>> -> memref<1x8192xi32, #tpu.memory_space<hbm>>
      %dma_start3A_2385 = tpu.memref_squeeze %dma_start3A_2384 : memref<1x8192xi32, #tpu.memory_space<hbm>> -> memref<8192xi32, #tpu.memory_space<hbm>>
      tpu.enqueue_dma source(%dma_start3A_2385 : memref<8192xi32, #tpu.memory_space<hbm>>) target(%arg7 : memref<8192xi32, #tpu.memory_space<vmem>>) target_semaphore(%run_scoped3A : memref<!tpu.dma_semaphore, #tpu.memory_space<semaphore_mem>>)
      %dma_wait3A_2386 = arith.constant 8192 : i32
      %dma_wait3A_2387 = tpu.memref_slice %arg2[%select_n3A_1139, %dma_wait3A_2386] : memref<26x16384xi32, #tpu.memory_space<hbm>> -> memref<1x8192xi32, #tpu.memory_space<hbm>>
      %dma_wait3A_2388 = tpu.memref_squeeze %dma_wait3A_2387 : memref<1x8192xi32, #tpu.memory_space<hbm>> -> memref<8192xi32, #tpu.memory_space<hbm>>
      %dma_wait3A_2389 = arith.constant 8192 : i32
      %dma_wait3A_2390 = tpu.memref_slice %arg2[%select_n3A_1139, %dma_wait3A_2389] : memref<26x16384xi32, #tpu.memory_space<hbm>> -> memref<1x8192xi32, #tpu.memory_space<hbm>>
      %dma_wait3A_2391 = tpu.memref_squeeze %dma_wait3A_2390 : memref<1x8192xi32, #tpu.memory_space<hbm>> -> memref<8192xi32, #tpu.memory_space<hbm>>
      tpu.wait_dma2 semaphore(%run_scoped3A : memref<!tpu.dma_semaphore, #tpu.memory_space<semaphore_mem>>) src(%dma_wait3A_2391 : memref<8192xi32, #tpu.memory_space<hbm>>) dst(%arg7 : memref<8192xi32, #tpu.memory_space<vmem>>)
      tpu.yield
    }) : () -> ()
    %parallel_loop3A_1237 = arith.constant 0 : i32
    %parallel_loop3A_1238 = arith.constant 8192 : i32
    %parallel_loop3A_1239 = arith.constant 16 : i32
    scf.for %parallel_loop3A_2380 = %parallel_loop3A_1237 to %parallel_loop3A_1238 step %parallel_loop3A_1239  : i32 {
      %parallel_loop3A_2381 = arith.index_cast %parallel_loop3A_2380 : i32 to index
      %parallel_loop3A_2382 = tpu.vector_load %arg7[%parallel_loop3A_2381] {strides = array<i32>} : memref<8192xi32, #tpu.memory_space<vmem>>, vector<16xi32>,
      %parallel_loop3A_2383 = tpu.vector_load_idx %arg6[%parallel_loop3A_2382] : memref<100000xf32, #tpu.memory_space<vmem>>[vector<16xi32>], vector<16xf32>,
      %parallel_loop3A_2384 = arith.constant 8192 : i32
      %parallel_loop3A_2385 = arith.addi %parallel_loop3A_2384, %parallel_loop3A_2380 : i32
      %parallel_loop3A_2386 = arith.index_cast %parallel_loop3A_2385 : i32 to index
      %parallel_loop3A_2387 = tpu.vector_load %arg8[%parallel_loop3A_2386] {strides = array<i32>} : memref<16384xf32, #tpu.memory_space<vmem>>, vector<16xf32>,
      tpu.vector_store %arg8[%parallel_loop3A_2386], %parallel_loop3A_2383 {strides = array<i32>} : memref<16384xf32, #tpu.memory_space<vmem>>, vector<16xf32>,
    } {sc.loop_unroll_factor = 8 : i64, sc.parallel_access}
    %dma_start3A_1240 = arith.constant 0 : i32
    %dma_start3A_1241 = tpu.memref_slice %arg5[%add3A_1115, %dma_start3A_1240] : memref<416x16384xf32, #tpu.memory_space<hbm>> -> memref<1x16384xf32, #tpu.memory_space<hbm>>
    %dma_start3A_1242 = tpu.memref_squeeze %dma_start3A_1241 : memref<1x16384xf32, #tpu.memory_space<hbm>> -> memref<16384xf32, #tpu.memory_space<hbm>>
    %dma_start3A_1243 = arith.constant 0 : i32
    %dma_start3A_1244 = tpu.memref_slice %arg5[%add3A_1115, %dma_start3A_1243] : memref<416x16384xf32, #tpu.memory_space<hbm>> -> memref<1x16384xf32, #tpu.memory_space<hbm>>
    %dma_start3A_1245 = tpu.memref_squeeze %dma_start3A_1244 : memref<1x16384xf32, #tpu.memory_space<hbm>> -> memref<16384xf32, #tpu.memory_space<hbm>>
    tpu.enqueue_dma source(%arg8 : memref<16384xf32, #tpu.memory_space<vmem>>) target(%dma_start3A_1245 : memref<16384xf32, #tpu.memory_space<hbm>>) target_semaphore(%arg11 : memref<!tpu.dma_semaphore, #tpu.memory_space<semaphore_mem>>)
    %mul3A_1246 = arith.constant 13 : i32
    %mul3A_1247 = arith.muli %add3A, %mul3A_1246 : i32
    %add3A_1248 = arith.constant 7 : i32
    %add3A_1249 = arith.addi %mul3A_1247, %add3A_1248 : i32
    %jit3A_1250 = arith.constant 16 : i32
    %div3A_1251 = arith.divsi %add3A_1249, %jit3A_1250 : i32
    %sign3A_1252 = arith.constant 0 : i32
    %sign3A_1253 = arith.cmpi sgt, %add3A_1249, %sign3A_1252 : i32
    %sign3A_1254 = arith.extui %sign3A_1253 : i1 to i32
    %sign3A_1255 = arith.constant 0 : i32
    %sign3A_1256 = arith.cmpi slt, %add3A_1249, %sign3A_1255 : i32
    %sign3A_1257 = arith.extui %sign3A_1256 : i1 to i32
    %sign3A_1258 = arith.subi %sign3A_1254, %sign3A_1257 : i32
    %sign3A_1259 = arith.constant 0 : i32
    %sign3A_1260 = arith.cmpi sgt, %jit3A_1250, %sign3A_1259 : i32
    %sign3A_1261 = arith.extui %sign3A_1260 : i1 to i32
    %sign3A_1262 = arith.constant 0 : i32
    %sign3A_1263 = arith.cmpi slt, %jit3A_1250, %sign3A_1262 : i32
    %sign3A_1264 = arith.extui %sign3A_1263 : i1 to i32
    %sign3A_1265 = arith.subi %sign3A_1261, %sign3A_1264 : i32
    %ne3A_1266 = arith.cmpi ne, %sign3A_1258, %sign3A_1265 : i32
    %rem3A_1267 = arith.remsi %add3A_1249, %jit3A_1250 : i32
    %ne3A_1268 = arith.constant 0 : i32
    %ne3A_1269 = arith.cmpi ne, %rem3A_1267, %ne3A_1268 : i32
    %and3A_1270 = arith.andi %ne3A_1266, %ne3A_1269 : i1
    %sub3A_1271 = arith.constant 1 : i32
    %sub3A_1272 = arith.subi %div3A_1251, %sub3A_1271 : i32
    %select_n3A_1273 = arith.select %and3A_1270, %sub3A_1272, %div3A_1251 : i32
    %jit3A_1274 = arith.constant 16 : i32
    %eq3A_1275 = arith.constant 0 : i32
    %eq3A_1276 = arith.cmpi eq, %jit3A_1274, %eq3A_1275 : i32
    %jit3A_1277 = arith.constant 1 : i32
    %select_n3A_1278 = arith.select %eq3A_1276, %jit3A_1277, %jit3A_1274 : i32
    %rem3A_1279 = arith.remsi %add3A_1249, %select_n3A_1278 : i32
    %ne3A_1280 = arith.constant 0 : i32
    %ne3A_1281 = arith.cmpi ne, %rem3A_1279, %ne3A_1280 : i32
    %lt3A_1282 = arith.constant 0 : i32
    %lt3A_1283 = arith.cmpi slt, %rem3A_1279, %lt3A_1282 : i32
    %lt3A_1284 = arith.constant 0 : i32
    %lt3A_1285 = arith.cmpi slt, %select_n3A_1278, %lt3A_1284 : i32
    %ne3A_1286 = arith.xori %lt3A_1283, %lt3A_1285 : i1
    %and3A_1287 = arith.andi %ne3A_1286, %ne3A_1281 : i1
    %add3A_1288 = arith.addi %rem3A_1279, %select_n3A_1278 : i32
    %select_n3A_1289 = arith.select %and3A_1287, %add3A_1288, %rem3A_1279 : i32
    %dma_start3A_1290 = arith.constant 0 : i32
    %dma_start3A_1291 = tpu.memref_slice %arg6[%dma_start3A_1290] : memref<100000xf32, #tpu.memory_space<vmem>> -> memref<99968xf32, #tpu.memory_space<vmem>>
    %dma_start3A_1292 = arith.constant 0 : i32
    %dma_start3A_1293 = tpu.memref_slice %arg3[%select_n3A_1273, %select_n3A_1289, %dma_start3A_1292] : memref<26x16x100000xf32, #tpu.memory_space<hbm>> -> memref<1x1x99968xf32, #tpu.memory_space<hbm>>
    %dma_start3A_1294 = tpu.memref_squeeze %dma_start3A_1293 : memref<1x1x99968xf32, #tpu.memory_space<hbm>> -> memref<99968xf32, #tpu.memory_space<hbm>>
    %dma_start3A_1295 = arith.constant 0 : i32
    %dma_start3A_1296 = tpu.memref_slice %arg6[%dma_start3A_1295] : memref<100000xf32, #tpu.memory_space<vmem>> -> memref<99968xf32, #tpu.memory_space<vmem>>
    %dma_start3A_1297 = arith.constant 0 : i32
    %dma_start3A_1298 = tpu.memref_slice %arg3[%select_n3A_1273, %select_n3A_1289, %dma_start3A_1297] : memref<26x16x100000xf32, #tpu.memory_space<hbm>> -> memref<1x1x99968xf32, #tpu.memory_space<hbm>>
    %dma_start3A_1299 = tpu.memref_squeeze %dma_start3A_1298 : memref<1x1x99968xf32, #tpu.memory_space<hbm>> -> memref<99968xf32, #tpu.memory_space<hbm>>
    tpu.enqueue_dma source(%dma_start3A_1299 : memref<99968xf32, #tpu.memory_space<hbm>>) target(%dma_start3A_1296 : memref<99968xf32, #tpu.memory_space<vmem>>) target_semaphore(%arg10 : memref<!tpu.dma_semaphore, #tpu.memory_space<semaphore_mem>>)
    %mul3A_1300 = arith.constant 13 : i32
    %mul3A_1301 = arith.muli %add3A, %mul3A_1300 : i32
    %add3A_1302 = arith.constant 7 : i32
    %add3A_1303 = arith.addi %mul3A_1301, %add3A_1302 : i32
    %jit3A_1304 = arith.constant 16 : i32
    %div3A_1305 = arith.divsi %add3A_1303, %jit3A_1304 : i32
    %sign3A_1306 = arith.constant 0 : i32
    %sign3A_1307 = arith.cmpi sgt, %add3A_1303, %sign3A_1306 : i32
    %sign3A_1308 = arith.extui %sign3A_1307 : i1 to i32
    %sign3A_1309 = arith.constant 0 : i32
    %sign3A_1310 = arith.cmpi slt, %add3A_1303, %sign3A_1309 : i32
    %sign3A_1311 = arith.extui %sign3A_1310 : i1 to i32
    %sign3A_1312 = arith.subi %sign3A_1308, %sign3A_1311 : i32
    %sign3A_1313 = arith.constant 0 : i32
    %sign3A_1314 = arith.cmpi sgt, %jit3A_1304, %sign3A_1313 : i32
    %sign3A_1315 = arith.extui %sign3A_1314 : i1 to i32
    %sign3A_1316 = arith.constant 0 : i32
    %sign3A_1317 = arith.cmpi slt, %jit3A_1304, %sign3A_1316 : i32
    %sign3A_1318 = arith.extui %sign3A_1317 : i1 to i32
    %sign3A_1319 = arith.subi %sign3A_1315, %sign3A_1318 : i32
    %ne3A_1320 = arith.cmpi ne, %sign3A_1312, %sign3A_1319 : i32
    %rem3A_1321 = arith.remsi %add3A_1303, %jit3A_1304 : i32
    %ne3A_1322 = arith.constant 0 : i32
    %ne3A_1323 = arith.cmpi ne, %rem3A_1321, %ne3A_1322 : i32
    %and3A_1324 = arith.andi %ne3A_1320, %ne3A_1323 : i1
    %sub3A_1325 = arith.constant 1 : i32
    %sub3A_1326 = arith.subi %div3A_1305, %sub3A_1325 : i32
    %select_n3A_1327 = arith.select %and3A_1324, %sub3A_1326, %div3A_1305 : i32
    %jit3A_1328 = arith.constant 16 : i32
    %eq3A_1329 = arith.constant 0 : i32
    %eq3A_1330 = arith.cmpi eq, %jit3A_1328, %eq3A_1329 : i32
    %jit3A_1331 = arith.constant 1 : i32
    %select_n3A_1332 = arith.select %eq3A_1330, %jit3A_1331, %jit3A_1328 : i32
    %rem3A_1333 = arith.remsi %add3A_1303, %select_n3A_1332 : i32
    %ne3A_1334 = arith.constant 0 : i32
    %ne3A_1335 = arith.cmpi ne, %rem3A_1333, %ne3A_1334 : i32
    %lt3A_1336 = arith.constant 0 : i32
    %lt3A_1337 = arith.cmpi slt, %rem3A_1333, %lt3A_1336 : i32
    %lt3A_1338 = arith.constant 0 : i32
    %lt3A_1339 = arith.cmpi slt, %select_n3A_1332, %lt3A_1338 : i32
    %ne3A_1340 = arith.xori %lt3A_1337, %lt3A_1339 : i1
    %and3A_1341 = arith.andi %ne3A_1340, %ne3A_1335 : i1
    %add3A_1342 = arith.addi %rem3A_1333, %select_n3A_1332 : i32
    %select_n3A_1343 = arith.select %and3A_1341, %add3A_1342, %rem3A_1333 : i32
    %mul3A_1344 = arith.constant 13 : i32
    %mul3A_1345 = arith.muli %add3A, %mul3A_1344 : i32
    %add3A_1346 = arith.constant 6 : i32
    %add3A_1347 = arith.addi %mul3A_1345, %add3A_1346 : i32
    %jit3A_1348 = arith.constant 16 : i32
    %div3A_1349 = arith.divsi %add3A_1347, %jit3A_1348 : i32
    %sign3A_1350 = arith.constant 0 : i32
    %sign3A_1351 = arith.cmpi sgt, %add3A_1347, %sign3A_1350 : i32
    %sign3A_1352 = arith.extui %sign3A_1351 : i1 to i32
    %sign3A_1353 = arith.constant 0 : i32
    %sign3A_1354 = arith.cmpi slt, %add3A_1347, %sign3A_1353 : i32
    %sign3A_1355 = arith.extui %sign3A_1354 : i1 to i32
    %sign3A_1356 = arith.subi %sign3A_1352, %sign3A_1355 : i32
    %sign3A_1357 = arith.constant 0 : i32
    %sign3A_1358 = arith.cmpi sgt, %jit3A_1348, %sign3A_1357 : i32
    %sign3A_1359 = arith.extui %sign3A_1358 : i1 to i32
    %sign3A_1360 = arith.constant 0 : i32
    %sign3A_1361 = arith.cmpi slt, %jit3A_1348, %sign3A_1360 : i32
    %sign3A_1362 = arith.extui %sign3A_1361 : i1 to i32
    %sign3A_1363 = arith.subi %sign3A_1359, %sign3A_1362 : i32
    %ne3A_1364 = arith.cmpi ne, %sign3A_1356, %sign3A_1363 : i32
    %rem3A_1365 = arith.remsi %add3A_1347, %jit3A_1348 : i32
    %ne3A_1366 = arith.constant 0 : i32
    %ne3A_1367 = arith.cmpi ne, %rem3A_1365, %ne3A_1366 : i32
    %and3A_1368 = arith.andi %ne3A_1364, %ne3A_1367 : i1
    %sub3A_1369 = arith.constant 1 : i32
    %sub3A_1370 = arith.subi %div3A_1349, %sub3A_1369 : i32
    %select_n3A_1371 = arith.select %and3A_1368, %sub3A_1370, %div3A_1349 : i32
    %jit3A_1372 = arith.constant 16 : i32
    %eq3A_1373 = arith.constant 0 : i32
    %eq3A_1374 = arith.cmpi eq, %jit3A_1372, %eq3A_1373 : i32
    %jit3A_1375 = arith.constant 1 : i32
    %select_n3A_1376 = arith.select %eq3A_1374, %jit3A_1375, %jit3A_1372 : i32
    %rem3A_1377 = arith.remsi %add3A_1347, %select_n3A_1376 : i32
    %ne3A_1378 = arith.constant 0 : i32
    %ne3A_1379 = arith.cmpi ne, %rem3A_1377, %ne3A_1378 : i32
    %lt3A_1380 = arith.constant 0 : i32
    %lt3A_1381 = arith.cmpi slt, %rem3A_1377, %lt3A_1380 : i32
    %lt3A_1382 = arith.constant 0 : i32
    %lt3A_1383 = arith.cmpi slt, %select_n3A_1376, %lt3A_1382 : i32
    %ne3A_1384 = arith.xori %lt3A_1381, %lt3A_1383 : i1
    %and3A_1385 = arith.andi %ne3A_1384, %ne3A_1379 : i1
    %add3A_1386 = arith.addi %rem3A_1377, %select_n3A_1376 : i32
    %select_n3A_1387 = arith.select %and3A_1385, %add3A_1386, %rem3A_1377 : i32
    %ne3A_1388 = arith.cmpi ne, %select_n3A_1327, %select_n3A_1371 : i32
    %convert_element_type3A_1389 = arith.extui %ne3A_1388 : i1 to i32
    %cond3A_1390 = arith.constant 0 : i32
    %cond3A_1391 = arith.cmpi ne, %convert_element_type3A_1389, %cond3A_1390 : i32
    scf.if %cond3A_1391 {
      "tpu.region"() ({
        %run_scoped3A = tpu.sem_alloc : memref<!tpu.dma_semaphore, #tpu.memory_space<semaphore_mem>>
        %dma_start3A_2380 = arith.constant 0 : i32
        %dma_start3A_2381 = tpu.memref_slice %arg4[%select_n3A_1327, %dma_start3A_2380] : memref<26x512xf32, #tpu.memory_space<hbm>> -> memref<1x512xf32, #tpu.memory_space<hbm>>
        %dma_start3A_2382 = tpu.memref_squeeze %dma_start3A_2381 : memref<1x512xf32, #tpu.memory_space<hbm>> -> memref<512xf32, #tpu.memory_space<hbm>>
        %dma_start3A_2383 = arith.constant 0 : i32
        %dma_start3A_2384 = tpu.memref_slice %arg4[%select_n3A_1327, %dma_start3A_2383] : memref<26x512xf32, #tpu.memory_space<hbm>> -> memref<1x512xf32, #tpu.memory_space<hbm>>
        %dma_start3A_2385 = tpu.memref_squeeze %dma_start3A_2384 : memref<1x512xf32, #tpu.memory_space<hbm>> -> memref<512xf32, #tpu.memory_space<hbm>>
        tpu.enqueue_dma source(%dma_start3A_2385 : memref<512xf32, #tpu.memory_space<hbm>>) target(%arg9 : memref<512xf32, #tpu.memory_space<vmem>>) target_semaphore(%run_scoped3A : memref<!tpu.dma_semaphore, #tpu.memory_space<semaphore_mem>>)
        %dma_wait3A_2386 = arith.constant 0 : i32
        %dma_wait3A_2387 = tpu.memref_slice %arg4[%select_n3A_1327, %dma_wait3A_2386] : memref<26x512xf32, #tpu.memory_space<hbm>> -> memref<1x512xf32, #tpu.memory_space<hbm>>
        %dma_wait3A_2388 = tpu.memref_squeeze %dma_wait3A_2387 : memref<1x512xf32, #tpu.memory_space<hbm>> -> memref<512xf32, #tpu.memory_space<hbm>>
        %dma_wait3A_2389 = arith.constant 0 : i32
        %dma_wait3A_2390 = tpu.memref_slice %arg4[%select_n3A_1327, %dma_wait3A_2389] : memref<26x512xf32, #tpu.memory_space<hbm>> -> memref<1x512xf32, #tpu.memory_space<hbm>>
        %dma_wait3A_2391 = tpu.memref_squeeze %dma_wait3A_2390 : memref<1x512xf32, #tpu.memory_space<hbm>> -> memref<512xf32, #tpu.memory_space<hbm>>
        tpu.wait_dma2 semaphore(%run_scoped3A : memref<!tpu.dma_semaphore, #tpu.memory_space<semaphore_mem>>) src(%dma_wait3A_2391 : memref<512xf32, #tpu.memory_space<hbm>>) dst(%arg9 : memref<512xf32, #tpu.memory_space<vmem>>)
        tpu.yield
      }) : () -> ()
      "tpu.region"() ({
        %run_scoped3A = tpu.sem_alloc : memref<!tpu.dma_semaphore, #tpu.memory_space<semaphore_mem>>
        %dma_start3A_2380 = arith.constant 8192 : i32
        %dma_start3A_2381 = tpu.memref_slice %arg2[%select_n3A_1327, %dma_start3A_2380] : memref<26x16384xi32, #tpu.memory_space<hbm>> -> memref<1x8192xi32, #tpu.memory_space<hbm>>
        %dma_start3A_2382 = tpu.memref_squeeze %dma_start3A_2381 : memref<1x8192xi32, #tpu.memory_space<hbm>> -> memref<8192xi32, #tpu.memory_space<hbm>>
        %dma_start3A_2383 = arith.constant 8192 : i32
        %dma_start3A_2384 = tpu.memref_slice %arg2[%select_n3A_1327, %dma_start3A_2383] : memref<26x16384xi32, #tpu.memory_space<hbm>> -> memref<1x8192xi32, #tpu.memory_space<hbm>>
        %dma_start3A_2385 = tpu.memref_squeeze %dma_start3A_2384 : memref<1x8192xi32, #tpu.memory_space<hbm>> -> memref<8192xi32, #tpu.memory_space<hbm>>
        tpu.enqueue_dma source(%dma_start3A_2385 : memref<8192xi32, #tpu.memory_space<hbm>>) target(%arg7 : memref<8192xi32, #tpu.memory_space<vmem>>) target_semaphore(%run_scoped3A : memref<!tpu.dma_semaphore, #tpu.memory_space<semaphore_mem>>)
        %dma_wait3A_2386 = arith.constant 8192 : i32
        %dma_wait3A_2387 = tpu.memref_slice %arg2[%select_n3A_1327, %dma_wait3A_2386] : memref<26x16384xi32, #tpu.memory_space<hbm>> -> memref<1x8192xi32, #tpu.memory_space<hbm>>
        %dma_wait3A_2388 = tpu.memref_squeeze %dma_wait3A_2387 : memref<1x8192xi32, #tpu.memory_space<hbm>> -> memref<8192xi32, #tpu.memory_space<hbm>>
        %dma_wait3A_2389 = arith.constant 8192 : i32
        %dma_wait3A_2390 = tpu.memref_slice %arg2[%select_n3A_1327, %dma_wait3A_2389] : memref<26x16384xi32, #tpu.memory_space<hbm>> -> memref<1x8192xi32, #tpu.memory_space<hbm>>
        %dma_wait3A_2391 = tpu.memref_squeeze %dma_wait3A_2390 : memref<1x8192xi32, #tpu.memory_space<hbm>> -> memref<8192xi32, #tpu.memory_space<hbm>>
        tpu.wait_dma2 semaphore(%run_scoped3A : memref<!tpu.dma_semaphore, #tpu.memory_space<semaphore_mem>>) src(%dma_wait3A_2391 : memref<8192xi32, #tpu.memory_space<hbm>>) dst(%arg7 : memref<8192xi32, #tpu.memory_space<vmem>>)
        tpu.yield
      }) : () -> ()
    } else {
    }
    %mul3A_1392 = arith.constant 32 : i32
    %mul3A_1393 = arith.muli %select_n3A_1343, %mul3A_1392 : i32
    %get3A_1394 = arith.index_cast %mul3A_1393 : i32 to index
    %get3A_1395 = tpu.vector_load %arg9[%get3A_1394] {strides = array<i32>} : memref<512xf32, #tpu.memory_space<vmem>>, vector<16xf32>,
    %swap3A_1396 = arith.constant 99968 : index
    %swap3A_1397 = tpu.vector_load %arg6[%swap3A_1396] {strides = array<i32>} : memref<100000xf32, #tpu.memory_space<vmem>>, vector<16xf32>,
    tpu.vector_store %arg6[%swap3A_1396], %get3A_1395 {strides = array<i32>} : memref<100000xf32, #tpu.memory_space<vmem>>, vector<16xf32>,
    %mul3A_1398 = arith.constant 32 : i32
    %mul3A_1399 = arith.muli %select_n3A_1343, %mul3A_1398 : i32
    %add3A_1400 = arith.constant 16 : i32
    %add3A_1401 = arith.addi %mul3A_1399, %add3A_1400 : i32
    %get3A_1402 = arith.index_cast %add3A_1401 : i32 to index
    %get3A_1403 = tpu.vector_load %arg9[%get3A_1402] {strides = array<i32>} : memref<512xf32, #tpu.memory_space<vmem>>, vector<16xf32>,
    %swap3A_1404 = arith.constant 99984 : index
    %swap3A_1405 = tpu.vector_load %arg6[%swap3A_1404] {strides = array<i32>} : memref<100000xf32, #tpu.memory_space<vmem>>, vector<16xf32>,
    tpu.vector_store %arg6[%swap3A_1404], %get3A_1403 {strides = array<i32>} : memref<100000xf32, #tpu.memory_space<vmem>>, vector<16xf32>,
    %dma_wait3A_1406 = arith.constant 0 : i32
    %dma_wait3A_1407 = tpu.memref_slice %arg6[%dma_wait3A_1406] : memref<100000xf32, #tpu.memory_space<vmem>> -> memref<99968xf32, #tpu.memory_space<vmem>>
    %dma_wait3A_1408 = arith.constant 0 : i32
    %dma_wait3A_1409 = tpu.memref_slice %arg3[%select_n3A_1273, %select_n3A_1289, %dma_wait3A_1408] : memref<26x16x100000xf32, #tpu.memory_space<hbm>> -> memref<1x1x99968xf32, #tpu.memory_space<hbm>>
    %dma_wait3A_1410 = tpu.memref_squeeze %dma_wait3A_1409 : memref<1x1x99968xf32, #tpu.memory_space<hbm>> -> memref<99968xf32, #tpu.memory_space<hbm>>
    %dma_wait3A_1411 = arith.constant 0 : i32
    %dma_wait3A_1412 = tpu.memref_slice %arg6[%dma_wait3A_1411] : memref<100000xf32, #tpu.memory_space<vmem>> -> memref<99968xf32, #tpu.memory_space<vmem>>
    %dma_wait3A_1413 = arith.constant 0 : i32
    %dma_wait3A_1414 = tpu.memref_slice %arg3[%select_n3A_1273, %select_n3A_1289, %dma_wait3A_1413] : memref<26x16x100000xf32, #tpu.memory_space<hbm>> -> memref<1x1x99968xf32, #tpu.memory_space<hbm>>
    %dma_wait3A_1415 = tpu.memref_squeeze %dma_wait3A_1414 : memref<1x1x99968xf32, #tpu.memory_space<hbm>> -> memref<99968xf32, #tpu.memory_space<hbm>>
    tpu.wait_dma2 semaphore(%arg10 : memref<!tpu.dma_semaphore, #tpu.memory_space<semaphore_mem>>) src(%dma_wait3A_1415 : memref<99968xf32, #tpu.memory_space<hbm>>) dst(%dma_wait3A_1412 : memref<99968xf32, #tpu.memory_space<vmem>>)
    %dma_wait3A_1416 = arith.constant 0 : i32
    %dma_wait3A_1417 = tpu.memref_slice %arg5[%add3A_1115, %dma_wait3A_1416] : memref<416x16384xf32, #tpu.memory_space<hbm>> -> memref<1x16384xf32, #tpu.memory_space<hbm>>
    %dma_wait3A_1418 = tpu.memref_squeeze %dma_wait3A_1417 : memref<1x16384xf32, #tpu.memory_space<hbm>> -> memref<16384xf32, #tpu.memory_space<hbm>>
    %dma_wait3A_1419 = arith.constant 0 : i32
    %dma_wait3A_1420 = tpu.memref_slice %arg5[%add3A_1115, %dma_wait3A_1419] : memref<416x16384xf32, #tpu.memory_space<hbm>> -> memref<1x16384xf32, #tpu.memory_space<hbm>>
    %dma_wait3A_1421 = tpu.memref_squeeze %dma_wait3A_1420 : memref<1x16384xf32, #tpu.memory_space<hbm>> -> memref<16384xf32, #tpu.memory_space<hbm>>
    tpu.wait_dma2 semaphore(%arg11 : memref<!tpu.dma_semaphore, #tpu.memory_space<semaphore_mem>>) src(%arg8 : memref<16384xf32, #tpu.memory_space<vmem>>) dst(%dma_wait3A_1421 : memref<16384xf32, #tpu.memory_space<hbm>>)
    %parallel_loop3A_1422 = arith.constant 0 : i32
    %parallel_loop3A_1423 = arith.constant 8192 : i32
    %parallel_loop3A_1424 = arith.constant 16 : i32
    scf.for %parallel_loop3A_2380 = %parallel_loop3A_1422 to %parallel_loop3A_1423 step %parallel_loop3A_1424  : i32 {
      %parallel_loop3A_2381 = arith.index_cast %parallel_loop3A_2380 : i32 to index
      %parallel_loop3A_2382 = tpu.vector_load %arg7[%parallel_loop3A_2381] {strides = array<i32>} : memref<8192xi32, #tpu.memory_space<vmem>>, vector<16xi32>,
      %parallel_loop3A_2383 = tpu.vector_load_idx %arg6[%parallel_loop3A_2382] : memref<100000xf32, #tpu.memory_space<vmem>>[vector<16xi32>], vector<16xf32>,
      %parallel_loop3A_2384 = arith.constant 8192 : i32
      %parallel_loop3A_2385 = arith.addi %parallel_loop3A_2384, %parallel_loop3A_2380 : i32
      %parallel_loop3A_2386 = arith.index_cast %parallel_loop3A_2385 : i32 to index
      %parallel_loop3A_2387 = tpu.vector_load %arg8[%parallel_loop3A_2386] {strides = array<i32>} : memref<16384xf32, #tpu.memory_space<vmem>>, vector<16xf32>,
      tpu.vector_store %arg8[%parallel_loop3A_2386], %parallel_loop3A_2383 {strides = array<i32>} : memref<16384xf32, #tpu.memory_space<vmem>>, vector<16xf32>,
    } {sc.loop_unroll_factor = 8 : i64, sc.parallel_access}
    "tpu.region"() ({
      %run_scoped3A = tpu.sem_alloc : memref<!tpu.dma_semaphore, #tpu.memory_space<semaphore_mem>>
      %dma_start3A_2380 = arith.constant 0 : i32
      %dma_start3A_2381 = tpu.memref_slice %arg2[%select_n3A_1327, %dma_start3A_2380] : memref<26x16384xi32, #tpu.memory_space<hbm>> -> memref<1x8192xi32, #tpu.memory_space<hbm>>
      %dma_start3A_2382 = tpu.memref_squeeze %dma_start3A_2381 : memref<1x8192xi32, #tpu.memory_space<hbm>> -> memref<8192xi32, #tpu.memory_space<hbm>>
      %dma_start3A_2383 = arith.constant 0 : i32
      %dma_start3A_2384 = tpu.memref_slice %arg2[%select_n3A_1327, %dma_start3A_2383] : memref<26x16384xi32, #tpu.memory_space<hbm>> -> memref<1x8192xi32, #tpu.memory_space<hbm>>
      %dma_start3A_2385 = tpu.memref_squeeze %dma_start3A_2384 : memref<1x8192xi32, #tpu.memory_space<hbm>> -> memref<8192xi32, #tpu.memory_space<hbm>>
      tpu.enqueue_dma source(%dma_start3A_2385 : memref<8192xi32, #tpu.memory_space<hbm>>) target(%arg7 : memref<8192xi32, #tpu.memory_space<vmem>>) target_semaphore(%run_scoped3A : memref<!tpu.dma_semaphore, #tpu.memory_space<semaphore_mem>>)
      %dma_wait3A_2386 = arith.constant 0 : i32
      %dma_wait3A_2387 = tpu.memref_slice %arg2[%select_n3A_1327, %dma_wait3A_2386] : memref<26x16384xi32, #tpu.memory_space<hbm>> -> memref<1x8192xi32, #tpu.memory_space<hbm>>
      %dma_wait3A_2388 = tpu.memref_squeeze %dma_wait3A_2387 : memref<1x8192xi32, #tpu.memory_space<hbm>> -> memref<8192xi32, #tpu.memory_space<hbm>>
      %dma_wait3A_2389 = arith.constant 0 : i32
      %dma_wait3A_2390 = tpu.memref_slice %arg2[%select_n3A_1327, %dma_wait3A_2389] : memref<26x16384xi32, #tpu.memory_space<hbm>> -> memref<1x8192xi32, #tpu.memory_space<hbm>>
      %dma_wait3A_2391 = tpu.memref_squeeze %dma_wait3A_2390 : memref<1x8192xi32, #tpu.memory_space<hbm>> -> memref<8192xi32, #tpu.memory_space<hbm>>
      tpu.wait_dma2 semaphore(%run_scoped3A : memref<!tpu.dma_semaphore, #tpu.memory_space<semaphore_mem>>) src(%dma_wait3A_2391 : memref<8192xi32, #tpu.memory_space<hbm>>) dst(%arg7 : memref<8192xi32, #tpu.memory_space<vmem>>)
      tpu.yield
    }) : () -> ()
    %parallel_loop3A_1425 = arith.constant 0 : i32
    %parallel_loop3A_1426 = arith.constant 8192 : i32
    %parallel_loop3A_1427 = arith.constant 16 : i32
    scf.for %parallel_loop3A_2380 = %parallel_loop3A_1425 to %parallel_loop3A_1426 step %parallel_loop3A_1427  : i32 {
      %parallel_loop3A_2381 = arith.index_cast %parallel_loop3A_2380 : i32 to index
      %parallel_loop3A_2382 = tpu.vector_load %arg7[%parallel_loop3A_2381] {strides = array<i32>} : memref<8192xi32, #tpu.memory_space<vmem>>, vector<16xi32>,
      %parallel_loop3A_2383 = tpu.vector_load_idx %arg6[%parallel_loop3A_2382] : memref<100000xf32, #tpu.memory_space<vmem>>[vector<16xi32>], vector<16xf32>,
      %parallel_loop3A_2384 = arith.constant 0 : i32
      %parallel_loop3A_2385 = arith.addi %parallel_loop3A_2384, %parallel_loop3A_2380 : i32
      %parallel_loop3A_2386 = arith.index_cast %parallel_loop3A_2385 : i32 to index
      %parallel_loop3A_2387 = tpu.vector_load %arg8[%parallel_loop3A_2386] {strides = array<i32>} : memref<16384xf32, #tpu.memory_space<vmem>>, vector<16xf32>,
      tpu.vector_store %arg8[%parallel_loop3A_2386], %parallel_loop3A_2383 {strides = array<i32>} : memref<16384xf32, #tpu.memory_space<vmem>>, vector<16xf32>,
    } {sc.loop_unroll_factor = 8 : i64, sc.parallel_access}
    %dma_start3A_1428 = arith.constant 0 : i32
    %dma_start3A_1429 = tpu.memref_slice %arg5[%add3A_1303, %dma_start3A_1428] : memref<416x16384xf32, #tpu.memory_space<hbm>> -> memref<1x16384xf32, #tpu.memory_space<hbm>>
    %dma_start3A_1430 = tpu.memref_squeeze %dma_start3A_1429 : memref<1x16384xf32, #tpu.memory_space<hbm>> -> memref<16384xf32, #tpu.memory_space<hbm>>
    %dma_start3A_1431 = arith.constant 0 : i32
    %dma_start3A_1432 = tpu.memref_slice %arg5[%add3A_1303, %dma_start3A_1431] : memref<416x16384xf32, #tpu.memory_space<hbm>> -> memref<1x16384xf32, #tpu.memory_space<hbm>>
    %dma_start3A_1433 = tpu.memref_squeeze %dma_start3A_1432 : memref<1x16384xf32, #tpu.memory_space<hbm>> -> memref<16384xf32, #tpu.memory_space<hbm>>
    tpu.enqueue_dma source(%arg8 : memref<16384xf32, #tpu.memory_space<vmem>>) target(%dma_start3A_1433 : memref<16384xf32, #tpu.memory_space<hbm>>) target_semaphore(%arg11 : memref<!tpu.dma_semaphore, #tpu.memory_space<semaphore_mem>>)
    %mul3A_1434 = arith.constant 13 : i32
    %mul3A_1435 = arith.muli %add3A, %mul3A_1434 : i32
    %add3A_1436 = arith.constant 8 : i32
    %add3A_1437 = arith.addi %mul3A_1435, %add3A_1436 : i32
    %jit3A_1438 = arith.constant 16 : i32
    %div3A_1439 = arith.divsi %add3A_1437, %jit3A_1438 : i32
    %sign3A_1440 = arith.constant 0 : i32
    %sign3A_1441 = arith.cmpi sgt, %add3A_1437, %sign3A_1440 : i32
    %sign3A_1442 = arith.extui %sign3A_1441 : i1 to i32
    %sign3A_1443 = arith.constant 0 : i32
    %sign3A_1444 = arith.cmpi slt, %add3A_1437, %sign3A_1443 : i32
    %sign3A_1445 = arith.extui %sign3A_1444 : i1 to i32
    %sign3A_1446 = arith.subi %sign3A_1442, %sign3A_1445 : i32
    %sign3A_1447 = arith.constant 0 : i32
    %sign3A_1448 = arith.cmpi sgt, %jit3A_1438, %sign3A_1447 : i32
    %sign3A_1449 = arith.extui %sign3A_1448 : i1 to i32
    %sign3A_1450 = arith.constant 0 : i32
    %sign3A_1451 = arith.cmpi slt, %jit3A_1438, %sign3A_1450 : i32
    %sign3A_1452 = arith.extui %sign3A_1451 : i1 to i32
    %sign3A_1453 = arith.subi %sign3A_1449, %sign3A_1452 : i32
    %ne3A_1454 = arith.cmpi ne, %sign3A_1446, %sign3A_1453 : i32
    %rem3A_1455 = arith.remsi %add3A_1437, %jit3A_1438 : i32
    %ne3A_1456 = arith.constant 0 : i32
    %ne3A_1457 = arith.cmpi ne, %rem3A_1455, %ne3A_1456 : i32
    %and3A_1458 = arith.andi %ne3A_1454, %ne3A_1457 : i1
    %sub3A_1459 = arith.constant 1 : i32
    %sub3A_1460 = arith.subi %div3A_1439, %sub3A_1459 : i32
    %select_n3A_1461 = arith.select %and3A_1458, %sub3A_1460, %div3A_1439 : i32
    %jit3A_1462 = arith.constant 16 : i32
    %eq3A_1463 = arith.constant 0 : i32
    %eq3A_1464 = arith.cmpi eq, %jit3A_1462, %eq3A_1463 : i32
    %jit3A_1465 = arith.constant 1 : i32
    %select_n3A_1466 = arith.select %eq3A_1464, %jit3A_1465, %jit3A_1462 : i32
    %rem3A_1467 = arith.remsi %add3A_1437, %select_n3A_1466 : i32
    %ne3A_1468 = arith.constant 0 : i32
    %ne3A_1469 = arith.cmpi ne, %rem3A_1467, %ne3A_1468 : i32
    %lt3A_1470 = arith.constant 0 : i32
    %lt3A_1471 = arith.cmpi slt, %rem3A_1467, %lt3A_1470 : i32
    %lt3A_1472 = arith.constant 0 : i32
    %lt3A_1473 = arith.cmpi slt, %select_n3A_1466, %lt3A_1472 : i32
    %ne3A_1474 = arith.xori %lt3A_1471, %lt3A_1473 : i1
    %and3A_1475 = arith.andi %ne3A_1474, %ne3A_1469 : i1
    %add3A_1476 = arith.addi %rem3A_1467, %select_n3A_1466 : i32
    %select_n3A_1477 = arith.select %and3A_1475, %add3A_1476, %rem3A_1467 : i32
    %dma_start3A_1478 = arith.constant 0 : i32
    %dma_start3A_1479 = tpu.memref_slice %arg6[%dma_start3A_1478] : memref<100000xf32, #tpu.memory_space<vmem>> -> memref<99968xf32, #tpu.memory_space<vmem>>
    %dma_start3A_1480 = arith.constant 0 : i32
    %dma_start3A_1481 = tpu.memref_slice %arg3[%select_n3A_1461, %select_n3A_1477, %dma_start3A_1480] : memref<26x16x100000xf32, #tpu.memory_space<hbm>> -> memref<1x1x99968xf32, #tpu.memory_space<hbm>>
    %dma_start3A_1482 = tpu.memref_squeeze %dma_start3A_1481 : memref<1x1x99968xf32, #tpu.memory_space<hbm>> -> memref<99968xf32, #tpu.memory_space<hbm>>
    %dma_start3A_1483 = arith.constant 0 : i32
    %dma_start3A_1484 = tpu.memref_slice %arg6[%dma_start3A_1483] : memref<100000xf32, #tpu.memory_space<vmem>> -> memref<99968xf32, #tpu.memory_space<vmem>>
    %dma_start3A_1485 = arith.constant 0 : i32
    %dma_start3A_1486 = tpu.memref_slice %arg3[%select_n3A_1461, %select_n3A_1477, %dma_start3A_1485] : memref<26x16x100000xf32, #tpu.memory_space<hbm>> -> memref<1x1x99968xf32, #tpu.memory_space<hbm>>
    %dma_start3A_1487 = tpu.memref_squeeze %dma_start3A_1486 : memref<1x1x99968xf32, #tpu.memory_space<hbm>> -> memref<99968xf32, #tpu.memory_space<hbm>>
    tpu.enqueue_dma source(%dma_start3A_1487 : memref<99968xf32, #tpu.memory_space<hbm>>) target(%dma_start3A_1484 : memref<99968xf32, #tpu.memory_space<vmem>>) target_semaphore(%arg10 : memref<!tpu.dma_semaphore, #tpu.memory_space<semaphore_mem>>)
    %mul3A_1488 = arith.constant 13 : i32
    %mul3A_1489 = arith.muli %add3A, %mul3A_1488 : i32
    %add3A_1490 = arith.constant 8 : i32
    %add3A_1491 = arith.addi %mul3A_1489, %add3A_1490 : i32
    %jit3A_1492 = arith.constant 16 : i32
    %div3A_1493 = arith.divsi %add3A_1491, %jit3A_1492 : i32
    %sign3A_1494 = arith.constant 0 : i32
    %sign3A_1495 = arith.cmpi sgt, %add3A_1491, %sign3A_1494 : i32
    %sign3A_1496 = arith.extui %sign3A_1495 : i1 to i32
    %sign3A_1497 = arith.constant 0 : i32
    %sign3A_1498 = arith.cmpi slt, %add3A_1491, %sign3A_1497 : i32
    %sign3A_1499 = arith.extui %sign3A_1498 : i1 to i32
    %sign3A_1500 = arith.subi %sign3A_1496, %sign3A_1499 : i32
    %sign3A_1501 = arith.constant 0 : i32
    %sign3A_1502 = arith.cmpi sgt, %jit3A_1492, %sign3A_1501 : i32
    %sign3A_1503 = arith.extui %sign3A_1502 : i1 to i32
    %sign3A_1504 = arith.constant 0 : i32
    %sign3A_1505 = arith.cmpi slt, %jit3A_1492, %sign3A_1504 : i32
    %sign3A_1506 = arith.extui %sign3A_1505 : i1 to i32
    %sign3A_1507 = arith.subi %sign3A_1503, %sign3A_1506 : i32
    %ne3A_1508 = arith.cmpi ne, %sign3A_1500, %sign3A_1507 : i32
    %rem3A_1509 = arith.remsi %add3A_1491, %jit3A_1492 : i32
    %ne3A_1510 = arith.constant 0 : i32
    %ne3A_1511 = arith.cmpi ne, %rem3A_1509, %ne3A_1510 : i32
    %and3A_1512 = arith.andi %ne3A_1508, %ne3A_1511 : i1
    %sub3A_1513 = arith.constant 1 : i32
    %sub3A_1514 = arith.subi %div3A_1493, %sub3A_1513 : i32
    %select_n3A_1515 = arith.select %and3A_1512, %sub3A_1514, %div3A_1493 : i32
    %jit3A_1516 = arith.constant 16 : i32
    %eq3A_1517 = arith.constant 0 : i32
    %eq3A_1518 = arith.cmpi eq, %jit3A_1516, %eq3A_1517 : i32
    %jit3A_1519 = arith.constant 1 : i32
    %select_n3A_1520 = arith.select %eq3A_1518, %jit3A_1519, %jit3A_1516 : i32
    %rem3A_1521 = arith.remsi %add3A_1491, %select_n3A_1520 : i32
    %ne3A_1522 = arith.constant 0 : i32
    %ne3A_1523 = arith.cmpi ne, %rem3A_1521, %ne3A_1522 : i32
    %lt3A_1524 = arith.constant 0 : i32
    %lt3A_1525 = arith.cmpi slt, %rem3A_1521, %lt3A_1524 : i32
    %lt3A_1526 = arith.constant 0 : i32
    %lt3A_1527 = arith.cmpi slt, %select_n3A_1520, %lt3A_1526 : i32
    %ne3A_1528 = arith.xori %lt3A_1525, %lt3A_1527 : i1
    %and3A_1529 = arith.andi %ne3A_1528, %ne3A_1523 : i1
    %add3A_1530 = arith.addi %rem3A_1521, %select_n3A_1520 : i32
    %select_n3A_1531 = arith.select %and3A_1529, %add3A_1530, %rem3A_1521 : i32
    %mul3A_1532 = arith.constant 13 : i32
    %mul3A_1533 = arith.muli %add3A, %mul3A_1532 : i32
    %add3A_1534 = arith.constant 7 : i32
    %add3A_1535 = arith.addi %mul3A_1533, %add3A_1534 : i32
    %jit3A_1536 = arith.constant 16 : i32
    %div3A_1537 = arith.divsi %add3A_1535, %jit3A_1536 : i32
    %sign3A_1538 = arith.constant 0 : i32
    %sign3A_1539 = arith.cmpi sgt, %add3A_1535, %sign3A_1538 : i32
    %sign3A_1540 = arith.extui %sign3A_1539 : i1 to i32
    %sign3A_1541 = arith.constant 0 : i32
    %sign3A_1542 = arith.cmpi slt, %add3A_1535, %sign3A_1541 : i32
    %sign3A_1543 = arith.extui %sign3A_1542 : i1 to i32
    %sign3A_1544 = arith.subi %sign3A_1540, %sign3A_1543 : i32
    %sign3A_1545 = arith.constant 0 : i32
    %sign3A_1546 = arith.cmpi sgt, %jit3A_1536, %sign3A_1545 : i32
    %sign3A_1547 = arith.extui %sign3A_1546 : i1 to i32
    %sign3A_1548 = arith.constant 0 : i32
    %sign3A_1549 = arith.cmpi slt, %jit3A_1536, %sign3A_1548 : i32
    %sign3A_1550 = arith.extui %sign3A_1549 : i1 to i32
    %sign3A_1551 = arith.subi %sign3A_1547, %sign3A_1550 : i32
    %ne3A_1552 = arith.cmpi ne, %sign3A_1544, %sign3A_1551 : i32
    %rem3A_1553 = arith.remsi %add3A_1535, %jit3A_1536 : i32
    %ne3A_1554 = arith.constant 0 : i32
    %ne3A_1555 = arith.cmpi ne, %rem3A_1553, %ne3A_1554 : i32
    %and3A_1556 = arith.andi %ne3A_1552, %ne3A_1555 : i1
    %sub3A_1557 = arith.constant 1 : i32
    %sub3A_1558 = arith.subi %div3A_1537, %sub3A_1557 : i32
    %select_n3A_1559 = arith.select %and3A_1556, %sub3A_1558, %div3A_1537 : i32
    %jit3A_1560 = arith.constant 16 : i32
    %eq3A_1561 = arith.constant 0 : i32
    %eq3A_1562 = arith.cmpi eq, %jit3A_1560, %eq3A_1561 : i32
    %jit3A_1563 = arith.constant 1 : i32
    %select_n3A_1564 = arith.select %eq3A_1562, %jit3A_1563, %jit3A_1560 : i32
    %rem3A_1565 = arith.remsi %add3A_1535, %select_n3A_1564 : i32
    %ne3A_1566 = arith.constant 0 : i32
    %ne3A_1567 = arith.cmpi ne, %rem3A_1565, %ne3A_1566 : i32
    %lt3A_1568 = arith.constant 0 : i32
    %lt3A_1569 = arith.cmpi slt, %rem3A_1565, %lt3A_1568 : i32
    %lt3A_1570 = arith.constant 0 : i32
    %lt3A_1571 = arith.cmpi slt, %select_n3A_1564, %lt3A_1570 : i32
    %ne3A_1572 = arith.xori %lt3A_1569, %lt3A_1571 : i1
    %and3A_1573 = arith.andi %ne3A_1572, %ne3A_1567 : i1
    %add3A_1574 = arith.addi %rem3A_1565, %select_n3A_1564 : i32
    %select_n3A_1575 = arith.select %and3A_1573, %add3A_1574, %rem3A_1565 : i32
    %ne3A_1576 = arith.cmpi ne, %select_n3A_1515, %select_n3A_1559 : i32
    %convert_element_type3A_1577 = arith.extui %ne3A_1576 : i1 to i32
    %cond3A_1578 = arith.constant 0 : i32
    %cond3A_1579 = arith.cmpi ne, %convert_element_type3A_1577, %cond3A_1578 : i32
    scf.if %cond3A_1579 {
      "tpu.region"() ({
        %run_scoped3A = tpu.sem_alloc : memref<!tpu.dma_semaphore, #tpu.memory_space<semaphore_mem>>
        %dma_start3A_2380 = arith.constant 0 : i32
        %dma_start3A_2381 = tpu.memref_slice %arg4[%select_n3A_1515, %dma_start3A_2380] : memref<26x512xf32, #tpu.memory_space<hbm>> -> memref<1x512xf32, #tpu.memory_space<hbm>>
        %dma_start3A_2382 = tpu.memref_squeeze %dma_start3A_2381 : memref<1x512xf32, #tpu.memory_space<hbm>> -> memref<512xf32, #tpu.memory_space<hbm>>
        %dma_start3A_2383 = arith.constant 0 : i32
        %dma_start3A_2384 = tpu.memref_slice %arg4[%select_n3A_1515, %dma_start3A_2383] : memref<26x512xf32, #tpu.memory_space<hbm>> -> memref<1x512xf32, #tpu.memory_space<hbm>>
        %dma_start3A_2385 = tpu.memref_squeeze %dma_start3A_2384 : memref<1x512xf32, #tpu.memory_space<hbm>> -> memref<512xf32, #tpu.memory_space<hbm>>
        tpu.enqueue_dma source(%dma_start3A_2385 : memref<512xf32, #tpu.memory_space<hbm>>) target(%arg9 : memref<512xf32, #tpu.memory_space<vmem>>) target_semaphore(%run_scoped3A : memref<!tpu.dma_semaphore, #tpu.memory_space<semaphore_mem>>)
        %dma_wait3A_2386 = arith.constant 0 : i32
        %dma_wait3A_2387 = tpu.memref_slice %arg4[%select_n3A_1515, %dma_wait3A_2386] : memref<26x512xf32, #tpu.memory_space<hbm>> -> memref<1x512xf32, #tpu.memory_space<hbm>>
        %dma_wait3A_2388 = tpu.memref_squeeze %dma_wait3A_2387 : memref<1x512xf32, #tpu.memory_space<hbm>> -> memref<512xf32, #tpu.memory_space<hbm>>
        %dma_wait3A_2389 = arith.constant 0 : i32
        %dma_wait3A_2390 = tpu.memref_slice %arg4[%select_n3A_1515, %dma_wait3A_2389] : memref<26x512xf32, #tpu.memory_space<hbm>> -> memref<1x512xf32, #tpu.memory_space<hbm>>
        %dma_wait3A_2391 = tpu.memref_squeeze %dma_wait3A_2390 : memref<1x512xf32, #tpu.memory_space<hbm>> -> memref<512xf32, #tpu.memory_space<hbm>>
        tpu.wait_dma2 semaphore(%run_scoped3A : memref<!tpu.dma_semaphore, #tpu.memory_space<semaphore_mem>>) src(%dma_wait3A_2391 : memref<512xf32, #tpu.memory_space<hbm>>) dst(%arg9 : memref<512xf32, #tpu.memory_space<vmem>>)
        tpu.yield
      }) : () -> ()
      "tpu.region"() ({
        %run_scoped3A = tpu.sem_alloc : memref<!tpu.dma_semaphore, #tpu.memory_space<semaphore_mem>>
        %dma_start3A_2380 = arith.constant 0 : i32
        %dma_start3A_2381 = tpu.memref_slice %arg2[%select_n3A_1515, %dma_start3A_2380] : memref<26x16384xi32, #tpu.memory_space<hbm>> -> memref<1x8192xi32, #tpu.memory_space<hbm>>
        %dma_start3A_2382 = tpu.memref_squeeze %dma_start3A_2381 : memref<1x8192xi32, #tpu.memory_space<hbm>> -> memref<8192xi32, #tpu.memory_space<hbm>>
        %dma_start3A_2383 = arith.constant 0 : i32
        %dma_start3A_2384 = tpu.memref_slice %arg2[%select_n3A_1515, %dma_start3A_2383] : memref<26x16384xi32, #tpu.memory_space<hbm>> -> memref<1x8192xi32, #tpu.memory_space<hbm>>
        %dma_start3A_2385 = tpu.memref_squeeze %dma_start3A_2384 : memref<1x8192xi32, #tpu.memory_space<hbm>> -> memref<8192xi32, #tpu.memory_space<hbm>>
        tpu.enqueue_dma source(%dma_start3A_2385 : memref<8192xi32, #tpu.memory_space<hbm>>) target(%arg7 : memref<8192xi32, #tpu.memory_space<vmem>>) target_semaphore(%run_scoped3A : memref<!tpu.dma_semaphore, #tpu.memory_space<semaphore_mem>>)
        %dma_wait3A_2386 = arith.constant 0 : i32
        %dma_wait3A_2387 = tpu.memref_slice %arg2[%select_n3A_1515, %dma_wait3A_2386] : memref<26x16384xi32, #tpu.memory_space<hbm>> -> memref<1x8192xi32, #tpu.memory_space<hbm>>
        %dma_wait3A_2388 = tpu.memref_squeeze %dma_wait3A_2387 : memref<1x8192xi32, #tpu.memory_space<hbm>> -> memref<8192xi32, #tpu.memory_space<hbm>>
        %dma_wait3A_2389 = arith.constant 0 : i32
        %dma_wait3A_2390 = tpu.memref_slice %arg2[%select_n3A_1515, %dma_wait3A_2389] : memref<26x16384xi32, #tpu.memory_space<hbm>> -> memref<1x8192xi32, #tpu.memory_space<hbm>>
        %dma_wait3A_2391 = tpu.memref_squeeze %dma_wait3A_2390 : memref<1x8192xi32, #tpu.memory_space<hbm>> -> memref<8192xi32, #tpu.memory_space<hbm>>
        tpu.wait_dma2 semaphore(%run_scoped3A : memref<!tpu.dma_semaphore, #tpu.memory_space<semaphore_mem>>) src(%dma_wait3A_2391 : memref<8192xi32, #tpu.memory_space<hbm>>) dst(%arg7 : memref<8192xi32, #tpu.memory_space<vmem>>)
        tpu.yield
      }) : () -> ()
    } else {
    }
    %mul3A_1580 = arith.constant 32 : i32
    %mul3A_1581 = arith.muli %select_n3A_1531, %mul3A_1580 : i32
    %get3A_1582 = arith.index_cast %mul3A_1581 : i32 to index
    %get3A_1583 = tpu.vector_load %arg9[%get3A_1582] {strides = array<i32>} : memref<512xf32, #tpu.memory_space<vmem>>, vector<16xf32>,
    %swap3A_1584 = arith.constant 99968 : index
    %swap3A_1585 = tpu.vector_load %arg6[%swap3A_1584] {strides = array<i32>} : memref<100000xf32, #tpu.memory_space<vmem>>, vector<16xf32>,
    tpu.vector_store %arg6[%swap3A_1584], %get3A_1583 {strides = array<i32>} : memref<100000xf32, #tpu.memory_space<vmem>>, vector<16xf32>,
    %mul3A_1586 = arith.constant 32 : i32
    %mul3A_1587 = arith.muli %select_n3A_1531, %mul3A_1586 : i32
    %add3A_1588 = arith.constant 16 : i32
    %add3A_1589 = arith.addi %mul3A_1587, %add3A_1588 : i32
    %get3A_1590 = arith.index_cast %add3A_1589 : i32 to index
    %get3A_1591 = tpu.vector_load %arg9[%get3A_1590] {strides = array<i32>} : memref<512xf32, #tpu.memory_space<vmem>>, vector<16xf32>,
    %swap3A_1592 = arith.constant 99984 : index
    %swap3A_1593 = tpu.vector_load %arg6[%swap3A_1592] {strides = array<i32>} : memref<100000xf32, #tpu.memory_space<vmem>>, vector<16xf32>,
    tpu.vector_store %arg6[%swap3A_1592], %get3A_1591 {strides = array<i32>} : memref<100000xf32, #tpu.memory_space<vmem>>, vector<16xf32>,
    %dma_wait3A_1594 = arith.constant 0 : i32
    %dma_wait3A_1595 = tpu.memref_slice %arg6[%dma_wait3A_1594] : memref<100000xf32, #tpu.memory_space<vmem>> -> memref<99968xf32, #tpu.memory_space<vmem>>
    %dma_wait3A_1596 = arith.constant 0 : i32
    %dma_wait3A_1597 = tpu.memref_slice %arg3[%select_n3A_1461, %select_n3A_1477, %dma_wait3A_1596] : memref<26x16x100000xf32, #tpu.memory_space<hbm>> -> memref<1x1x99968xf32, #tpu.memory_space<hbm>>
    %dma_wait3A_1598 = tpu.memref_squeeze %dma_wait3A_1597 : memref<1x1x99968xf32, #tpu.memory_space<hbm>> -> memref<99968xf32, #tpu.memory_space<hbm>>
    %dma_wait3A_1599 = arith.constant 0 : i32
    %dma_wait3A_1600 = tpu.memref_slice %arg6[%dma_wait3A_1599] : memref<100000xf32, #tpu.memory_space<vmem>> -> memref<99968xf32, #tpu.memory_space<vmem>>
    %dma_wait3A_1601 = arith.constant 0 : i32
    %dma_wait3A_1602 = tpu.memref_slice %arg3[%select_n3A_1461, %select_n3A_1477, %dma_wait3A_1601] : memref<26x16x100000xf32, #tpu.memory_space<hbm>> -> memref<1x1x99968xf32, #tpu.memory_space<hbm>>
    %dma_wait3A_1603 = tpu.memref_squeeze %dma_wait3A_1602 : memref<1x1x99968xf32, #tpu.memory_space<hbm>> -> memref<99968xf32, #tpu.memory_space<hbm>>
    tpu.wait_dma2 semaphore(%arg10 : memref<!tpu.dma_semaphore, #tpu.memory_space<semaphore_mem>>) src(%dma_wait3A_1603 : memref<99968xf32, #tpu.memory_space<hbm>>) dst(%dma_wait3A_1600 : memref<99968xf32, #tpu.memory_space<vmem>>)
    %dma_wait3A_1604 = arith.constant 0 : i32
    %dma_wait3A_1605 = tpu.memref_slice %arg5[%add3A_1303, %dma_wait3A_1604] : memref<416x16384xf32, #tpu.memory_space<hbm>> -> memref<1x16384xf32, #tpu.memory_space<hbm>>
    %dma_wait3A_1606 = tpu.memref_squeeze %dma_wait3A_1605 : memref<1x16384xf32, #tpu.memory_space<hbm>> -> memref<16384xf32, #tpu.memory_space<hbm>>
    %dma_wait3A_1607 = arith.constant 0 : i32
    %dma_wait3A_1608 = tpu.memref_slice %arg5[%add3A_1303, %dma_wait3A_1607] : memref<416x16384xf32, #tpu.memory_space<hbm>> -> memref<1x16384xf32, #tpu.memory_space<hbm>>
    %dma_wait3A_1609 = tpu.memref_squeeze %dma_wait3A_1608 : memref<1x16384xf32, #tpu.memory_space<hbm>> -> memref<16384xf32, #tpu.memory_space<hbm>>
    tpu.wait_dma2 semaphore(%arg11 : memref<!tpu.dma_semaphore, #tpu.memory_space<semaphore_mem>>) src(%arg8 : memref<16384xf32, #tpu.memory_space<vmem>>) dst(%dma_wait3A_1609 : memref<16384xf32, #tpu.memory_space<hbm>>)
    %parallel_loop3A_1610 = arith.constant 0 : i32
    %parallel_loop3A_1611 = arith.constant 8192 : i32
    %parallel_loop3A_1612 = arith.constant 16 : i32
    scf.for %parallel_loop3A_2380 = %parallel_loop3A_1610 to %parallel_loop3A_1611 step %parallel_loop3A_1612  : i32 {
      %parallel_loop3A_2381 = arith.index_cast %parallel_loop3A_2380 : i32 to index
      %parallel_loop3A_2382 = tpu.vector_load %arg7[%parallel_loop3A_2381] {strides = array<i32>} : memref<8192xi32, #tpu.memory_space<vmem>>, vector<16xi32>,
      %parallel_loop3A_2383 = tpu.vector_load_idx %arg6[%parallel_loop3A_2382] : memref<100000xf32, #tpu.memory_space<vmem>>[vector<16xi32>], vector<16xf32>,
      %parallel_loop3A_2384 = arith.constant 0 : i32
      %parallel_loop3A_2385 = arith.addi %parallel_loop3A_2384, %parallel_loop3A_2380 : i32
      %parallel_loop3A_2386 = arith.index_cast %parallel_loop3A_2385 : i32 to index
      %parallel_loop3A_2387 = tpu.vector_load %arg8[%parallel_loop3A_2386] {strides = array<i32>} : memref<16384xf32, #tpu.memory_space<vmem>>, vector<16xf32>,
      tpu.vector_store %arg8[%parallel_loop3A_2386], %parallel_loop3A_2383 {strides = array<i32>} : memref<16384xf32, #tpu.memory_space<vmem>>, vector<16xf32>,
    } {sc.loop_unroll_factor = 8 : i64, sc.parallel_access}
    "tpu.region"() ({
      %run_scoped3A = tpu.sem_alloc : memref<!tpu.dma_semaphore, #tpu.memory_space<semaphore_mem>>
      %dma_start3A_2380 = arith.constant 8192 : i32
      %dma_start3A_2381 = tpu.memref_slice %arg2[%select_n3A_1515, %dma_start3A_2380] : memref<26x16384xi32, #tpu.memory_space<hbm>> -> memref<1x8192xi32, #tpu.memory_space<hbm>>
      %dma_start3A_2382 = tpu.memref_squeeze %dma_start3A_2381 : memref<1x8192xi32, #tpu.memory_space<hbm>> -> memref<8192xi32, #tpu.memory_space<hbm>>
      %dma_start3A_2383 = arith.constant 8192 : i32
      %dma_start3A_2384 = tpu.memref_slice %arg2[%select_n3A_1515, %dma_start3A_2383] : memref<26x16384xi32, #tpu.memory_space<hbm>> -> memref<1x8192xi32, #tpu.memory_space<hbm>>
      %dma_start3A_2385 = tpu.memref_squeeze %dma_start3A_2384 : memref<1x8192xi32, #tpu.memory_space<hbm>> -> memref<8192xi32, #tpu.memory_space<hbm>>
      tpu.enqueue_dma source(%dma_start3A_2385 : memref<8192xi32, #tpu.memory_space<hbm>>) target(%arg7 : memref<8192xi32, #tpu.memory_space<vmem>>) target_semaphore(%run_scoped3A : memref<!tpu.dma_semaphore, #tpu.memory_space<semaphore_mem>>)
      %dma_wait3A_2386 = arith.constant 8192 : i32
      %dma_wait3A_2387 = tpu.memref_slice %arg2[%select_n3A_1515, %dma_wait3A_2386] : memref<26x16384xi32, #tpu.memory_space<hbm>> -> memref<1x8192xi32, #tpu.memory_space<hbm>>
      %dma_wait3A_2388 = tpu.memref_squeeze %dma_wait3A_2387 : memref<1x8192xi32, #tpu.memory_space<hbm>> -> memref<8192xi32, #tpu.memory_space<hbm>>
      %dma_wait3A_2389 = arith.constant 8192 : i32
      %dma_wait3A_2390 = tpu.memref_slice %arg2[%select_n3A_1515, %dma_wait3A_2389] : memref<26x16384xi32, #tpu.memory_space<hbm>> -> memref<1x8192xi32, #tpu.memory_space<hbm>>
      %dma_wait3A_2391 = tpu.memref_squeeze %dma_wait3A_2390 : memref<1x8192xi32, #tpu.memory_space<hbm>> -> memref<8192xi32, #tpu.memory_space<hbm>>
      tpu.wait_dma2 semaphore(%run_scoped3A : memref<!tpu.dma_semaphore, #tpu.memory_space<semaphore_mem>>) src(%dma_wait3A_2391 : memref<8192xi32, #tpu.memory_space<hbm>>) dst(%arg7 : memref<8192xi32, #tpu.memory_space<vmem>>)
      tpu.yield
    }) : () -> ()
    %parallel_loop3A_1613 = arith.constant 0 : i32
    %parallel_loop3A_1614 = arith.constant 8192 : i32
    %parallel_loop3A_1615 = arith.constant 16 : i32
    scf.for %parallel_loop3A_2380 = %parallel_loop3A_1613 to %parallel_loop3A_1614 step %parallel_loop3A_1615  : i32 {
      %parallel_loop3A_2381 = arith.index_cast %parallel_loop3A_2380 : i32 to index
      %parallel_loop3A_2382 = tpu.vector_load %arg7[%parallel_loop3A_2381] {strides = array<i32>} : memref<8192xi32, #tpu.memory_space<vmem>>, vector<16xi32>,
      %parallel_loop3A_2383 = tpu.vector_load_idx %arg6[%parallel_loop3A_2382] : memref<100000xf32, #tpu.memory_space<vmem>>[vector<16xi32>], vector<16xf32>,
      %parallel_loop3A_2384 = arith.constant 8192 : i32
      %parallel_loop3A_2385 = arith.addi %parallel_loop3A_2384, %parallel_loop3A_2380 : i32
      %parallel_loop3A_2386 = arith.index_cast %parallel_loop3A_2385 : i32 to index
      %parallel_loop3A_2387 = tpu.vector_load %arg8[%parallel_loop3A_2386] {strides = array<i32>} : memref<16384xf32, #tpu.memory_space<vmem>>, vector<16xf32>,
      tpu.vector_store %arg8[%parallel_loop3A_2386], %parallel_loop3A_2383 {strides = array<i32>} : memref<16384xf32, #tpu.memory_space<vmem>>, vector<16xf32>,
    } {sc.loop_unroll_factor = 8 : i64, sc.parallel_access}
    %dma_start3A_1616 = arith.constant 0 : i32
    %dma_start3A_1617 = tpu.memref_slice %arg5[%add3A_1491, %dma_start3A_1616] : memref<416x16384xf32, #tpu.memory_space<hbm>> -> memref<1x16384xf32, #tpu.memory_space<hbm>>
    %dma_start3A_1618 = tpu.memref_squeeze %dma_start3A_1617 : memref<1x16384xf32, #tpu.memory_space<hbm>> -> memref<16384xf32, #tpu.memory_space<hbm>>
    %dma_start3A_1619 = arith.constant 0 : i32
    %dma_start3A_1620 = tpu.memref_slice %arg5[%add3A_1491, %dma_start3A_1619] : memref<416x16384xf32, #tpu.memory_space<hbm>> -> memref<1x16384xf32, #tpu.memory_space<hbm>>
    %dma_start3A_1621 = tpu.memref_squeeze %dma_start3A_1620 : memref<1x16384xf32, #tpu.memory_space<hbm>> -> memref<16384xf32, #tpu.memory_space<hbm>>
    tpu.enqueue_dma source(%arg8 : memref<16384xf32, #tpu.memory_space<vmem>>) target(%dma_start3A_1621 : memref<16384xf32, #tpu.memory_space<hbm>>) target_semaphore(%arg11 : memref<!tpu.dma_semaphore, #tpu.memory_space<semaphore_mem>>)
    %mul3A_1622 = arith.constant 13 : i32
    %mul3A_1623 = arith.muli %add3A, %mul3A_1622 : i32
    %add3A_1624 = arith.constant 9 : i32
    %add3A_1625 = arith.addi %mul3A_1623, %add3A_1624 : i32
    %jit3A_1626 = arith.constant 16 : i32
    %div3A_1627 = arith.divsi %add3A_1625, %jit3A_1626 : i32
    %sign3A_1628 = arith.constant 0 : i32
    %sign3A_1629 = arith.cmpi sgt, %add3A_1625, %sign3A_1628 : i32
    %sign3A_1630 = arith.extui %sign3A_1629 : i1 to i32
    %sign3A_1631 = arith.constant 0 : i32
    %sign3A_1632 = arith.cmpi slt, %add3A_1625, %sign3A_1631 : i32
    %sign3A_1633 = arith.extui %sign3A_1632 : i1 to i32
    %sign3A_1634 = arith.subi %sign3A_1630, %sign3A_1633 : i32
    %sign3A_1635 = arith.constant 0 : i32
    %sign3A_1636 = arith.cmpi sgt, %jit3A_1626, %sign3A_1635 : i32
    %sign3A_1637 = arith.extui %sign3A_1636 : i1 to i32
    %sign3A_1638 = arith.constant 0 : i32
    %sign3A_1639 = arith.cmpi slt, %jit3A_1626, %sign3A_1638 : i32
    %sign3A_1640 = arith.extui %sign3A_1639 : i1 to i32
    %sign3A_1641 = arith.subi %sign3A_1637, %sign3A_1640 : i32
    %ne3A_1642 = arith.cmpi ne, %sign3A_1634, %sign3A_1641 : i32
    %rem3A_1643 = arith.remsi %add3A_1625, %jit3A_1626 : i32
    %ne3A_1644 = arith.constant 0 : i32
    %ne3A_1645 = arith.cmpi ne, %rem3A_1643, %ne3A_1644 : i32
    %and3A_1646 = arith.andi %ne3A_1642, %ne3A_1645 : i1
    %sub3A_1647 = arith.constant 1 : i32
    %sub3A_1648 = arith.subi %div3A_1627, %sub3A_1647 : i32
    %select_n3A_1649 = arith.select %and3A_1646, %sub3A_1648, %div3A_1627 : i32
    %jit3A_1650 = arith.constant 16 : i32
    %eq3A_1651 = arith.constant 0 : i32
    %eq3A_1652 = arith.cmpi eq, %jit3A_1650, %eq3A_1651 : i32
    %jit3A_1653 = arith.constant 1 : i32
    %select_n3A_1654 = arith.select %eq3A_1652, %jit3A_1653, %jit3A_1650 : i32
    %rem3A_1655 = arith.remsi %add3A_1625, %select_n3A_1654 : i32
    %ne3A_1656 = arith.constant 0 : i32
    %ne3A_1657 = arith.cmpi ne, %rem3A_1655, %ne3A_1656 : i32
    %lt3A_1658 = arith.constant 0 : i32
    %lt3A_1659 = arith.cmpi slt, %rem3A_1655, %lt3A_1658 : i32
    %lt3A_1660 = arith.constant 0 : i32
    %lt3A_1661 = arith.cmpi slt, %select_n3A_1654, %lt3A_1660 : i32
    %ne3A_1662 = arith.xori %lt3A_1659, %lt3A_1661 : i1
    %and3A_1663 = arith.andi %ne3A_1662, %ne3A_1657 : i1
    %add3A_1664 = arith.addi %rem3A_1655, %select_n3A_1654 : i32
    %select_n3A_1665 = arith.select %and3A_1663, %add3A_1664, %rem3A_1655 : i32
    %dma_start3A_1666 = arith.constant 0 : i32
    %dma_start3A_1667 = tpu.memref_slice %arg6[%dma_start3A_1666] : memref<100000xf32, #tpu.memory_space<vmem>> -> memref<99968xf32, #tpu.memory_space<vmem>>
    %dma_start3A_1668 = arith.constant 0 : i32
    %dma_start3A_1669 = tpu.memref_slice %arg3[%select_n3A_1649, %select_n3A_1665, %dma_start3A_1668] : memref<26x16x100000xf32, #tpu.memory_space<hbm>> -> memref<1x1x99968xf32, #tpu.memory_space<hbm>>
    %dma_start3A_1670 = tpu.memref_squeeze %dma_start3A_1669 : memref<1x1x99968xf32, #tpu.memory_space<hbm>> -> memref<99968xf32, #tpu.memory_space<hbm>>
    %dma_start3A_1671 = arith.constant 0 : i32
    %dma_start3A_1672 = tpu.memref_slice %arg6[%dma_start3A_1671] : memref<100000xf32, #tpu.memory_space<vmem>> -> memref<99968xf32, #tpu.memory_space<vmem>>
    %dma_start3A_1673 = arith.constant 0 : i32
    %dma_start3A_1674 = tpu.memref_slice %arg3[%select_n3A_1649, %select_n3A_1665, %dma_start3A_1673] : memref<26x16x100000xf32, #tpu.memory_space<hbm>> -> memref<1x1x99968xf32, #tpu.memory_space<hbm>>
    %dma_start3A_1675 = tpu.memref_squeeze %dma_start3A_1674 : memref<1x1x99968xf32, #tpu.memory_space<hbm>> -> memref<99968xf32, #tpu.memory_space<hbm>>
    tpu.enqueue_dma source(%dma_start3A_1675 : memref<99968xf32, #tpu.memory_space<hbm>>) target(%dma_start3A_1672 : memref<99968xf32, #tpu.memory_space<vmem>>) target_semaphore(%arg10 : memref<!tpu.dma_semaphore, #tpu.memory_space<semaphore_mem>>)
    %mul3A_1676 = arith.constant 13 : i32
    %mul3A_1677 = arith.muli %add3A, %mul3A_1676 : i32
    %add3A_1678 = arith.constant 9 : i32
    %add3A_1679 = arith.addi %mul3A_1677, %add3A_1678 : i32
    %jit3A_1680 = arith.constant 16 : i32
    %div3A_1681 = arith.divsi %add3A_1679, %jit3A_1680 : i32
    %sign3A_1682 = arith.constant 0 : i32
    %sign3A_1683 = arith.cmpi sgt, %add3A_1679, %sign3A_1682 : i32
    %sign3A_1684 = arith.extui %sign3A_1683 : i1 to i32
    %sign3A_1685 = arith.constant 0 : i32
    %sign3A_1686 = arith.cmpi slt, %add3A_1679, %sign3A_1685 : i32
    %sign3A_1687 = arith.extui %sign3A_1686 : i1 to i32
    %sign3A_1688 = arith.subi %sign3A_1684, %sign3A_1687 : i32
    %sign3A_1689 = arith.constant 0 : i32
    %sign3A_1690 = arith.cmpi sgt, %jit3A_1680, %sign3A_1689 : i32
    %sign3A_1691 = arith.extui %sign3A_1690 : i1 to i32
    %sign3A_1692 = arith.constant 0 : i32
    %sign3A_1693 = arith.cmpi slt, %jit3A_1680, %sign3A_1692 : i32
    %sign3A_1694 = arith.extui %sign3A_1693 : i1 to i32
    %sign3A_1695 = arith.subi %sign3A_1691, %sign3A_1694 : i32
    %ne3A_1696 = arith.cmpi ne, %sign3A_1688, %sign3A_1695 : i32
    %rem3A_1697 = arith.remsi %add3A_1679, %jit3A_1680 : i32
    %ne3A_1698 = arith.constant 0 : i32
    %ne3A_1699 = arith.cmpi ne, %rem3A_1697, %ne3A_1698 : i32
    %and3A_1700 = arith.andi %ne3A_1696, %ne3A_1699 : i1
    %sub3A_1701 = arith.constant 1 : i32
    %sub3A_1702 = arith.subi %div3A_1681, %sub3A_1701 : i32
    %select_n3A_1703 = arith.select %and3A_1700, %sub3A_1702, %div3A_1681 : i32
    %jit3A_1704 = arith.constant 16 : i32
    %eq3A_1705 = arith.constant 0 : i32
    %eq3A_1706 = arith.cmpi eq, %jit3A_1704, %eq3A_1705 : i32
    %jit3A_1707 = arith.constant 1 : i32
    %select_n3A_1708 = arith.select %eq3A_1706, %jit3A_1707, %jit3A_1704 : i32
    %rem3A_1709 = arith.remsi %add3A_1679, %select_n3A_1708 : i32
    %ne3A_1710 = arith.constant 0 : i32
    %ne3A_1711 = arith.cmpi ne, %rem3A_1709, %ne3A_1710 : i32
    %lt3A_1712 = arith.constant 0 : i32
    %lt3A_1713 = arith.cmpi slt, %rem3A_1709, %lt3A_1712 : i32
    %lt3A_1714 = arith.constant 0 : i32
    %lt3A_1715 = arith.cmpi slt, %select_n3A_1708, %lt3A_1714 : i32
    %ne3A_1716 = arith.xori %lt3A_1713, %lt3A_1715 : i1
    %and3A_1717 = arith.andi %ne3A_1716, %ne3A_1711 : i1
    %add3A_1718 = arith.addi %rem3A_1709, %select_n3A_1708 : i32
    %select_n3A_1719 = arith.select %and3A_1717, %add3A_1718, %rem3A_1709 : i32
    %mul3A_1720 = arith.constant 13 : i32
    %mul3A_1721 = arith.muli %add3A, %mul3A_1720 : i32
    %add3A_1722 = arith.constant 8 : i32
    %add3A_1723 = arith.addi %mul3A_1721, %add3A_1722 : i32
    %jit3A_1724 = arith.constant 16 : i32
    %div3A_1725 = arith.divsi %add3A_1723, %jit3A_1724 : i32
    %sign3A_1726 = arith.constant 0 : i32
    %sign3A_1727 = arith.cmpi sgt, %add3A_1723, %sign3A_1726 : i32
    %sign3A_1728 = arith.extui %sign3A_1727 : i1 to i32
    %sign3A_1729 = arith.constant 0 : i32
    %sign3A_1730 = arith.cmpi slt, %add3A_1723, %sign3A_1729 : i32
    %sign3A_1731 = arith.extui %sign3A_1730 : i1 to i32
    %sign3A_1732 = arith.subi %sign3A_1728, %sign3A_1731 : i32
    %sign3A_1733 = arith.constant 0 : i32
    %sign3A_1734 = arith.cmpi sgt, %jit3A_1724, %sign3A_1733 : i32
    %sign3A_1735 = arith.extui %sign3A_1734 : i1 to i32
    %sign3A_1736 = arith.constant 0 : i32
    %sign3A_1737 = arith.cmpi slt, %jit3A_1724, %sign3A_1736 : i32
    %sign3A_1738 = arith.extui %sign3A_1737 : i1 to i32
    %sign3A_1739 = arith.subi %sign3A_1735, %sign3A_1738 : i32
    %ne3A_1740 = arith.cmpi ne, %sign3A_1732, %sign3A_1739 : i32
    %rem3A_1741 = arith.remsi %add3A_1723, %jit3A_1724 : i32
    %ne3A_1742 = arith.constant 0 : i32
    %ne3A_1743 = arith.cmpi ne, %rem3A_1741, %ne3A_1742 : i32
    %and3A_1744 = arith.andi %ne3A_1740, %ne3A_1743 : i1
    %sub3A_1745 = arith.constant 1 : i32
    %sub3A_1746 = arith.subi %div3A_1725, %sub3A_1745 : i32
    %select_n3A_1747 = arith.select %and3A_1744, %sub3A_1746, %div3A_1725 : i32
    %jit3A_1748 = arith.constant 16 : i32
    %eq3A_1749 = arith.constant 0 : i32
    %eq3A_1750 = arith.cmpi eq, %jit3A_1748, %eq3A_1749 : i32
    %jit3A_1751 = arith.constant 1 : i32
    %select_n3A_1752 = arith.select %eq3A_1750, %jit3A_1751, %jit3A_1748 : i32
    %rem3A_1753 = arith.remsi %add3A_1723, %select_n3A_1752 : i32
    %ne3A_1754 = arith.constant 0 : i32
    %ne3A_1755 = arith.cmpi ne, %rem3A_1753, %ne3A_1754 : i32
    %lt3A_1756 = arith.constant 0 : i32
    %lt3A_1757 = arith.cmpi slt, %rem3A_1753, %lt3A_1756 : i32
    %lt3A_1758 = arith.constant 0 : i32
    %lt3A_1759 = arith.cmpi slt, %select_n3A_1752, %lt3A_1758 : i32
    %ne3A_1760 = arith.xori %lt3A_1757, %lt3A_1759 : i1
    %and3A_1761 = arith.andi %ne3A_1760, %ne3A_1755 : i1
    %add3A_1762 = arith.addi %rem3A_1753, %select_n3A_1752 : i32
    %select_n3A_1763 = arith.select %and3A_1761, %add3A_1762, %rem3A_1753 : i32
    %ne3A_1764 = arith.cmpi ne, %select_n3A_1703, %select_n3A_1747 : i32
    %convert_element_type3A_1765 = arith.extui %ne3A_1764 : i1 to i32
    %cond3A_1766 = arith.constant 0 : i32
    %cond3A_1767 = arith.cmpi ne, %convert_element_type3A_1765, %cond3A_1766 : i32
    scf.if %cond3A_1767 {
      "tpu.region"() ({
        %run_scoped3A = tpu.sem_alloc : memref<!tpu.dma_semaphore, #tpu.memory_space<semaphore_mem>>
        %dma_start3A_2380 = arith.constant 0 : i32
        %dma_start3A_2381 = tpu.memref_slice %arg4[%select_n3A_1703, %dma_start3A_2380] : memref<26x512xf32, #tpu.memory_space<hbm>> -> memref<1x512xf32, #tpu.memory_space<hbm>>
        %dma_start3A_2382 = tpu.memref_squeeze %dma_start3A_2381 : memref<1x512xf32, #tpu.memory_space<hbm>> -> memref<512xf32, #tpu.memory_space<hbm>>
        %dma_start3A_2383 = arith.constant 0 : i32
        %dma_start3A_2384 = tpu.memref_slice %arg4[%select_n3A_1703, %dma_start3A_2383] : memref<26x512xf32, #tpu.memory_space<hbm>> -> memref<1x512xf32, #tpu.memory_space<hbm>>
        %dma_start3A_2385 = tpu.memref_squeeze %dma_start3A_2384 : memref<1x512xf32, #tpu.memory_space<hbm>> -> memref<512xf32, #tpu.memory_space<hbm>>
        tpu.enqueue_dma source(%dma_start3A_2385 : memref<512xf32, #tpu.memory_space<hbm>>) target(%arg9 : memref<512xf32, #tpu.memory_space<vmem>>) target_semaphore(%run_scoped3A : memref<!tpu.dma_semaphore, #tpu.memory_space<semaphore_mem>>)
        %dma_wait3A_2386 = arith.constant 0 : i32
        %dma_wait3A_2387 = tpu.memref_slice %arg4[%select_n3A_1703, %dma_wait3A_2386] : memref<26x512xf32, #tpu.memory_space<hbm>> -> memref<1x512xf32, #tpu.memory_space<hbm>>
        %dma_wait3A_2388 = tpu.memref_squeeze %dma_wait3A_2387 : memref<1x512xf32, #tpu.memory_space<hbm>> -> memref<512xf32, #tpu.memory_space<hbm>>
        %dma_wait3A_2389 = arith.constant 0 : i32
        %dma_wait3A_2390 = tpu.memref_slice %arg4[%select_n3A_1703, %dma_wait3A_2389] : memref<26x512xf32, #tpu.memory_space<hbm>> -> memref<1x512xf32, #tpu.memory_space<hbm>>
        %dma_wait3A_2391 = tpu.memref_squeeze %dma_wait3A_2390 : memref<1x512xf32, #tpu.memory_space<hbm>> -> memref<512xf32, #tpu.memory_space<hbm>>
        tpu.wait_dma2 semaphore(%run_scoped3A : memref<!tpu.dma_semaphore, #tpu.memory_space<semaphore_mem>>) src(%dma_wait3A_2391 : memref<512xf32, #tpu.memory_space<hbm>>) dst(%arg9 : memref<512xf32, #tpu.memory_space<vmem>>)
        tpu.yield
      }) : () -> ()
      "tpu.region"() ({
        %run_scoped3A = tpu.sem_alloc : memref<!tpu.dma_semaphore, #tpu.memory_space<semaphore_mem>>
        %dma_start3A_2380 = arith.constant 8192 : i32
        %dma_start3A_2381 = tpu.memref_slice %arg2[%select_n3A_1703, %dma_start3A_2380] : memref<26x16384xi32, #tpu.memory_space<hbm>> -> memref<1x8192xi32, #tpu.memory_space<hbm>>
        %dma_start3A_2382 = tpu.memref_squeeze %dma_start3A_2381 : memref<1x8192xi32, #tpu.memory_space<hbm>> -> memref<8192xi32, #tpu.memory_space<hbm>>
        %dma_start3A_2383 = arith.constant 8192 : i32
        %dma_start3A_2384 = tpu.memref_slice %arg2[%select_n3A_1703, %dma_start3A_2383] : memref<26x16384xi32, #tpu.memory_space<hbm>> -> memref<1x8192xi32, #tpu.memory_space<hbm>>
        %dma_start3A_2385 = tpu.memref_squeeze %dma_start3A_2384 : memref<1x8192xi32, #tpu.memory_space<hbm>> -> memref<8192xi32, #tpu.memory_space<hbm>>
        tpu.enqueue_dma source(%dma_start3A_2385 : memref<8192xi32, #tpu.memory_space<hbm>>) target(%arg7 : memref<8192xi32, #tpu.memory_space<vmem>>) target_semaphore(%run_scoped3A : memref<!tpu.dma_semaphore, #tpu.memory_space<semaphore_mem>>)
        %dma_wait3A_2386 = arith.constant 8192 : i32
        %dma_wait3A_2387 = tpu.memref_slice %arg2[%select_n3A_1703, %dma_wait3A_2386] : memref<26x16384xi32, #tpu.memory_space<hbm>> -> memref<1x8192xi32, #tpu.memory_space<hbm>>
        %dma_wait3A_2388 = tpu.memref_squeeze %dma_wait3A_2387 : memref<1x8192xi32, #tpu.memory_space<hbm>> -> memref<8192xi32, #tpu.memory_space<hbm>>
        %dma_wait3A_2389 = arith.constant 8192 : i32
        %dma_wait3A_2390 = tpu.memref_slice %arg2[%select_n3A_1703, %dma_wait3A_2389] : memref<26x16384xi32, #tpu.memory_space<hbm>> -> memref<1x8192xi32, #tpu.memory_space<hbm>>
        %dma_wait3A_2391 = tpu.memref_squeeze %dma_wait3A_2390 : memref<1x8192xi32, #tpu.memory_space<hbm>> -> memref<8192xi32, #tpu.memory_space<hbm>>
        tpu.wait_dma2 semaphore(%run_scoped3A : memref<!tpu.dma_semaphore, #tpu.memory_space<semaphore_mem>>) src(%dma_wait3A_2391 : memref<8192xi32, #tpu.memory_space<hbm>>) dst(%arg7 : memref<8192xi32, #tpu.memory_space<vmem>>)
        tpu.yield
      }) : () -> ()
    } else {
    }
    %mul3A_1768 = arith.constant 32 : i32
    %mul3A_1769 = arith.muli %select_n3A_1719, %mul3A_1768 : i32
    %get3A_1770 = arith.index_cast %mul3A_1769 : i32 to index
    %get3A_1771 = tpu.vector_load %arg9[%get3A_1770] {strides = array<i32>} : memref<512xf32, #tpu.memory_space<vmem>>, vector<16xf32>,
    %swap3A_1772 = arith.constant 99968 : index
    %swap3A_1773 = tpu.vector_load %arg6[%swap3A_1772] {strides = array<i32>} : memref<100000xf32, #tpu.memory_space<vmem>>, vector<16xf32>,
    tpu.vector_store %arg6[%swap3A_1772], %get3A_1771 {strides = array<i32>} : memref<100000xf32, #tpu.memory_space<vmem>>, vector<16xf32>,
    %mul3A_1774 = arith.constant 32 : i32
    %mul3A_1775 = arith.muli %select_n3A_1719, %mul3A_1774 : i32
    %add3A_1776 = arith.constant 16 : i32
    %add3A_1777 = arith.addi %mul3A_1775, %add3A_1776 : i32
    %get3A_1778 = arith.index_cast %add3A_1777 : i32 to index
    %get3A_1779 = tpu.vector_load %arg9[%get3A_1778] {strides = array<i32>} : memref<512xf32, #tpu.memory_space<vmem>>, vector<16xf32>,
    %swap3A_1780 = arith.constant 99984 : index
    %swap3A_1781 = tpu.vector_load %arg6[%swap3A_1780] {strides = array<i32>} : memref<100000xf32, #tpu.memory_space<vmem>>, vector<16xf32>,
    tpu.vector_store %arg6[%swap3A_1780], %get3A_1779 {strides = array<i32>} : memref<100000xf32, #tpu.memory_space<vmem>>, vector<16xf32>,
    %dma_wait3A_1782 = arith.constant 0 : i32
    %dma_wait3A_1783 = tpu.memref_slice %arg6[%dma_wait3A_1782] : memref<100000xf32, #tpu.memory_space<vmem>> -> memref<99968xf32, #tpu.memory_space<vmem>>
    %dma_wait3A_1784 = arith.constant 0 : i32
    %dma_wait3A_1785 = tpu.memref_slice %arg3[%select_n3A_1649, %select_n3A_1665, %dma_wait3A_1784] : memref<26x16x100000xf32, #tpu.memory_space<hbm>> -> memref<1x1x99968xf32, #tpu.memory_space<hbm>>
    %dma_wait3A_1786 = tpu.memref_squeeze %dma_wait3A_1785 : memref<1x1x99968xf32, #tpu.memory_space<hbm>> -> memref<99968xf32, #tpu.memory_space<hbm>>
    %dma_wait3A_1787 = arith.constant 0 : i32
    %dma_wait3A_1788 = tpu.memref_slice %arg6[%dma_wait3A_1787] : memref<100000xf32, #tpu.memory_space<vmem>> -> memref<99968xf32, #tpu.memory_space<vmem>>
    %dma_wait3A_1789 = arith.constant 0 : i32
    %dma_wait3A_1790 = tpu.memref_slice %arg3[%select_n3A_1649, %select_n3A_1665, %dma_wait3A_1789] : memref<26x16x100000xf32, #tpu.memory_space<hbm>> -> memref<1x1x99968xf32, #tpu.memory_space<hbm>>
    %dma_wait3A_1791 = tpu.memref_squeeze %dma_wait3A_1790 : memref<1x1x99968xf32, #tpu.memory_space<hbm>> -> memref<99968xf32, #tpu.memory_space<hbm>>
    tpu.wait_dma2 semaphore(%arg10 : memref<!tpu.dma_semaphore, #tpu.memory_space<semaphore_mem>>) src(%dma_wait3A_1791 : memref<99968xf32, #tpu.memory_space<hbm>>) dst(%dma_wait3A_1788 : memref<99968xf32, #tpu.memory_space<vmem>>)
    %dma_wait3A_1792 = arith.constant 0 : i32
    %dma_wait3A_1793 = tpu.memref_slice %arg5[%add3A_1491, %dma_wait3A_1792] : memref<416x16384xf32, #tpu.memory_space<hbm>> -> memref<1x16384xf32, #tpu.memory_space<hbm>>
    %dma_wait3A_1794 = tpu.memref_squeeze %dma_wait3A_1793 : memref<1x16384xf32, #tpu.memory_space<hbm>> -> memref<16384xf32, #tpu.memory_space<hbm>>
    %dma_wait3A_1795 = arith.constant 0 : i32
    %dma_wait3A_1796 = tpu.memref_slice %arg5[%add3A_1491, %dma_wait3A_1795] : memref<416x16384xf32, #tpu.memory_space<hbm>> -> memref<1x16384xf32, #tpu.memory_space<hbm>>
    %dma_wait3A_1797 = tpu.memref_squeeze %dma_wait3A_1796 : memref<1x16384xf32, #tpu.memory_space<hbm>> -> memref<16384xf32, #tpu.memory_space<hbm>>
    tpu.wait_dma2 semaphore(%arg11 : memref<!tpu.dma_semaphore, #tpu.memory_space<semaphore_mem>>) src(%arg8 : memref<16384xf32, #tpu.memory_space<vmem>>) dst(%dma_wait3A_1797 : memref<16384xf32, #tpu.memory_space<hbm>>)
    %parallel_loop3A_1798 = arith.constant 0 : i32
    %parallel_loop3A_1799 = arith.constant 8192 : i32
    %parallel_loop3A_1800 = arith.constant 16 : i32
    scf.for %parallel_loop3A_2380 = %parallel_loop3A_1798 to %parallel_loop3A_1799 step %parallel_loop3A_1800  : i32 {
      %parallel_loop3A_2381 = arith.index_cast %parallel_loop3A_2380 : i32 to index
      %parallel_loop3A_2382 = tpu.vector_load %arg7[%parallel_loop3A_2381] {strides = array<i32>} : memref<8192xi32, #tpu.memory_space<vmem>>, vector<16xi32>,
      %parallel_loop3A_2383 = tpu.vector_load_idx %arg6[%parallel_loop3A_2382] : memref<100000xf32, #tpu.memory_space<vmem>>[vector<16xi32>], vector<16xf32>,
      %parallel_loop3A_2384 = arith.constant 8192 : i32
      %parallel_loop3A_2385 = arith.addi %parallel_loop3A_2384, %parallel_loop3A_2380 : i32
      %parallel_loop3A_2386 = arith.index_cast %parallel_loop3A_2385 : i32 to index
      %parallel_loop3A_2387 = tpu.vector_load %arg8[%parallel_loop3A_2386] {strides = array<i32>} : memref<16384xf32, #tpu.memory_space<vmem>>, vector<16xf32>,
      tpu.vector_store %arg8[%parallel_loop3A_2386], %parallel_loop3A_2383 {strides = array<i32>} : memref<16384xf32, #tpu.memory_space<vmem>>, vector<16xf32>,
    } {sc.loop_unroll_factor = 8 : i64, sc.parallel_access}
    "tpu.region"() ({
      %run_scoped3A = tpu.sem_alloc : memref<!tpu.dma_semaphore, #tpu.memory_space<semaphore_mem>>
      %dma_start3A_2380 = arith.constant 0 : i32
      %dma_start3A_2381 = tpu.memref_slice %arg2[%select_n3A_1703, %dma_start3A_2380] : memref<26x16384xi32, #tpu.memory_space<hbm>> -> memref<1x8192xi32, #tpu.memory_space<hbm>>
      %dma_start3A_2382 = tpu.memref_squeeze %dma_start3A_2381 : memref<1x8192xi32, #tpu.memory_space<hbm>> -> memref<8192xi32, #tpu.memory_space<hbm>>
      %dma_start3A_2383 = arith.constant 0 : i32
      %dma_start3A_2384 = tpu.memref_slice %arg2[%select_n3A_1703, %dma_start3A_2383] : memref<26x16384xi32, #tpu.memory_space<hbm>> -> memref<1x8192xi32, #tpu.memory_space<hbm>>
      %dma_start3A_2385 = tpu.memref_squeeze %dma_start3A_2384 : memref<1x8192xi32, #tpu.memory_space<hbm>> -> memref<8192xi32, #tpu.memory_space<hbm>>
      tpu.enqueue_dma source(%dma_start3A_2385 : memref<8192xi32, #tpu.memory_space<hbm>>) target(%arg7 : memref<8192xi32, #tpu.memory_space<vmem>>) target_semaphore(%run_scoped3A : memref<!tpu.dma_semaphore, #tpu.memory_space<semaphore_mem>>)
      %dma_wait3A_2386 = arith.constant 0 : i32
      %dma_wait3A_2387 = tpu.memref_slice %arg2[%select_n3A_1703, %dma_wait3A_2386] : memref<26x16384xi32, #tpu.memory_space<hbm>> -> memref<1x8192xi32, #tpu.memory_space<hbm>>
      %dma_wait3A_2388 = tpu.memref_squeeze %dma_wait3A_2387 : memref<1x8192xi32, #tpu.memory_space<hbm>> -> memref<8192xi32, #tpu.memory_space<hbm>>
      %dma_wait3A_2389 = arith.constant 0 : i32
      %dma_wait3A_2390 = tpu.memref_slice %arg2[%select_n3A_1703, %dma_wait3A_2389] : memref<26x16384xi32, #tpu.memory_space<hbm>> -> memref<1x8192xi32, #tpu.memory_space<hbm>>
      %dma_wait3A_2391 = tpu.memref_squeeze %dma_wait3A_2390 : memref<1x8192xi32, #tpu.memory_space<hbm>> -> memref<8192xi32, #tpu.memory_space<hbm>>
      tpu.wait_dma2 semaphore(%run_scoped3A : memref<!tpu.dma_semaphore, #tpu.memory_space<semaphore_mem>>) src(%dma_wait3A_2391 : memref<8192xi32, #tpu.memory_space<hbm>>) dst(%arg7 : memref<8192xi32, #tpu.memory_space<vmem>>)
      tpu.yield
    }) : () -> ()
    %parallel_loop3A_1801 = arith.constant 0 : i32
    %parallel_loop3A_1802 = arith.constant 8192 : i32
    %parallel_loop3A_1803 = arith.constant 16 : i32
    scf.for %parallel_loop3A_2380 = %parallel_loop3A_1801 to %parallel_loop3A_1802 step %parallel_loop3A_1803  : i32 {
      %parallel_loop3A_2381 = arith.index_cast %parallel_loop3A_2380 : i32 to index
      %parallel_loop3A_2382 = tpu.vector_load %arg7[%parallel_loop3A_2381] {strides = array<i32>} : memref<8192xi32, #tpu.memory_space<vmem>>, vector<16xi32>,
      %parallel_loop3A_2383 = tpu.vector_load_idx %arg6[%parallel_loop3A_2382] : memref<100000xf32, #tpu.memory_space<vmem>>[vector<16xi32>], vector<16xf32>,
      %parallel_loop3A_2384 = arith.constant 0 : i32
      %parallel_loop3A_2385 = arith.addi %parallel_loop3A_2384, %parallel_loop3A_2380 : i32
      %parallel_loop3A_2386 = arith.index_cast %parallel_loop3A_2385 : i32 to index
      %parallel_loop3A_2387 = tpu.vector_load %arg8[%parallel_loop3A_2386] {strides = array<i32>} : memref<16384xf32, #tpu.memory_space<vmem>>, vector<16xf32>,
      tpu.vector_store %arg8[%parallel_loop3A_2386], %parallel_loop3A_2383 {strides = array<i32>} : memref<16384xf32, #tpu.memory_space<vmem>>, vector<16xf32>,
    } {sc.loop_unroll_factor = 8 : i64, sc.parallel_access}
    %dma_start3A_1804 = arith.constant 0 : i32
    %dma_start3A_1805 = tpu.memref_slice %arg5[%add3A_1679, %dma_start3A_1804] : memref<416x16384xf32, #tpu.memory_space<hbm>> -> memref<1x16384xf32, #tpu.memory_space<hbm>>
    %dma_start3A_1806 = tpu.memref_squeeze %dma_start3A_1805 : memref<1x16384xf32, #tpu.memory_space<hbm>> -> memref<16384xf32, #tpu.memory_space<hbm>>
    %dma_start3A_1807 = arith.constant 0 : i32
    %dma_start3A_1808 = tpu.memref_slice %arg5[%add3A_1679, %dma_start3A_1807] : memref<416x16384xf32, #tpu.memory_space<hbm>> -> memref<1x16384xf32, #tpu.memory_space<hbm>>
    %dma_start3A_1809 = tpu.memref_squeeze %dma_start3A_1808 : memref<1x16384xf32, #tpu.memory_space<hbm>> -> memref<16384xf32, #tpu.memory_space<hbm>>
    tpu.enqueue_dma source(%arg8 : memref<16384xf32, #tpu.memory_space<vmem>>) target(%dma_start3A_1809 : memref<16384xf32, #tpu.memory_space<hbm>>) target_semaphore(%arg11 : memref<!tpu.dma_semaphore, #tpu.memory_space<semaphore_mem>>)
    %mul3A_1810 = arith.constant 13 : i32
    %mul3A_1811 = arith.muli %add3A, %mul3A_1810 : i32
    %add3A_1812 = arith.constant 10 : i32
    %add3A_1813 = arith.addi %mul3A_1811, %add3A_1812 : i32
    %jit3A_1814 = arith.constant 16 : i32
    %div3A_1815 = arith.divsi %add3A_1813, %jit3A_1814 : i32
    %sign3A_1816 = arith.constant 0 : i32
    %sign3A_1817 = arith.cmpi sgt, %add3A_1813, %sign3A_1816 : i32
    %sign3A_1818 = arith.extui %sign3A_1817 : i1 to i32
    %sign3A_1819 = arith.constant 0 : i32
    %sign3A_1820 = arith.cmpi slt, %add3A_1813, %sign3A_1819 : i32
    %sign3A_1821 = arith.extui %sign3A_1820 : i1 to i32
    %sign3A_1822 = arith.subi %sign3A_1818, %sign3A_1821 : i32
    %sign3A_1823 = arith.constant 0 : i32
    %sign3A_1824 = arith.cmpi sgt, %jit3A_1814, %sign3A_1823 : i32
    %sign3A_1825 = arith.extui %sign3A_1824 : i1 to i32
    %sign3A_1826 = arith.constant 0 : i32
    %sign3A_1827 = arith.cmpi slt, %jit3A_1814, %sign3A_1826 : i32
    %sign3A_1828 = arith.extui %sign3A_1827 : i1 to i32
    %sign3A_1829 = arith.subi %sign3A_1825, %sign3A_1828 : i32
    %ne3A_1830 = arith.cmpi ne, %sign3A_1822, %sign3A_1829 : i32
    %rem3A_1831 = arith.remsi %add3A_1813, %jit3A_1814 : i32
    %ne3A_1832 = arith.constant 0 : i32
    %ne3A_1833 = arith.cmpi ne, %rem3A_1831, %ne3A_1832 : i32
    %and3A_1834 = arith.andi %ne3A_1830, %ne3A_1833 : i1
    %sub3A_1835 = arith.constant 1 : i32
    %sub3A_1836 = arith.subi %div3A_1815, %sub3A_1835 : i32
    %select_n3A_1837 = arith.select %and3A_1834, %sub3A_1836, %div3A_1815 : i32
    %jit3A_1838 = arith.constant 16 : i32
    %eq3A_1839 = arith.constant 0 : i32
    %eq3A_1840 = arith.cmpi eq, %jit3A_1838, %eq3A_1839 : i32
    %jit3A_1841 = arith.constant 1 : i32
    %select_n3A_1842 = arith.select %eq3A_1840, %jit3A_1841, %jit3A_1838 : i32
    %rem3A_1843 = arith.remsi %add3A_1813, %select_n3A_1842 : i32
    %ne3A_1844 = arith.constant 0 : i32
    %ne3A_1845 = arith.cmpi ne, %rem3A_1843, %ne3A_1844 : i32
    %lt3A_1846 = arith.constant 0 : i32
    %lt3A_1847 = arith.cmpi slt, %rem3A_1843, %lt3A_1846 : i32
    %lt3A_1848 = arith.constant 0 : i32
    %lt3A_1849 = arith.cmpi slt, %select_n3A_1842, %lt3A_1848 : i32
    %ne3A_1850 = arith.xori %lt3A_1847, %lt3A_1849 : i1
    %and3A_1851 = arith.andi %ne3A_1850, %ne3A_1845 : i1
    %add3A_1852 = arith.addi %rem3A_1843, %select_n3A_1842 : i32
    %select_n3A_1853 = arith.select %and3A_1851, %add3A_1852, %rem3A_1843 : i32
    %dma_start3A_1854 = arith.constant 0 : i32
    %dma_start3A_1855 = tpu.memref_slice %arg6[%dma_start3A_1854] : memref<100000xf32, #tpu.memory_space<vmem>> -> memref<99968xf32, #tpu.memory_space<vmem>>
    %dma_start3A_1856 = arith.constant 0 : i32
    %dma_start3A_1857 = tpu.memref_slice %arg3[%select_n3A_1837, %select_n3A_1853, %dma_start3A_1856] : memref<26x16x100000xf32, #tpu.memory_space<hbm>> -> memref<1x1x99968xf32, #tpu.memory_space<hbm>>
    %dma_start3A_1858 = tpu.memref_squeeze %dma_start3A_1857 : memref<1x1x99968xf32, #tpu.memory_space<hbm>> -> memref<99968xf32, #tpu.memory_space<hbm>>
    %dma_start3A_1859 = arith.constant 0 : i32
    %dma_start3A_1860 = tpu.memref_slice %arg6[%dma_start3A_1859] : memref<100000xf32, #tpu.memory_space<vmem>> -> memref<99968xf32, #tpu.memory_space<vmem>>
    %dma_start3A_1861 = arith.constant 0 : i32
    %dma_start3A_1862 = tpu.memref_slice %arg3[%select_n3A_1837, %select_n3A_1853, %dma_start3A_1861] : memref<26x16x100000xf32, #tpu.memory_space<hbm>> -> memref<1x1x99968xf32, #tpu.memory_space<hbm>>
    %dma_start3A_1863 = tpu.memref_squeeze %dma_start3A_1862 : memref<1x1x99968xf32, #tpu.memory_space<hbm>> -> memref<99968xf32, #tpu.memory_space<hbm>>
    tpu.enqueue_dma source(%dma_start3A_1863 : memref<99968xf32, #tpu.memory_space<hbm>>) target(%dma_start3A_1860 : memref<99968xf32, #tpu.memory_space<vmem>>) target_semaphore(%arg10 : memref<!tpu.dma_semaphore, #tpu.memory_space<semaphore_mem>>)
    %mul3A_1864 = arith.constant 13 : i32
    %mul3A_1865 = arith.muli %add3A, %mul3A_1864 : i32
    %add3A_1866 = arith.constant 10 : i32
    %add3A_1867 = arith.addi %mul3A_1865, %add3A_1866 : i32
    %jit3A_1868 = arith.constant 16 : i32
    %div3A_1869 = arith.divsi %add3A_1867, %jit3A_1868 : i32
    %sign3A_1870 = arith.constant 0 : i32
    %sign3A_1871 = arith.cmpi sgt, %add3A_1867, %sign3A_1870 : i32
    %sign3A_1872 = arith.extui %sign3A_1871 : i1 to i32
    %sign3A_1873 = arith.constant 0 : i32
    %sign3A_1874 = arith.cmpi slt, %add3A_1867, %sign3A_1873 : i32
    %sign3A_1875 = arith.extui %sign3A_1874 : i1 to i32
    %sign3A_1876 = arith.subi %sign3A_1872, %sign3A_1875 : i32
    %sign3A_1877 = arith.constant 0 : i32
    %sign3A_1878 = arith.cmpi sgt, %jit3A_1868, %sign3A_1877 : i32
    %sign3A_1879 = arith.extui %sign3A_1878 : i1 to i32
    %sign3A_1880 = arith.constant 0 : i32
    %sign3A_1881 = arith.cmpi slt, %jit3A_1868, %sign3A_1880 : i32
    %sign3A_1882 = arith.extui %sign3A_1881 : i1 to i32
    %sign3A_1883 = arith.subi %sign3A_1879, %sign3A_1882 : i32
    %ne3A_1884 = arith.cmpi ne, %sign3A_1876, %sign3A_1883 : i32
    %rem3A_1885 = arith.remsi %add3A_1867, %jit3A_1868 : i32
    %ne3A_1886 = arith.constant 0 : i32
    %ne3A_1887 = arith.cmpi ne, %rem3A_1885, %ne3A_1886 : i32
    %and3A_1888 = arith.andi %ne3A_1884, %ne3A_1887 : i1
    %sub3A_1889 = arith.constant 1 : i32
    %sub3A_1890 = arith.subi %div3A_1869, %sub3A_1889 : i32
    %select_n3A_1891 = arith.select %and3A_1888, %sub3A_1890, %div3A_1869 : i32
    %jit3A_1892 = arith.constant 16 : i32
    %eq3A_1893 = arith.constant 0 : i32
    %eq3A_1894 = arith.cmpi eq, %jit3A_1892, %eq3A_1893 : i32
    %jit3A_1895 = arith.constant 1 : i32
    %select_n3A_1896 = arith.select %eq3A_1894, %jit3A_1895, %jit3A_1892 : i32
    %rem3A_1897 = arith.remsi %add3A_1867, %select_n3A_1896 : i32
    %ne3A_1898 = arith.constant 0 : i32
    %ne3A_1899 = arith.cmpi ne, %rem3A_1897, %ne3A_1898 : i32
    %lt3A_1900 = arith.constant 0 : i32
    %lt3A_1901 = arith.cmpi slt, %rem3A_1897, %lt3A_1900 : i32
    %lt3A_1902 = arith.constant 0 : i32
    %lt3A_1903 = arith.cmpi slt, %select_n3A_1896, %lt3A_1902 : i32
    %ne3A_1904 = arith.xori %lt3A_1901, %lt3A_1903 : i1
    %and3A_1905 = arith.andi %ne3A_1904, %ne3A_1899 : i1
    %add3A_1906 = arith.addi %rem3A_1897, %select_n3A_1896 : i32
    %select_n3A_1907 = arith.select %and3A_1905, %add3A_1906, %rem3A_1897 : i32
    %mul3A_1908 = arith.constant 13 : i32
    %mul3A_1909 = arith.muli %add3A, %mul3A_1908 : i32
    %add3A_1910 = arith.constant 9 : i32
    %add3A_1911 = arith.addi %mul3A_1909, %add3A_1910 : i32
    %jit3A_1912 = arith.constant 16 : i32
    %div3A_1913 = arith.divsi %add3A_1911, %jit3A_1912 : i32
    %sign3A_1914 = arith.constant 0 : i32
    %sign3A_1915 = arith.cmpi sgt, %add3A_1911, %sign3A_1914 : i32
    %sign3A_1916 = arith.extui %sign3A_1915 : i1 to i32
    %sign3A_1917 = arith.constant 0 : i32
    %sign3A_1918 = arith.cmpi slt, %add3A_1911, %sign3A_1917 : i32
    %sign3A_1919 = arith.extui %sign3A_1918 : i1 to i32
    %sign3A_1920 = arith.subi %sign3A_1916, %sign3A_1919 : i32
    %sign3A_1921 = arith.constant 0 : i32
    %sign3A_1922 = arith.cmpi sgt, %jit3A_1912, %sign3A_1921 : i32
    %sign3A_1923 = arith.extui %sign3A_1922 : i1 to i32
    %sign3A_1924 = arith.constant 0 : i32
    %sign3A_1925 = arith.cmpi slt, %jit3A_1912, %sign3A_1924 : i32
    %sign3A_1926 = arith.extui %sign3A_1925 : i1 to i32
    %sign3A_1927 = arith.subi %sign3A_1923, %sign3A_1926 : i32
    %ne3A_1928 = arith.cmpi ne, %sign3A_1920, %sign3A_1927 : i32
    %rem3A_1929 = arith.remsi %add3A_1911, %jit3A_1912 : i32
    %ne3A_1930 = arith.constant 0 : i32
    %ne3A_1931 = arith.cmpi ne, %rem3A_1929, %ne3A_1930 : i32
    %and3A_1932 = arith.andi %ne3A_1928, %ne3A_1931 : i1
    %sub3A_1933 = arith.constant 1 : i32
    %sub3A_1934 = arith.subi %div3A_1913, %sub3A_1933 : i32
    %select_n3A_1935 = arith.select %and3A_1932, %sub3A_1934, %div3A_1913 : i32
    %jit3A_1936 = arith.constant 16 : i32
    %eq3A_1937 = arith.constant 0 : i32
    %eq3A_1938 = arith.cmpi eq, %jit3A_1936, %eq3A_1937 : i32
    %jit3A_1939 = arith.constant 1 : i32
    %select_n3A_1940 = arith.select %eq3A_1938, %jit3A_1939, %jit3A_1936 : i32
    %rem3A_1941 = arith.remsi %add3A_1911, %select_n3A_1940 : i32
    %ne3A_1942 = arith.constant 0 : i32
    %ne3A_1943 = arith.cmpi ne, %rem3A_1941, %ne3A_1942 : i32
    %lt3A_1944 = arith.constant 0 : i32
    %lt3A_1945 = arith.cmpi slt, %rem3A_1941, %lt3A_1944 : i32
    %lt3A_1946 = arith.constant 0 : i32
    %lt3A_1947 = arith.cmpi slt, %select_n3A_1940, %lt3A_1946 : i32
    %ne3A_1948 = arith.xori %lt3A_1945, %lt3A_1947 : i1
    %and3A_1949 = arith.andi %ne3A_1948, %ne3A_1943 : i1
    %add3A_1950 = arith.addi %rem3A_1941, %select_n3A_1940 : i32
    %select_n3A_1951 = arith.select %and3A_1949, %add3A_1950, %rem3A_1941 : i32
    %ne3A_1952 = arith.cmpi ne, %select_n3A_1891, %select_n3A_1935 : i32
    %convert_element_type3A_1953 = arith.extui %ne3A_1952 : i1 to i32
    %cond3A_1954 = arith.constant 0 : i32
    %cond3A_1955 = arith.cmpi ne, %convert_element_type3A_1953, %cond3A_1954 : i32
    scf.if %cond3A_1955 {
      "tpu.region"() ({
        %run_scoped3A = tpu.sem_alloc : memref<!tpu.dma_semaphore, #tpu.memory_space<semaphore_mem>>
        %dma_start3A_2380 = arith.constant 0 : i32
        %dma_start3A_2381 = tpu.memref_slice %arg4[%select_n3A_1891, %dma_start3A_2380] : memref<26x512xf32, #tpu.memory_space<hbm>> -> memref<1x512xf32, #tpu.memory_space<hbm>>
        %dma_start3A_2382 = tpu.memref_squeeze %dma_start3A_2381 : memref<1x512xf32, #tpu.memory_space<hbm>> -> memref<512xf32, #tpu.memory_space<hbm>>
        %dma_start3A_2383 = arith.constant 0 : i32
        %dma_start3A_2384 = tpu.memref_slice %arg4[%select_n3A_1891, %dma_start3A_2383] : memref<26x512xf32, #tpu.memory_space<hbm>> -> memref<1x512xf32, #tpu.memory_space<hbm>>
        %dma_start3A_2385 = tpu.memref_squeeze %dma_start3A_2384 : memref<1x512xf32, #tpu.memory_space<hbm>> -> memref<512xf32, #tpu.memory_space<hbm>>
        tpu.enqueue_dma source(%dma_start3A_2385 : memref<512xf32, #tpu.memory_space<hbm>>) target(%arg9 : memref<512xf32, #tpu.memory_space<vmem>>) target_semaphore(%run_scoped3A : memref<!tpu.dma_semaphore, #tpu.memory_space<semaphore_mem>>)
        %dma_wait3A_2386 = arith.constant 0 : i32
        %dma_wait3A_2387 = tpu.memref_slice %arg4[%select_n3A_1891, %dma_wait3A_2386] : memref<26x512xf32, #tpu.memory_space<hbm>> -> memref<1x512xf32, #tpu.memory_space<hbm>>
        %dma_wait3A_2388 = tpu.memref_squeeze %dma_wait3A_2387 : memref<1x512xf32, #tpu.memory_space<hbm>> -> memref<512xf32, #tpu.memory_space<hbm>>
        %dma_wait3A_2389 = arith.constant 0 : i32
        %dma_wait3A_2390 = tpu.memref_slice %arg4[%select_n3A_1891, %dma_wait3A_2389] : memref<26x512xf32, #tpu.memory_space<hbm>> -> memref<1x512xf32, #tpu.memory_space<hbm>>
        %dma_wait3A_2391 = tpu.memref_squeeze %dma_wait3A_2390 : memref<1x512xf32, #tpu.memory_space<hbm>> -> memref<512xf32, #tpu.memory_space<hbm>>
        tpu.wait_dma2 semaphore(%run_scoped3A : memref<!tpu.dma_semaphore, #tpu.memory_space<semaphore_mem>>) src(%dma_wait3A_2391 : memref<512xf32, #tpu.memory_space<hbm>>) dst(%arg9 : memref<512xf32, #tpu.memory_space<vmem>>)
        tpu.yield
      }) : () -> ()
      "tpu.region"() ({
        %run_scoped3A = tpu.sem_alloc : memref<!tpu.dma_semaphore, #tpu.memory_space<semaphore_mem>>
        %dma_start3A_2380 = arith.constant 0 : i32
        %dma_start3A_2381 = tpu.memref_slice %arg2[%select_n3A_1891, %dma_start3A_2380] : memref<26x16384xi32, #tpu.memory_space<hbm>> -> memref<1x8192xi32, #tpu.memory_space<hbm>>
        %dma_start3A_2382 = tpu.memref_squeeze %dma_start3A_2381 : memref<1x8192xi32, #tpu.memory_space<hbm>> -> memref<8192xi32, #tpu.memory_space<hbm>>
        %dma_start3A_2383 = arith.constant 0 : i32
        %dma_start3A_2384 = tpu.memref_slice %arg2[%select_n3A_1891, %dma_start3A_2383] : memref<26x16384xi32, #tpu.memory_space<hbm>> -> memref<1x8192xi32, #tpu.memory_space<hbm>>
        %dma_start3A_2385 = tpu.memref_squeeze %dma_start3A_2384 : memref<1x8192xi32, #tpu.memory_space<hbm>> -> memref<8192xi32, #tpu.memory_space<hbm>>
        tpu.enqueue_dma source(%dma_start3A_2385 : memref<8192xi32, #tpu.memory_space<hbm>>) target(%arg7 : memref<8192xi32, #tpu.memory_space<vmem>>) target_semaphore(%run_scoped3A : memref<!tpu.dma_semaphore, #tpu.memory_space<semaphore_mem>>)
        %dma_wait3A_2386 = arith.constant 0 : i32
        %dma_wait3A_2387 = tpu.memref_slice %arg2[%select_n3A_1891, %dma_wait3A_2386] : memref<26x16384xi32, #tpu.memory_space<hbm>> -> memref<1x8192xi32, #tpu.memory_space<hbm>>
        %dma_wait3A_2388 = tpu.memref_squeeze %dma_wait3A_2387 : memref<1x8192xi32, #tpu.memory_space<hbm>> -> memref<8192xi32, #tpu.memory_space<hbm>>
        %dma_wait3A_2389 = arith.constant 0 : i32
        %dma_wait3A_2390 = tpu.memref_slice %arg2[%select_n3A_1891, %dma_wait3A_2389] : memref<26x16384xi32, #tpu.memory_space<hbm>> -> memref<1x8192xi32, #tpu.memory_space<hbm>>
        %dma_wait3A_2391 = tpu.memref_squeeze %dma_wait3A_2390 : memref<1x8192xi32, #tpu.memory_space<hbm>> -> memref<8192xi32, #tpu.memory_space<hbm>>
        tpu.wait_dma2 semaphore(%run_scoped3A : memref<!tpu.dma_semaphore, #tpu.memory_space<semaphore_mem>>) src(%dma_wait3A_2391 : memref<8192xi32, #tpu.memory_space<hbm>>) dst(%arg7 : memref<8192xi32, #tpu.memory_space<vmem>>)
        tpu.yield
      }) : () -> ()
    } else {
    }
    %mul3A_1956 = arith.constant 32 : i32
    %mul3A_1957 = arith.muli %select_n3A_1907, %mul3A_1956 : i32
    %get3A_1958 = arith.index_cast %mul3A_1957 : i32 to index
    %get3A_1959 = tpu.vector_load %arg9[%get3A_1958] {strides = array<i32>} : memref<512xf32, #tpu.memory_space<vmem>>, vector<16xf32>,
    %swap3A_1960 = arith.constant 99968 : index
    %swap3A_1961 = tpu.vector_load %arg6[%swap3A_1960] {strides = array<i32>} : memref<100000xf32, #tpu.memory_space<vmem>>, vector<16xf32>,
    tpu.vector_store %arg6[%swap3A_1960], %get3A_1959 {strides = array<i32>} : memref<100000xf32, #tpu.memory_space<vmem>>, vector<16xf32>,
    %mul3A_1962 = arith.constant 32 : i32
    %mul3A_1963 = arith.muli %select_n3A_1907, %mul3A_1962 : i32
    %add3A_1964 = arith.constant 16 : i32
    %add3A_1965 = arith.addi %mul3A_1963, %add3A_1964 : i32
    %get3A_1966 = arith.index_cast %add3A_1965 : i32 to index
    %get3A_1967 = tpu.vector_load %arg9[%get3A_1966] {strides = array<i32>} : memref<512xf32, #tpu.memory_space<vmem>>, vector<16xf32>,
    %swap3A_1968 = arith.constant 99984 : index
    %swap3A_1969 = tpu.vector_load %arg6[%swap3A_1968] {strides = array<i32>} : memref<100000xf32, #tpu.memory_space<vmem>>, vector<16xf32>,
    tpu.vector_store %arg6[%swap3A_1968], %get3A_1967 {strides = array<i32>} : memref<100000xf32, #tpu.memory_space<vmem>>, vector<16xf32>,
    %dma_wait3A_1970 = arith.constant 0 : i32
    %dma_wait3A_1971 = tpu.memref_slice %arg6[%dma_wait3A_1970] : memref<100000xf32, #tpu.memory_space<vmem>> -> memref<99968xf32, #tpu.memory_space<vmem>>
    %dma_wait3A_1972 = arith.constant 0 : i32
    %dma_wait3A_1973 = tpu.memref_slice %arg3[%select_n3A_1837, %select_n3A_1853, %dma_wait3A_1972] : memref<26x16x100000xf32, #tpu.memory_space<hbm>> -> memref<1x1x99968xf32, #tpu.memory_space<hbm>>
    %dma_wait3A_1974 = tpu.memref_squeeze %dma_wait3A_1973 : memref<1x1x99968xf32, #tpu.memory_space<hbm>> -> memref<99968xf32, #tpu.memory_space<hbm>>
    %dma_wait3A_1975 = arith.constant 0 : i32
    %dma_wait3A_1976 = tpu.memref_slice %arg6[%dma_wait3A_1975] : memref<100000xf32, #tpu.memory_space<vmem>> -> memref<99968xf32, #tpu.memory_space<vmem>>
    %dma_wait3A_1977 = arith.constant 0 : i32
    %dma_wait3A_1978 = tpu.memref_slice %arg3[%select_n3A_1837, %select_n3A_1853, %dma_wait3A_1977] : memref<26x16x100000xf32, #tpu.memory_space<hbm>> -> memref<1x1x99968xf32, #tpu.memory_space<hbm>>
    %dma_wait3A_1979 = tpu.memref_squeeze %dma_wait3A_1978 : memref<1x1x99968xf32, #tpu.memory_space<hbm>> -> memref<99968xf32, #tpu.memory_space<hbm>>
    tpu.wait_dma2 semaphore(%arg10 : memref<!tpu.dma_semaphore, #tpu.memory_space<semaphore_mem>>) src(%dma_wait3A_1979 : memref<99968xf32, #tpu.memory_space<hbm>>) dst(%dma_wait3A_1976 : memref<99968xf32, #tpu.memory_space<vmem>>)
    %dma_wait3A_1980 = arith.constant 0 : i32
    %dma_wait3A_1981 = tpu.memref_slice %arg5[%add3A_1679, %dma_wait3A_1980] : memref<416x16384xf32, #tpu.memory_space<hbm>> -> memref<1x16384xf32, #tpu.memory_space<hbm>>
    %dma_wait3A_1982 = tpu.memref_squeeze %dma_wait3A_1981 : memref<1x16384xf32, #tpu.memory_space<hbm>> -> memref<16384xf32, #tpu.memory_space<hbm>>
    %dma_wait3A_1983 = arith.constant 0 : i32
    %dma_wait3A_1984 = tpu.memref_slice %arg5[%add3A_1679, %dma_wait3A_1983] : memref<416x16384xf32, #tpu.memory_space<hbm>> -> memref<1x16384xf32, #tpu.memory_space<hbm>>
    %dma_wait3A_1985 = tpu.memref_squeeze %dma_wait3A_1984 : memref<1x16384xf32, #tpu.memory_space<hbm>> -> memref<16384xf32, #tpu.memory_space<hbm>>
    tpu.wait_dma2 semaphore(%arg11 : memref<!tpu.dma_semaphore, #tpu.memory_space<semaphore_mem>>) src(%arg8 : memref<16384xf32, #tpu.memory_space<vmem>>) dst(%dma_wait3A_1985 : memref<16384xf32, #tpu.memory_space<hbm>>)
    %parallel_loop3A_1986 = arith.constant 0 : i32
    %parallel_loop3A_1987 = arith.constant 8192 : i32
    %parallel_loop3A_1988 = arith.constant 16 : i32
    scf.for %parallel_loop3A_2380 = %parallel_loop3A_1986 to %parallel_loop3A_1987 step %parallel_loop3A_1988  : i32 {
      %parallel_loop3A_2381 = arith.index_cast %parallel_loop3A_2380 : i32 to index
      %parallel_loop3A_2382 = tpu.vector_load %arg7[%parallel_loop3A_2381] {strides = array<i32>} : memref<8192xi32, #tpu.memory_space<vmem>>, vector<16xi32>,
      %parallel_loop3A_2383 = tpu.vector_load_idx %arg6[%parallel_loop3A_2382] : memref<100000xf32, #tpu.memory_space<vmem>>[vector<16xi32>], vector<16xf32>,
      %parallel_loop3A_2384 = arith.constant 0 : i32
      %parallel_loop3A_2385 = arith.addi %parallel_loop3A_2384, %parallel_loop3A_2380 : i32
      %parallel_loop3A_2386 = arith.index_cast %parallel_loop3A_2385 : i32 to index
      %parallel_loop3A_2387 = tpu.vector_load %arg8[%parallel_loop3A_2386] {strides = array<i32>} : memref<16384xf32, #tpu.memory_space<vmem>>, vector<16xf32>,
      tpu.vector_store %arg8[%parallel_loop3A_2386], %parallel_loop3A_2383 {strides = array<i32>} : memref<16384xf32, #tpu.memory_space<vmem>>, vector<16xf32>,
    } {sc.loop_unroll_factor = 8 : i64, sc.parallel_access}
    "tpu.region"() ({
      %run_scoped3A = tpu.sem_alloc : memref<!tpu.dma_semaphore, #tpu.memory_space<semaphore_mem>>
      %dma_start3A_2380 = arith.constant 8192 : i32
      %dma_start3A_2381 = tpu.memref_slice %arg2[%select_n3A_1891, %dma_start3A_2380] : memref<26x16384xi32, #tpu.memory_space<hbm>> -> memref<1x8192xi32, #tpu.memory_space<hbm>>
      %dma_start3A_2382 = tpu.memref_squeeze %dma_start3A_2381 : memref<1x8192xi32, #tpu.memory_space<hbm>> -> memref<8192xi32, #tpu.memory_space<hbm>>
      %dma_start3A_2383 = arith.constant 8192 : i32
      %dma_start3A_2384 = tpu.memref_slice %arg2[%select_n3A_1891, %dma_start3A_2383] : memref<26x16384xi32, #tpu.memory_space<hbm>> -> memref<1x8192xi32, #tpu.memory_space<hbm>>
      %dma_start3A_2385 = tpu.memref_squeeze %dma_start3A_2384 : memref<1x8192xi32, #tpu.memory_space<hbm>> -> memref<8192xi32, #tpu.memory_space<hbm>>
      tpu.enqueue_dma source(%dma_start3A_2385 : memref<8192xi32, #tpu.memory_space<hbm>>) target(%arg7 : memref<8192xi32, #tpu.memory_space<vmem>>) target_semaphore(%run_scoped3A : memref<!tpu.dma_semaphore, #tpu.memory_space<semaphore_mem>>)
      %dma_wait3A_2386 = arith.constant 8192 : i32
      %dma_wait3A_2387 = tpu.memref_slice %arg2[%select_n3A_1891, %dma_wait3A_2386] : memref<26x16384xi32, #tpu.memory_space<hbm>> -> memref<1x8192xi32, #tpu.memory_space<hbm>>
      %dma_wait3A_2388 = tpu.memref_squeeze %dma_wait3A_2387 : memref<1x8192xi32, #tpu.memory_space<hbm>> -> memref<8192xi32, #tpu.memory_space<hbm>>
      %dma_wait3A_2389 = arith.constant 8192 : i32
      %dma_wait3A_2390 = tpu.memref_slice %arg2[%select_n3A_1891, %dma_wait3A_2389] : memref<26x16384xi32, #tpu.memory_space<hbm>> -> memref<1x8192xi32, #tpu.memory_space<hbm>>
      %dma_wait3A_2391 = tpu.memref_squeeze %dma_wait3A_2390 : memref<1x8192xi32, #tpu.memory_space<hbm>> -> memref<8192xi32, #tpu.memory_space<hbm>>
      tpu.wait_dma2 semaphore(%run_scoped3A : memref<!tpu.dma_semaphore, #tpu.memory_space<semaphore_mem>>) src(%dma_wait3A_2391 : memref<8192xi32, #tpu.memory_space<hbm>>) dst(%arg7 : memref<8192xi32, #tpu.memory_space<vmem>>)
      tpu.yield
    }) : () -> ()
    %parallel_loop3A_1989 = arith.constant 0 : i32
    %parallel_loop3A_1990 = arith.constant 8192 : i32
    %parallel_loop3A_1991 = arith.constant 16 : i32
    scf.for %parallel_loop3A_2380 = %parallel_loop3A_1989 to %parallel_loop3A_1990 step %parallel_loop3A_1991  : i32 {
      %parallel_loop3A_2381 = arith.index_cast %parallel_loop3A_2380 : i32 to index
      %parallel_loop3A_2382 = tpu.vector_load %arg7[%parallel_loop3A_2381] {strides = array<i32>} : memref<8192xi32, #tpu.memory_space<vmem>>, vector<16xi32>,
      %parallel_loop3A_2383 = tpu.vector_load_idx %arg6[%parallel_loop3A_2382] : memref<100000xf32, #tpu.memory_space<vmem>>[vector<16xi32>], vector<16xf32>,
      %parallel_loop3A_2384 = arith.constant 8192 : i32
      %parallel_loop3A_2385 = arith.addi %parallel_loop3A_2384, %parallel_loop3A_2380 : i32
      %parallel_loop3A_2386 = arith.index_cast %parallel_loop3A_2385 : i32 to index
      %parallel_loop3A_2387 = tpu.vector_load %arg8[%parallel_loop3A_2386] {strides = array<i32>} : memref<16384xf32, #tpu.memory_space<vmem>>, vector<16xf32>,
      tpu.vector_store %arg8[%parallel_loop3A_2386], %parallel_loop3A_2383 {strides = array<i32>} : memref<16384xf32, #tpu.memory_space<vmem>>, vector<16xf32>,
    } {sc.loop_unroll_factor = 8 : i64, sc.parallel_access}
    %dma_start3A_1992 = arith.constant 0 : i32
    %dma_start3A_1993 = tpu.memref_slice %arg5[%add3A_1867, %dma_start3A_1992] : memref<416x16384xf32, #tpu.memory_space<hbm>> -> memref<1x16384xf32, #tpu.memory_space<hbm>>
    %dma_start3A_1994 = tpu.memref_squeeze %dma_start3A_1993 : memref<1x16384xf32, #tpu.memory_space<hbm>> -> memref<16384xf32, #tpu.memory_space<hbm>>
    %dma_start3A_1995 = arith.constant 0 : i32
    %dma_start3A_1996 = tpu.memref_slice %arg5[%add3A_1867, %dma_start3A_1995] : memref<416x16384xf32, #tpu.memory_space<hbm>> -> memref<1x16384xf32, #tpu.memory_space<hbm>>
    %dma_start3A_1997 = tpu.memref_squeeze %dma_start3A_1996 : memref<1x16384xf32, #tpu.memory_space<hbm>> -> memref<16384xf32, #tpu.memory_space<hbm>>
    tpu.enqueue_dma source(%arg8 : memref<16384xf32, #tpu.memory_space<vmem>>) target(%dma_start3A_1997 : memref<16384xf32, #tpu.memory_space<hbm>>) target_semaphore(%arg11 : memref<!tpu.dma_semaphore, #tpu.memory_space<semaphore_mem>>)
    %mul3A_1998 = arith.constant 13 : i32
    %mul3A_1999 = arith.muli %add3A, %mul3A_1998 : i32
    %add3A_2000 = arith.constant 11 : i32
    %add3A_2001 = arith.addi %mul3A_1999, %add3A_2000 : i32
    %jit3A_2002 = arith.constant 16 : i32
    %div3A_2003 = arith.divsi %add3A_2001, %jit3A_2002 : i32
    %sign3A_2004 = arith.constant 0 : i32
    %sign3A_2005 = arith.cmpi sgt, %add3A_2001, %sign3A_2004 : i32
    %sign3A_2006 = arith.extui %sign3A_2005 : i1 to i32
    %sign3A_2007 = arith.constant 0 : i32
    %sign3A_2008 = arith.cmpi slt, %add3A_2001, %sign3A_2007 : i32
    %sign3A_2009 = arith.extui %sign3A_2008 : i1 to i32
    %sign3A_2010 = arith.subi %sign3A_2006, %sign3A_2009 : i32
    %sign3A_2011 = arith.constant 0 : i32
    %sign3A_2012 = arith.cmpi sgt, %jit3A_2002, %sign3A_2011 : i32
    %sign3A_2013 = arith.extui %sign3A_2012 : i1 to i32
    %sign3A_2014 = arith.constant 0 : i32
    %sign3A_2015 = arith.cmpi slt, %jit3A_2002, %sign3A_2014 : i32
    %sign3A_2016 = arith.extui %sign3A_2015 : i1 to i32
    %sign3A_2017 = arith.subi %sign3A_2013, %sign3A_2016 : i32
    %ne3A_2018 = arith.cmpi ne, %sign3A_2010, %sign3A_2017 : i32
    %rem3A_2019 = arith.remsi %add3A_2001, %jit3A_2002 : i32
    %ne3A_2020 = arith.constant 0 : i32
    %ne3A_2021 = arith.cmpi ne, %rem3A_2019, %ne3A_2020 : i32
    %and3A_2022 = arith.andi %ne3A_2018, %ne3A_2021 : i1
    %sub3A_2023 = arith.constant 1 : i32
    %sub3A_2024 = arith.subi %div3A_2003, %sub3A_2023 : i32
    %select_n3A_2025 = arith.select %and3A_2022, %sub3A_2024, %div3A_2003 : i32
    %jit3A_2026 = arith.constant 16 : i32
    %eq3A_2027 = arith.constant 0 : i32
    %eq3A_2028 = arith.cmpi eq, %jit3A_2026, %eq3A_2027 : i32
    %jit3A_2029 = arith.constant 1 : i32
    %select_n3A_2030 = arith.select %eq3A_2028, %jit3A_2029, %jit3A_2026 : i32
    %rem3A_2031 = arith.remsi %add3A_2001, %select_n3A_2030 : i32
    %ne3A_2032 = arith.constant 0 : i32
    %ne3A_2033 = arith.cmpi ne, %rem3A_2031, %ne3A_2032 : i32
    %lt3A_2034 = arith.constant 0 : i32
    %lt3A_2035 = arith.cmpi slt, %rem3A_2031, %lt3A_2034 : i32
    %lt3A_2036 = arith.constant 0 : i32
    %lt3A_2037 = arith.cmpi slt, %select_n3A_2030, %lt3A_2036 : i32
    %ne3A_2038 = arith.xori %lt3A_2035, %lt3A_2037 : i1
    %and3A_2039 = arith.andi %ne3A_2038, %ne3A_2033 : i1
    %add3A_2040 = arith.addi %rem3A_2031, %select_n3A_2030 : i32
    %select_n3A_2041 = arith.select %and3A_2039, %add3A_2040, %rem3A_2031 : i32
    %dma_start3A_2042 = arith.constant 0 : i32
    %dma_start3A_2043 = tpu.memref_slice %arg6[%dma_start3A_2042] : memref<100000xf32, #tpu.memory_space<vmem>> -> memref<99968xf32, #tpu.memory_space<vmem>>
    %dma_start3A_2044 = arith.constant 0 : i32
    %dma_start3A_2045 = tpu.memref_slice %arg3[%select_n3A_2025, %select_n3A_2041, %dma_start3A_2044] : memref<26x16x100000xf32, #tpu.memory_space<hbm>> -> memref<1x1x99968xf32, #tpu.memory_space<hbm>>
    %dma_start3A_2046 = tpu.memref_squeeze %dma_start3A_2045 : memref<1x1x99968xf32, #tpu.memory_space<hbm>> -> memref<99968xf32, #tpu.memory_space<hbm>>
    %dma_start3A_2047 = arith.constant 0 : i32
    %dma_start3A_2048 = tpu.memref_slice %arg6[%dma_start3A_2047] : memref<100000xf32, #tpu.memory_space<vmem>> -> memref<99968xf32, #tpu.memory_space<vmem>>
    %dma_start3A_2049 = arith.constant 0 : i32
    %dma_start3A_2050 = tpu.memref_slice %arg3[%select_n3A_2025, %select_n3A_2041, %dma_start3A_2049] : memref<26x16x100000xf32, #tpu.memory_space<hbm>> -> memref<1x1x99968xf32, #tpu.memory_space<hbm>>
    %dma_start3A_2051 = tpu.memref_squeeze %dma_start3A_2050 : memref<1x1x99968xf32, #tpu.memory_space<hbm>> -> memref<99968xf32, #tpu.memory_space<hbm>>
    tpu.enqueue_dma source(%dma_start3A_2051 : memref<99968xf32, #tpu.memory_space<hbm>>) target(%dma_start3A_2048 : memref<99968xf32, #tpu.memory_space<vmem>>) target_semaphore(%arg10 : memref<!tpu.dma_semaphore, #tpu.memory_space<semaphore_mem>>)
    %mul3A_2052 = arith.constant 13 : i32
    %mul3A_2053 = arith.muli %add3A, %mul3A_2052 : i32
    %add3A_2054 = arith.constant 11 : i32
    %add3A_2055 = arith.addi %mul3A_2053, %add3A_2054 : i32
    %jit3A_2056 = arith.constant 16 : i32
    %div3A_2057 = arith.divsi %add3A_2055, %jit3A_2056 : i32
    %sign3A_2058 = arith.constant 0 : i32
    %sign3A_2059 = arith.cmpi sgt, %add3A_2055, %sign3A_2058 : i32
    %sign3A_2060 = arith.extui %sign3A_2059 : i1 to i32
    %sign3A_2061 = arith.constant 0 : i32
    %sign3A_2062 = arith.cmpi slt, %add3A_2055, %sign3A_2061 : i32
    %sign3A_2063 = arith.extui %sign3A_2062 : i1 to i32
    %sign3A_2064 = arith.subi %sign3A_2060, %sign3A_2063 : i32
    %sign3A_2065 = arith.constant 0 : i32
    %sign3A_2066 = arith.cmpi sgt, %jit3A_2056, %sign3A_2065 : i32
    %sign3A_2067 = arith.extui %sign3A_2066 : i1 to i32
    %sign3A_2068 = arith.constant 0 : i32
    %sign3A_2069 = arith.cmpi slt, %jit3A_2056, %sign3A_2068 : i32
    %sign3A_2070 = arith.extui %sign3A_2069 : i1 to i32
    %sign3A_2071 = arith.subi %sign3A_2067, %sign3A_2070 : i32
    %ne3A_2072 = arith.cmpi ne, %sign3A_2064, %sign3A_2071 : i32
    %rem3A_2073 = arith.remsi %add3A_2055, %jit3A_2056 : i32
    %ne3A_2074 = arith.constant 0 : i32
    %ne3A_2075 = arith.cmpi ne, %rem3A_2073, %ne3A_2074 : i32
    %and3A_2076 = arith.andi %ne3A_2072, %ne3A_2075 : i1
    %sub3A_2077 = arith.constant 1 : i32
    %sub3A_2078 = arith.subi %div3A_2057, %sub3A_2077 : i32
    %select_n3A_2079 = arith.select %and3A_2076, %sub3A_2078, %div3A_2057 : i32
    %jit3A_2080 = arith.constant 16 : i32
    %eq3A_2081 = arith.constant 0 : i32
    %eq3A_2082 = arith.cmpi eq, %jit3A_2080, %eq3A_2081 : i32
    %jit3A_2083 = arith.constant 1 : i32
    %select_n3A_2084 = arith.select %eq3A_2082, %jit3A_2083, %jit3A_2080 : i32
    %rem3A_2085 = arith.remsi %add3A_2055, %select_n3A_2084 : i32
    %ne3A_2086 = arith.constant 0 : i32
    %ne3A_2087 = arith.cmpi ne, %rem3A_2085, %ne3A_2086 : i32
    %lt3A_2088 = arith.constant 0 : i32
    %lt3A_2089 = arith.cmpi slt, %rem3A_2085, %lt3A_2088 : i32
    %lt3A_2090 = arith.constant 0 : i32
    %lt3A_2091 = arith.cmpi slt, %select_n3A_2084, %lt3A_2090 : i32
    %ne3A_2092 = arith.xori %lt3A_2089, %lt3A_2091 : i1
    %and3A_2093 = arith.andi %ne3A_2092, %ne3A_2087 : i1
    %add3A_2094 = arith.addi %rem3A_2085, %select_n3A_2084 : i32
    %select_n3A_2095 = arith.select %and3A_2093, %add3A_2094, %rem3A_2085 : i32
    %mul3A_2096 = arith.constant 13 : i32
    %mul3A_2097 = arith.muli %add3A, %mul3A_2096 : i32
    %add3A_2098 = arith.constant 10 : i32
    %add3A_2099 = arith.addi %mul3A_2097, %add3A_2098 : i32
    %jit3A_2100 = arith.constant 16 : i32
    %div3A_2101 = arith.divsi %add3A_2099, %jit3A_2100 : i32
    %sign3A_2102 = arith.constant 0 : i32
    %sign3A_2103 = arith.cmpi sgt, %add3A_2099, %sign3A_2102 : i32
    %sign3A_2104 = arith.extui %sign3A_2103 : i1 to i32
    %sign3A_2105 = arith.constant 0 : i32
    %sign3A_2106 = arith.cmpi slt, %add3A_2099, %sign3A_2105 : i32
    %sign3A_2107 = arith.extui %sign3A_2106 : i1 to i32
    %sign3A_2108 = arith.subi %sign3A_2104, %sign3A_2107 : i32
    %sign3A_2109 = arith.constant 0 : i32
    %sign3A_2110 = arith.cmpi sgt, %jit3A_2100, %sign3A_2109 : i32
    %sign3A_2111 = arith.extui %sign3A_2110 : i1 to i32
    %sign3A_2112 = arith.constant 0 : i32
    %sign3A_2113 = arith.cmpi slt, %jit3A_2100, %sign3A_2112 : i32
    %sign3A_2114 = arith.extui %sign3A_2113 : i1 to i32
    %sign3A_2115 = arith.subi %sign3A_2111, %sign3A_2114 : i32
    %ne3A_2116 = arith.cmpi ne, %sign3A_2108, %sign3A_2115 : i32
    %rem3A_2117 = arith.remsi %add3A_2099, %jit3A_2100 : i32
    %ne3A_2118 = arith.constant 0 : i32
    %ne3A_2119 = arith.cmpi ne, %rem3A_2117, %ne3A_2118 : i32
    %and3A_2120 = arith.andi %ne3A_2116, %ne3A_2119 : i1
    %sub3A_2121 = arith.constant 1 : i32
    %sub3A_2122 = arith.subi %div3A_2101, %sub3A_2121 : i32
    %select_n3A_2123 = arith.select %and3A_2120, %sub3A_2122, %div3A_2101 : i32
    %jit3A_2124 = arith.constant 16 : i32
    %eq3A_2125 = arith.constant 0 : i32
    %eq3A_2126 = arith.cmpi eq, %jit3A_2124, %eq3A_2125 : i32
    %jit3A_2127 = arith.constant 1 : i32
    %select_n3A_2128 = arith.select %eq3A_2126, %jit3A_2127, %jit3A_2124 : i32
    %rem3A_2129 = arith.remsi %add3A_2099, %select_n3A_2128 : i32
    %ne3A_2130 = arith.constant 0 : i32
    %ne3A_2131 = arith.cmpi ne, %rem3A_2129, %ne3A_2130 : i32
    %lt3A_2132 = arith.constant 0 : i32
    %lt3A_2133 = arith.cmpi slt, %rem3A_2129, %lt3A_2132 : i32
    %lt3A_2134 = arith.constant 0 : i32
    %lt3A_2135 = arith.cmpi slt, %select_n3A_2128, %lt3A_2134 : i32
    %ne3A_2136 = arith.xori %lt3A_2133, %lt3A_2135 : i1
    %and3A_2137 = arith.andi %ne3A_2136, %ne3A_2131 : i1
    %add3A_2138 = arith.addi %rem3A_2129, %select_n3A_2128 : i32
    %select_n3A_2139 = arith.select %and3A_2137, %add3A_2138, %rem3A_2129 : i32
    %ne3A_2140 = arith.cmpi ne, %select_n3A_2079, %select_n3A_2123 : i32
    %convert_element_type3A_2141 = arith.extui %ne3A_2140 : i1 to i32
    %cond3A_2142 = arith.constant 0 : i32
    %cond3A_2143 = arith.cmpi ne, %convert_element_type3A_2141, %cond3A_2142 : i32
    scf.if %cond3A_2143 {
      "tpu.region"() ({
        %run_scoped3A = tpu.sem_alloc : memref<!tpu.dma_semaphore, #tpu.memory_space<semaphore_mem>>
        %dma_start3A_2380 = arith.constant 0 : i32
        %dma_start3A_2381 = tpu.memref_slice %arg4[%select_n3A_2079, %dma_start3A_2380] : memref<26x512xf32, #tpu.memory_space<hbm>> -> memref<1x512xf32, #tpu.memory_space<hbm>>
        %dma_start3A_2382 = tpu.memref_squeeze %dma_start3A_2381 : memref<1x512xf32, #tpu.memory_space<hbm>> -> memref<512xf32, #tpu.memory_space<hbm>>
        %dma_start3A_2383 = arith.constant 0 : i32
        %dma_start3A_2384 = tpu.memref_slice %arg4[%select_n3A_2079, %dma_start3A_2383] : memref<26x512xf32, #tpu.memory_space<hbm>> -> memref<1x512xf32, #tpu.memory_space<hbm>>
        %dma_start3A_2385 = tpu.memref_squeeze %dma_start3A_2384 : memref<1x512xf32, #tpu.memory_space<hbm>> -> memref<512xf32, #tpu.memory_space<hbm>>
        tpu.enqueue_dma source(%dma_start3A_2385 : memref<512xf32, #tpu.memory_space<hbm>>) target(%arg9 : memref<512xf32, #tpu.memory_space<vmem>>) target_semaphore(%run_scoped3A : memref<!tpu.dma_semaphore, #tpu.memory_space<semaphore_mem>>)
        %dma_wait3A_2386 = arith.constant 0 : i32
        %dma_wait3A_2387 = tpu.memref_slice %arg4[%select_n3A_2079, %dma_wait3A_2386] : memref<26x512xf32, #tpu.memory_space<hbm>> -> memref<1x512xf32, #tpu.memory_space<hbm>>
        %dma_wait3A_2388 = tpu.memref_squeeze %dma_wait3A_2387 : memref<1x512xf32, #tpu.memory_space<hbm>> -> memref<512xf32, #tpu.memory_space<hbm>>
        %dma_wait3A_2389 = arith.constant 0 : i32
        %dma_wait3A_2390 = tpu.memref_slice %arg4[%select_n3A_2079, %dma_wait3A_2389] : memref<26x512xf32, #tpu.memory_space<hbm>> -> memref<1x512xf32, #tpu.memory_space<hbm>>
        %dma_wait3A_2391 = tpu.memref_squeeze %dma_wait3A_2390 : memref<1x512xf32, #tpu.memory_space<hbm>> -> memref<512xf32, #tpu.memory_space<hbm>>
        tpu.wait_dma2 semaphore(%run_scoped3A : memref<!tpu.dma_semaphore, #tpu.memory_space<semaphore_mem>>) src(%dma_wait3A_2391 : memref<512xf32, #tpu.memory_space<hbm>>) dst(%arg9 : memref<512xf32, #tpu.memory_space<vmem>>)
        tpu.yield
      }) : () -> ()
      "tpu.region"() ({
        %run_scoped3A = tpu.sem_alloc : memref<!tpu.dma_semaphore, #tpu.memory_space<semaphore_mem>>
        %dma_start3A_2380 = arith.constant 8192 : i32
        %dma_start3A_2381 = tpu.memref_slice %arg2[%select_n3A_2079, %dma_start3A_2380] : memref<26x16384xi32, #tpu.memory_space<hbm>> -> memref<1x8192xi32, #tpu.memory_space<hbm>>
        %dma_start3A_2382 = tpu.memref_squeeze %dma_start3A_2381 : memref<1x8192xi32, #tpu.memory_space<hbm>> -> memref<8192xi32, #tpu.memory_space<hbm>>
        %dma_start3A_2383 = arith.constant 8192 : i32
        %dma_start3A_2384 = tpu.memref_slice %arg2[%select_n3A_2079, %dma_start3A_2383] : memref<26x16384xi32, #tpu.memory_space<hbm>> -> memref<1x8192xi32, #tpu.memory_space<hbm>>
        %dma_start3A_2385 = tpu.memref_squeeze %dma_start3A_2384 : memref<1x8192xi32, #tpu.memory_space<hbm>> -> memref<8192xi32, #tpu.memory_space<hbm>>
        tpu.enqueue_dma source(%dma_start3A_2385 : memref<8192xi32, #tpu.memory_space<hbm>>) target(%arg7 : memref<8192xi32, #tpu.memory_space<vmem>>) target_semaphore(%run_scoped3A : memref<!tpu.dma_semaphore, #tpu.memory_space<semaphore_mem>>)
        %dma_wait3A_2386 = arith.constant 8192 : i32
        %dma_wait3A_2387 = tpu.memref_slice %arg2[%select_n3A_2079, %dma_wait3A_2386] : memref<26x16384xi32, #tpu.memory_space<hbm>> -> memref<1x8192xi32, #tpu.memory_space<hbm>>
        %dma_wait3A_2388 = tpu.memref_squeeze %dma_wait3A_2387 : memref<1x8192xi32, #tpu.memory_space<hbm>> -> memref<8192xi32, #tpu.memory_space<hbm>>
        %dma_wait3A_2389 = arith.constant 8192 : i32
        %dma_wait3A_2390 = tpu.memref_slice %arg2[%select_n3A_2079, %dma_wait3A_2389] : memref<26x16384xi32, #tpu.memory_space<hbm>> -> memref<1x8192xi32, #tpu.memory_space<hbm>>
        %dma_wait3A_2391 = tpu.memref_squeeze %dma_wait3A_2390 : memref<1x8192xi32, #tpu.memory_space<hbm>> -> memref<8192xi32, #tpu.memory_space<hbm>>
        tpu.wait_dma2 semaphore(%run_scoped3A : memref<!tpu.dma_semaphore, #tpu.memory_space<semaphore_mem>>) src(%dma_wait3A_2391 : memref<8192xi32, #tpu.memory_space<hbm>>) dst(%arg7 : memref<8192xi32, #tpu.memory_space<vmem>>)
        tpu.yield
      }) : () -> ()
    } else {
    }
    %mul3A_2144 = arith.constant 32 : i32
    %mul3A_2145 = arith.muli %select_n3A_2095, %mul3A_2144 : i32
    %get3A_2146 = arith.index_cast %mul3A_2145 : i32 to index
    %get3A_2147 = tpu.vector_load %arg9[%get3A_2146] {strides = array<i32>} : memref<512xf32, #tpu.memory_space<vmem>>, vector<16xf32>,
    %swap3A_2148 = arith.constant 99968 : index
    %swap3A_2149 = tpu.vector_load %arg6[%swap3A_2148] {strides = array<i32>} : memref<100000xf32, #tpu.memory_space<vmem>>, vector<16xf32>,
    tpu.vector_store %arg6[%swap3A_2148], %get3A_2147 {strides = array<i32>} : memref<100000xf32, #tpu.memory_space<vmem>>, vector<16xf32>,
    %mul3A_2150 = arith.constant 32 : i32
    %mul3A_2151 = arith.muli %select_n3A_2095, %mul3A_2150 : i32
    %add3A_2152 = arith.constant 16 : i32
    %add3A_2153 = arith.addi %mul3A_2151, %add3A_2152 : i32
    %get3A_2154 = arith.index_cast %add3A_2153 : i32 to index
    %get3A_2155 = tpu.vector_load %arg9[%get3A_2154] {strides = array<i32>} : memref<512xf32, #tpu.memory_space<vmem>>, vector<16xf32>,
    %swap3A_2156 = arith.constant 99984 : index
    %swap3A_2157 = tpu.vector_load %arg6[%swap3A_2156] {strides = array<i32>} : memref<100000xf32, #tpu.memory_space<vmem>>, vector<16xf32>,
    tpu.vector_store %arg6[%swap3A_2156], %get3A_2155 {strides = array<i32>} : memref<100000xf32, #tpu.memory_space<vmem>>, vector<16xf32>,
    %dma_wait3A_2158 = arith.constant 0 : i32
    %dma_wait3A_2159 = tpu.memref_slice %arg6[%dma_wait3A_2158] : memref<100000xf32, #tpu.memory_space<vmem>> -> memref<99968xf32, #tpu.memory_space<vmem>>
    %dma_wait3A_2160 = arith.constant 0 : i32
    %dma_wait3A_2161 = tpu.memref_slice %arg3[%select_n3A_2025, %select_n3A_2041, %dma_wait3A_2160] : memref<26x16x100000xf32, #tpu.memory_space<hbm>> -> memref<1x1x99968xf32, #tpu.memory_space<hbm>>
    %dma_wait3A_2162 = tpu.memref_squeeze %dma_wait3A_2161 : memref<1x1x99968xf32, #tpu.memory_space<hbm>> -> memref<99968xf32, #tpu.memory_space<hbm>>
    %dma_wait3A_2163 = arith.constant 0 : i32
    %dma_wait3A_2164 = tpu.memref_slice %arg6[%dma_wait3A_2163] : memref<100000xf32, #tpu.memory_space<vmem>> -> memref<99968xf32, #tpu.memory_space<vmem>>
    %dma_wait3A_2165 = arith.constant 0 : i32
    %dma_wait3A_2166 = tpu.memref_slice %arg3[%select_n3A_2025, %select_n3A_2041, %dma_wait3A_2165] : memref<26x16x100000xf32, #tpu.memory_space<hbm>> -> memref<1x1x99968xf32, #tpu.memory_space<hbm>>
    %dma_wait3A_2167 = tpu.memref_squeeze %dma_wait3A_2166 : memref<1x1x99968xf32, #tpu.memory_space<hbm>> -> memref<99968xf32, #tpu.memory_space<hbm>>
    tpu.wait_dma2 semaphore(%arg10 : memref<!tpu.dma_semaphore, #tpu.memory_space<semaphore_mem>>) src(%dma_wait3A_2167 : memref<99968xf32, #tpu.memory_space<hbm>>) dst(%dma_wait3A_2164 : memref<99968xf32, #tpu.memory_space<vmem>>)
    %dma_wait3A_2168 = arith.constant 0 : i32
    %dma_wait3A_2169 = tpu.memref_slice %arg5[%add3A_1867, %dma_wait3A_2168] : memref<416x16384xf32, #tpu.memory_space<hbm>> -> memref<1x16384xf32, #tpu.memory_space<hbm>>
    %dma_wait3A_2170 = tpu.memref_squeeze %dma_wait3A_2169 : memref<1x16384xf32, #tpu.memory_space<hbm>> -> memref<16384xf32, #tpu.memory_space<hbm>>
    %dma_wait3A_2171 = arith.constant 0 : i32
    %dma_wait3A_2172 = tpu.memref_slice %arg5[%add3A_1867, %dma_wait3A_2171] : memref<416x16384xf32, #tpu.memory_space<hbm>> -> memref<1x16384xf32, #tpu.memory_space<hbm>>
    %dma_wait3A_2173 = tpu.memref_squeeze %dma_wait3A_2172 : memref<1x16384xf32, #tpu.memory_space<hbm>> -> memref<16384xf32, #tpu.memory_space<hbm>>
    tpu.wait_dma2 semaphore(%arg11 : memref<!tpu.dma_semaphore, #tpu.memory_space<semaphore_mem>>) src(%arg8 : memref<16384xf32, #tpu.memory_space<vmem>>) dst(%dma_wait3A_2173 : memref<16384xf32, #tpu.memory_space<hbm>>)
    %parallel_loop3A_2174 = arith.constant 0 : i32
    %parallel_loop3A_2175 = arith.constant 8192 : i32
    %parallel_loop3A_2176 = arith.constant 16 : i32
    scf.for %parallel_loop3A_2380 = %parallel_loop3A_2174 to %parallel_loop3A_2175 step %parallel_loop3A_2176  : i32 {
      %parallel_loop3A_2381 = arith.index_cast %parallel_loop3A_2380 : i32 to index
      %parallel_loop3A_2382 = tpu.vector_load %arg7[%parallel_loop3A_2381] {strides = array<i32>} : memref<8192xi32, #tpu.memory_space<vmem>>, vector<16xi32>,
      %parallel_loop3A_2383 = tpu.vector_load_idx %arg6[%parallel_loop3A_2382] : memref<100000xf32, #tpu.memory_space<vmem>>[vector<16xi32>], vector<16xf32>,
      %parallel_loop3A_2384 = arith.constant 8192 : i32
      %parallel_loop3A_2385 = arith.addi %parallel_loop3A_2384, %parallel_loop3A_2380 : i32
      %parallel_loop3A_2386 = arith.index_cast %parallel_loop3A_2385 : i32 to index
      %parallel_loop3A_2387 = tpu.vector_load %arg8[%parallel_loop3A_2386] {strides = array<i32>} : memref<16384xf32, #tpu.memory_space<vmem>>, vector<16xf32>,
      tpu.vector_store %arg8[%parallel_loop3A_2386], %parallel_loop3A_2383 {strides = array<i32>} : memref<16384xf32, #tpu.memory_space<vmem>>, vector<16xf32>,
    } {sc.loop_unroll_factor = 8 : i64, sc.parallel_access}
    "tpu.region"() ({
      %run_scoped3A = tpu.sem_alloc : memref<!tpu.dma_semaphore, #tpu.memory_space<semaphore_mem>>
      %dma_start3A_2380 = arith.constant 0 : i32
      %dma_start3A_2381 = tpu.memref_slice %arg2[%select_n3A_2079, %dma_start3A_2380] : memref<26x16384xi32, #tpu.memory_space<hbm>> -> memref<1x8192xi32, #tpu.memory_space<hbm>>
      %dma_start3A_2382 = tpu.memref_squeeze %dma_start3A_2381 : memref<1x8192xi32, #tpu.memory_space<hbm>> -> memref<8192xi32, #tpu.memory_space<hbm>>
      %dma_start3A_2383 = arith.constant 0 : i32
      %dma_start3A_2384 = tpu.memref_slice %arg2[%select_n3A_2079, %dma_start3A_2383] : memref<26x16384xi32, #tpu.memory_space<hbm>> -> memref<1x8192xi32, #tpu.memory_space<hbm>>
      %dma_start3A_2385 = tpu.memref_squeeze %dma_start3A_2384 : memref<1x8192xi32, #tpu.memory_space<hbm>> -> memref<8192xi32, #tpu.memory_space<hbm>>
      tpu.enqueue_dma source(%dma_start3A_2385 : memref<8192xi32, #tpu.memory_space<hbm>>) target(%arg7 : memref<8192xi32, #tpu.memory_space<vmem>>) target_semaphore(%run_scoped3A : memref<!tpu.dma_semaphore, #tpu.memory_space<semaphore_mem>>)
      %dma_wait3A_2386 = arith.constant 0 : i32
      %dma_wait3A_2387 = tpu.memref_slice %arg2[%select_n3A_2079, %dma_wait3A_2386] : memref<26x16384xi32, #tpu.memory_space<hbm>> -> memref<1x8192xi32, #tpu.memory_space<hbm>>
      %dma_wait3A_2388 = tpu.memref_squeeze %dma_wait3A_2387 : memref<1x8192xi32, #tpu.memory_space<hbm>> -> memref<8192xi32, #tpu.memory_space<hbm>>
      %dma_wait3A_2389 = arith.constant 0 : i32
      %dma_wait3A_2390 = tpu.memref_slice %arg2[%select_n3A_2079, %dma_wait3A_2389] : memref<26x16384xi32, #tpu.memory_space<hbm>> -> memref<1x8192xi32, #tpu.memory_space<hbm>>
      %dma_wait3A_2391 = tpu.memref_squeeze %dma_wait3A_2390 : memref<1x8192xi32, #tpu.memory_space<hbm>> -> memref<8192xi32, #tpu.memory_space<hbm>>
      tpu.wait_dma2 semaphore(%run_scoped3A : memref<!tpu.dma_semaphore, #tpu.memory_space<semaphore_mem>>) src(%dma_wait3A_2391 : memref<8192xi32, #tpu.memory_space<hbm>>) dst(%arg7 : memref<8192xi32, #tpu.memory_space<vmem>>)
      tpu.yield
    }) : () -> ()
    %parallel_loop3A_2177 = arith.constant 0 : i32
    %parallel_loop3A_2178 = arith.constant 8192 : i32
    %parallel_loop3A_2179 = arith.constant 16 : i32
    scf.for %parallel_loop3A_2380 = %parallel_loop3A_2177 to %parallel_loop3A_2178 step %parallel_loop3A_2179  : i32 {
      %parallel_loop3A_2381 = arith.index_cast %parallel_loop3A_2380 : i32 to index
      %parallel_loop3A_2382 = tpu.vector_load %arg7[%parallel_loop3A_2381] {strides = array<i32>} : memref<8192xi32, #tpu.memory_space<vmem>>, vector<16xi32>,
      %parallel_loop3A_2383 = tpu.vector_load_idx %arg6[%parallel_loop3A_2382] : memref<100000xf32, #tpu.memory_space<vmem>>[vector<16xi32>], vector<16xf32>,
      %parallel_loop3A_2384 = arith.constant 0 : i32
      %parallel_loop3A_2385 = arith.addi %parallel_loop3A_2384, %parallel_loop3A_2380 : i32
      %parallel_loop3A_2386 = arith.index_cast %parallel_loop3A_2385 : i32 to index
      %parallel_loop3A_2387 = tpu.vector_load %arg8[%parallel_loop3A_2386] {strides = array<i32>} : memref<16384xf32, #tpu.memory_space<vmem>>, vector<16xf32>,
      tpu.vector_store %arg8[%parallel_loop3A_2386], %parallel_loop3A_2383 {strides = array<i32>} : memref<16384xf32, #tpu.memory_space<vmem>>, vector<16xf32>,
    } {sc.loop_unroll_factor = 8 : i64, sc.parallel_access}
    %dma_start3A_2180 = arith.constant 0 : i32
    %dma_start3A_2181 = tpu.memref_slice %arg5[%add3A_2055, %dma_start3A_2180] : memref<416x16384xf32, #tpu.memory_space<hbm>> -> memref<1x16384xf32, #tpu.memory_space<hbm>>
    %dma_start3A_2182 = tpu.memref_squeeze %dma_start3A_2181 : memref<1x16384xf32, #tpu.memory_space<hbm>> -> memref<16384xf32, #tpu.memory_space<hbm>>
    %dma_start3A_2183 = arith.constant 0 : i32
    %dma_start3A_2184 = tpu.memref_slice %arg5[%add3A_2055, %dma_start3A_2183] : memref<416x16384xf32, #tpu.memory_space<hbm>> -> memref<1x16384xf32, #tpu.memory_space<hbm>>
    %dma_start3A_2185 = tpu.memref_squeeze %dma_start3A_2184 : memref<1x16384xf32, #tpu.memory_space<hbm>> -> memref<16384xf32, #tpu.memory_space<hbm>>
    tpu.enqueue_dma source(%arg8 : memref<16384xf32, #tpu.memory_space<vmem>>) target(%dma_start3A_2185 : memref<16384xf32, #tpu.memory_space<hbm>>) target_semaphore(%arg11 : memref<!tpu.dma_semaphore, #tpu.memory_space<semaphore_mem>>)
    %mul3A_2186 = arith.constant 13 : i32
    %mul3A_2187 = arith.muli %add3A, %mul3A_2186 : i32
    %add3A_2188 = arith.constant 12 : i32
    %add3A_2189 = arith.addi %mul3A_2187, %add3A_2188 : i32
    %jit3A_2190 = arith.constant 16 : i32
    %div3A_2191 = arith.divsi %add3A_2189, %jit3A_2190 : i32
    %sign3A_2192 = arith.constant 0 : i32
    %sign3A_2193 = arith.cmpi sgt, %add3A_2189, %sign3A_2192 : i32
    %sign3A_2194 = arith.extui %sign3A_2193 : i1 to i32
    %sign3A_2195 = arith.constant 0 : i32
    %sign3A_2196 = arith.cmpi slt, %add3A_2189, %sign3A_2195 : i32
    %sign3A_2197 = arith.extui %sign3A_2196 : i1 to i32
    %sign3A_2198 = arith.subi %sign3A_2194, %sign3A_2197 : i32
    %sign3A_2199 = arith.constant 0 : i32
    %sign3A_2200 = arith.cmpi sgt, %jit3A_2190, %sign3A_2199 : i32
    %sign3A_2201 = arith.extui %sign3A_2200 : i1 to i32
    %sign3A_2202 = arith.constant 0 : i32
    %sign3A_2203 = arith.cmpi slt, %jit3A_2190, %sign3A_2202 : i32
    %sign3A_2204 = arith.extui %sign3A_2203 : i1 to i32
    %sign3A_2205 = arith.subi %sign3A_2201, %sign3A_2204 : i32
    %ne3A_2206 = arith.cmpi ne, %sign3A_2198, %sign3A_2205 : i32
    %rem3A_2207 = arith.remsi %add3A_2189, %jit3A_2190 : i32
    %ne3A_2208 = arith.constant 0 : i32
    %ne3A_2209 = arith.cmpi ne, %rem3A_2207, %ne3A_2208 : i32
    %and3A_2210 = arith.andi %ne3A_2206, %ne3A_2209 : i1
    %sub3A_2211 = arith.constant 1 : i32
    %sub3A_2212 = arith.subi %div3A_2191, %sub3A_2211 : i32
    %select_n3A_2213 = arith.select %and3A_2210, %sub3A_2212, %div3A_2191 : i32
    %jit3A_2214 = arith.constant 16 : i32
    %eq3A_2215 = arith.constant 0 : i32
    %eq3A_2216 = arith.cmpi eq, %jit3A_2214, %eq3A_2215 : i32
    %jit3A_2217 = arith.constant 1 : i32
    %select_n3A_2218 = arith.select %eq3A_2216, %jit3A_2217, %jit3A_2214 : i32
    %rem3A_2219 = arith.remsi %add3A_2189, %select_n3A_2218 : i32
    %ne3A_2220 = arith.constant 0 : i32
    %ne3A_2221 = arith.cmpi ne, %rem3A_2219, %ne3A_2220 : i32
    %lt3A_2222 = arith.constant 0 : i32
    %lt3A_2223 = arith.cmpi slt, %rem3A_2219, %lt3A_2222 : i32
    %lt3A_2224 = arith.constant 0 : i32
    %lt3A_2225 = arith.cmpi slt, %select_n3A_2218, %lt3A_2224 : i32
    %ne3A_2226 = arith.xori %lt3A_2223, %lt3A_2225 : i1
    %and3A_2227 = arith.andi %ne3A_2226, %ne3A_2221 : i1
    %add3A_2228 = arith.addi %rem3A_2219, %select_n3A_2218 : i32
    %select_n3A_2229 = arith.select %and3A_2227, %add3A_2228, %rem3A_2219 : i32
    %dma_start3A_2230 = arith.constant 0 : i32
    %dma_start3A_2231 = tpu.memref_slice %arg6[%dma_start3A_2230] : memref<100000xf32, #tpu.memory_space<vmem>> -> memref<99968xf32, #tpu.memory_space<vmem>>
    %dma_start3A_2232 = arith.constant 0 : i32
    %dma_start3A_2233 = tpu.memref_slice %arg3[%select_n3A_2213, %select_n3A_2229, %dma_start3A_2232] : memref<26x16x100000xf32, #tpu.memory_space<hbm>> -> memref<1x1x99968xf32, #tpu.memory_space<hbm>>
    %dma_start3A_2234 = tpu.memref_squeeze %dma_start3A_2233 : memref<1x1x99968xf32, #tpu.memory_space<hbm>> -> memref<99968xf32, #tpu.memory_space<hbm>>
    %dma_start3A_2235 = arith.constant 0 : i32
    %dma_start3A_2236 = tpu.memref_slice %arg6[%dma_start3A_2235] : memref<100000xf32, #tpu.memory_space<vmem>> -> memref<99968xf32, #tpu.memory_space<vmem>>
    %dma_start3A_2237 = arith.constant 0 : i32
    %dma_start3A_2238 = tpu.memref_slice %arg3[%select_n3A_2213, %select_n3A_2229, %dma_start3A_2237] : memref<26x16x100000xf32, #tpu.memory_space<hbm>> -> memref<1x1x99968xf32, #tpu.memory_space<hbm>>
    %dma_start3A_2239 = tpu.memref_squeeze %dma_start3A_2238 : memref<1x1x99968xf32, #tpu.memory_space<hbm>> -> memref<99968xf32, #tpu.memory_space<hbm>>
    tpu.enqueue_dma source(%dma_start3A_2239 : memref<99968xf32, #tpu.memory_space<hbm>>) target(%dma_start3A_2236 : memref<99968xf32, #tpu.memory_space<vmem>>) target_semaphore(%arg10 : memref<!tpu.dma_semaphore, #tpu.memory_space<semaphore_mem>>)
    %mul3A_2240 = arith.constant 13 : i32
    %mul3A_2241 = arith.muli %add3A, %mul3A_2240 : i32
    %add3A_2242 = arith.constant 12 : i32
    %add3A_2243 = arith.addi %mul3A_2241, %add3A_2242 : i32
    %jit3A_2244 = arith.constant 16 : i32
    %div3A_2245 = arith.divsi %add3A_2243, %jit3A_2244 : i32
    %sign3A_2246 = arith.constant 0 : i32
    %sign3A_2247 = arith.cmpi sgt, %add3A_2243, %sign3A_2246 : i32
    %sign3A_2248 = arith.extui %sign3A_2247 : i1 to i32
    %sign3A_2249 = arith.constant 0 : i32
    %sign3A_2250 = arith.cmpi slt, %add3A_2243, %sign3A_2249 : i32
    %sign3A_2251 = arith.extui %sign3A_2250 : i1 to i32
    %sign3A_2252 = arith.subi %sign3A_2248, %sign3A_2251 : i32
    %sign3A_2253 = arith.constant 0 : i32
    %sign3A_2254 = arith.cmpi sgt, %jit3A_2244, %sign3A_2253 : i32
    %sign3A_2255 = arith.extui %sign3A_2254 : i1 to i32
    %sign3A_2256 = arith.constant 0 : i32
    %sign3A_2257 = arith.cmpi slt, %jit3A_2244, %sign3A_2256 : i32
    %sign3A_2258 = arith.extui %sign3A_2257 : i1 to i32
    %sign3A_2259 = arith.subi %sign3A_2255, %sign3A_2258 : i32
    %ne3A_2260 = arith.cmpi ne, %sign3A_2252, %sign3A_2259 : i32
    %rem3A_2261 = arith.remsi %add3A_2243, %jit3A_2244 : i32
    %ne3A_2262 = arith.constant 0 : i32
    %ne3A_2263 = arith.cmpi ne, %rem3A_2261, %ne3A_2262 : i32
    %and3A_2264 = arith.andi %ne3A_2260, %ne3A_2263 : i1
    %sub3A_2265 = arith.constant 1 : i32
    %sub3A_2266 = arith.subi %div3A_2245, %sub3A_2265 : i32
    %select_n3A_2267 = arith.select %and3A_2264, %sub3A_2266, %div3A_2245 : i32
    %jit3A_2268 = arith.constant 16 : i32
    %eq3A_2269 = arith.constant 0 : i32
    %eq3A_2270 = arith.cmpi eq, %jit3A_2268, %eq3A_2269 : i32
    %jit3A_2271 = arith.constant 1 : i32
    %select_n3A_2272 = arith.select %eq3A_2270, %jit3A_2271, %jit3A_2268 : i32
    %rem3A_2273 = arith.remsi %add3A_2243, %select_n3A_2272 : i32
    %ne3A_2274 = arith.constant 0 : i32
    %ne3A_2275 = arith.cmpi ne, %rem3A_2273, %ne3A_2274 : i32
    %lt3A_2276 = arith.constant 0 : i32
    %lt3A_2277 = arith.cmpi slt, %rem3A_2273, %lt3A_2276 : i32
    %lt3A_2278 = arith.constant 0 : i32
    %lt3A_2279 = arith.cmpi slt, %select_n3A_2272, %lt3A_2278 : i32
    %ne3A_2280 = arith.xori %lt3A_2277, %lt3A_2279 : i1
    %and3A_2281 = arith.andi %ne3A_2280, %ne3A_2275 : i1
    %add3A_2282 = arith.addi %rem3A_2273, %select_n3A_2272 : i32
    %select_n3A_2283 = arith.select %and3A_2281, %add3A_2282, %rem3A_2273 : i32
    %mul3A_2284 = arith.constant 13 : i32
    %mul3A_2285 = arith.muli %add3A, %mul3A_2284 : i32
    %add3A_2286 = arith.constant 11 : i32
    %add3A_2287 = arith.addi %mul3A_2285, %add3A_2286 : i32
    %jit3A_2288 = arith.constant 16 : i32
    %div3A_2289 = arith.divsi %add3A_2287, %jit3A_2288 : i32
    %sign3A_2290 = arith.constant 0 : i32
    %sign3A_2291 = arith.cmpi sgt, %add3A_2287, %sign3A_2290 : i32
    %sign3A_2292 = arith.extui %sign3A_2291 : i1 to i32
    %sign3A_2293 = arith.constant 0 : i32
    %sign3A_2294 = arith.cmpi slt, %add3A_2287, %sign3A_2293 : i32
    %sign3A_2295 = arith.extui %sign3A_2294 : i1 to i32
    %sign3A_2296 = arith.subi %sign3A_2292, %sign3A_2295 : i32
    %sign3A_2297 = arith.constant 0 : i32
    %sign3A_2298 = arith.cmpi sgt, %jit3A_2288, %sign3A_2297 : i32
    %sign3A_2299 = arith.extui %sign3A_2298 : i1 to i32
    %sign3A_2300 = arith.constant 0 : i32
    %sign3A_2301 = arith.cmpi slt, %jit3A_2288, %sign3A_2300 : i32
    %sign3A_2302 = arith.extui %sign3A_2301 : i1 to i32
    %sign3A_2303 = arith.subi %sign3A_2299, %sign3A_2302 : i32
    %ne3A_2304 = arith.cmpi ne, %sign3A_2296, %sign3A_2303 : i32
    %rem3A_2305 = arith.remsi %add3A_2287, %jit3A_2288 : i32
    %ne3A_2306 = arith.constant 0 : i32
    %ne3A_2307 = arith.cmpi ne, %rem3A_2305, %ne3A_2306 : i32
    %and3A_2308 = arith.andi %ne3A_2304, %ne3A_2307 : i1
    %sub3A_2309 = arith.constant 1 : i32
    %sub3A_2310 = arith.subi %div3A_2289, %sub3A_2309 : i32
    %select_n3A_2311 = arith.select %and3A_2308, %sub3A_2310, %div3A_2289 : i32
    %jit3A_2312 = arith.constant 16 : i32
    %eq3A_2313 = arith.constant 0 : i32
    %eq3A_2314 = arith.cmpi eq, %jit3A_2312, %eq3A_2313 : i32
    %jit3A_2315 = arith.constant 1 : i32
    %select_n3A_2316 = arith.select %eq3A_2314, %jit3A_2315, %jit3A_2312 : i32
    %rem3A_2317 = arith.remsi %add3A_2287, %select_n3A_2316 : i32
    %ne3A_2318 = arith.constant 0 : i32
    %ne3A_2319 = arith.cmpi ne, %rem3A_2317, %ne3A_2318 : i32
    %lt3A_2320 = arith.constant 0 : i32
    %lt3A_2321 = arith.cmpi slt, %rem3A_2317, %lt3A_2320 : i32
    %lt3A_2322 = arith.constant 0 : i32
    %lt3A_2323 = arith.cmpi slt, %select_n3A_2316, %lt3A_2322 : i32
    %ne3A_2324 = arith.xori %lt3A_2321, %lt3A_2323 : i1
    %and3A_2325 = arith.andi %ne3A_2324, %ne3A_2319 : i1
    %add3A_2326 = arith.addi %rem3A_2317, %select_n3A_2316 : i32
    %select_n3A_2327 = arith.select %and3A_2325, %add3A_2326, %rem3A_2317 : i32
    %ne3A_2328 = arith.cmpi ne, %select_n3A_2267, %select_n3A_2311 : i32
    %convert_element_type3A_2329 = arith.extui %ne3A_2328 : i1 to i32
    %cond3A_2330 = arith.constant 0 : i32
    %cond3A_2331 = arith.cmpi ne, %convert_element_type3A_2329, %cond3A_2330 : i32
    scf.if %cond3A_2331 {
      "tpu.region"() ({
        %run_scoped3A = tpu.sem_alloc : memref<!tpu.dma_semaphore, #tpu.memory_space<semaphore_mem>>
        %dma_start3A_2380 = arith.constant 0 : i32
        %dma_start3A_2381 = tpu.memref_slice %arg4[%select_n3A_2267, %dma_start3A_2380] : memref<26x512xf32, #tpu.memory_space<hbm>> -> memref<1x512xf32, #tpu.memory_space<hbm>>
        %dma_start3A_2382 = tpu.memref_squeeze %dma_start3A_2381 : memref<1x512xf32, #tpu.memory_space<hbm>> -> memref<512xf32, #tpu.memory_space<hbm>>
        %dma_start3A_2383 = arith.constant 0 : i32
        %dma_start3A_2384 = tpu.memref_slice %arg4[%select_n3A_2267, %dma_start3A_2383] : memref<26x512xf32, #tpu.memory_space<hbm>> -> memref<1x512xf32, #tpu.memory_space<hbm>>
        %dma_start3A_2385 = tpu.memref_squeeze %dma_start3A_2384 : memref<1x512xf32, #tpu.memory_space<hbm>> -> memref<512xf32, #tpu.memory_space<hbm>>
        tpu.enqueue_dma source(%dma_start3A_2385 : memref<512xf32, #tpu.memory_space<hbm>>) target(%arg9 : memref<512xf32, #tpu.memory_space<vmem>>) target_semaphore(%run_scoped3A : memref<!tpu.dma_semaphore, #tpu.memory_space<semaphore_mem>>)
        %dma_wait3A_2386 = arith.constant 0 : i32
        %dma_wait3A_2387 = tpu.memref_slice %arg4[%select_n3A_2267, %dma_wait3A_2386] : memref<26x512xf32, #tpu.memory_space<hbm>> -> memref<1x512xf32, #tpu.memory_space<hbm>>
        %dma_wait3A_2388 = tpu.memref_squeeze %dma_wait3A_2387 : memref<1x512xf32, #tpu.memory_space<hbm>> -> memref<512xf32, #tpu.memory_space<hbm>>
        %dma_wait3A_2389 = arith.constant 0 : i32
        %dma_wait3A_2390 = tpu.memref_slice %arg4[%select_n3A_2267, %dma_wait3A_2389] : memref<26x512xf32, #tpu.memory_space<hbm>> -> memref<1x512xf32, #tpu.memory_space<hbm>>
        %dma_wait3A_2391 = tpu.memref_squeeze %dma_wait3A_2390 : memref<1x512xf32, #tpu.memory_space<hbm>> -> memref<512xf32, #tpu.memory_space<hbm>>
        tpu.wait_dma2 semaphore(%run_scoped3A : memref<!tpu.dma_semaphore, #tpu.memory_space<semaphore_mem>>) src(%dma_wait3A_2391 : memref<512xf32, #tpu.memory_space<hbm>>) dst(%arg9 : memref<512xf32, #tpu.memory_space<vmem>>)
        tpu.yield
      }) : () -> ()
      "tpu.region"() ({
        %run_scoped3A = tpu.sem_alloc : memref<!tpu.dma_semaphore, #tpu.memory_space<semaphore_mem>>
        %dma_start3A_2380 = arith.constant 0 : i32
        %dma_start3A_2381 = tpu.memref_slice %arg2[%select_n3A_2267, %dma_start3A_2380] : memref<26x16384xi32, #tpu.memory_space<hbm>> -> memref<1x8192xi32, #tpu.memory_space<hbm>>
        %dma_start3A_2382 = tpu.memref_squeeze %dma_start3A_2381 : memref<1x8192xi32, #tpu.memory_space<hbm>> -> memref<8192xi32, #tpu.memory_space<hbm>>
        %dma_start3A_2383 = arith.constant 0 : i32
        %dma_start3A_2384 = tpu.memref_slice %arg2[%select_n3A_2267, %dma_start3A_2383] : memref<26x16384xi32, #tpu.memory_space<hbm>> -> memref<1x8192xi32, #tpu.memory_space<hbm>>
        %dma_start3A_2385 = tpu.memref_squeeze %dma_start3A_2384 : memref<1x8192xi32, #tpu.memory_space<hbm>> -> memref<8192xi32, #tpu.memory_space<hbm>>
        tpu.enqueue_dma source(%dma_start3A_2385 : memref<8192xi32, #tpu.memory_space<hbm>>) target(%arg7 : memref<8192xi32, #tpu.memory_space<vmem>>) target_semaphore(%run_scoped3A : memref<!tpu.dma_semaphore, #tpu.memory_space<semaphore_mem>>)
        %dma_wait3A_2386 = arith.constant 0 : i32
        %dma_wait3A_2387 = tpu.memref_slice %arg2[%select_n3A_2267, %dma_wait3A_2386] : memref<26x16384xi32, #tpu.memory_space<hbm>> -> memref<1x8192xi32, #tpu.memory_space<hbm>>
        %dma_wait3A_2388 = tpu.memref_squeeze %dma_wait3A_2387 : memref<1x8192xi32, #tpu.memory_space<hbm>> -> memref<8192xi32, #tpu.memory_space<hbm>>
        %dma_wait3A_2389 = arith.constant 0 : i32
        %dma_wait3A_2390 = tpu.memref_slice %arg2[%select_n3A_2267, %dma_wait3A_2389] : memref<26x16384xi32, #tpu.memory_space<hbm>> -> memref<1x8192xi32, #tpu.memory_space<hbm>>
        %dma_wait3A_2391 = tpu.memref_squeeze %dma_wait3A_2390 : memref<1x8192xi32, #tpu.memory_space<hbm>> -> memref<8192xi32, #tpu.memory_space<hbm>>
        tpu.wait_dma2 semaphore(%run_scoped3A : memref<!tpu.dma_semaphore, #tpu.memory_space<semaphore_mem>>) src(%dma_wait3A_2391 : memref<8192xi32, #tpu.memory_space<hbm>>) dst(%arg7 : memref<8192xi32, #tpu.memory_space<vmem>>)
        tpu.yield
      }) : () -> ()
    } else {
    }
    %mul3A_2332 = arith.constant 32 : i32
    %mul3A_2333 = arith.muli %select_n3A_2283, %mul3A_2332 : i32
    %get3A_2334 = arith.index_cast %mul3A_2333 : i32 to index
    %get3A_2335 = tpu.vector_load %arg9[%get3A_2334] {strides = array<i32>} : memref<512xf32, #tpu.memory_space<vmem>>, vector<16xf32>,
    %swap3A_2336 = arith.constant 99968 : index
    %swap3A_2337 = tpu.vector_load %arg6[%swap3A_2336] {strides = array<i32>} : memref<100000xf32, #tpu.memory_space<vmem>>, vector<16xf32>,
    tpu.vector_store %arg6[%swap3A_2336], %get3A_2335 {strides = array<i32>} : memref<100000xf32, #tpu.memory_space<vmem>>, vector<16xf32>,
    %mul3A_2338 = arith.constant 32 : i32
    %mul3A_2339 = arith.muli %select_n3A_2283, %mul3A_2338 : i32
    %add3A_2340 = arith.constant 16 : i32
    %add3A_2341 = arith.addi %mul3A_2339, %add3A_2340 : i32
    %get3A_2342 = arith.index_cast %add3A_2341 : i32 to index
    %get3A_2343 = tpu.vector_load %arg9[%get3A_2342] {strides = array<i32>} : memref<512xf32, #tpu.memory_space<vmem>>, vector<16xf32>,
    %swap3A_2344 = arith.constant 99984 : index
    %swap3A_2345 = tpu.vector_load %arg6[%swap3A_2344] {strides = array<i32>} : memref<100000xf32, #tpu.memory_space<vmem>>, vector<16xf32>,
    tpu.vector_store %arg6[%swap3A_2344], %get3A_2343 {strides = array<i32>} : memref<100000xf32, #tpu.memory_space<vmem>>, vector<16xf32>,
    %dma_wait3A_2346 = arith.constant 0 : i32
    %dma_wait3A_2347 = tpu.memref_slice %arg6[%dma_wait3A_2346] : memref<100000xf32, #tpu.memory_space<vmem>> -> memref<99968xf32, #tpu.memory_space<vmem>>
    %dma_wait3A_2348 = arith.constant 0 : i32
    %dma_wait3A_2349 = tpu.memref_slice %arg3[%select_n3A_2213, %select_n3A_2229, %dma_wait3A_2348] : memref<26x16x100000xf32, #tpu.memory_space<hbm>> -> memref<1x1x99968xf32, #tpu.memory_space<hbm>>
    %dma_wait3A_2350 = tpu.memref_squeeze %dma_wait3A_2349 : memref<1x1x99968xf32, #tpu.memory_space<hbm>> -> memref<99968xf32, #tpu.memory_space<hbm>>
    %dma_wait3A_2351 = arith.constant 0 : i32
    %dma_wait3A_2352 = tpu.memref_slice %arg6[%dma_wait3A_2351] : memref<100000xf32, #tpu.memory_space<vmem>> -> memref<99968xf32, #tpu.memory_space<vmem>>
    %dma_wait3A_2353 = arith.constant 0 : i32
    %dma_wait3A_2354 = tpu.memref_slice %arg3[%select_n3A_2213, %select_n3A_2229, %dma_wait3A_2353] : memref<26x16x100000xf32, #tpu.memory_space<hbm>> -> memref<1x1x99968xf32, #tpu.memory_space<hbm>>
    %dma_wait3A_2355 = tpu.memref_squeeze %dma_wait3A_2354 : memref<1x1x99968xf32, #tpu.memory_space<hbm>> -> memref<99968xf32, #tpu.memory_space<hbm>>
    tpu.wait_dma2 semaphore(%arg10 : memref<!tpu.dma_semaphore, #tpu.memory_space<semaphore_mem>>) src(%dma_wait3A_2355 : memref<99968xf32, #tpu.memory_space<hbm>>) dst(%dma_wait3A_2352 : memref<99968xf32, #tpu.memory_space<vmem>>)
    %dma_wait3A_2356 = arith.constant 0 : i32
    %dma_wait3A_2357 = tpu.memref_slice %arg5[%add3A_2055, %dma_wait3A_2356] : memref<416x16384xf32, #tpu.memory_space<hbm>> -> memref<1x16384xf32, #tpu.memory_space<hbm>>
    %dma_wait3A_2358 = tpu.memref_squeeze %dma_wait3A_2357 : memref<1x16384xf32, #tpu.memory_space<hbm>> -> memref<16384xf32, #tpu.memory_space<hbm>>
    %dma_wait3A_2359 = arith.constant 0 : i32
    %dma_wait3A_2360 = tpu.memref_slice %arg5[%add3A_2055, %dma_wait3A_2359] : memref<416x16384xf32, #tpu.memory_space<hbm>> -> memref<1x16384xf32, #tpu.memory_space<hbm>>
    %dma_wait3A_2361 = tpu.memref_squeeze %dma_wait3A_2360 : memref<1x16384xf32, #tpu.memory_space<hbm>> -> memref<16384xf32, #tpu.memory_space<hbm>>
    tpu.wait_dma2 semaphore(%arg11 : memref<!tpu.dma_semaphore, #tpu.memory_space<semaphore_mem>>) src(%arg8 : memref<16384xf32, #tpu.memory_space<vmem>>) dst(%dma_wait3A_2361 : memref<16384xf32, #tpu.memory_space<hbm>>)
    %parallel_loop3A_2362 = arith.constant 0 : i32
    %parallel_loop3A_2363 = arith.constant 8192 : i32
    %parallel_loop3A_2364 = arith.constant 16 : i32
    scf.for %parallel_loop3A_2380 = %parallel_loop3A_2362 to %parallel_loop3A_2363 step %parallel_loop3A_2364  : i32 {
      %parallel_loop3A_2381 = arith.index_cast %parallel_loop3A_2380 : i32 to index
      %parallel_loop3A_2382 = tpu.vector_load %arg7[%parallel_loop3A_2381] {strides = array<i32>} : memref<8192xi32, #tpu.memory_space<vmem>>, vector<16xi32>,
      %parallel_loop3A_2383 = tpu.vector_load_idx %arg6[%parallel_loop3A_2382] : memref<100000xf32, #tpu.memory_space<vmem>>[vector<16xi32>], vector<16xf32>,
      %parallel_loop3A_2384 = arith.constant 0 : i32
      %parallel_loop3A_2385 = arith.addi %parallel_loop3A_2384, %parallel_loop3A_2380 : i32
      %parallel_loop3A_2386 = arith.index_cast %parallel_loop3A_2385 : i32 to index
      %parallel_loop3A_2387 = tpu.vector_load %arg8[%parallel_loop3A_2386] {strides = array<i32>} : memref<16384xf32, #tpu.memory_space<vmem>>, vector<16xf32>,
      tpu.vector_store %arg8[%parallel_loop3A_2386], %parallel_loop3A_2383 {strides = array<i32>} : memref<16384xf32, #tpu.memory_space<vmem>>, vector<16xf32>,
    } {sc.loop_unroll_factor = 8 : i64, sc.parallel_access}
    "tpu.region"() ({
      %run_scoped3A = tpu.sem_alloc : memref<!tpu.dma_semaphore, #tpu.memory_space<semaphore_mem>>
      %dma_start3A_2380 = arith.constant 8192 : i32
      %dma_start3A_2381 = tpu.memref_slice %arg2[%select_n3A_2267, %dma_start3A_2380] : memref<26x16384xi32, #tpu.memory_space<hbm>> -> memref<1x8192xi32, #tpu.memory_space<hbm>>
      %dma_start3A_2382 = tpu.memref_squeeze %dma_start3A_2381 : memref<1x8192xi32, #tpu.memory_space<hbm>> -> memref<8192xi32, #tpu.memory_space<hbm>>
      %dma_start3A_2383 = arith.constant 8192 : i32
      %dma_start3A_2384 = tpu.memref_slice %arg2[%select_n3A_2267, %dma_start3A_2383] : memref<26x16384xi32, #tpu.memory_space<hbm>> -> memref<1x8192xi32, #tpu.memory_space<hbm>>
      %dma_start3A_2385 = tpu.memref_squeeze %dma_start3A_2384 : memref<1x8192xi32, #tpu.memory_space<hbm>> -> memref<8192xi32, #tpu.memory_space<hbm>>
      tpu.enqueue_dma source(%dma_start3A_2385 : memref<8192xi32, #tpu.memory_space<hbm>>) target(%arg7 : memref<8192xi32, #tpu.memory_space<vmem>>) target_semaphore(%run_scoped3A : memref<!tpu.dma_semaphore, #tpu.memory_space<semaphore_mem>>)
      %dma_wait3A_2386 = arith.constant 8192 : i32
      %dma_wait3A_2387 = tpu.memref_slice %arg2[%select_n3A_2267, %dma_wait3A_2386] : memref<26x16384xi32, #tpu.memory_space<hbm>> -> memref<1x8192xi32, #tpu.memory_space<hbm>>
      %dma_wait3A_2388 = tpu.memref_squeeze %dma_wait3A_2387 : memref<1x8192xi32, #tpu.memory_space<hbm>> -> memref<8192xi32, #tpu.memory_space<hbm>>
      %dma_wait3A_2389 = arith.constant 8192 : i32
      %dma_wait3A_2390 = tpu.memref_slice %arg2[%select_n3A_2267, %dma_wait3A_2389] : memref<26x16384xi32, #tpu.memory_space<hbm>> -> memref<1x8192xi32, #tpu.memory_space<hbm>>
      %dma_wait3A_2391 = tpu.memref_squeeze %dma_wait3A_2390 : memref<1x8192xi32, #tpu.memory_space<hbm>> -> memref<8192xi32, #tpu.memory_space<hbm>>
      tpu.wait_dma2 semaphore(%run_scoped3A : memref<!tpu.dma_semaphore, #tpu.memory_space<semaphore_mem>>) src(%dma_wait3A_2391 : memref<8192xi32, #tpu.memory_space<hbm>>) dst(%arg7 : memref<8192xi32, #tpu.memory_space<vmem>>)
      tpu.yield
    }) : () -> ()
    %parallel_loop3A_2365 = arith.constant 0 : i32
    %parallel_loop3A_2366 = arith.constant 8192 : i32
    %parallel_loop3A_2367 = arith.constant 16 : i32
    scf.for %parallel_loop3A_2380 = %parallel_loop3A_2365 to %parallel_loop3A_2366 step %parallel_loop3A_2367  : i32 {
      %parallel_loop3A_2381 = arith.index_cast %parallel_loop3A_2380 : i32 to index
      %parallel_loop3A_2382 = tpu.vector_load %arg7[%parallel_loop3A_2381] {strides = array<i32>} : memref<8192xi32, #tpu.memory_space<vmem>>, vector<16xi32>,
      %parallel_loop3A_2383 = tpu.vector_load_idx %arg6[%parallel_loop3A_2382] : memref<100000xf32, #tpu.memory_space<vmem>>[vector<16xi32>], vector<16xf32>,
      %parallel_loop3A_2384 = arith.constant 8192 : i32
      %parallel_loop3A_2385 = arith.addi %parallel_loop3A_2384, %parallel_loop3A_2380 : i32
      %parallel_loop3A_2386 = arith.index_cast %parallel_loop3A_2385 : i32 to index
      %parallel_loop3A_2387 = tpu.vector_load %arg8[%parallel_loop3A_2386] {strides = array<i32>} : memref<16384xf32, #tpu.memory_space<vmem>>, vector<16xf32>,
      tpu.vector_store %arg8[%parallel_loop3A_2386], %parallel_loop3A_2383 {strides = array<i32>} : memref<16384xf32, #tpu.memory_space<vmem>>, vector<16xf32>,
    } {sc.loop_unroll_factor = 8 : i64, sc.parallel_access}
    %dma_start3A_2368 = arith.constant 0 : i32
    %dma_start3A_2369 = tpu.memref_slice %arg5[%add3A_2243, %dma_start3A_2368] : memref<416x16384xf32, #tpu.memory_space<hbm>> -> memref<1x16384xf32, #tpu.memory_space<hbm>>
    %dma_start3A_2370 = tpu.memref_squeeze %dma_start3A_2369 : memref<1x16384xf32, #tpu.memory_space<hbm>> -> memref<16384xf32, #tpu.memory_space<hbm>>
    %dma_start3A_2371 = arith.constant 0 : i32
    %dma_start3A_2372 = tpu.memref_slice %arg5[%add3A_2243, %dma_start3A_2371] : memref<416x16384xf32, #tpu.memory_space<hbm>> -> memref<1x16384xf32, #tpu.memory_space<hbm>>
    %dma_start3A_2373 = tpu.memref_squeeze %dma_start3A_2372 : memref<1x16384xf32, #tpu.memory_space<hbm>> -> memref<16384xf32, #tpu.memory_space<hbm>>
    tpu.enqueue_dma source(%arg8 : memref<16384xf32, #tpu.memory_space<vmem>>) target(%dma_start3A_2373 : memref<16384xf32, #tpu.memory_space<hbm>>) target_semaphore(%arg11 : memref<!tpu.dma_semaphore, #tpu.memory_space<semaphore_mem>>)
    %dma_wait3A_2374 = arith.constant 0 : i32
    %dma_wait3A_2375 = tpu.memref_slice %arg5[%add3A_2243, %dma_wait3A_2374] : memref<416x16384xf32, #tpu.memory_space<hbm>> -> memref<1x16384xf32, #tpu.memory_space<hbm>>
    %dma_wait3A_2376 = tpu.memref_squeeze %dma_wait3A_2375 : memref<1x16384xf32, #tpu.memory_space<hbm>> -> memref<16384xf32, #tpu.memory_space<hbm>>
    %dma_wait3A_2377 = arith.constant 0 : i32
    %dma_wait3A_2378 = tpu.memref_slice %arg5[%add3A_2243, %dma_wait3A_2377] : memref<416x16384xf32, #tpu.memory_space<hbm>> -> memref<1x16384xf32, #tpu.memory_space<hbm>>
    %dma_wait3A_2379 = tpu.memref_squeeze %dma_wait3A_2378 : memref<1x16384xf32, #tpu.memory_space<hbm>> -> memref<16384xf32, #tpu.memory_space<hbm>>
    tpu.wait_dma2 semaphore(%arg11 : memref<!tpu.dma_semaphore, #tpu.memory_space<semaphore_mem>>) src(%arg8 : memref<16384xf32, #tpu.memory_space<vmem>>) dst(%dma_wait3A_2379 : memref<16384xf32, #tpu.memory_space<hbm>>)
    return
  }
}

</mosaic_0001>

<sc_bundles>
// kernel: _esmm.3.cloned.1.call-start
scs
__scs_entry_jumppad:
0x0: {  	(pc) =	sbr.rel $0x88, $3  }
0x1: {  	(tag) =	ssettag $0x0;
	lr =	simm.s32 $0x1  }
0x2: {  	[smem:$0x3F9F] =	sst lr;
	_ =	strace $0xD0000000  }
0x3: {  	_ = 	snop  }
0x4: {  	_ = 	snop  }
0x5: {  	_ = 	snop  }
0x6: {  	_ = 	snop  }
0x7: {  	_ = 	snop  }
__scs_overlays_trampoline_lowered:
0x8: {  	[smem:$0x3FAE] =	sst s0  }
0x9: {  	[smem:$0x3FAF] =	sst s1  }
0xa: {  	[smem:$0x3FB0] =	sst s2  }
0xb: {  	[smem:$0x3FB1] =	sst s3  }
0xc: {  	[smem:$0x3FB2] =	sst s4  }
0xd: {  	[smem:$0x3FB3] =	sst s5  }
0xe: {  	[smem:$0x3FB4] =	sst s6  }
0xf: {  	[smem:$0x3FB5] =	sst s7  }
0x10: {  	[smem:$0x3FB6] =	sst s8  }
0x11: {  	[smem:$0x3FB7] =	sst s9;
	s0 =	simm.s32 @!p0 $0x0  }
0x12: {  	s1 =	sld [smem:$0x3F9D];
	s0 =	simm.s32 @p0 $0x1  }
0x13: {  	[smem:$0x3FB8] =	sst s0;
	s0 =	simm.s32 @!p1 $0x0  }
0x14: {  	s2 =	sld [smem:$0x3F9C];
	s0 =	simm.s32 @p1 $0x1  }
0x15: {  	[smem:$0x3FB9] =	sst s0;
	s0 =	simm.s32 @!p2 $0x0  }
0x16: {  	s3 =	sld [smem:$0x3FDB];
	s0 =	simm.s32 @p2 $0x1  }
0x17: {  	s4 =	simm.s32 $0x1BF5;
	[smem:$0x3FBB] =	sst s0  }
0x18: {  	s0 =	sld [smem:$0x3F9E];
	_ =	swait.ge [sflag:s4], $0x0  }
0x19: {  	s7 =	sld [smem:$0x3F9F]  }
0x1a: {  	s8 =	sadd.s32 $0xFFFFE003, lr  }
0x1b: {  	s9 =	sadd.s32 $0xFFFFFEF7, lr;
	s5 =	simm.s32 $0xFFFFFFFF;
	p2 =	slt.u32 s8, $0xFFFFF086  }
0x1c: {  	p1 =	slt.u32 s9, $0xF7A;
	s5 =	simm.s32 @!p2 $0x0  }
0x1d: {  	s5 =	simm.s32 @p1 $0x1;
	p0 =	seq.s32 s7, s2  }
0x1e: {  	s7 =	smul.u32 @!p0 $0xF7A, s2;
	p2 =	seq.s32 @!p0 s5, $0x0  }
0x1f: {  	s9 =	smul.u32 $0xF7A, s1;
	s8 =	simm.s32 @!p0 $0x1BF5;
	p2 =	por !p2, p0  }
0x20: {  	[sflag:s8] =	ssyncset.s32 @!p0 $0xFFFFF086;
	s6 =	sadd.s32 @!p0 s3, s7;
	s7 =	simm.s32 @!p0 $0x108  }
0x21: {  	s3 =	sadd.s32 s3, s9;
	s6 =	sadd.s32 @!p0 $0x88, s6;
	s7 =	simm.s32 @p2 $0x1082  }
0x22: {  	[simem:s7], [sflag:s8] =	dma.local @!p0 [hbm:s6], $0xF7A  }
0x23: {  	s9 =	sor.u32 $0xD0000000, s2;
	s6 =	simm.s32 $0x108;
	_ =	swait.ge @!p0 [sflag:s8], $0x0  }
0x24: {  	s3 =	sadd.s32 $0x88, s3;
	s6 =	simm.s32 @!p1 $0x1082;
	[sflag:s4] =	ssyncset.s32 $0xFFFFF086  }
0x25: {  	[simem:s6], [sflag:s4] =	dma.local [hbm:s3], $0xF7A  }
0x26: {  	[smem:$0x3F9F] =	sst s1;
	(tag) =	ssettag s2;
	_ =	strace s9  }
0x27: {  	s1 =	sld [smem:$0x3FAF]  }
0x28: {  	s2 =	sld [smem:$0x3FB0]  }
0x29: {  	s4 =	sld [smem:$0x3FB2]  }
0x2a: {  	p0 =	seq.s32 s5, $0x0;
	s5 =	sld [smem:$0x3FB3]  }
0x2b: {  	s6 =	sld [smem:$0x3FB4]  }
0x2c: {  	s7 =	sld [smem:$0x3FB5]  }
0x2d: {  	s3 =	simm.s32 $0x108;
	s8 =	sld [smem:$0x3FB6]  }
0x2e: {  	s3 =	simm.s32 @!p0 $0x1082;
	s9 =	sld [smem:$0x3FB7]  }
0x2f: {  	lr =	sadd.s32 s0, s3;
	s0 =	sld [smem:$0x3FAE]  }
0x30: {  	s3 =	sld [smem:$0x3FB1]  }
0x31: {  	[smem:$0x3FBA] =	sst s10  }
0x32: {  	s10 =	sld [smem:$0x3FB8];
	_ =	sdelay $0x3  }
0x33: {  	p0 =	seq.s32 s10, $0x1;
	s10 =	sld [smem:$0x3FBA];
	_ =	sdelay $0x3  }
0x34: {  	[smem:$0x3FBA] =	sst s10  }
0x35: {  	s10 =	sld [smem:$0x3FB9];
	_ =	sdelay $0x3  }
0x36: {  	p1 =	seq.s32 s10, $0x1;
	s10 =	sld [smem:$0x3FBA];
	_ =	sdelay $0x3  }
0x37: {  	[smem:$0x3FBA] =	sst s10  }
0x38: {  	s10 =	sld [smem:$0x3FBB]  }
0x39: {  	_ = 	snop;
	(pc) =	sbr.ind lr, $3  }
0x3a: {  	_ = 	snop  }
0x3b: {  	_ = 	snop  }
0x3c: {  	p2 =	seq.s32 s10, $0x1;
	s10 =	sld [smem:$0x3FBA]  }
0x3d: {  	_ =	shalt  }
0x3e: {  	_ =	shalt  }
0x3f: {  	_ =	shalt  }
0x40: {  	_ =	shalt  }
0x41: {  	_ =	shalt  }
0x42: {  	_ =	shalt  }
0x43: {  	_ =	shalt  }
0x44: {  	_ =	shalt  }
0x45: {  	_ =	shalt  }
0x46: {  	_ =	shalt  }
0x47: {  	_ =	shalt  }
0x48: {  	_ =	shalt  }
0x49: {  	_ =	shalt  }
0x4a: {  	_ =	shalt  }
0x4b: {  	_ =	shalt  }
0x4c: {  	_ =	shalt  }
0x4d: {  	_ =	shalt  }
0x4e: {  	_ =	shalt  }
0x4f: {  	_ =	shalt  }
0x50: {  	_ =	shalt  }
0x51: {  	_ =	shalt  }
0x52: {  	_ =	shalt  }
0x53: {  	_ =	shalt  }
0x54: {  	_ =	shalt  }
0x55: {  	_ =	shalt  }
0x56: {  	_ =	shalt  }
0x57: {  	_ =	shalt  }
0x58: {  	_ =	shalt  }
0x59: {  	_ =	shalt  }
0x5a: {  	_ =	shalt  }
0x5b: {  	_ =	shalt  }
0x5c: {  	_ =	shalt  }
0x5d: {  	_ =	shalt  }
0x5e: {  	_ =	shalt  }
0x5f: {  	_ =	shalt  }
0x60: {  	_ =	shalt  }
0x61: {  	_ =	shalt  }
0x62: {  	_ =	shalt  }
0x63: {  	_ =	shalt  }
0x64: {  	_ =	shalt  }
0x65: {  	_ =	shalt  }
0x66: {  	_ =	shalt  }
0x67: {  	_ =	shalt  }
0x68: {  	_ =	shalt  }
0x69: {  	_ =	shalt  }
0x6a: {  	_ =	shalt  }
0x6b: {  	_ =	shalt  }
0x6c: {  	_ =	shalt  }
0x6d: {  	_ =	shalt  }
0x6e: {  	_ =	shalt  }
0x6f: {  	_ =	shalt  }
0x70: {  	_ =	shalt  }
0x71: {  	_ =	shalt  }
0x72: {  	_ =	shalt  }
0x73: {  	_ =	shalt  }
0x74: {  	_ =	shalt  }
0x75: {  	_ =	shalt  }
0x76: {  	_ =	shalt  }
0x77: {  	_ =	shalt  }
0x78: {  	_ =	shalt  }
0x79: {  	_ =	shalt  }
0x7a: {  	_ =	shalt  }
0x7b: {  	_ =	shalt  }
0x7c: {  	_ =	shalt  }
0x7d: {  	_ =	shalt  }
0x7e: {  	_ =	shalt  }
0x7f: {  	_ =	shalt  }
0x80: {  	_ =	shalt  }
0x81: {  	_ =	shalt  }
0x82: {  	_ =	shalt  }
0x83: {  	_ =	shalt  }
0x84: {  	_ =	shalt  }
0x85: {  	_ =	shalt  }
0x86: {  	_ =	shalt  }
0x87: {  	_ =	shalt  }
.Lfunc_end0:
.L_simem_size_0:
called_computation_lowered:
.L_overlay_start_0:
0x88: {  	s2 =	sld [smem:$0x3FD9]  }
0x89: {  	s3 =	sld [smem:$0x3FFE];
	_ =	sdelay $0x1  }
0x8a: {  	s1 =	srdreg.scid  }
0x8b: {  	s0 =	sand.u32 $0x1, s1  }
0x8c: {  	s17 =	sshll.u32 s0, $0xA;
	s2 =	sadd.s32 s3, s2  }
0x8d: {  	s2 =	sadd.s32 s2, s17  }
0x8e: {  	[smem:$0x3FC6] =	sst s2  }
0x8f: {  	_ = 	snop  }
0x90: {  	s2 =	sld [smem:$0x3FC9]  }
0x91: {  	s18 =	sld [smem:$0x3FC8]  }
0x92: {  	s4 =	sld [smem:$0x3FD0];
	(tm) =	ssettm $0x1  }
0x93: {  	s5 =	sld [smem:$0x3FFB];
	_ =	sdelay $0x3  }
0x94: {  	_ =	strace s5  }
0x95: {  	s5 =	sld [smem:$0x3FFC];
	_ =	sdelay $0x3  }
0x96: {  	_ =	strace s5  }
0x97: {  	s5 =	sld [smem:$0x3FFD];
	_ =	sdelay $0x3  }
0x98: {  	_ =	strace s5  }
0x99: {  	_ =	strace $0x8FFFFFFF  }
0x9a: {  	s19 =	sld [smem:$0x3FDB];
	_ =	sdelay $0x1  }
0x9b: {  	s6 =	simm.s32 $_scs_section_size  }
0x9c: {  	s7 =	simm.s32 $_size__tile_overlayer_lowered;
	s8 =	simm.s32 $_tile_overlayer_lowered  }
0x9d: {  	s22 =	simm.s32 $0x1BFF;
	s21 =	sshll.u32 s8, $0x1;
	s5 =	sadd.s32 s6, s19  }
0x9e: {  	s9 =	simm.s32 $0x0;
	s20 =	sshll.u32 s7, $0x1;
	s7 =	sadd.s32 s21, s5  }
0x9f: {  	[timem:s9], [sflag:s22] =	dma.local [hbm:s7], s20  }
0xa0: {  	_ =	swait.ge [sflag:s22], s20  }
0xa1: {  	s6 =	ssub.s32 $0x0, s20;
	[sflag:s22] =	ssyncset.done $0x0  }
0xa2: {  	[sflag:s22] =	ssyncadd.s32 s6;
	_ =	sdelay $0x1  }
0xa3: {  	s23 =	simm.s32 $0x1B8B  }
0xa4: {  	_ =	swait.ge [sflag:s23], $0x1  }
0xa5: {  	[sflag:s23] =	ssyncset.done $0x0  }
0xa6: {  	s25 =	simm.s32 $0x1B8E;
	s24 =	sld [smem:$0x3FFE];
	[sflag:s23] =	ssyncadd.s32 $0xFFFFFFFF  }
0xa7: {  	s26 =	simm.s32 $execute0_lowered;
	[smem:$0x3FD2] =	sst s25  }
0xa8: {  	s7 =	sshll.u32 s26, $0x1;
	_ =	strace $0x80000046;
	[dreg:$0x1] =	wrdreg $0xFFFFFFFF  }
0xa9: {  	s28 =	simm.s32 $_size_execute0_lowered;
	s5 =	sadd.s32 s5, s7;
	[dreg:$0x0] =	wrdreg $0x0  }
0xaa: {  	s7 =	sshll.u32 s28, $0x1;
	[dreg:$0x2] =	wrdreg s5  }
0xab: {  	[dreg:$0x3] =	wrdreg s7  }
0xac: {  	[dreg:$0x4] =	wrdreg $0xC0  }
0xad: {  	_ =	task [dreg:s9], $0x5FFFF  }
0xae: {  	[dreg:$0x1] =	wrdreg $0xFFFFFFFF  }
0xaf: {  	[dreg:$0x0] =	wrdreg $0x60  }
0xb0: {  	[dreg:$0x2] =	wrdreg s2  }
0xb1: {  	[dreg:$0x3] =	wrdreg s18  }
0xb2: {  	[dreg:$0x4] =	wrdreg s24  }
0xb3: {  	[dreg:$0x5] =	wrdreg s4  }
0xb4: {  	[dreg:$0x6] =	wrdreg $0x9  }
0xb5: {  	_ =	task.clear_ibuf [dreg:s9], $0x7FFFF;
	_ =	strace $0x90000046  }
0xb6: {  	s29 =	simm.s32 $0x9;
	_ =	strace $0x80000048  }
0xb7: {  	_ =	swait.ge [sflag:s29], $0x1  }
0xb8: {  	[sflag:s29] =	ssyncadd.s32 $0xFFFFFFFF  }
0xb9: {  	_ =	strace $0x90000048  }
0xba: {  	_ =	sfence  }
0xbb: {  	s30 =	sld [smem:$0x0];
	_ =	sdelay $0x2  }
0xbc: {  	s31 =	sshll.u32 s1, $0xD;
	s1 =	sshrl.u32 s1, $0x2  }
0xbd: {  	s3 =	sand.u32 $0x4000, s31;
	s1 =	sadd.s32 s1, s30  }
0xbe: {  	s0 =	sor.u32 s3, s0;
	s1 =	sshll.u32 s1, $0x11  }
0xbf: {  	s0 =	sor.u32 s1, s0  }
0xc0: {  	s0 =	sadd.s32 $0x8F2B, s0  }
0xc1: {  	[sflag:s0] =	ssyncadd.remote.s32 $0x1  }
0xc2: {  	_ =	sfence.sel $0xFFFF  }
0xc3: {  	[dreg:$0x0] =	wrdreg $0xFFFFFFFF;
	(pc) =	sbr.abs _section_cstart, $3  }
0xc4: {  	[dreg:$0x1] =	wrdreg $0xFFFFFFFF  }
0xc5: {  	_ =	task.clear_ibuf [dreg:s9], $0x2FFFF;
	_ =	strace $0x9FFFFFFF  }
0xc6: {  	(tm) =	ssettm $0x7FFFFFFF  }
0xc7: {  	_ =	shalt  }
tec
execute0_lowered:
.L_overlay_start_1:
0x0: {  	(tag) =	ssettag $0x1  }
0x1: {  	s0 =	srdreg.scid;
	s2 =	stileid.u32  }
0x2: {  	s1 =	sand.u32 $0x1, s0;
	s6 =	sshll.u32 s2, $0x1  }
0x3: {  	s0 =	sor.u32 s1, s6  }
0x4: {  	s26 =	rddreg [dreg:$0x0];
	s1 =	ssub.s32 $0x2, s1;
	s18 =	smul.u32 $0xD, s0  }
0x5: {  	s28 =	rddreg [dreg:$0x3];
	s4 =	sshrl.u32 s1, $0x1  }
0x6: {  	s1 =	ssub.s32 s1, s4;
	s7 =	sshrl.u32 s18, $0x4;
	s3 =	sand.u32 $0xF, s18  }
0x7: {  	[smem:$0x7F3] =	sst s1;
	s8 =	sshll.u32 s18, $0x7;
	s9 =	sadd.s32 $0x1, s18  }
0x8: {  	s11 =	sshll.u32 s18, $0x3;
	s5 =	sshrl.u32 s18, $0x7;
	[smem:$0x79D] =	sst s7  }
0x9: {  	s25 =	sadd.s32 $0x2, s18;
	[smem:$0x7E9] =	sst s3;
	s2 =	smul.u32 $0x187000, s7  }
0xa: {  	s3 =	sshrl.u32 s3, $0x3;
	s1 =	sand.u32 $0x380, s8;
	s31 =	sshrl.u32 s9, $0x4  }
0xb: {  	s7 =	sand.u32 $0xF, s9;
	s4 =	sand.u32 $0x380, s11;
	s10 =	sshll.u32 s5, $0xC  }
0xc: {  	s13 =	sshll.u32 s5, $0x11;
	s15 =	sshll.u32 s9, $0x7;
	s17 =	sshrl.u32 s9, $0x7  }
0xd: {  	s19 =	sshll.u32 s9, $0x3;
	s24 =	sand.u32 $0x70, s9;
	s30 =	sshrl.u32 s25, $0x4  }
0xe: {  	s29 =	sand.u32 $0xF, s25;
	s8 =	sshll.u32 s9, $0xB;
	s3 =	smul.u32 $0xC3800, s3  }
0xf: {  	s11 =	sshll.u32 s25, $0x3;
	[smem:$0x7EA] =	sst s7;
	s6 =	smul.u32 $0x187000, s31  }
0x10: {  	s7 =	sshrl.u32 s7, $0x3;
	s12 =	sor.u32 s10, s4;
	s16 =	sand.u32 $0x380, s15  }
0x11: {  	s20 =	sshll.u32 s17, $0xC;
	s5 =	sshll.u32 s17, $0x11;
	s23 =	sand.u32 $0x1C000, s15  }
0x12: {  	[smem:$0x7EB] =	sst s29;
	s17 =	sshll.u32 s25, $0xB;
	s7 =	smul.u32 $0xC3800, s7  }
0x13: {  	[smem:$0x7AE] =	sst s12;
	s12 =	sshrl.u32 s25, $0x7;
	s2 =	sadd.s32 s2, s3  }
0x14: {  	s3 =	sshll.u32 s9, $0x4;
	s9 =	sshll.u32 s25, $0x7;
	s1 =	sor.u32 s1, s2  }
0x15: {  	s14 =	sadd.s32 s6, s7;
	s6 =	sand.u32 $0x380, s19;
	s2 =	sadd.s32 s26, s24  }
0x16: {  	s7 =	sshrl.u32 s29, $0x3;
	s3 =	sand.u32 $0x70, s3;
	s10 =	sand.u32 $0x380, s9  }
0x17: {  	[smem:$0x7A4] =	sst s1;
	s1 =	sor.u32 s13, s4;
	s21 =	sor.u32 s20, s6  }
0x18: {  	s22 =	sor.u32 s5, s6;
	s6 =	smul.u32 $0x187000, s30;
	[smem:$0x7C6] =	sst s1  }
0x19: {  	s5 =	sand.u32 $0x1FC000, s8;
	s3 =	sadd.s32 s28, s3;
	[smem:$0x7AF] =	sst s21  }
0x1a: {  	s13 =	sshll.u32 s12, $0xC;
	s4 =	sor.u32 s9, s25;
	[smem:$0x7D2] =	sst s22  }
0x1b: {  	s20 =	sand.u32 $0x1FC000, s17;
	s1 =	sor.u32 s16, s14;
	[smem:$0x7D5] =	sst s4  }
0x1c: {  	s3 =	sadd.s32 s5, s3;
	s16 =	sshll.u32 s25, $0x4;
	[smem:$0x7A5] =	sst s1  }
0x1d: {  	s1 =	sadd.s32 s23, s2;
	[dreg:$0x6] =	wrdreg s3;
	s3 =	sadd.s32 $0x3, s18  }
0x1e: {  	s2 =	smul.u32 $0xC3800, s7;
	[dreg:$0x5] =	wrdreg s1;
	s14 =	sand.u32 $0xF, s3  }
0x1f: {  	s29 =	sshrl.u32 s3, $0x4;
	s21 =	sshll.u32 s3, $0x3;
	s22 =	sshll.u32 s3, $0x7  }
0x20: {  	s23 =	sshrl.u32 s3, $0x7;
	s1 =	sadd.s32 s6, s2;
	s2 =	sshll.u32 s12, $0x11  }
0x21: {  	[smem:$0x7EC] =	sst s14;
	s15 =	sshrl.u32 s14, $0x3;
	s19 =	smul.u32 $0x187000, s29  }
0x22: {  	s24 =	sshll.u32 s23, $0xC;
	s25 =	sand.u32 $0x380, s22;
	s12 =	sadd.s32 $0x4, s18  }
0x23: {  	s1 =	sor.u32 s10, s1;
	s10 =	sand.u32 $0x1C000, s22;
	s17 =	sand.u32 $0xF, s12  }
0x24: {  	[smem:$0x7A6] =	sst s1;
	s1 =	sand.u32 $0x380, s11;
	s11 =	sand.u32 $0x70, s3  }
0x25: {  	[smem:$0x7ED] =	sst s17;
	s6 =	sshrl.u32 s17, $0x3;
	s5 =	sor.u32 s13, s1  }
0x26: {  	s1 =	sor.u32 s2, s1;
	s2 =	sand.u32 $0x70, s16;
	s16 =	sshll.u32 s3, $0xB  }
0x27: {  	s3 =	sshll.u32 s3, $0x4;
	s13 =	sadd.s32 $0x5, s18;
	[smem:$0x7B0] =	sst s5  }
0x28: {  	[smem:$0x7C7] =	sst s1;
	s1 =	smul.u32 $0xC3800, s15;
	s2 =	sadd.s32 s28, s2  }
0x29: {  	s5 =	sshll.u32 s23, $0x11;
	s3 =	sand.u32 $0x70, s3;
	s23 =	sshll.u32 s12, $0x3  }
0x2a: {  	s17 =	sshll.u32 s13, $0x3;
	s2 =	sadd.s32 s20, s2;
	s3 =	sadd.s32 s28, s3  }
0x2b: {  	[dreg:$0x7] =	wrdreg s2;
	s1 =	sadd.s32 s19, s1;
	s2 =	sand.u32 $0x380, s21  }
0x2c: {  	s19 =	smul.u32 $0xC3800, s6;
	s21 =	sand.u32 $0xF, s13;
	s1 =	sor.u32 s25, s1  }
0x2d: {  	s8 =	sor.u32 s24, s2;
	s9 =	sor.u32 s5, s2;
	[smem:$0x7EE] =	sst s21  }
0x2e: {  	s2 =	sadd.s32 s26, s11;
	s5 =	sand.u32 $0x1FC000, s16;
	[smem:$0x7A7] =	sst s1  }
0x2f: {  	s24 =	sshrl.u32 s12, $0x4;
	s25 =	sshrl.u32 s12, $0x7;
	[smem:$0x7B4] =	sst s8  }
0x30: {  	[smem:$0x7D7] =	sst s9;
	s11 =	smul.u32 $0x187000, s24;
	s1 =	sadd.s32 s10, s2  }
0x31: {  	s20 =	sadd.s32 s5, s3;
	s3 =	sshrl.u32 s21, $0x3;
	s2 =	sand.u32 $0x380, s23  }
0x32: {  	s5 =	sshll.u32 s12, $0x7;
	s14 =	sshll.u32 s25, $0xC;
	s23 =	sshrl.u32 s13, $0x4  }
0x33: {  	s7 =	sshll.u32 s25, $0x11;
	s25 =	sand.u32 $0x70, s13;
	[dreg:$0x8] =	wrdreg s1  }
0x34: {  	[dreg:$0x9] =	wrdreg s20;
	s3 =	smul.u32 $0xC3800, s3;
	s15 =	sand.u32 $0x380, s5  }
0x35: {  	s16 =	smul.u32 $0x187000, s23;
	s6 =	sor.u32 s14, s2;
	s8 =	sor.u32 s7, s2  }
0x36: {  	s10 =	sor.u32 s5, s12;
	s14 =	sshll.u32 s13, $0x7;
	[smem:$0x7B5] =	sst s6  }
0x37: {  	s20 =	sand.u32 $0x380, s17;
	s5 =	sadd.s32 s26, s25;
	[smem:$0x7C8] =	sst s8  }
0x38: {  	s7 =	sshll.u32 s13, $0x4;
	s22 =	sadd.s32 s11, s19;
	[smem:$0x7D8] =	sst s10  }
0x39: {  	s11 =	sshll.u32 s12, $0x4;
	s12 =	sshll.u32 s12, $0xB;
	s4 =	sand.u32 $0x1C000, s14  }
0x3a: {  	s1 =	sor.u32 s15, s22;
	s9 =	sadd.s32 s16, s3;
	s2 =	sand.u32 $0x70, s11  }
0x3b: {  	s3 =	sand.u32 $0x1FC000, s12;
	s15 =	sand.u32 $0x380, s14;
	s16 =	sshrl.u32 s13, $0x7  }
0x3c: {  	[smem:$0x7A8] =	sst s1;
	s2 =	sadd.s32 s28, s2;
	s1 =	sor.u32 s15, s9  }
0x3d: {  	s21 =	sshll.u32 s16, $0xC;
	s2 =	sadd.s32 s3, s2;
	[smem:$0x7A9] =	sst s1  }
0x3e: {  	s1 =	sadd.s32 $0x6, s18;
	s3 =	sor.u32 s21, s20;
	[dreg:$0xa] =	wrdreg s2  }
0x3f: {  	s8 =	sshll.u32 s13, $0xB;
	s19 =	sand.u32 $0xF, s1;
	[smem:$0x7B6] =	sst s3  }
0x40: {  	s2 =	sshll.u32 s16, $0x11;
	s9 =	sshll.u32 s1, $0x7;
	s13 =	sshll.u32 s1, $0x3  }
0x41: {  	s14 =	sshrl.u32 s1, $0x7;
	s21 =	sshll.u32 s1, $0x4;
	s25 =	sshll.u32 s1, $0xB  }
0x42: {  	[smem:$0x7EF] =	sst s19;
	s22 =	sshrl.u32 s19, $0x3;
	s2 =	sor.u32 s2, s20  }
0x43: {  	s10 =	sand.u32 $0x380, s9;
	s15 =	sshll.u32 s14, $0xC;
	s11 =	smul.u32 $0xC3800, s22  }
0x44: {  	s22 =	sshrl.u32 s1, $0x4;
	[smem:$0x7DB] =	sst s2;
	s2 =	sadd.s32 s4, s5  }
0x45: {  	s4 =	sand.u32 $0x70, s7;
	s7 =	sand.u32 $0x1FC000, s8;
	s1 =	sor.u32 s9, s1  }
0x46: {  	s3 =	smul.u32 $0x187000, s22;
	[dreg:$0xb] =	wrdreg s2;
	s4 =	sadd.s32 s28, s4  }
0x47: {  	[smem:$0x7DD] =	sst s1;
	s12 =	sadd.s32 s7, s4;
	s7 =	sadd.s32 $0x7, s18  }
0x48: {  	s4 =	sshll.u32 s14, $0x11;
	s6 =	sadd.s32 s3, s11;
	[dreg:$0xc] =	wrdreg s12  }
0x49: {  	s16 =	sand.u32 $0xF, s7;
	s12 =	sshrl.u32 s7, $0x4;
	s3 =	sand.u32 $0x1FC000, s25  }
0x4a: {  	s8 =	sshll.u32 s7, $0x7;
	s2 =	sor.u32 s10, s6;
	[smem:$0x7F0] =	sst s16  }
0x4b: {  	s19 =	sshrl.u32 s16, $0x3;
	s9 =	sand.u32 $0x380, s8;
	s10 =	sshrl.u32 s7, $0x7  }
0x4c: {  	[smem:$0x7AA] =	sst s2;
	s2 =	sand.u32 $0x380, s13;
	s20 =	smul.u32 $0xC3800, s19  }
0x4d: {  	s13 =	sand.u32 $0x70, s21;
	s21 =	sand.u32 $0x70, s7;
	s17 =	sor.u32 s15, s2  }
0x4e: {  	s2 =	sor.u32 s4, s2;
	s5 =	sadd.s32 s28, s13;
	s15 =	sshll.u32 s7, $0x3  }
0x4f: {  	s13 =	sadd.s32 $0x8, s18;
	s4 =	sand.u32 $0x1C000, s8;
	[smem:$0x7BA] =	sst s17  }
0x50: {  	s8 =	sshll.u32 s7, $0x4;
	s7 =	sshll.u32 s7, $0xB;
	[smem:$0x7C9] =	sst s2  }
0x51: {  	s2 =	smul.u32 $0x187000, s12;
	s1 =	sadd.s32 s3, s5;
	s16 =	sand.u32 $0x380, s15  }
0x52: {  	s17 =	sshll.u32 s10, $0xC;
	s25 =	sand.u32 $0xF, s13;
	s3 =	sadd.s32 s26, s21  }
0x53: {  	s15 =	sand.u32 $0x70, s8;
	s8 =	sshrl.u32 s13, $0x7;
	[dreg:$0xd] =	wrdreg s1  }
0x54: {  	s19 =	sor.u32 s17, s16;
	[smem:$0x7F1] =	sst s25;
	s5 =	sshrl.u32 s25, $0x3  }
0x55: {  	s11 =	sadd.s32 s4, s3;
	s17 =	sand.u32 $0x1FC000, s7;
	s7 =	sadd.s32 $0x9, s18  }
0x56: {  	s25 =	smul.u32 $0x34000, s0;
	s6 =	sadd.s32 s2, s20;
	[smem:$0x7BB] =	sst s19  }
0x57: {  	s20 =	sshll.u32 s10, $0x11;
	s10 =	sshrl.u32 s13, $0x4;
	[dreg:$0xe] =	wrdreg s11  }
0x58: {  	s19 =	sadd.s32 s28, s15;
	s2 =	sshll.u32 s13, $0x7;
	s3 =	sand.u32 $0xF, s7  }
0x59: {  	s1 =	sor.u32 s9, s6;
	s6 =	smul.u32 $0xC3800, s5;
	[smem:$0x7F2] =	sst s3  }
0x5a: {  	s9 =	smul.u32 $0x187000, s10;
	s5 =	sand.u32 $0x380, s2;
	[smem:$0x7AB] =	sst s1  }
0x5b: {  	s1 =	sor.u32 s20, s16;
	s20 =	sadd.s32 s17, s19;
	s16 =	smul.u32 $0x280, s0  }
0x5c: {  	s17 =	sshrl.u32 s3, $0x3;
	s19 =	sshll.u32 s13, $0x3;
	[smem:$0x7DE] =	sst s1  }
0x5d: {  	s0 =	sshll.u32 s13, $0xE;
	s3 =	sshll.u32 s7, $0x3;
	[dreg:$0xf] =	wrdreg s20  }
0x5e: {  	s21 =	sadd.s32 s9, s6;
	s6 =	smul.u32 $0xC3800, s17;
	s9 =	sshrl.u32 s7, $0x4  }
0x5f: {  	s19 =	sand.u32 $0x380, s19;
	s20 =	sshll.u32 s8, $0xC;
	s17 =	sshll.u32 s8, $0x11  }
0x60: {  	s1 =	sshll.u32 s7, $0x7;
	s14 =	sor.u32 s5, s21;
	s21 =	smul.u32 $0x187000, s9  }
0x61: {  	s20 =	sor.u32 s20, s19;
	s19 =	sor.u32 s17, s19;
	s5 =	sand.u32 $0x380, s3  }
0x62: {  	[smem:$0x7CD] =	sst s19;
	s4 =	sadd.s32 s21, s6;
	s21 =	sor.u32 s16, s25  }
0x63: {  	s25 =	sor.u32 s2, s13;
	s2 =	sshrl.u32 s7, $0x7;
	s6 =	sand.u32 $0x380, s1  }
0x64: {  	s13 =	sand.u32 $0x1C000, s1;
	s1 =	sadd.s32 $0xB, s18;
	[smem:$0x7C3] =	sst s21  }
0x65: {  	[smem:$0x7E1] =	sst s25;
	s25 =	sshll.u32 s2, $0xC;
	s21 =	sor.u32 s16, s0  }
0x66: {  	s11 =	sor.u32 s6, s4;
	s8 =	sshll.u32 s2, $0x11;
	s16 =	sand.u32 $0x70, s7  }
0x67: {  	s0 =	sadd.s32 $0xA, s18;
	s17 =	sor.u32 s25, s5;
	s15 =	sadd.s32 s26, s16  }
0x68: {  	s16 =	sand.u32 $0xF, s0;
	s25 =	sor.u32 s8, s5;
	s5 =	sshll.u32 s7, $0x4  }
0x69: {  	s8 =	sshrl.u32 s0, $0x4;
	s7 =	sshll.u32 s7, $0xB;
	[smem:$0x7E3] =	sst s25  }
0x6a: {  	s2 =	sadd.s32 s13, s15;
	s3 =	sshrl.u32 s16, $0x3;
	s13 =	sand.u32 $0x70, s5  }
0x6b: {  	s6 =	smul.u32 $0x187000, s8;
	s7 =	sand.u32 $0x1FC000, s7;
	s25 =	sshll.u32 s0, $0x7  }
0x6c: {  	s5 =	sshll.u32 s0, $0x3;
	s15 =	sand.u32 $0xF, s1;
	[dreg:$0x10] =	wrdreg s2  }
0x6d: {  	s4 =	smul.u32 $0xC3800, s3;
	s13 =	sadd.s32 s28, s13;
	s2 =	sand.u32 $0x380, s25  }
0x6e: {  	s3 =	sshrl.u32 s0, $0x7;
	s25 =	sor.u32 s25, s0;
	s19 =	sadd.s32 s7, s13  }
0x6f: {  	[dreg:$0x11] =	wrdreg s19;
	s4 =	sadd.s32 s6, s4;
	s6 =	sand.u32 $0x380, s5  }
0x70: {  	s5 =	sshll.u32 s0, $0x4;
	s7 =	sor.u32 s2, s4;
	s2 =	sshll.u32 s3, $0xC  }
0x71: {  	s4 =	sshll.u32 s3, $0x11;
	s3 =	sshrl.u32 s15, $0x3;
	s13 =	sor.u32 s2, s6  }
0x72: {  	s19 =	sor.u32 s4, s6;
	s6 =	smul.u32 $0xC3800, s3;
	s2 =	sshrl.u32 s1, $0x4  }
0x73: {  	s0 =	sshll.u32 s0, $0xB;
	s3 =	sand.u32 $0x70, s5;
	s4 =	smul.u32 $0x187000, s2  }
0x74: {  	s0 =	sand.u32 $0x1FC000, s0;
	s3 =	sadd.s32 s28, s3  }
0x75: {  	s0 =	sadd.s32 s0, s3;
	s3 =	sadd.s32 s4, s6;
	s6 =	sld [smem:$0x79D]  }
0x76: {  	_ = 	snop  }
0x77: {  	p6 =	seq.s32 s12, s22;
	p1 =	seq.s32 s9, s10  }
0x78: {  	p2 =	seq.s32 s8, s9;
	s5 =	sshll.u32 s1, $0x7;
	p0 =	seq.s32 s31, s6  }
0x79: {  	s7 =	sshrl.u32 s7, $0x3;
	[dreg:$0x12] =	wrdreg s0;
	s0 =	simm.s32 @!p0 $0x0  }
0x7a: {  	p3 =	seq.s32 s2, s8;
	s0 =	simm.s32 @p0 $0x1;
	p0 =	seq.s32 s30, s31  }
0x7b: {  	s4 =	sand.u32 $0x380, s5;
	[smem:$0x79E] =	sst s0;
	s0 =	simm.s32 @!p0 $0x0  }
0x7c: {  	s5 =	sand.u32 $0x1C000, s5;
	s0 =	simm.s32 @p0 $0x1;
	p0 =	seq.s32 s29, s30  }
0x7d: {  	s4 =	sor.u32 s4, s3;
	[smem:$0x79F] =	sst s0;
	s0 =	simm.s32 @!p0 $0x0  }
0x7e: {  	s4 =	sshrl.u32 s4, $0x3;
	s0 =	simm.s32 @p0 $0x1;
	p0 =	seq.s32 s24, s29  }
0x7f: {  	s6 =	sadd.s32 $0xC, s18;
	[smem:$0x7A0] =	sst s0;
	s0 =	simm.s32 @!p0 $0x0  }
0x80: {  	s29 =	sshrl.u32 s6, $0x4;
	s0 =	simm.s32 @p0 $0x1;
	p0 =	seq.s32 s23, s24  }
0x81: {  	p4 =	seq.s32 s29, s2;
	[smem:$0x7A1] =	sst s0;
	s0 =	simm.s32 @!p0 $0x0  }
0x82: {  	s9 =	smul.u32 $0x187000, s29;
	s0 =	simm.s32 @p0 $0x1;
	p0 =	seq.s32 s22, s23  }
0x83: {  	s22 =	sshrl.u32 s1, $0x7;
	s23 =	sshll.u32 s1, $0x3;
	[smem:$0x7A2] =	sst s0  }
0x84: {  	s0 =	simm.s32 @!p0 $0x0;
	s3 =	sand.u32 $0x380, s23;
	s24 =	sshll.u32 s22, $0xC  }
0x85: {  	s23 =	sshll.u32 s1, $0xB;
	s0 =	simm.s32 @p0 $0x1;
	p0 =	seq.s32 s10, s12  }
0x86: {  	s8 =	sor.u32 s24, s3;
	s10 =	sand.u32 $0x70, s1;
	s12 =	sshll.u32 s22, $0x11  }
0x87: {  	[smem:$0x7A3] =	sst s0;
	s22 =	sadd.s32 s26, s10;
	s0 =	sand.u32 $0xF, s6  }
0x88: {  	s2 =	sor.u32 s12, s3;
	s10 =	rddreg [dreg:$0x1];
	s12 =	sadd.s32 s5, s22  }
0x89: {  	s1 =	sshll.u32 s1, $0x4;
	s24 =	sshrl.u32 s0, $0x3;
	[dreg:$0x13] =	wrdreg s12  }
0x8a: {  	s29 =	sand.u32 $0x1FC000, s23;
	s18 =	smul.u32 $0xC3800, s24;
	s24 =	sld [smem:$0x7A4]  }
0x8b: {  	s1 =	sand.u32 $0x70, s1;
	s7 =	sadd.s32 s10, s7;
	s12 =	sld [smem:$0x7A5]  }
0x8c: {  	s1 =	sadd.s32 s28, s1;
	s4 =	sadd.s32 s10, s4;
	[dreg:$0x1f] =	wrdreg s7  }
0x8d: {  	s3 =	sshll.u32 s6, $0x7;
	s1 =	sadd.s32 s29, s1;
	[smem:$0x7AC] =	sst s4  }
0x8e: {  	[dreg:$0x14] =	wrdreg s1;
	s23 =	sadd.s32 s9, s18;
	s18 =	sand.u32 $0x380, s3  }
0x8f: {  	s1 =	sor.u32 s18, s23;
	s23 =	sld [smem:$0x7A6]  }
0x90: {  	s29 =	sshrl.u32 s24, $0x3;
	s24 =	sld [smem:$0x7A7]  }
0x91: {  	s9 =	sshrl.u32 s12, $0x3;
	s5 =	sadd.s32 s10, s29;
	s29 =	sld [smem:$0x7A8]  }
0x92: {  	s22 =	sadd.s32 s10, s9;
	[dreg:$0x15] =	wrdreg s5  }
0x93: {  	[dreg:$0x16] =	wrdreg s22  }
0x94: {  	s1 =	sshrl.u32 s1, $0x3;
	s5 =	sshrl.u32 s23, $0x3;
	s23 =	sld [smem:$0x7A9]  }
0x95: {  	s1 =	sadd.s32 s10, s1;
	s9 =	sshrl.u32 s24, $0x3;
	s24 =	sld [smem:$0x7AA]  }
0x96: {  	[smem:$0x7AD] =	sst s1  }
0x97: {  	s12 =	sshrl.u32 s29, $0x3;
	s5 =	sadd.s32 s10, s5;
	s29 =	sld [smem:$0x7AB]  }
0x98: {  	s18 =	sadd.s32 s10, s9;
	[dreg:$0x17] =	wrdreg s5  }
0x99: {  	[dreg:$0x18] =	wrdreg s18;
	s22 =	sadd.s32 s10, s12  }
0x9a: {  	[dreg:$0x19] =	wrdreg s22  }
0x9b: {  	s9 =	sshrl.u32 s24, $0x3;
	s24 =	sshrl.u32 s11, $0x3;
	s11 =	sld [smem:$0x7AE]  }
0x9c: {  	s5 =	sshrl.u32 s23, $0x3;
	s23 =	sshrl.u32 s14, $0x3;
	s14 =	sld [smem:$0x7B0]  }
0x9d: {  	s12 =	sshrl.u32 s29, $0x3;
	s18 =	sadd.s32 s10, s9;
	s9 =	rddreg [dreg:$0x2]  }
0x9e: {  	s5 =	sadd.s32 s10, s5;
	s29 =	sadd.s32 s10, s24;
	s24 =	sld [smem:$0x7B5]  }
0x9f: {  	[dreg:$0x1a] =	wrdreg s5  }
0xa0: {  	[dreg:$0x1b] =	wrdreg s18  }
0xa1: {  	[dreg:$0x1e] =	wrdreg s29  }
0xa2: {  	s22 =	sadd.s32 s10, s12;
	s12 =	sld [smem:$0x7AF]  }
0xa3: {  	s5 =	sadd.s32 s10, s23;
	s23 =	sld [smem:$0x7B4]  }
0xa4: {  	s29 =	sld [smem:$0x7B6]  }
0xa5: {  	s1 =	sadd.s32 $0x400, s9;
	s9 =	sld [smem:$0x7BA]  }
0xa6: {  	s10 =	sld [smem:$0x7BB]  }
0xa7: {  	[dreg:$0x1c] =	wrdreg s22  }
0xa8: {  	s8 =	sshrl.u32 s8, $0x3;
	[dreg:$0x1d] =	wrdreg s5  }
0xa9: {  	s4 =	sshrl.u32 s11, $0x3;
	s7 =	sshrl.u32 s14, $0x3;
	s8 =	sadd.s32 s1, s8  }
0xaa: {  	s11 =	sshrl.u32 s20, $0x3;
	s4 =	sadd.s32 s1, s4;
	[smem:$0x7C1] =	sst s8  }
0xab: {  	s20 =	sshrl.u32 s6, $0x7;
	s22 =	sadd.s32 s1, s7;
	[smem:$0x7B1] =	sst s4  }
0xac: {  	s14 =	sadd.s32 s1, s11;
	s5 =	sshrl.u32 s12, $0x3;
	[smem:$0x7B3] =	sst s22  }
0xad: {  	s4 =	sshrl.u32 s23, $0x3;
	[smem:$0x7BE] =	sst s14;
	s14 =	simm.s32 $0x0  }
0xae: {  	s7 =	sshrl.u32 s29, $0x3;
	s18 =	sadd.s32 s1, s5;
	[smem:$0x7FF] =	sst s14  }
0xaf: {  	s22 =	sshll.u32 s6, $0x3;
	s4 =	sadd.s32 s1, s4;
	[smem:$0x7B2] =	sst s18  }
0xb0: {  	s29 =	sshrl.u32 s13, $0x3;
	s7 =	sadd.s32 s1, s7;
	[smem:$0x7B7] =	sst s4  }
0xb1: {  	s5 =	sshrl.u32 s24, $0x3;
	s23 =	sand.u32 $0x380, s22;
	[smem:$0x7B9] =	sst s7  }
0xb2: {  	s24 =	sshll.u32 s20, $0xC;
	s18 =	sshrl.u32 s17, $0x3;
	s17 =	sld [smem:$0x7C6]  }
0xb3: {  	s5 =	sadd.s32 s1, s5;
	s7 =	sor.u32 s24, s23;
	s24 =	sld [smem:$0x7CD]  }
0xb4: {  	s4 =	sshrl.u32 s9, $0x3;
	s9 =	sadd.s32 s1, s29;
	[smem:$0x7B8] =	sst s5  }
0xb5: {  	[smem:$0x7C0] =	sst s9  }
0xb6: {  	s5 =	sshrl.u32 s10, $0x3;
	s9 =	sld [smem:$0x7C3]  }
0xb7: {  	s4 =	sadd.s32 s1, s4;
	s10 =	sand.u32 $0x7FFE0380, s21;
	s21 =	sld [smem:$0x7C9]  }
0xb8: {  	[smem:$0x7BC] =	sst s4  }
0xb9: {  	s4 =	sadd.s32 s1, s18;
	s18 =	sld [smem:$0x7C7]  }
0xba: {  	s12 =	sadd.s32 s1, s5;
	s5 =	sshll.u32 s20, $0x11;
	s20 =	sld [smem:$0x7C8]  }
0xbb: {  	s7 =	sshrl.u32 s7, $0x3;
	[smem:$0x7BD] =	sst s12  }
0xbc: {  	s1 =	sadd.s32 s1, s7;
	[smem:$0x7BF] =	sst s4  }
0xbd: {  	[smem:$0x7C2] =	sst s1;
	s12 =	sshll.u32 s6, $0x4;
	s1 =	sand.u32 $0x7E0380, s9  }
0xbe: {  	s13 =	sand.u32 $0x70, s12;
	s9 =	sshrl.u32 s21, $0x3;
	s12 =	sld [smem:$0x7D7]  }
0xbf: {  	s4 =	sor.u32 s5, s23;
	s23 =	sadd.s32 s26, s9;
	s9 =	sld [smem:$0x7D2]  }
0xc0: {  	s7 =	sshrl.u32 s18, $0x3;
	s18 =	sld [smem:$0x7DB]  }
0xc1: {  	s4 =	sshrl.u32 s4, $0x3;
	s8 =	sshrl.u32 s20, $0x3;
	s20 =	sld [smem:$0x7DE]  }
0xc2: {  	s4 =	sadd.s32 s26, s4;
	[smem:$0x7CC] =	sst s23  }
0xc3: {  	s1 =	sshrl.u32 s1, $0x3;
	[smem:$0x7D0] =	sst s4  }
0xc4: {  	s1 =	sadd.s32 s28, s1;
	s23 =	sld [smem:$0x7E3]  }
0xc5: {  	s7 =	sadd.s32 s26, s7;
	[smem:$0x7C4] =	sst s1  }
0xc6: {  	s22 =	sadd.s32 s26, s8;
	[smem:$0x7CA] =	sst s7  }
0xc7: {  	s11 =	sshrl.u32 s10, $0x3;
	[smem:$0x7CB] =	sst s22  }
0xc8: {  	s1 =	sadd.s32 s28, s11;
	s11 =	sld [smem:$0x7D5]  }
0xc9: {  	s22 =	sld [smem:$0x7E1]  }
0xca: {  	s2 =	sshrl.u32 s2, $0x3;
	s8 =	sadd.s32 $0x2000, s26;
	[smem:$0x7C5] =	sst s1  }
0xcb: {  	s7 =	sshrl.u32 s24, $0x3;
	s1 =	sadd.s32 s28, s13;
	s13 =	sld [smem:$0x7D8]  }
0xcc: {  	s2 =	sadd.s32 s2, s8;
	s28 =	sshrl.u32 s19, $0x3;
	s19 =	sld [smem:$0x7DD]  }
0xcd: {  	s24 =	sand.u32 $0xFFFC070, s25;
	s7 =	sadd.s32 s26, s7;
	[smem:$0x7E6] =	sst s2  }
0xce: {  	s5 =	sshrl.u32 s17, $0x3;
	s25 =	sadd.s32 s24, s8;
	[smem:$0x7CE] =	sst s7  }
0xcf: {  	s29 =	sadd.s32 s26, s28;
	s7 =	sadd.s32 s26, s5;
	[smem:$0x7E5] =	sst s25  }
0xd0: {  	s5 =	sadd.s32 s5, s8;
	s26 =	sor.u32 s3, s6;
	[smem:$0x7CF] =	sst s29  }
0xd1: {  	s28 =	sshll.u32 s6, $0xB;
	[smem:$0x7D3] =	sst s5;
	s5 =	sand.u32 $0xFFFC070, s11  }
0xd2: {  	[smem:$0x7D1] =	sst s7;
	s7 =	sshrl.u32 s9, $0x3;
	s5 =	sadd.s32 s5, s8  }
0xd3: {  	s10 =	sadd.s32 s7, s8;
	[smem:$0x7D6] =	sst s5;
	s5 =	sshrl.u32 s12, $0x3  }
0xd4: {  	s2 =	sand.u32 $0xFFFC070, s26;
	[smem:$0x7D4] =	sst s10;
	s5 =	sadd.s32 s5, s8  }
0xd5: {  	s2 =	sadd.s32 s2, s8;
	[smem:$0x7D9] =	sst s5;
	s5 =	sshrl.u32 s18, $0x3  }
0xd6: {  	s3 =	sand.u32 $0x1FC000, s28;
	[smem:$0x7E7] =	sst s2;
	s5 =	sadd.s32 s5, s8  }
0xd7: {  	s1 =	sadd.s32 s3, s1;
	[smem:$0x7DC] =	sst s5;
	s5 =	sand.u32 $0xFFFC070, s19  }
0xd8: {  	s7 =	sand.u32 $0xFFFC070, s13;
	[smem:$0x7E8] =	sst s1;
	s5 =	sadd.s32 s5, s8  }
0xd9: {  	s17 =	sadd.s32 s7, s8;
	[smem:$0x7DF] =	sst s5;
	s5 =	sand.u32 $0xFFFC070, s22  }
0xda: {  	s7 =	sshrl.u32 s20, $0x3;
	[smem:$0x7DA] =	sst s17;
	s5 =	sadd.s32 s5, s8  }
0xdb: {  	s21 =	sadd.s32 s7, s8;
	[smem:$0x7E2] =	sst s5;
	s5 =	sshrl.u32 s23, $0x3  }
0xdc: {  	[smem:$0x7E0] =	sst s21;
	s5 =	sadd.s32 s5, s8  }
0xdd: {  	[smem:$0x7E4] =	sst s5  }
0xde: {  	_ =	strace $0x80000047  }
0xdf: {  	s29 =	sld [smem:$0x7E9]  }
0xe0: {  	s2 =	sld [smem:$0x7EA]  }
0xe1: {  	s3 =	sld [smem:$0x7EB]  }
0xe2: {  	s4 =	sld [smem:$0x7EC]  }
0xe3: {  	s7 =	sld [smem:$0x7ED]  }
0xe4: {  	s9 =	sld [smem:$0x7EE]  }
0xe5: {  	s10 =	sld [smem:$0x7EF]  }
0xe6: {  	s16 =	sshll.u32 s16, $0x5;
	s11 =	sld [smem:$0x7F0]  }
0xe7: {  	s31 =	sadd.s32 $0x1E700, s16;
	s12 =	sld [smem:$0x7F1]  }
0xe8: {  	s17 =	sshll.u32 s15, $0x5;
	s18 =	sshll.u32 s0, $0x5;
	s15 =	sld [smem:$0x7F3]  }
0xe9: {  	s1 =	sadd.s32 $0x1E700, s18;
	s13 =	sld [smem:$0x7F2];
	s5 =	sshll.u32 s29, $0x5  }
0xea: {  	s24 =	sshll.u32 s2, $0x5;
	s6 =	sshll.u32 s3, $0x5;
	s8 =	sshll.u32 s4, $0x5  }
0xeb: {  	s7 =	sshll.u32 s7, $0x5;
	s9 =	sshll.u32 s9, $0x5;
	s0 =	smax.u32 s15, $0x1  }
0xec: {  	s10 =	sshll.u32 s10, $0x5;
	[smem:$0x7F4] =	sst s0;
	s19 =	sadd.s32 $0x1E700, s5  }
0xed: {  	s11 =	sshll.u32 s11, $0x5;
	s20 =	sadd.s32 $0x1E700, s24;
	[smem:$0x7F5] =	sst s19  }
0xee: {  	s12 =	sshll.u32 s12, $0x5;
	s21 =	sadd.s32 $0x1E700, s6;
	[smem:$0x7F6] =	sst s20  }
0xef: {  	s13 =	sshll.u32 s13, $0x5;
	s22 =	sadd.s32 $0x1E700, s8;
	[smem:$0x7F7] =	sst s21  }
0xf0: {  	s2 =	simm.s32 $0x80;
	s23 =	sadd.s32 $0x1E700, s7;
	[smem:$0x7F8] =	sst s22  }
0xf1: {  	s3 =	simm.s32 $0x400;
	s25 =	sadd.s32 $0x1E700, s9;
	[smem:$0x7F9] =	sst s23  }
0xf2: {  	s4 =	simm.s32 $0x3;
	s26 =	sadd.s32 $0x1E700, s10;
	[smem:$0x7FA] =	sst s25  }
0xf3: {  	s28 =	sadd.s32 $0x1E700, s11;
	s29 =	sadd.s32 $0x1E700, s12;
	[smem:$0x7FB] =	sst s26  }
0xf4: {  	s30 =	sadd.s32 $0x1E700, s13;
	s0 =	sadd.s32 $0x1E700, s17;
	[smem:$0x7FC] =	sst s28  }
0xf5: {  	[smem:$0x7FD] =	sst s29;
	s19 =	simm.s32 $0x18700;
	s20 =	simm.s32 $0x1  }
0xf6: {  	s21 =	simm.s32 $0x1A700;
	s22 =	simm.s32 $0x2;
	s23 =	simm.s32 $0x0  }
.LBB2_1:
0xf7: {  	s15 =	rddreg [dreg:$0x15]  }
0xf8: {  	s29 =	sld [smem:$0x7B1]  }
0xf9: {  	[tilespmem:s14], [sflag:$0x1] =	stream.strided.gather [hbm4b:s15+s2], $0x18680, s3, s2, $0x38;
	[tilespmem:$0x1E900] =	vst v63  }
0xfa: {  	s25 =	simm.s32 $0x1E700  }
0xfb: {  	[tilespmem:s25], [sflag:$0x3] =	stream.strided.gather [hbm4b:s29+s2], $0x200, s3, s2, $0x38;
	[tilespmem:$0x1E900] =	vst v63  }
0xfc: {  	_ =	swait.ge [sflag:s4], $0x200  }
0xfd: {  	s26 =	sld [smem:$0x7D1]  }
0xfe: {  	[sflag:s4] =	ssyncset.done $0x0  }
0xff: {  	[sflag:s4] =	ssyncadd.s32 $0xFFFFFE00  }
0x100: {  	[tilespmem:s19], [sflag:$0x3] =	stream.strided.gather [hbm4b:s26+s2], $0x2000, s3, s2, $0x38;
	[tilespmem:$0x1E900] =	vst v63  }
0x101: {  	_ =	swait.ge [sflag:s4], $0x2000  }
0x102: {  	[sflag:s4] =	ssyncset.done $0x0  }
0x103: {  	[sflag:s4] =	ssyncadd.s32 $0xFFFFE000  }
0x104: {  	v0 =	vld [tilespmem:s5+$0x1E700];
	_ =	sdelay $0x2  }
0x105: {  	s28 =	sld [smem:$0x7F5];
	_ =	sdelay $0x1  }
0x106: {  	[tilespmem:$0x18680] =	vst v0  }
0x107: {  	v0 =	vld [tilespmem:s28+$0x10];
	_ =	sdelay $0x4  }
0x108: {  	[tilespmem:$0x18690] =	vst v0  }
0x109: {  	_ =	swait.ge [sflag:s20], $0x18680  }
0x10a: {  	[sflag:s20] =	ssyncset.done $0x0  }
0x10b: {  	s29 =	simm.s32 $0x18740;
	[sflag:s20] =	ssyncadd.s32 $0xFFFE7980  }
0x10c: {  	v0 =	vld [tilespmem:s29+$0x30]  }
0x10d: {  	v1 =	vld [tilespmem:s29+$0xFFFFFFD0]  }
0x10e: {  	v2 =	vld [tilespmem:s29+$0xFFFFFFE0]  }
0x10f: {  	v3 =	vld [tilespmem:s29+$0xFFFFFFF0]  }
0x110: {  	v4 =	vld [tilespmem:s29+$0x0]  }
0x111: {  	v6 =	vld [tilespmem:s29+$0x10]  }
0x112: {  	v7 =	vld [tilespmem:s29+$0x20]  }
0x113: {  	v8 =	vld [tilespmem:s29+$0xFFFFFFC0]  }
0x114: {  	v9 =	vld.idx.msk [tilespmem:v0+s14+$0x0], $0xffff  }
0x115: {  	v10 =	vld.idx.msk [tilespmem:v1+s14+$0x0], $0xffff  }
0x116: {  	v5 =	vld.idx.msk [tilespmem:v2+s14+$0x0], $0xffff  }
0x117: {  	v3 =	vld.idx.msk [tilespmem:v3+s14+$0x0], $0xffff  }
0x118: {  	v0 =	vld.idx.msk [tilespmem:v4+s14+$0x0], $0xffff  }
0x119: {  	s15 =	simm.s32 $0x1A740;
	v1 =	vld.idx.msk [tilespmem:v6+s14+$0x0], $0xffff  }
0x11a: {  	v2 =	vld.idx.msk [tilespmem:v7+s14+$0x0], $0xffff;
	[tilespmem:s15+$0x30] =	vst v9  }
0x11b: {  	s25 =	simm.s32 $0x0;
	s26 =	simm.s32 $0x187C0;
	v4 =	vld.idx.msk [tilespmem:v8+s14+$0x0], $0xffff;
	[tilespmem:s15+$0xFFFFFFD0] =	vst v10  }
.LBB2_2:
0x11c: {  	v6 =	vld [tilespmem:s26+$0x30];
	s25 =	sadd.s32 $0x80, s25;
	[tilespmem:s15+$0xFFFFFFE0] =	vst v5  }
0x11d: {  	v5 =	vld [tilespmem:s26+$0xFFFFFFD0];
	p5 =	slt.u32 s25, $0x1F80;
	[tilespmem:s15+$0xFFFFFFF0] =	vst v3  }
0x11e: {  	v3 =	vld [tilespmem:s26+$0xFFFFFFE0];
	[tilespmem:s15+$0x0] =	vst v0  }
0x11f: {  	v0 =	vld [tilespmem:s26+$0xFFFFFFF0];
	[tilespmem:s15+$0x10] =	vst v1  }
0x120: {  	v1 =	vld [tilespmem:s26+$0x0];
	[tilespmem:s15+$0x20] =	vst v2  }
0x121: {  	v2 =	vld [tilespmem:s26+$0x10];
	[tilespmem:s15+$0xFFFFFFC0] =	vst v4  }
0x122: {  	v4 =	vld [tilespmem:s26+$0x20]  }
0x123: {  	v7 =	vld [tilespmem:s26+$0xFFFFFFC0]  }
0x124: {  	v6 =	vld.idx.msk [tilespmem:v6+s14+$0x0], $0xffff  }
0x125: {  	v8 =	vld.idx.msk [tilespmem:v5+s14+$0x0], $0xffff  }
0x126: {  	v5 =	vld.idx.msk [tilespmem:v3+s14+$0x0], $0xffff  }
.Ltmp0:
0x127: {  	v3 =	vld.idx.msk [tilespmem:v0+s14+$0x0], $0xffff;
	(pc) =	sbr.rel @p5 .LBB2_2-.Ltmp0, $4  }
0x128: {  	v0 =	vld.idx.msk [tilespmem:v1+s14+$0x0], $0xffff  }
0x129: {  	s15 =	sadd.s32 $0x80, s15;
	v1 =	vld.idx.msk [tilespmem:v2+s14+$0x0], $0xffff  }
0x12a: {  	v2 =	vld.idx.msk [tilespmem:v4+s14+$0x0], $0xffff;
	[tilespmem:s15+$0x30] =	vst v6  }
0x12b: {  	s26 =	sadd.s32 $0x80, s26;
	v4 =	vld.idx.msk [tilespmem:v7+s14+$0x0], $0xffff;
	[tilespmem:s15+$0xFFFFFFD0] =	vst v8  }
0x12c: {  	[tilespmem:s15+$0xFFFFFFE0] =	vst v5  }
0x12d: {  	[tilespmem:s15+$0xFFFFFFF0] =	vst v3  }
0x12e: {  	[tilespmem:s15+$0x0] =	vst v0  }
0x12f: {  	[tilespmem:s15+$0x10] =	vst v1  }
0x130: {  	[tilespmem:s15+$0x20] =	vst v2  }
0x131: {  	[tilespmem:s15+$0xFFFFFFC0] =	vst v4  }
0x132: {  	s15 =	sld [smem:$0x7D3];
	_ =	sdelay $0x2  }
0x133: {  	[tilespmem:s19], [sflag:$0x3] =	stream.strided.gather [hbm4b:s15+s2], $0x2000, s3, s2, $0x38;
	[tilespmem:$0x1E900] =	vst v63  }
0x134: {  	_ =	swait.ge [sflag:s4], $0x2000  }
0x135: {  	[sflag:s4] =	ssyncset.done $0x0  }
0x136: {  	s29 =	simm.s32 $0x18740;
	[sflag:s4] =	ssyncadd.s32 $0xFFFFE000  }
0x137: {  	v0 =	vld [tilespmem:s29+$0x30]  }
0x138: {  	v1 =	vld [tilespmem:s29+$0xFFFFFFD0]  }
0x139: {  	v2 =	vld [tilespmem:s29+$0xFFFFFFE0]  }
0x13a: {  	v3 =	vld [tilespmem:s29+$0xFFFFFFF0]  }
0x13b: {  	v4 =	vld [tilespmem:s29+$0x0]  }
0x13c: {  	v6 =	vld [tilespmem:s29+$0x10]  }
0x13d: {  	v7 =	vld [tilespmem:s29+$0x20]  }
0x13e: {  	v8 =	vld [tilespmem:s29+$0xFFFFFFC0]  }
0x13f: {  	v9 =	vld.idx.msk [tilespmem:v0+s14+$0x0], $0xffff  }
0x140: {  	v10 =	vld.idx.msk [tilespmem:v1+s14+$0x0], $0xffff  }
0x141: {  	v5 =	vld.idx.msk [tilespmem:v2+s14+$0x0], $0xffff  }
0x142: {  	v3 =	vld.idx.msk [tilespmem:v3+s14+$0x0], $0xffff  }
0x143: {  	v0 =	vld.idx.msk [tilespmem:v4+s14+$0x0], $0xffff  }
0x144: {  	s15 =	simm.s32 $0x1C770;
	v1 =	vld.idx.msk [tilespmem:v6+s14+$0x0], $0xffff  }
0x145: {  	v2 =	vld.idx.msk [tilespmem:v7+s14+$0x0], $0xffff;
	[tilespmem:s15+$0x0] =	vst v9  }
0x146: {  	s25 =	simm.s32 $0x0;
	s26 =	simm.s32 $0x187C0;
	v4 =	vld.idx.msk [tilespmem:v8+s14+$0x0], $0xffff;
	[tilespmem:s15+$0xFFFFFFA0] =	vst v10  }
.LBB2_4:
0x147: {  	v6 =	vld [tilespmem:s26+$0x30];
	s25 =	sadd.s32 $0x80, s25;
	[tilespmem:s15+$0xFFFFFFB0] =	vst v5  }
0x148: {  	v5 =	vld [tilespmem:s26+$0xFFFFFFD0];
	p5 =	slt.u32 s25, $0x1F80;
	[tilespmem:s15+$0xFFFFFFC0] =	vst v3  }
0x149: {  	v3 =	vld [tilespmem:s26+$0xFFFFFFE0];
	[tilespmem:s15+$0xFFFFFFD0] =	vst v0  }
0x14a: {  	v0 =	vld [tilespmem:s26+$0xFFFFFFF0];
	[tilespmem:s15+$0xFFFFFFE0] =	vst v1  }
0x14b: {  	v1 =	vld [tilespmem:s26+$0x0];
	[tilespmem:s15+$0xFFFFFFF0] =	vst v2  }
0x14c: {  	v2 =	vld [tilespmem:s26+$0x10];
	[tilespmem:s15+$0xFFFFFF90] =	vst v4  }
0x14d: {  	v4 =	vld [tilespmem:s26+$0x20]  }
0x14e: {  	v7 =	vld [tilespmem:s26+$0xFFFFFFC0]  }
0x14f: {  	v6 =	vld.idx.msk [tilespmem:v6+s14+$0x0], $0xffff  }
0x150: {  	v8 =	vld.idx.msk [tilespmem:v5+s14+$0x0], $0xffff  }
0x151: {  	v5 =	vld.idx.msk [tilespmem:v3+s14+$0x0], $0xffff  }
.Ltmp1:
0x152: {  	v3 =	vld.idx.msk [tilespmem:v0+s14+$0x0], $0xffff;
	(pc) =	sbr.rel @p5 .LBB2_4-.Ltmp1, $4  }
0x153: {  	v0 =	vld.idx.msk [tilespmem:v1+s14+$0x0], $0xffff  }
0x154: {  	s15 =	sadd.s32 $0x80, s15;
	v1 =	vld.idx.msk [tilespmem:v2+s14+$0x0], $0xffff  }
0x155: {  	v2 =	vld.idx.msk [tilespmem:v4+s14+$0x0], $0xffff;
	[tilespmem:s15+$0x0] =	vst v6  }
0x156: {  	s26 =	sadd.s32 $0x80, s26;
	v4 =	vld.idx.msk [tilespmem:v7+s14+$0x0], $0xffff;
	[tilespmem:s15+$0xFFFFFFA0] =	vst v8  }
0x157: {  	[tilespmem:s15+$0xFFFFFFB0] =	vst v5  }
0x158: {  	[tilespmem:s15+$0xFFFFFFC0] =	vst v3  }
0x159: {  	[tilespmem:s15+$0xFFFFFFD0] =	vst v0  }
0x15a: {  	[tilespmem:s15+$0xFFFFFFE0] =	vst v1  }
0x15b: {  	[tilespmem:s15+$0xFFFFFFF0] =	vst v2  }
0x15c: {  	[tilespmem:s15+$0xFFFFFF90] =	vst v4  }
0x15d: {  	s15 =	sld [smem:$0x7C4]  }
0x15e: {  	s26 =	sld [smem:$0x79E]  }
0x15f: {  	s25 =	rddreg [dreg:$0x16]  }
0x160: {  	[hbm4b:s15+s2] =	stream.strided.scatter [tilespmem:s21], [sflag:$0x2], $0x4000, s3, s2, $0x38;
	[tilespmem:$0x1E900] =	vst v63  }
0x161: {  	s28 =	sld [smem:$0x7B2];
	p5 =	seq.s32 s26, $0x1  }
0x162: {  	[tilespmem:s14], [sflag:$0x1] =	stream.strided.gather [hbm4b:s25+s2], $0x18680, s3, s2, $0x38;
	[tilespmem:$0x1E900] =	vst v63  }
0x163: {  	s15 =	simm.s32 @!p5 $0x80;
	s26 =	simm.s32 @!p5 $0x1E700;
	s25 =	simm.s32 @!p5 $0x400  }
0x164: {  	[tilespmem:s26], [sflag:$0x3] =	stream.strided.gather @!p5 [hbm4b:s28+s15], $0x200, s25, s15, $0x38;
	[tilespmem:$0x1E900] =	vst v63  }
0x165: {  	s26 =	simm.s32 @!p5 $0x3  }
0x166: {  	_ =	swait.ge @!p5 [sflag:s26], $0x200  }
0x167: {  	s29 =	sld [smem:$0x7D4]  }
0x168: {  	[sflag:s26] =	ssyncset.done @!p5 $0x0  }
0x169: {  	s28 =	simm.s32 @!p5 $0x18700;
	[sflag:s26] =	ssyncadd.s32 @!p5 $0xFFFFFE00  }
0x16a: {  	[tilespmem:s28], [sflag:$0x3] =	stream.strided.gather @!p5 [hbm4b:s29+s15], $0x2000, s25, s15, $0x38;
	[tilespmem:$0x1E900] =	vst v63  }
0x16b: {  	_ =	swait.ge @!p5 [sflag:s26], $0x2000  }
0x16c: {  	[sflag:s26] =	ssyncset.done @!p5 $0x0  }
0x16d: {  	[sflag:s26] =	ssyncadd.s32 @!p5 $0xFFFFE000  }
0x16e: {  	v0 =	vld [tilespmem:s24+$0x1E700];
	_ =	sdelay $0x2  }
0x16f: {  	s28 =	sld [smem:$0x7F6];
	_ =	sdelay $0x1  }
0x170: {  	[tilespmem:$0x18680] =	vst v0  }
0x171: {  	v0 =	vld [tilespmem:s28+$0x10];
	_ =	sdelay $0x4  }
0x172: {  	[tilespmem:$0x18690] =	vst v0  }
0x173: {  	_ =	swait.ge [sflag:s20], $0x18680  }
0x174: {  	[sflag:s20] =	ssyncset.done $0x0  }
0x175: {  	[sflag:s20] =	ssyncadd.s32 $0xFFFE7980  }
0x176: {  	_ =	swait.ge [sflag:s22], $0x4000  }
0x177: {  	[sflag:s22] =	ssyncset.done $0x0  }
0x178: {  	s29 =	simm.s32 $0x18740;
	[sflag:s22] =	ssyncadd.s32 $0xFFFFC000  }
0x179: {  	v0 =	vld [tilespmem:s29+$0x30]  }
0x17a: {  	v1 =	vld [tilespmem:s29+$0xFFFFFFD0]  }
0x17b: {  	v2 =	vld [tilespmem:s29+$0xFFFFFFE0]  }
0x17c: {  	v3 =	vld [tilespmem:s29+$0xFFFFFFF0]  }
0x17d: {  	v4 =	vld [tilespmem:s29+$0x0]  }
0x17e: {  	v6 =	vld [tilespmem:s29+$0x10]  }
0x17f: {  	v7 =	vld [tilespmem:s29+$0x20]  }
0x180: {  	v8 =	vld [tilespmem:s29+$0xFFFFFFC0]  }
0x181: {  	v9 =	vld.idx.msk [tilespmem:v0+s14+$0x0], $0xffff  }
0x182: {  	v10 =	vld.idx.msk [tilespmem:v1+s14+$0x0], $0xffff  }
0x183: {  	v5 =	vld.idx.msk [tilespmem:v2+s14+$0x0], $0xffff  }
0x184: {  	v3 =	vld.idx.msk [tilespmem:v3+s14+$0x0], $0xffff  }
0x185: {  	v0 =	vld.idx.msk [tilespmem:v4+s14+$0x0], $0xffff  }
0x186: {  	s15 =	simm.s32 $0x1C770;
	v1 =	vld.idx.msk [tilespmem:v6+s14+$0x0], $0xffff  }
0x187: {  	v2 =	vld.idx.msk [tilespmem:v7+s14+$0x0], $0xffff;
	[tilespmem:s15+$0x0] =	vst v9  }
0x188: {  	s25 =	simm.s32 $0x0;
	s26 =	simm.s32 $0x187C0;
	v4 =	vld.idx.msk [tilespmem:v8+s14+$0x0], $0xffff;
	[tilespmem:s15+$0xFFFFFFA0] =	vst v10  }
.LBB2_6:
0x189: {  	v6 =	vld [tilespmem:s26+$0x30];
	s25 =	sadd.s32 $0x80, s25;
	[tilespmem:s15+$0xFFFFFFB0] =	vst v5  }
0x18a: {  	v5 =	vld [tilespmem:s26+$0xFFFFFFD0];
	p5 =	slt.u32 s25, $0x1F80;
	[tilespmem:s15+$0xFFFFFFC0] =	vst v3  }
0x18b: {  	v3 =	vld [tilespmem:s26+$0xFFFFFFE0];
	[tilespmem:s15+$0xFFFFFFD0] =	vst v0  }
0x18c: {  	v0 =	vld [tilespmem:s26+$0xFFFFFFF0];
	[tilespmem:s15+$0xFFFFFFE0] =	vst v1  }
0x18d: {  	v1 =	vld [tilespmem:s26+$0x0];
	[tilespmem:s15+$0xFFFFFFF0] =	vst v2  }
0x18e: {  	v2 =	vld [tilespmem:s26+$0x10];
	[tilespmem:s15+$0xFFFFFF90] =	vst v4  }
0x18f: {  	v4 =	vld [tilespmem:s26+$0x20]  }
0x190: {  	v7 =	vld [tilespmem:s26+$0xFFFFFFC0]  }
0x191: {  	v6 =	vld.idx.msk [tilespmem:v6+s14+$0x0], $0xffff  }
0x192: {  	v8 =	vld.idx.msk [tilespmem:v5+s14+$0x0], $0xffff  }
0x193: {  	v5 =	vld.idx.msk [tilespmem:v3+s14+$0x0], $0xffff  }
.Ltmp2:
0x194: {  	v3 =	vld.idx.msk [tilespmem:v0+s14+$0x0], $0xffff;
	(pc) =	sbr.rel @p5 .LBB2_6-.Ltmp2, $4  }
0x195: {  	v0 =	vld.idx.msk [tilespmem:v1+s14+$0x0], $0xffff  }
0x196: {  	s15 =	sadd.s32 $0x80, s15;
	v1 =	vld.idx.msk [tilespmem:v2+s14+$0x0], $0xffff  }
0x197: {  	v2 =	vld.idx.msk [tilespmem:v4+s14+$0x0], $0xffff;
	[tilespmem:s15+$0x0] =	vst v6  }
0x198: {  	s26 =	sadd.s32 $0x80, s26;
	v4 =	vld.idx.msk [tilespmem:v7+s14+$0x0], $0xffff;
	[tilespmem:s15+$0xFFFFFFA0] =	vst v8  }
0x199: {  	[tilespmem:s15+$0xFFFFFFB0] =	vst v5  }
0x19a: {  	[tilespmem:s15+$0xFFFFFFC0] =	vst v3  }
0x19b: {  	[tilespmem:s15+$0xFFFFFFD0] =	vst v0  }
0x19c: {  	[tilespmem:s15+$0xFFFFFFE0] =	vst v1  }
0x19d: {  	[tilespmem:s15+$0xFFFFFFF0] =	vst v2  }
0x19e: {  	[tilespmem:s15+$0xFFFFFF90] =	vst v4  }
0x19f: {  	s15 =	rddreg [dreg:$0x5]  }
0x1a0: {  	[tilespmem:s19], [sflag:$0x3] =	stream.strided.gather [hbm4b:s15+s2], $0x2000, s3, s2, $0x38;
	[tilespmem:$0x1E900] =	vst v63  }
0x1a1: {  	_ =	swait.ge [sflag:s4], $0x2000  }
0x1a2: {  	[sflag:s4] =	ssyncset.done $0x0  }
0x1a3: {  	s29 =	simm.s32 $0x18740;
	[sflag:s4] =	ssyncadd.s32 $0xFFFFE000  }
0x1a4: {  	v0 =	vld [tilespmem:s29+$0x30]  }
0x1a5: {  	v1 =	vld [tilespmem:s29+$0xFFFFFFD0]  }
0x1a6: {  	v2 =	vld [tilespmem:s29+$0xFFFFFFE0]  }
0x1a7: {  	v3 =	vld [tilespmem:s29+$0xFFFFFFF0]  }
0x1a8: {  	v4 =	vld [tilespmem:s29+$0x0]  }
0x1a9: {  	v6 =	vld [tilespmem:s29+$0x10]  }
0x1aa: {  	v7 =	vld [tilespmem:s29+$0x20]  }
0x1ab: {  	v8 =	vld [tilespmem:s29+$0xFFFFFFC0]  }
0x1ac: {  	v9 =	vld.idx.msk [tilespmem:v0+s14+$0x0], $0xffff  }
0x1ad: {  	v10 =	vld.idx.msk [tilespmem:v1+s14+$0x0], $0xffff  }
0x1ae: {  	v5 =	vld.idx.msk [tilespmem:v2+s14+$0x0], $0xffff  }
0x1af: {  	v3 =	vld.idx.msk [tilespmem:v3+s14+$0x0], $0xffff  }
0x1b0: {  	v0 =	vld.idx.msk [tilespmem:v4+s14+$0x0], $0xffff  }
0x1b1: {  	s15 =	simm.s32 $0x1A740;
	v1 =	vld.idx.msk [tilespmem:v6+s14+$0x0], $0xffff  }
0x1b2: {  	v2 =	vld.idx.msk [tilespmem:v7+s14+$0x0], $0xffff;
	[tilespmem:s15+$0x30] =	vst v9  }
0x1b3: {  	s25 =	simm.s32 $0x0;
	s26 =	simm.s32 $0x187C0;
	v4 =	vld.idx.msk [tilespmem:v8+s14+$0x0], $0xffff;
	[tilespmem:s15+$0xFFFFFFD0] =	vst v10  }
.LBB2_8:
0x1b4: {  	v6 =	vld [tilespmem:s26+$0x30];
	s25 =	sadd.s32 $0x80, s25;
	[tilespmem:s15+$0xFFFFFFE0] =	vst v5  }
0x1b5: {  	v5 =	vld [tilespmem:s26+$0xFFFFFFD0];
	p5 =	slt.u32 s25, $0x1F80;
	[tilespmem:s15+$0xFFFFFFF0] =	vst v3  }
0x1b6: {  	v3 =	vld [tilespmem:s26+$0xFFFFFFE0];
	[tilespmem:s15+$0x0] =	vst v0  }
0x1b7: {  	v0 =	vld [tilespmem:s26+$0xFFFFFFF0];
	[tilespmem:s15+$0x10] =	vst v1  }
0x1b8: {  	v1 =	vld [tilespmem:s26+$0x0];
	[tilespmem:s15+$0x20] =	vst v2  }
0x1b9: {  	v2 =	vld [tilespmem:s26+$0x10];
	[tilespmem:s15+$0xFFFFFFC0] =	vst v4  }
0x1ba: {  	v4 =	vld [tilespmem:s26+$0x20]  }
0x1bb: {  	v7 =	vld [tilespmem:s26+$0xFFFFFFC0]  }
0x1bc: {  	v6 =	vld.idx.msk [tilespmem:v6+s14+$0x0], $0xffff  }
0x1bd: {  	v8 =	vld.idx.msk [tilespmem:v5+s14+$0x0], $0xffff  }
0x1be: {  	v5 =	vld.idx.msk [tilespmem:v3+s14+$0x0], $0xffff  }
.Ltmp3:
0x1bf: {  	v3 =	vld.idx.msk [tilespmem:v0+s14+$0x0], $0xffff;
	(pc) =	sbr.rel @p5 .LBB2_8-.Ltmp3, $4  }
0x1c0: {  	v0 =	vld.idx.msk [tilespmem:v1+s14+$0x0], $0xffff  }
0x1c1: {  	s15 =	sadd.s32 $0x80, s15;
	v1 =	vld.idx.msk [tilespmem:v2+s14+$0x0], $0xffff  }
0x1c2: {  	v2 =	vld.idx.msk [tilespmem:v4+s14+$0x0], $0xffff;
	[tilespmem:s15+$0x30] =	vst v6  }
0x1c3: {  	s26 =	sadd.s32 $0x80, s26;
	v4 =	vld.idx.msk [tilespmem:v7+s14+$0x0], $0xffff;
	[tilespmem:s15+$0xFFFFFFD0] =	vst v8  }
0x1c4: {  	[tilespmem:s15+$0xFFFFFFE0] =	vst v5  }
0x1c5: {  	[tilespmem:s15+$0xFFFFFFF0] =	vst v3  }
0x1c6: {  	[tilespmem:s15+$0x0] =	vst v0  }
0x1c7: {  	[tilespmem:s15+$0x10] =	vst v1  }
0x1c8: {  	[tilespmem:s15+$0x20] =	vst v2  }
0x1c9: {  	[tilespmem:s15+$0xFFFFFFC0] =	vst v4  }
0x1ca: {  	s15 =	rddreg [dreg:$0x6]  }
0x1cb: {  	s25 =	rddreg [dreg:$0x17]  }
0x1cc: {  	s26 =	sld [smem:$0x79F]  }
0x1cd: {  	[hbm4b:s15+s2] =	stream.strided.scatter [tilespmem:s21], [sflag:$0x2], $0x4000, s3, s2, $0x38;
	[tilespmem:$0x1E900] =	vst v63  }
0x1ce: {  	s28 =	sld [smem:$0x7B3]  }
0x1cf: {  	[tilespmem:s14], [sflag:$0x1] =	stream.strided.gather [hbm4b:s25+s2], $0x18680, s3, s2, $0x38;
	[tilespmem:$0x1E900] =	vst v63  }
0x1d0: {  	p5 =	seq.s32 s26, $0x1  }
0x1d1: {  	s15 =	simm.s32 @!p5 $0x80;
	s25 =	simm.s32 @!p5 $0x400;
	s26 =	simm.s32 @!p5 $0x1E700  }
0x1d2: {  	[tilespmem:s26], [sflag:$0x3] =	stream.strided.gather @!p5 [hbm4b:s28+s15], $0x200, s25, s15, $0x38;
	[tilespmem:$0x1E900] =	vst v63  }
0x1d3: {  	s26 =	simm.s32 @!p5 $0x3  }
0x1d4: {  	_ =	swait.ge @!p5 [sflag:s26], $0x200  }
0x1d5: {  	s29 =	sld [smem:$0x7CA]  }
0x1d6: {  	[sflag:s26] =	ssyncset.done @!p5 $0x0  }
0x1d7: {  	s28 =	simm.s32 @!p5 $0x18700;
	[sflag:s26] =	ssyncadd.s32 @!p5 $0xFFFFFE00  }
0x1d8: {  	[tilespmem:s28], [sflag:$0x3] =	stream.strided.gather @!p5 [hbm4b:s29+s15], $0x2000, s25, s15, $0x38;
	[tilespmem:$0x1E900] =	vst v63  }
0x1d9: {  	_ =	swait.ge @!p5 [sflag:s26], $0x2000  }
0x1da: {  	[sflag:s26] =	ssyncset.done @!p5 $0x0  }
0x1db: {  	[sflag:s26] =	ssyncadd.s32 @!p5 $0xFFFFE000  }
0x1dc: {  	v0 =	vld [tilespmem:s6+$0x1E700];
	_ =	sdelay $0x2  }
0x1dd: {  	s28 =	sld [smem:$0x7F7];
	_ =	sdelay $0x1  }
0x1de: {  	[tilespmem:$0x18680] =	vst v0  }
0x1df: {  	v0 =	vld [tilespmem:s28+$0x10];
	_ =	sdelay $0x4  }
0x1e0: {  	[tilespmem:$0x18690] =	vst v0  }
0x1e1: {  	_ =	swait.ge [sflag:s20], $0x18680  }
0x1e2: {  	[sflag:s20] =	ssyncset.done $0x0  }
0x1e3: {  	[sflag:s20] =	ssyncadd.s32 $0xFFFE7980  }
0x1e4: {  	_ =	swait.ge [sflag:s22], $0x4000  }
0x1e5: {  	[sflag:s22] =	ssyncset.done $0x0  }
0x1e6: {  	s29 =	simm.s32 $0x18740;
	[sflag:s22] =	ssyncadd.s32 $0xFFFFC000  }
0x1e7: {  	v0 =	vld [tilespmem:s29+$0x30]  }
0x1e8: {  	v1 =	vld [tilespmem:s29+$0xFFFFFFD0]  }
0x1e9: {  	v2 =	vld [tilespmem:s29+$0xFFFFFFE0]  }
0x1ea: {  	v3 =	vld [tilespmem:s29+$0xFFFFFFF0]  }
0x1eb: {  	v4 =	vld [tilespmem:s29+$0x0]  }
0x1ec: {  	v6 =	vld [tilespmem:s29+$0x10]  }
0x1ed: {  	v7 =	vld [tilespmem:s29+$0x20]  }
0x1ee: {  	v8 =	vld [tilespmem:s29+$0xFFFFFFC0]  }
0x1ef: {  	v9 =	vld.idx.msk [tilespmem:v0+s14+$0x0], $0xffff  }
0x1f0: {  	v10 =	vld.idx.msk [tilespmem:v1+s14+$0x0], $0xffff  }
0x1f1: {  	v5 =	vld.idx.msk [tilespmem:v2+s14+$0x0], $0xffff  }
0x1f2: {  	v3 =	vld.idx.msk [tilespmem:v3+s14+$0x0], $0xffff  }
0x1f3: {  	v0 =	vld.idx.msk [tilespmem:v4+s14+$0x0], $0xffff  }
0x1f4: {  	s15 =	simm.s32 $0x1A740;
	v1 =	vld.idx.msk [tilespmem:v6+s14+$0x0], $0xffff  }
0x1f5: {  	v2 =	vld.idx.msk [tilespmem:v7+s14+$0x0], $0xffff;
	[tilespmem:s15+$0x30] =	vst v9  }
0x1f6: {  	s25 =	simm.s32 $0x0;
	s26 =	simm.s32 $0x187C0;
	v4 =	vld.idx.msk [tilespmem:v8+s14+$0x0], $0xffff;
	[tilespmem:s15+$0xFFFFFFD0] =	vst v10  }
.LBB2_10:
0x1f7: {  	v6 =	vld [tilespmem:s26+$0x30];
	s25 =	sadd.s32 $0x80, s25;
	[tilespmem:s15+$0xFFFFFFE0] =	vst v5  }
0x1f8: {  	v5 =	vld [tilespmem:s26+$0xFFFFFFD0];
	p5 =	slt.u32 s25, $0x1F80;
	[tilespmem:s15+$0xFFFFFFF0] =	vst v3  }
0x1f9: {  	v3 =	vld [tilespmem:s26+$0xFFFFFFE0];
	[tilespmem:s15+$0x0] =	vst v0  }
0x1fa: {  	v0 =	vld [tilespmem:s26+$0xFFFFFFF0];
	[tilespmem:s15+$0x10] =	vst v1  }
0x1fb: {  	v1 =	vld [tilespmem:s26+$0x0];
	[tilespmem:s15+$0x20] =	vst v2  }
0x1fc: {  	v2 =	vld [tilespmem:s26+$0x10];
	[tilespmem:s15+$0xFFFFFFC0] =	vst v4  }
0x1fd: {  	v4 =	vld [tilespmem:s26+$0x20]  }
0x1fe: {  	v7 =	vld [tilespmem:s26+$0xFFFFFFC0]  }
0x1ff: {  	v6 =	vld.idx.msk [tilespmem:v6+s14+$0x0], $0xffff  }
0x200: {  	v8 =	vld.idx.msk [tilespmem:v5+s14+$0x0], $0xffff  }
0x201: {  	v5 =	vld.idx.msk [tilespmem:v3+s14+$0x0], $0xffff  }
.Ltmp4:
0x202: {  	v3 =	vld.idx.msk [tilespmem:v0+s14+$0x0], $0xffff;
	(pc) =	sbr.rel @p5 .LBB2_10-.Ltmp4, $4  }
0x203: {  	v0 =	vld.idx.msk [tilespmem:v1+s14+$0x0], $0xffff  }
0x204: {  	s15 =	sadd.s32 $0x80, s15;
	v1 =	vld.idx.msk [tilespmem:v2+s14+$0x0], $0xffff  }
0x205: {  	v2 =	vld.idx.msk [tilespmem:v4+s14+$0x0], $0xffff;
	[tilespmem:s15+$0x30] =	vst v6  }
0x206: {  	s26 =	sadd.s32 $0x80, s26;
	v4 =	vld.idx.msk [tilespmem:v7+s14+$0x0], $0xffff;
	[tilespmem:s15+$0xFFFFFFD0] =	vst v8  }
0x207: {  	[tilespmem:s15+$0xFFFFFFE0] =	vst v5  }
0x208: {  	[tilespmem:s15+$0xFFFFFFF0] =	vst v3  }
0x209: {  	[tilespmem:s15+$0x0] =	vst v0  }
0x20a: {  	[tilespmem:s15+$0x10] =	vst v1  }
0x20b: {  	[tilespmem:s15+$0x20] =	vst v2  }
0x20c: {  	[tilespmem:s15+$0xFFFFFFC0] =	vst v4  }
0x20d: {  	s15 =	sld [smem:$0x7D6];
	_ =	sdelay $0x2  }
0x20e: {  	[tilespmem:s19], [sflag:$0x3] =	stream.strided.gather [hbm4b:s15+s2], $0x2000, s3, s2, $0x38;
	[tilespmem:$0x1E900] =	vst v63  }
0x20f: {  	_ =	swait.ge [sflag:s4], $0x2000  }
0x210: {  	[sflag:s4] =	ssyncset.done $0x0  }
0x211: {  	s29 =	simm.s32 $0x18740;
	[sflag:s4] =	ssyncadd.s32 $0xFFFFE000  }
0x212: {  	v0 =	vld [tilespmem:s29+$0x30]  }
0x213: {  	v1 =	vld [tilespmem:s29+$0xFFFFFFD0]  }
0x214: {  	v2 =	vld [tilespmem:s29+$0xFFFFFFE0]  }
0x215: {  	v3 =	vld [tilespmem:s29+$0xFFFFFFF0]  }
0x216: {  	v4 =	vld [tilespmem:s29+$0x0]  }
0x217: {  	v6 =	vld [tilespmem:s29+$0x10]  }
0x218: {  	v7 =	vld [tilespmem:s29+$0x20]  }
0x219: {  	v8 =	vld [tilespmem:s29+$0xFFFFFFC0]  }
0x21a: {  	v9 =	vld.idx.msk [tilespmem:v0+s14+$0x0], $0xffff  }
0x21b: {  	v10 =	vld.idx.msk [tilespmem:v1+s14+$0x0], $0xffff  }
0x21c: {  	v5 =	vld.idx.msk [tilespmem:v2+s14+$0x0], $0xffff  }
0x21d: {  	v3 =	vld.idx.msk [tilespmem:v3+s14+$0x0], $0xffff  }
0x21e: {  	v0 =	vld.idx.msk [tilespmem:v4+s14+$0x0], $0xffff  }
0x21f: {  	s15 =	simm.s32 $0x1C770;
	v1 =	vld.idx.msk [tilespmem:v6+s14+$0x0], $0xffff  }
0x220: {  	v2 =	vld.idx.msk [tilespmem:v7+s14+$0x0], $0xffff;
	[tilespmem:s15+$0x0] =	vst v9  }
0x221: {  	s25 =	simm.s32 $0x0;
	s26 =	simm.s32 $0x187C0;
	v4 =	vld.idx.msk [tilespmem:v8+s14+$0x0], $0xffff;
	[tilespmem:s15+$0xFFFFFFA0] =	vst v10  }
.LBB2_12:
0x222: {  	v6 =	vld [tilespmem:s26+$0x30];
	s25 =	sadd.s32 $0x80, s25;
	[tilespmem:s15+$0xFFFFFFB0] =	vst v5  }
0x223: {  	v5 =	vld [tilespmem:s26+$0xFFFFFFD0];
	p5 =	slt.u32 s25, $0x1F80;
	[tilespmem:s15+$0xFFFFFFC0] =	vst v3  }
0x224: {  	v3 =	vld [tilespmem:s26+$0xFFFFFFE0];
	[tilespmem:s15+$0xFFFFFFD0] =	vst v0  }
0x225: {  	v0 =	vld [tilespmem:s26+$0xFFFFFFF0];
	[tilespmem:s15+$0xFFFFFFE0] =	vst v1  }
0x226: {  	v1 =	vld [tilespmem:s26+$0x0];
	[tilespmem:s15+$0xFFFFFFF0] =	vst v2  }
0x227: {  	v2 =	vld [tilespmem:s26+$0x10];
	[tilespmem:s15+$0xFFFFFF90] =	vst v4  }
0x228: {  	v4 =	vld [tilespmem:s26+$0x20]  }
0x229: {  	v7 =	vld [tilespmem:s26+$0xFFFFFFC0]  }
0x22a: {  	v6 =	vld.idx.msk [tilespmem:v6+s14+$0x0], $0xffff  }
0x22b: {  	v8 =	vld.idx.msk [tilespmem:v5+s14+$0x0], $0xffff  }
0x22c: {  	v5 =	vld.idx.msk [tilespmem:v3+s14+$0x0], $0xffff  }
.Ltmp5:
0x22d: {  	v3 =	vld.idx.msk [tilespmem:v0+s14+$0x0], $0xffff;
	(pc) =	sbr.rel @p5 .LBB2_12-.Ltmp5, $4  }
0x22e: {  	v0 =	vld.idx.msk [tilespmem:v1+s14+$0x0], $0xffff  }
0x22f: {  	s15 =	sadd.s32 $0x80, s15;
	v1 =	vld.idx.msk [tilespmem:v2+s14+$0x0], $0xffff  }
0x230: {  	v2 =	vld.idx.msk [tilespmem:v4+s14+$0x0], $0xffff;
	[tilespmem:s15+$0x0] =	vst v6  }
0x231: {  	s26 =	sadd.s32 $0x80, s26;
	v4 =	vld.idx.msk [tilespmem:v7+s14+$0x0], $0xffff;
	[tilespmem:s15+$0xFFFFFFA0] =	vst v8  }
0x232: {  	[tilespmem:s15+$0xFFFFFFB0] =	vst v5  }
0x233: {  	[tilespmem:s15+$0xFFFFFFC0] =	vst v3  }
0x234: {  	[tilespmem:s15+$0xFFFFFFD0] =	vst v0  }
0x235: {  	[tilespmem:s15+$0xFFFFFFE0] =	vst v1  }
0x236: {  	[tilespmem:s15+$0xFFFFFFF0] =	vst v2  }
0x237: {  	[tilespmem:s15+$0xFFFFFF90] =	vst v4  }
0x238: {  	s15 =	rddreg [dreg:$0x7]  }
0x239: {  	s25 =	rddreg [dreg:$0x18]  }
0x23a: {  	s26 =	sld [smem:$0x7A0]  }
0x23b: {  	[hbm4b:s15+s2] =	stream.strided.scatter [tilespmem:s21], [sflag:$0x2], $0x4000, s3, s2, $0x38;
	[tilespmem:$0x1E900] =	vst v63  }
0x23c: {  	s28 =	sld [smem:$0x7B7]  }
0x23d: {  	[tilespmem:s14], [sflag:$0x1] =	stream.strided.gather [hbm4b:s25+s2], $0x18680, s3, s2, $0x38;
	[tilespmem:$0x1E900] =	vst v63  }
0x23e: {  	p5 =	seq.s32 s26, $0x1  }
0x23f: {  	s15 =	simm.s32 @!p5 $0x80;
	s25 =	simm.s32 @!p5 $0x400;
	s26 =	simm.s32 @!p5 $0x1E700  }
0x240: {  	[tilespmem:s26], [sflag:$0x3] =	stream.strided.gather @!p5 [hbm4b:s28+s15], $0x200, s25, s15, $0x38;
	[tilespmem:$0x1E900] =	vst v63  }
0x241: {  	s26 =	simm.s32 @!p5 $0x3  }
0x242: {  	_ =	swait.ge @!p5 [sflag:s26], $0x200  }
0x243: {  	s29 =	sld [smem:$0x7D9]  }
0x244: {  	[sflag:s26] =	ssyncset.done @!p5 $0x0  }
0x245: {  	s28 =	simm.s32 @!p5 $0x18700;
	[sflag:s26] =	ssyncadd.s32 @!p5 $0xFFFFFE00  }
0x246: {  	[tilespmem:s28], [sflag:$0x3] =	stream.strided.gather @!p5 [hbm4b:s29+s15], $0x2000, s25, s15, $0x38;
	[tilespmem:$0x1E900] =	vst v63  }
0x247: {  	_ =	swait.ge @!p5 [sflag:s26], $0x2000  }
0x248: {  	[sflag:s26] =	ssyncset.done @!p5 $0x0  }
0x249: {  	[sflag:s26] =	ssyncadd.s32 @!p5 $0xFFFFE000  }
0x24a: {  	v0 =	vld [tilespmem:s8+$0x1E700];
	_ =	sdelay $0x2  }
0x24b: {  	s28 =	sld [smem:$0x7F8];
	_ =	sdelay $0x1  }
0x24c: {  	[tilespmem:$0x18680] =	vst v0  }
0x24d: {  	v0 =	vld [tilespmem:s28+$0x10];
	_ =	sdelay $0x4  }
0x24e: {  	[tilespmem:$0x18690] =	vst v0  }
0x24f: {  	_ =	swait.ge [sflag:s20], $0x18680  }
0x250: {  	[sflag:s20] =	ssyncset.done $0x0  }
0x251: {  	[sflag:s20] =	ssyncadd.s32 $0xFFFE7980  }
0x252: {  	_ =	swait.ge [sflag:s22], $0x4000  }
0x253: {  	[sflag:s22] =	ssyncset.done $0x0  }
0x254: {  	s29 =	simm.s32 $0x18740;
	[sflag:s22] =	ssyncadd.s32 $0xFFFFC000  }
0x255: {  	v0 =	vld [tilespmem:s29+$0x30]  }
0x256: {  	v1 =	vld [tilespmem:s29+$0xFFFFFFD0]  }
0x257: {  	v2 =	vld [tilespmem:s29+$0xFFFFFFE0]  }
0x258: {  	v3 =	vld [tilespmem:s29+$0xFFFFFFF0]  }
0x259: {  	v4 =	vld [tilespmem:s29+$0x0]  }
0x25a: {  	v6 =	vld [tilespmem:s29+$0x10]  }
0x25b: {  	v7 =	vld [tilespmem:s29+$0x20]  }
0x25c: {  	v8 =	vld [tilespmem:s29+$0xFFFFFFC0]  }
0x25d: {  	v9 =	vld.idx.msk [tilespmem:v0+s14+$0x0], $0xffff  }
0x25e: {  	v10 =	vld.idx.msk [tilespmem:v1+s14+$0x0], $0xffff  }
0x25f: {  	v5 =	vld.idx.msk [tilespmem:v2+s14+$0x0], $0xffff  }
0x260: {  	v3 =	vld.idx.msk [tilespmem:v3+s14+$0x0], $0xffff  }
0x261: {  	v0 =	vld.idx.msk [tilespmem:v4+s14+$0x0], $0xffff  }
0x262: {  	s15 =	simm.s32 $0x1C770;
	v1 =	vld.idx.msk [tilespmem:v6+s14+$0x0], $0xffff  }
0x263: {  	v2 =	vld.idx.msk [tilespmem:v7+s14+$0x0], $0xffff;
	[tilespmem:s15+$0x0] =	vst v9  }
0x264: {  	s25 =	simm.s32 $0x0;
	s26 =	simm.s32 $0x187C0;
	v4 =	vld.idx.msk [tilespmem:v8+s14+$0x0], $0xffff;
	[tilespmem:s15+$0xFFFFFFA0] =	vst v10  }
.LBB2_14:
0x265: {  	v6 =	vld [tilespmem:s26+$0x30];
	s25 =	sadd.s32 $0x80, s25;
	[tilespmem:s15+$0xFFFFFFB0] =	vst v5  }
0x266: {  	v5 =	vld [tilespmem:s26+$0xFFFFFFD0];
	p5 =	slt.u32 s25, $0x1F80;
	[tilespmem:s15+$0xFFFFFFC0] =	vst v3  }
0x267: {  	v3 =	vld [tilespmem:s26+$0xFFFFFFE0];
	[tilespmem:s15+$0xFFFFFFD0] =	vst v0  }
0x268: {  	v0 =	vld [tilespmem:s26+$0xFFFFFFF0];
	[tilespmem:s15+$0xFFFFFFE0] =	vst v1  }
0x269: {  	v1 =	vld [tilespmem:s26+$0x0];
	[tilespmem:s15+$0xFFFFFFF0] =	vst v2  }
0x26a: {  	v2 =	vld [tilespmem:s26+$0x10];
	[tilespmem:s15+$0xFFFFFF90] =	vst v4  }
0x26b: {  	v4 =	vld [tilespmem:s26+$0x20]  }
0x26c: {  	v7 =	vld [tilespmem:s26+$0xFFFFFFC0]  }
0x26d: {  	v6 =	vld.idx.msk [tilespmem:v6+s14+$0x0], $0xffff  }
0x26e: {  	v8 =	vld.idx.msk [tilespmem:v5+s14+$0x0], $0xffff  }
0x26f: {  	v5 =	vld.idx.msk [tilespmem:v3+s14+$0x0], $0xffff  }
.Ltmp6:
0x270: {  	v3 =	vld.idx.msk [tilespmem:v0+s14+$0x0], $0xffff;
	(pc) =	sbr.rel @p5 .LBB2_14-.Ltmp6, $4  }
0x271: {  	v0 =	vld.idx.msk [tilespmem:v1+s14+$0x0], $0xffff  }
0x272: {  	s15 =	sadd.s32 $0x80, s15;
	v1 =	vld.idx.msk [tilespmem:v2+s14+$0x0], $0xffff  }
0x273: {  	v2 =	vld.idx.msk [tilespmem:v4+s14+$0x0], $0xffff;
	[tilespmem:s15+$0x0] =	vst v6  }
0x274: {  	s26 =	sadd.s32 $0x80, s26;
	v4 =	vld.idx.msk [tilespmem:v7+s14+$0x0], $0xffff;
	[tilespmem:s15+$0xFFFFFFA0] =	vst v8  }
0x275: {  	[tilespmem:s15+$0xFFFFFFB0] =	vst v5  }
0x276: {  	[tilespmem:s15+$0xFFFFFFC0] =	vst v3  }
0x277: {  	[tilespmem:s15+$0xFFFFFFD0] =	vst v0  }
0x278: {  	[tilespmem:s15+$0xFFFFFFE0] =	vst v1  }
0x279: {  	[tilespmem:s15+$0xFFFFFFF0] =	vst v2  }
0x27a: {  	[tilespmem:s15+$0xFFFFFF90] =	vst v4  }
0x27b: {  	s15 =	rddreg [dreg:$0x8]  }
0x27c: {  	[tilespmem:s19], [sflag:$0x3] =	stream.strided.gather [hbm4b:s15+s2], $0x2000, s3, s2, $0x38;
	[tilespmem:$0x1E900] =	vst v63  }
0x27d: {  	_ =	swait.ge [sflag:s4], $0x2000  }
0x27e: {  	[sflag:s4] =	ssyncset.done $0x0  }
0x27f: {  	s29 =	simm.s32 $0x18740;
	[sflag:s4] =	ssyncadd.s32 $0xFFFFE000  }
0x280: {  	v0 =	vld [tilespmem:s29+$0x30]  }
0x281: {  	v1 =	vld [tilespmem:s29+$0xFFFFFFD0]  }
0x282: {  	v2 =	vld [tilespmem:s29+$0xFFFFFFE0]  }
0x283: {  	v3 =	vld [tilespmem:s29+$0xFFFFFFF0]  }
0x284: {  	v4 =	vld [tilespmem:s29+$0x0]  }
0x285: {  	v6 =	vld [tilespmem:s29+$0x10]  }
0x286: {  	v7 =	vld [tilespmem:s29+$0x20]  }
0x287: {  	v8 =	vld [tilespmem:s29+$0xFFFFFFC0]  }
0x288: {  	v9 =	vld.idx.msk [tilespmem:v0+s14+$0x0], $0xffff  }
0x289: {  	v10 =	vld.idx.msk [tilespmem:v1+s14+$0x0], $0xffff  }
0x28a: {  	v5 =	vld.idx.msk [tilespmem:v2+s14+$0x0], $0xffff  }
0x28b: {  	v3 =	vld.idx.msk [tilespmem:v3+s14+$0x0], $0xffff  }
0x28c: {  	v0 =	vld.idx.msk [tilespmem:v4+s14+$0x0], $0xffff  }
0x28d: {  	s15 =	simm.s32 $0x1A740;
	v1 =	vld.idx.msk [tilespmem:v6+s14+$0x0], $0xffff  }
0x28e: {  	v2 =	vld.idx.msk [tilespmem:v7+s14+$0x0], $0xffff;
	[tilespmem:s15+$0x30] =	vst v9  }
0x28f: {  	s25 =	simm.s32 $0x0;
	s26 =	simm.s32 $0x187C0;
	v4 =	vld.idx.msk [tilespmem:v8+s14+$0x0], $0xffff;
	[tilespmem:s15+$0xFFFFFFD0] =	vst v10  }
.LBB2_16:
0x290: {  	v6 =	vld [tilespmem:s26+$0x30];
	s25 =	sadd.s32 $0x80, s25;
	[tilespmem:s15+$0xFFFFFFE0] =	vst v5  }
0x291: {  	v5 =	vld [tilespmem:s26+$0xFFFFFFD0];
	p5 =	slt.u32 s25, $0x1F80;
	[tilespmem:s15+$0xFFFFFFF0] =	vst v3  }
0x292: {  	v3 =	vld [tilespmem:s26+$0xFFFFFFE0];
	[tilespmem:s15+$0x0] =	vst v0  }
0x293: {  	v0 =	vld [tilespmem:s26+$0xFFFFFFF0];
	[tilespmem:s15+$0x10] =	vst v1  }
0x294: {  	v1 =	vld [tilespmem:s26+$0x0];
	[tilespmem:s15+$0x20] =	vst v2  }
0x295: {  	v2 =	vld [tilespmem:s26+$0x10];
	[tilespmem:s15+$0xFFFFFFC0] =	vst v4  }
0x296: {  	v4 =	vld [tilespmem:s26+$0x20]  }
0x297: {  	v7 =	vld [tilespmem:s26+$0xFFFFFFC0]  }
0x298: {  	v6 =	vld.idx.msk [tilespmem:v6+s14+$0x0], $0xffff  }
0x299: {  	v8 =	vld.idx.msk [tilespmem:v5+s14+$0x0], $0xffff  }
0x29a: {  	v5 =	vld.idx.msk [tilespmem:v3+s14+$0x0], $0xffff  }
.Ltmp7:
0x29b: {  	v3 =	vld.idx.msk [tilespmem:v0+s14+$0x0], $0xffff;
	(pc) =	sbr.rel @p5 .LBB2_16-.Ltmp7, $4  }
0x29c: {  	v0 =	vld.idx.msk [tilespmem:v1+s14+$0x0], $0xffff  }
0x29d: {  	s15 =	sadd.s32 $0x80, s15;
	v1 =	vld.idx.msk [tilespmem:v2+s14+$0x0], $0xffff  }
0x29e: {  	v2 =	vld.idx.msk [tilespmem:v4+s14+$0x0], $0xffff;
	[tilespmem:s15+$0x30] =	vst v6  }
0x29f: {  	s26 =	sadd.s32 $0x80, s26;
	v4 =	vld.idx.msk [tilespmem:v7+s14+$0x0], $0xffff;
	[tilespmem:s15+$0xFFFFFFD0] =	vst v8  }
0x2a0: {  	[tilespmem:s15+$0xFFFFFFE0] =	vst v5  }
0x2a1: {  	[tilespmem:s15+$0xFFFFFFF0] =	vst v3  }
0x2a2: {  	[tilespmem:s15+$0x0] =	vst v0  }
0x2a3: {  	[tilespmem:s15+$0x10] =	vst v1  }
0x2a4: {  	[tilespmem:s15+$0x20] =	vst v2  }
0x2a5: {  	[tilespmem:s15+$0xFFFFFFC0] =	vst v4  }
0x2a6: {  	s15 =	rddreg [dreg:$0x9]  }
0x2a7: {  	s25 =	rddreg [dreg:$0x19]  }
0x2a8: {  	s26 =	sld [smem:$0x7A1]  }
0x2a9: {  	[hbm4b:s15+s2] =	stream.strided.scatter [tilespmem:s21], [sflag:$0x2], $0x4000, s3, s2, $0x38;
	[tilespmem:$0x1E900] =	vst v63  }
0x2aa: {  	s28 =	sld [smem:$0x7B8]  }
0x2ab: {  	[tilespmem:s14], [sflag:$0x1] =	stream.strided.gather [hbm4b:s25+s2], $0x18680, s3, s2, $0x38;
	[tilespmem:$0x1E900] =	vst v63  }
0x2ac: {  	p5 =	seq.s32 s26, $0x1  }
0x2ad: {  	s15 =	simm.s32 @!p5 $0x80;
	s25 =	simm.s32 @!p5 $0x400;
	s26 =	simm.s32 @!p5 $0x1E700  }
0x2ae: {  	[tilespmem:s26], [sflag:$0x3] =	stream.strided.gather @!p5 [hbm4b:s28+s15], $0x200, s25, s15, $0x38;
	[tilespmem:$0x1E900] =	vst v63  }
0x2af: {  	s26 =	simm.s32 @!p5 $0x3  }
0x2b0: {  	_ =	swait.ge @!p5 [sflag:s26], $0x200  }
0x2b1: {  	s29 =	sld [smem:$0x7CB]  }
0x2b2: {  	[sflag:s26] =	ssyncset.done @!p5 $0x0  }
0x2b3: {  	s28 =	simm.s32 @!p5 $0x18700;
	[sflag:s26] =	ssyncadd.s32 @!p5 $0xFFFFFE00  }
0x2b4: {  	[tilespmem:s28], [sflag:$0x3] =	stream.strided.gather @!p5 [hbm4b:s29+s15], $0x2000, s25, s15, $0x38;
	[tilespmem:$0x1E900] =	vst v63  }
0x2b5: {  	_ =	swait.ge @!p5 [sflag:s26], $0x2000  }
0x2b6: {  	[sflag:s26] =	ssyncset.done @!p5 $0x0  }
0x2b7: {  	[sflag:s26] =	ssyncadd.s32 @!p5 $0xFFFFE000  }
0x2b8: {  	v0 =	vld [tilespmem:s7+$0x1E700];
	_ =	sdelay $0x2  }
0x2b9: {  	s28 =	sld [smem:$0x7F9];
	_ =	sdelay $0x1  }
0x2ba: {  	[tilespmem:$0x18680] =	vst v0  }
0x2bb: {  	v0 =	vld [tilespmem:s28+$0x10];
	_ =	sdelay $0x4  }
0x2bc: {  	[tilespmem:$0x18690] =	vst v0  }
0x2bd: {  	_ =	swait.ge [sflag:s20], $0x18680  }
0x2be: {  	[sflag:s20] =	ssyncset.done $0x0  }
0x2bf: {  	[sflag:s20] =	ssyncadd.s32 $0xFFFE7980  }
0x2c0: {  	_ =	swait.ge [sflag:s22], $0x4000  }
0x2c1: {  	[sflag:s22] =	ssyncset.done $0x0  }
0x2c2: {  	s29 =	simm.s32 $0x18740;
	[sflag:s22] =	ssyncadd.s32 $0xFFFFC000  }
0x2c3: {  	v0 =	vld [tilespmem:s29+$0x30]  }
0x2c4: {  	v1 =	vld [tilespmem:s29+$0xFFFFFFD0]  }
0x2c5: {  	v2 =	vld [tilespmem:s29+$0xFFFFFFE0]  }
0x2c6: {  	v3 =	vld [tilespmem:s29+$0xFFFFFFF0]  }
0x2c7: {  	v4 =	vld [tilespmem:s29+$0x0]  }
0x2c8: {  	v6 =	vld [tilespmem:s29+$0x10]  }
0x2c9: {  	v7 =	vld [tilespmem:s29+$0x20]  }
0x2ca: {  	v8 =	vld [tilespmem:s29+$0xFFFFFFC0]  }
0x2cb: {  	v9 =	vld.idx.msk [tilespmem:v0+s14+$0x0], $0xffff  }
0x2cc: {  	v10 =	vld.idx.msk [tilespmem:v1+s14+$0x0], $0xffff  }
0x2cd: {  	v5 =	vld.idx.msk [tilespmem:v2+s14+$0x0], $0xffff  }
0x2ce: {  	v3 =	vld.idx.msk [tilespmem:v3+s14+$0x0], $0xffff  }
0x2cf: {  	v0 =	vld.idx.msk [tilespmem:v4+s14+$0x0], $0xffff  }
0x2d0: {  	s15 =	simm.s32 $0x1A740;
	v1 =	vld.idx.msk [tilespmem:v6+s14+$0x0], $0xffff  }
0x2d1: {  	v2 =	vld.idx.msk [tilespmem:v7+s14+$0x0], $0xffff;
	[tilespmem:s15+$0x30] =	vst v9  }
0x2d2: {  	s25 =	simm.s32 $0x0;
	s26 =	simm.s32 $0x187C0;
	v4 =	vld.idx.msk [tilespmem:v8+s14+$0x0], $0xffff;
	[tilespmem:s15+$0xFFFFFFD0] =	vst v10  }
.LBB2_18:
0x2d3: {  	v6 =	vld [tilespmem:s26+$0x30];
	s25 =	sadd.s32 $0x80, s25;
	[tilespmem:s15+$0xFFFFFFE0] =	vst v5  }
0x2d4: {  	v5 =	vld [tilespmem:s26+$0xFFFFFFD0];
	p5 =	slt.u32 s25, $0x1F80;
	[tilespmem:s15+$0xFFFFFFF0] =	vst v3  }
0x2d5: {  	v3 =	vld [tilespmem:s26+$0xFFFFFFE0];
	[tilespmem:s15+$0x0] =	vst v0  }
0x2d6: {  	v0 =	vld [tilespmem:s26+$0xFFFFFFF0];
	[tilespmem:s15+$0x10] =	vst v1  }
0x2d7: {  	v1 =	vld [tilespmem:s26+$0x0];
	[tilespmem:s15+$0x20] =	vst v2  }
0x2d8: {  	v2 =	vld [tilespmem:s26+$0x10];
	[tilespmem:s15+$0xFFFFFFC0] =	vst v4  }
0x2d9: {  	v4 =	vld [tilespmem:s26+$0x20]  }
0x2da: {  	v7 =	vld [tilespmem:s26+$0xFFFFFFC0]  }
0x2db: {  	v6 =	vld.idx.msk [tilespmem:v6+s14+$0x0], $0xffff  }
0x2dc: {  	v8 =	vld.idx.msk [tilespmem:v5+s14+$0x0], $0xffff  }
0x2dd: {  	v5 =	vld.idx.msk [tilespmem:v3+s14+$0x0], $0xffff  }
.Ltmp8:
0x2de: {  	v3 =	vld.idx.msk [tilespmem:v0+s14+$0x0], $0xffff;
	(pc) =	sbr.rel @p5 .LBB2_18-.Ltmp8, $4  }
0x2df: {  	v0 =	vld.idx.msk [tilespmem:v1+s14+$0x0], $0xffff  }
0x2e0: {  	s15 =	sadd.s32 $0x80, s15;
	v1 =	vld.idx.msk [tilespmem:v2+s14+$0x0], $0xffff  }
0x2e1: {  	v2 =	vld.idx.msk [tilespmem:v4+s14+$0x0], $0xffff;
	[tilespmem:s15+$0x30] =	vst v6  }
0x2e2: {  	s26 =	sadd.s32 $0x80, s26;
	v4 =	vld.idx.msk [tilespmem:v7+s14+$0x0], $0xffff;
	[tilespmem:s15+$0xFFFFFFD0] =	vst v8  }
0x2e3: {  	[tilespmem:s15+$0xFFFFFFE0] =	vst v5  }
0x2e4: {  	[tilespmem:s15+$0xFFFFFFF0] =	vst v3  }
0x2e5: {  	[tilespmem:s15+$0x0] =	vst v0  }
0x2e6: {  	[tilespmem:s15+$0x10] =	vst v1  }
0x2e7: {  	[tilespmem:s15+$0x20] =	vst v2  }
0x2e8: {  	[tilespmem:s15+$0xFFFFFFC0] =	vst v4  }
0x2e9: {  	s15 =	sld [smem:$0x7DA];
	_ =	sdelay $0x2  }
0x2ea: {  	[tilespmem:s19], [sflag:$0x3] =	stream.strided.gather [hbm4b:s15+s2], $0x2000, s3, s2, $0x38;
	[tilespmem:$0x1E900] =	vst v63  }
0x2eb: {  	_ =	swait.ge [sflag:s4], $0x2000  }
0x2ec: {  	[sflag:s4] =	ssyncset.done $0x0  }
0x2ed: {  	s29 =	simm.s32 $0x18740;
	[sflag:s4] =	ssyncadd.s32 $0xFFFFE000  }
0x2ee: {  	v0 =	vld [tilespmem:s29+$0x30]  }
0x2ef: {  	v1 =	vld [tilespmem:s29+$0xFFFFFFD0]  }
0x2f0: {  	v2 =	vld [tilespmem:s29+$0xFFFFFFE0]  }
0x2f1: {  	v3 =	vld [tilespmem:s29+$0xFFFFFFF0]  }
0x2f2: {  	v4 =	vld [tilespmem:s29+$0x0]  }
0x2f3: {  	v6 =	vld [tilespmem:s29+$0x10]  }
0x2f4: {  	v7 =	vld [tilespmem:s29+$0x20]  }
0x2f5: {  	v8 =	vld [tilespmem:s29+$0xFFFFFFC0]  }
0x2f6: {  	v9 =	vld.idx.msk [tilespmem:v0+s14+$0x0], $0xffff  }
0x2f7: {  	v10 =	vld.idx.msk [tilespmem:v1+s14+$0x0], $0xffff  }
0x2f8: {  	v5 =	vld.idx.msk [tilespmem:v2+s14+$0x0], $0xffff  }
0x2f9: {  	v3 =	vld.idx.msk [tilespmem:v3+s14+$0x0], $0xffff  }
0x2fa: {  	v0 =	vld.idx.msk [tilespmem:v4+s14+$0x0], $0xffff  }
0x2fb: {  	s15 =	simm.s32 $0x1C770;
	v1 =	vld.idx.msk [tilespmem:v6+s14+$0x0], $0xffff  }
0x2fc: {  	v2 =	vld.idx.msk [tilespmem:v7+s14+$0x0], $0xffff;
	[tilespmem:s15+$0x0] =	vst v9  }
0x2fd: {  	s25 =	simm.s32 $0x0;
	s26 =	simm.s32 $0x187C0;
	v4 =	vld.idx.msk [tilespmem:v8+s14+$0x0], $0xffff;
	[tilespmem:s15+$0xFFFFFFA0] =	vst v10  }
.LBB2_20:
0x2fe: {  	v6 =	vld [tilespmem:s26+$0x30];
	s25 =	sadd.s32 $0x80, s25;
	[tilespmem:s15+$0xFFFFFFB0] =	vst v5  }
0x2ff: {  	v5 =	vld [tilespmem:s26+$0xFFFFFFD0];
	p5 =	slt.u32 s25, $0x1F80;
	[tilespmem:s15+$0xFFFFFFC0] =	vst v3  }
0x300: {  	v3 =	vld [tilespmem:s26+$0xFFFFFFE0];
	[tilespmem:s15+$0xFFFFFFD0] =	vst v0  }
0x301: {  	v0 =	vld [tilespmem:s26+$0xFFFFFFF0];
	[tilespmem:s15+$0xFFFFFFE0] =	vst v1  }
0x302: {  	v1 =	vld [tilespmem:s26+$0x0];
	[tilespmem:s15+$0xFFFFFFF0] =	vst v2  }
0x303: {  	v2 =	vld [tilespmem:s26+$0x10];
	[tilespmem:s15+$0xFFFFFF90] =	vst v4  }
0x304: {  	v4 =	vld [tilespmem:s26+$0x20]  }
0x305: {  	v7 =	vld [tilespmem:s26+$0xFFFFFFC0]  }
0x306: {  	v6 =	vld.idx.msk [tilespmem:v6+s14+$0x0], $0xffff  }
0x307: {  	v8 =	vld.idx.msk [tilespmem:v5+s14+$0x0], $0xffff  }
0x308: {  	v5 =	vld.idx.msk [tilespmem:v3+s14+$0x0], $0xffff  }
.Ltmp9:
0x309: {  	v3 =	vld.idx.msk [tilespmem:v0+s14+$0x0], $0xffff;
	(pc) =	sbr.rel @p5 .LBB2_20-.Ltmp9, $4  }
0x30a: {  	v0 =	vld.idx.msk [tilespmem:v1+s14+$0x0], $0xffff  }
0x30b: {  	s15 =	sadd.s32 $0x80, s15;
	v1 =	vld.idx.msk [tilespmem:v2+s14+$0x0], $0xffff  }
0x30c: {  	v2 =	vld.idx.msk [tilespmem:v4+s14+$0x0], $0xffff;
	[tilespmem:s15+$0x0] =	vst v6  }
0x30d: {  	s26 =	sadd.s32 $0x80, s26;
	v4 =	vld.idx.msk [tilespmem:v7+s14+$0x0], $0xffff;
	[tilespmem:s15+$0xFFFFFFA0] =	vst v8  }
0x30e: {  	[tilespmem:s15+$0xFFFFFFB0] =	vst v5  }
0x30f: {  	[tilespmem:s15+$0xFFFFFFC0] =	vst v3  }
0x310: {  	[tilespmem:s15+$0xFFFFFFD0] =	vst v0  }
0x311: {  	[tilespmem:s15+$0xFFFFFFE0] =	vst v1  }
0x312: {  	[tilespmem:s15+$0xFFFFFFF0] =	vst v2  }
0x313: {  	[tilespmem:s15+$0xFFFFFF90] =	vst v4  }
0x314: {  	s15 =	rddreg [dreg:$0xa]  }
0x315: {  	s25 =	rddreg [dreg:$0x1a]  }
0x316: {  	s26 =	sld [smem:$0x7A2]  }
0x317: {  	[hbm4b:s15+s2] =	stream.strided.scatter [tilespmem:s21], [sflag:$0x2], $0x4000, s3, s2, $0x38;
	[tilespmem:$0x1E900] =	vst v63  }
0x318: {  	s28 =	sld [smem:$0x7B9]  }
0x319: {  	[tilespmem:s14], [sflag:$0x1] =	stream.strided.gather [hbm4b:s25+s2], $0x18680, s3, s2, $0x38;
	[tilespmem:$0x1E900] =	vst v63  }
0x31a: {  	p5 =	seq.s32 s26, $0x1  }
0x31b: {  	s15 =	simm.s32 @!p5 $0x80;
	s25 =	simm.s32 @!p5 $0x400;
	s26 =	simm.s32 @!p5 $0x1E700  }
0x31c: {  	[tilespmem:s26], [sflag:$0x3] =	stream.strided.gather @!p5 [hbm4b:s28+s15], $0x200, s25, s15, $0x38;
	[tilespmem:$0x1E900] =	vst v63  }
0x31d: {  	s26 =	simm.s32 @!p5 $0x3  }
0x31e: {  	_ =	swait.ge @!p5 [sflag:s26], $0x200  }
0x31f: {  	s29 =	sld [smem:$0x7DC]  }
0x320: {  	[sflag:s26] =	ssyncset.done @!p5 $0x0  }
0x321: {  	s28 =	simm.s32 @!p5 $0x18700;
	[sflag:s26] =	ssyncadd.s32 @!p5 $0xFFFFFE00  }
0x322: {  	[tilespmem:s28], [sflag:$0x3] =	stream.strided.gather @!p5 [hbm4b:s29+s15], $0x2000, s25, s15, $0x38;
	[tilespmem:$0x1E900] =	vst v63  }
0x323: {  	_ =	swait.ge @!p5 [sflag:s26], $0x2000  }
0x324: {  	[sflag:s26] =	ssyncset.done @!p5 $0x0  }
0x325: {  	[sflag:s26] =	ssyncadd.s32 @!p5 $0xFFFFE000  }
0x326: {  	v0 =	vld [tilespmem:s9+$0x1E700];
	_ =	sdelay $0x2  }
0x327: {  	s28 =	sld [smem:$0x7FA];
	_ =	sdelay $0x1  }
0x328: {  	[tilespmem:$0x18680] =	vst v0  }
0x329: {  	v0 =	vld [tilespmem:s28+$0x10];
	_ =	sdelay $0x4  }
0x32a: {  	[tilespmem:$0x18690] =	vst v0  }
0x32b: {  	_ =	swait.ge [sflag:s20], $0x18680  }
0x32c: {  	[sflag:s20] =	ssyncset.done $0x0  }
0x32d: {  	[sflag:s20] =	ssyncadd.s32 $0xFFFE7980  }
0x32e: {  	_ =	swait.ge [sflag:s22], $0x4000  }
0x32f: {  	[sflag:s22] =	ssyncset.done $0x0  }
0x330: {  	s29 =	simm.s32 $0x18740;
	[sflag:s22] =	ssyncadd.s32 $0xFFFFC000  }
0x331: {  	v0 =	vld [tilespmem:s29+$0x30]  }
0x332: {  	v1 =	vld [tilespmem:s29+$0xFFFFFFD0]  }
0x333: {  	v2 =	vld [tilespmem:s29+$0xFFFFFFE0]  }
0x334: {  	v3 =	vld [tilespmem:s29+$0xFFFFFFF0]  }
0x335: {  	v4 =	vld [tilespmem:s29+$0x0]  }
0x336: {  	v6 =	vld [tilespmem:s29+$0x10]  }
0x337: {  	v7 =	vld [tilespmem:s29+$0x20]  }
0x338: {  	v8 =	vld [tilespmem:s29+$0xFFFFFFC0]  }
0x339: {  	v9 =	vld.idx.msk [tilespmem:v0+s14+$0x0], $0xffff  }
0x33a: {  	v10 =	vld.idx.msk [tilespmem:v1+s14+$0x0], $0xffff  }
0x33b: {  	v5 =	vld.idx.msk [tilespmem:v2+s14+$0x0], $0xffff  }
0x33c: {  	v3 =	vld.idx.msk [tilespmem:v3+s14+$0x0], $0xffff  }
0x33d: {  	v0 =	vld.idx.msk [tilespmem:v4+s14+$0x0], $0xffff  }
0x33e: {  	s15 =	simm.s32 $0x1C770;
	v1 =	vld.idx.msk [tilespmem:v6+s14+$0x0], $0xffff  }
0x33f: {  	v2 =	vld.idx.msk [tilespmem:v7+s14+$0x0], $0xffff;
	[tilespmem:s15+$0x0] =	vst v9  }
0x340: {  	s25 =	simm.s32 $0x0;
	s26 =	simm.s32 $0x187C0;
	v4 =	vld.idx.msk [tilespmem:v8+s14+$0x0], $0xffff;
	[tilespmem:s15+$0xFFFFFFA0] =	vst v10  }
.LBB2_22:
0x341: {  	v6 =	vld [tilespmem:s26+$0x30];
	s25 =	sadd.s32 $0x80, s25;
	[tilespmem:s15+$0xFFFFFFB0] =	vst v5  }
0x342: {  	v5 =	vld [tilespmem:s26+$0xFFFFFFD0];
	p5 =	slt.u32 s25, $0x1F80;
	[tilespmem:s15+$0xFFFFFFC0] =	vst v3  }
0x343: {  	v3 =	vld [tilespmem:s26+$0xFFFFFFE0];
	[tilespmem:s15+$0xFFFFFFD0] =	vst v0  }
0x344: {  	v0 =	vld [tilespmem:s26+$0xFFFFFFF0];
	[tilespmem:s15+$0xFFFFFFE0] =	vst v1  }
0x345: {  	v1 =	vld [tilespmem:s26+$0x0];
	[tilespmem:s15+$0xFFFFFFF0] =	vst v2  }
0x346: {  	v2 =	vld [tilespmem:s26+$0x10];
	[tilespmem:s15+$0xFFFFFF90] =	vst v4  }
0x347: {  	v4 =	vld [tilespmem:s26+$0x20]  }
0x348: {  	v7 =	vld [tilespmem:s26+$0xFFFFFFC0]  }
0x349: {  	v6 =	vld.idx.msk [tilespmem:v6+s14+$0x0], $0xffff  }
0x34a: {  	v8 =	vld.idx.msk [tilespmem:v5+s14+$0x0], $0xffff  }
0x34b: {  	v5 =	vld.idx.msk [tilespmem:v3+s14+$0x0], $0xffff  }
.Ltmp10:
0x34c: {  	v3 =	vld.idx.msk [tilespmem:v0+s14+$0x0], $0xffff;
	(pc) =	sbr.rel @p5 .LBB2_22-.Ltmp10, $4  }
0x34d: {  	v0 =	vld.idx.msk [tilespmem:v1+s14+$0x0], $0xffff  }
0x34e: {  	s15 =	sadd.s32 $0x80, s15;
	v1 =	vld.idx.msk [tilespmem:v2+s14+$0x0], $0xffff  }
0x34f: {  	v2 =	vld.idx.msk [tilespmem:v4+s14+$0x0], $0xffff;
	[tilespmem:s15+$0x0] =	vst v6  }
0x350: {  	s26 =	sadd.s32 $0x80, s26;
	v4 =	vld.idx.msk [tilespmem:v7+s14+$0x0], $0xffff;
	[tilespmem:s15+$0xFFFFFFA0] =	vst v8  }
0x351: {  	[tilespmem:s15+$0xFFFFFFB0] =	vst v5  }
0x352: {  	[tilespmem:s15+$0xFFFFFFC0] =	vst v3  }
0x353: {  	[tilespmem:s15+$0xFFFFFFD0] =	vst v0  }
0x354: {  	[tilespmem:s15+$0xFFFFFFE0] =	vst v1  }
0x355: {  	[tilespmem:s15+$0xFFFFFFF0] =	vst v2  }
0x356: {  	[tilespmem:s15+$0xFFFFFF90] =	vst v4  }
0x357: {  	s15 =	rddreg [dreg:$0xb]  }
0x358: {  	[tilespmem:s19], [sflag:$0x3] =	stream.strided.gather [hbm4b:s15+s2], $0x2000, s3, s2, $0x38;
	[tilespmem:$0x1E900] =	vst v63  }
0x359: {  	_ =	swait.ge [sflag:s4], $0x2000  }
0x35a: {  	[sflag:s4] =	ssyncset.done $0x0  }
0x35b: {  	s29 =	simm.s32 $0x18740;
	[sflag:s4] =	ssyncadd.s32 $0xFFFFE000  }
0x35c: {  	v0 =	vld [tilespmem:s29+$0x30]  }
0x35d: {  	v1 =	vld [tilespmem:s29+$0xFFFFFFD0]  }
0x35e: {  	v2 =	vld [tilespmem:s29+$0xFFFFFFE0]  }
0x35f: {  	v3 =	vld [tilespmem:s29+$0xFFFFFFF0]  }
0x360: {  	v4 =	vld [tilespmem:s29+$0x0]  }
0x361: {  	v6 =	vld [tilespmem:s29+$0x10]  }
0x362: {  	v7 =	vld [tilespmem:s29+$0x20]  }
0x363: {  	v8 =	vld [tilespmem:s29+$0xFFFFFFC0]  }
0x364: {  	v9 =	vld.idx.msk [tilespmem:v0+s14+$0x0], $0xffff  }
0x365: {  	v10 =	vld.idx.msk [tilespmem:v1+s14+$0x0], $0xffff  }
0x366: {  	v5 =	vld.idx.msk [tilespmem:v2+s14+$0x0], $0xffff  }
0x367: {  	v3 =	vld.idx.msk [tilespmem:v3+s14+$0x0], $0xffff  }
0x368: {  	v0 =	vld.idx.msk [tilespmem:v4+s14+$0x0], $0xffff  }
0x369: {  	s15 =	simm.s32 $0x1A740;
	v1 =	vld.idx.msk [tilespmem:v6+s14+$0x0], $0xffff  }
0x36a: {  	v2 =	vld.idx.msk [tilespmem:v7+s14+$0x0], $0xffff;
	[tilespmem:s15+$0x30] =	vst v9  }
0x36b: {  	s25 =	simm.s32 $0x0;
	s26 =	simm.s32 $0x187C0;
	v4 =	vld.idx.msk [tilespmem:v8+s14+$0x0], $0xffff;
	[tilespmem:s15+$0xFFFFFFD0] =	vst v10  }
.LBB2_24:
0x36c: {  	v6 =	vld [tilespmem:s26+$0x30];
	s25 =	sadd.s32 $0x80, s25;
	[tilespmem:s15+$0xFFFFFFE0] =	vst v5  }
0x36d: {  	v5 =	vld [tilespmem:s26+$0xFFFFFFD0];
	p5 =	slt.u32 s25, $0x1F80;
	[tilespmem:s15+$0xFFFFFFF0] =	vst v3  }
0x36e: {  	v3 =	vld [tilespmem:s26+$0xFFFFFFE0];
	[tilespmem:s15+$0x0] =	vst v0  }
0x36f: {  	v0 =	vld [tilespmem:s26+$0xFFFFFFF0];
	[tilespmem:s15+$0x10] =	vst v1  }
0x370: {  	v1 =	vld [tilespmem:s26+$0x0];
	[tilespmem:s15+$0x20] =	vst v2  }
0x371: {  	v2 =	vld [tilespmem:s26+$0x10];
	[tilespmem:s15+$0xFFFFFFC0] =	vst v4  }
0x372: {  	v4 =	vld [tilespmem:s26+$0x20]  }
0x373: {  	v7 =	vld [tilespmem:s26+$0xFFFFFFC0]  }
0x374: {  	v6 =	vld.idx.msk [tilespmem:v6+s14+$0x0], $0xffff  }
0x375: {  	v8 =	vld.idx.msk [tilespmem:v5+s14+$0x0], $0xffff  }
0x376: {  	v5 =	vld.idx.msk [tilespmem:v3+s14+$0x0], $0xffff  }
.Ltmp11:
0x377: {  	v3 =	vld.idx.msk [tilespmem:v0+s14+$0x0], $0xffff;
	(pc) =	sbr.rel @p5 .LBB2_24-.Ltmp11, $4  }
0x378: {  	v0 =	vld.idx.msk [tilespmem:v1+s14+$0x0], $0xffff  }
0x379: {  	s15 =	sadd.s32 $0x80, s15;
	v1 =	vld.idx.msk [tilespmem:v2+s14+$0x0], $0xffff  }
0x37a: {  	v2 =	vld.idx.msk [tilespmem:v4+s14+$0x0], $0xffff;
	[tilespmem:s15+$0x30] =	vst v6  }
0x37b: {  	s26 =	sadd.s32 $0x80, s26;
	v4 =	vld.idx.msk [tilespmem:v7+s14+$0x0], $0xffff;
	[tilespmem:s15+$0xFFFFFFD0] =	vst v8  }
0x37c: {  	[tilespmem:s15+$0xFFFFFFE0] =	vst v5  }
0x37d: {  	[tilespmem:s15+$0xFFFFFFF0] =	vst v3  }
0x37e: {  	[tilespmem:s15+$0x0] =	vst v0  }
0x37f: {  	[tilespmem:s15+$0x10] =	vst v1  }
0x380: {  	[tilespmem:s15+$0x20] =	vst v2  }
0x381: {  	[tilespmem:s15+$0xFFFFFFC0] =	vst v4  }
0x382: {  	s15 =	rddreg [dreg:$0xc]  }
0x383: {  	s25 =	rddreg [dreg:$0x1b]  }
0x384: {  	s26 =	sld [smem:$0x7A3]  }
0x385: {  	[hbm4b:s15+s2] =	stream.strided.scatter [tilespmem:s21], [sflag:$0x2], $0x4000, s3, s2, $0x38;
	[tilespmem:$0x1E900] =	vst v63  }
0x386: {  	s28 =	sld [smem:$0x7BC]  }
0x387: {  	[tilespmem:s14], [sflag:$0x1] =	stream.strided.gather [hbm4b:s25+s2], $0x18680, s3, s2, $0x38;
	[tilespmem:$0x1E900] =	vst v63  }
0x388: {  	p5 =	seq.s32 s26, $0x1  }
0x389: {  	s15 =	simm.s32 @!p5 $0x80;
	s25 =	simm.s32 @!p5 $0x400;
	s26 =	simm.s32 @!p5 $0x1E700  }
0x38a: {  	[tilespmem:s26], [sflag:$0x3] =	stream.strided.gather @!p5 [hbm4b:s28+s15], $0x200, s25, s15, $0x38;
	[tilespmem:$0x1E900] =	vst v63  }
0x38b: {  	s26 =	simm.s32 @!p5 $0x3  }
0x38c: {  	_ =	swait.ge @!p5 [sflag:s26], $0x200  }
0x38d: {  	s29 =	sld [smem:$0x7CC]  }
0x38e: {  	[sflag:s26] =	ssyncset.done @!p5 $0x0  }
0x38f: {  	s28 =	simm.s32 @!p5 $0x18700;
	[sflag:s26] =	ssyncadd.s32 @!p5 $0xFFFFFE00  }
0x390: {  	[tilespmem:s28], [sflag:$0x3] =	stream.strided.gather @!p5 [hbm4b:s29+s15], $0x2000, s25, s15, $0x38;
	[tilespmem:$0x1E900] =	vst v63  }
0x391: {  	_ =	swait.ge @!p5 [sflag:s26], $0x2000  }
0x392: {  	[sflag:s26] =	ssyncset.done @!p5 $0x0  }
0x393: {  	[sflag:s26] =	ssyncadd.s32 @!p5 $0xFFFFE000  }
0x394: {  	v0 =	vld [tilespmem:s10+$0x1E700];
	_ =	sdelay $0x2  }
0x395: {  	s28 =	sld [smem:$0x7FB];
	_ =	sdelay $0x1  }
0x396: {  	[tilespmem:$0x18680] =	vst v0  }
0x397: {  	v0 =	vld [tilespmem:s28+$0x10];
	_ =	sdelay $0x4  }
0x398: {  	[tilespmem:$0x18690] =	vst v0  }
0x399: {  	_ =	swait.ge [sflag:s20], $0x18680  }
0x39a: {  	[sflag:s20] =	ssyncset.done $0x0  }
0x39b: {  	[sflag:s20] =	ssyncadd.s32 $0xFFFE7980  }
0x39c: {  	_ =	swait.ge [sflag:s22], $0x4000  }
0x39d: {  	[sflag:s22] =	ssyncset.done $0x0  }
0x39e: {  	s29 =	simm.s32 $0x18740;
	[sflag:s22] =	ssyncadd.s32 $0xFFFFC000  }
0x39f: {  	v0 =	vld [tilespmem:s29+$0x30]  }
0x3a0: {  	v1 =	vld [tilespmem:s29+$0xFFFFFFD0]  }
0x3a1: {  	v2 =	vld [tilespmem:s29+$0xFFFFFFE0]  }
0x3a2: {  	v3 =	vld [tilespmem:s29+$0xFFFFFFF0]  }
0x3a3: {  	v4 =	vld [tilespmem:s29+$0x0]  }
0x3a4: {  	v6 =	vld [tilespmem:s29+$0x10]  }
0x3a5: {  	v7 =	vld [tilespmem:s29+$0x20]  }
0x3a6: {  	v8 =	vld [tilespmem:s29+$0xFFFFFFC0]  }
0x3a7: {  	v9 =	vld.idx.msk [tilespmem:v0+s14+$0x0], $0xffff  }
0x3a8: {  	v10 =	vld.idx.msk [tilespmem:v1+s14+$0x0], $0xffff  }
0x3a9: {  	v5 =	vld.idx.msk [tilespmem:v2+s14+$0x0], $0xffff  }
0x3aa: {  	v3 =	vld.idx.msk [tilespmem:v3+s14+$0x0], $0xffff  }
0x3ab: {  	v0 =	vld.idx.msk [tilespmem:v4+s14+$0x0], $0xffff  }
0x3ac: {  	s15 =	simm.s32 $0x1A740;
	v1 =	vld.idx.msk [tilespmem:v6+s14+$0x0], $0xffff  }
0x3ad: {  	v2 =	vld.idx.msk [tilespmem:v7+s14+$0x0], $0xffff;
	[tilespmem:s15+$0x30] =	vst v9  }
0x3ae: {  	s25 =	simm.s32 $0x0;
	s26 =	simm.s32 $0x187C0;
	v4 =	vld.idx.msk [tilespmem:v8+s14+$0x0], $0xffff;
	[tilespmem:s15+$0xFFFFFFD0] =	vst v10  }
.LBB2_26:
0x3af: {  	v6 =	vld [tilespmem:s26+$0x30];
	s25 =	sadd.s32 $0x80, s25;
	[tilespmem:s15+$0xFFFFFFE0] =	vst v5  }
0x3b0: {  	v5 =	vld [tilespmem:s26+$0xFFFFFFD0];
	p5 =	slt.u32 s25, $0x1F80;
	[tilespmem:s15+$0xFFFFFFF0] =	vst v3  }
0x3b1: {  	v3 =	vld [tilespmem:s26+$0xFFFFFFE0];
	[tilespmem:s15+$0x0] =	vst v0  }
0x3b2: {  	v0 =	vld [tilespmem:s26+$0xFFFFFFF0];
	[tilespmem:s15+$0x10] =	vst v1  }
0x3b3: {  	v1 =	vld [tilespmem:s26+$0x0];
	[tilespmem:s15+$0x20] =	vst v2  }
0x3b4: {  	v2 =	vld [tilespmem:s26+$0x10];
	[tilespmem:s15+$0xFFFFFFC0] =	vst v4  }
0x3b5: {  	v4 =	vld [tilespmem:s26+$0x20]  }
0x3b6: {  	v7 =	vld [tilespmem:s26+$0xFFFFFFC0]  }
0x3b7: {  	v6 =	vld.idx.msk [tilespmem:v6+s14+$0x0], $0xffff  }
0x3b8: {  	v8 =	vld.idx.msk [tilespmem:v5+s14+$0x0], $0xffff  }
0x3b9: {  	v5 =	vld.idx.msk [tilespmem:v3+s14+$0x0], $0xffff  }
.Ltmp12:
0x3ba: {  	v3 =	vld.idx.msk [tilespmem:v0+s14+$0x0], $0xffff;
	(pc) =	sbr.rel @p5 .LBB2_26-.Ltmp12, $4  }
0x3bb: {  	v0 =	vld.idx.msk [tilespmem:v1+s14+$0x0], $0xffff  }
0x3bc: {  	s15 =	sadd.s32 $0x80, s15;
	v1 =	vld.idx.msk [tilespmem:v2+s14+$0x0], $0xffff  }
0x3bd: {  	v2 =	vld.idx.msk [tilespmem:v4+s14+$0x0], $0xffff;
	[tilespmem:s15+$0x30] =	vst v6  }
0x3be: {  	s26 =	sadd.s32 $0x80, s26;
	v4 =	vld.idx.msk [tilespmem:v7+s14+$0x0], $0xffff;
	[tilespmem:s15+$0xFFFFFFD0] =	vst v8  }
0x3bf: {  	[tilespmem:s15+$0xFFFFFFE0] =	vst v5  }
0x3c0: {  	[tilespmem:s15+$0xFFFFFFF0] =	vst v3  }
0x3c1: {  	[tilespmem:s15+$0x0] =	vst v0  }
0x3c2: {  	[tilespmem:s15+$0x10] =	vst v1  }
0x3c3: {  	[tilespmem:s15+$0x20] =	vst v2  }
0x3c4: {  	[tilespmem:s15+$0xFFFFFFC0] =	vst v4  }
0x3c5: {  	s15 =	sld [smem:$0x7DF];
	_ =	sdelay $0x2  }
0x3c6: {  	[tilespmem:s19], [sflag:$0x3] =	stream.strided.gather [hbm4b:s15+s2], $0x2000, s3, s2, $0x38;
	[tilespmem:$0x1E900] =	vst v63  }
0x3c7: {  	_ =	swait.ge [sflag:s4], $0x2000  }
0x3c8: {  	[sflag:s4] =	ssyncset.done $0x0  }
0x3c9: {  	s29 =	simm.s32 $0x18740;
	[sflag:s4] =	ssyncadd.s32 $0xFFFFE000  }
0x3ca: {  	v0 =	vld [tilespmem:s29+$0x30]  }
0x3cb: {  	v1 =	vld [tilespmem:s29+$0xFFFFFFD0]  }
0x3cc: {  	v2 =	vld [tilespmem:s29+$0xFFFFFFE0]  }
0x3cd: {  	v3 =	vld [tilespmem:s29+$0xFFFFFFF0]  }
0x3ce: {  	v4 =	vld [tilespmem:s29+$0x0]  }
0x3cf: {  	v6 =	vld [tilespmem:s29+$0x10]  }
0x3d0: {  	v7 =	vld [tilespmem:s29+$0x20]  }
0x3d1: {  	v8 =	vld [tilespmem:s29+$0xFFFFFFC0]  }
0x3d2: {  	v9 =	vld.idx.msk [tilespmem:v0+s14+$0x0], $0xffff  }
0x3d3: {  	v10 =	vld.idx.msk [tilespmem:v1+s14+$0x0], $0xffff  }
0x3d4: {  	v5 =	vld.idx.msk [tilespmem:v2+s14+$0x0], $0xffff  }
0x3d5: {  	v3 =	vld.idx.msk [tilespmem:v3+s14+$0x0], $0xffff  }
0x3d6: {  	v0 =	vld.idx.msk [tilespmem:v4+s14+$0x0], $0xffff  }
0x3d7: {  	s15 =	simm.s32 $0x1C770;
	v1 =	vld.idx.msk [tilespmem:v6+s14+$0x0], $0xffff  }
0x3d8: {  	v2 =	vld.idx.msk [tilespmem:v7+s14+$0x0], $0xffff;
	[tilespmem:s15+$0x0] =	vst v9  }
0x3d9: {  	s25 =	simm.s32 $0x0;
	s26 =	simm.s32 $0x187C0;
	v4 =	vld.idx.msk [tilespmem:v8+s14+$0x0], $0xffff;
	[tilespmem:s15+$0xFFFFFFA0] =	vst v10  }
.LBB2_28:
0x3da: {  	v6 =	vld [tilespmem:s26+$0x30];
	s25 =	sadd.s32 $0x80, s25;
	[tilespmem:s15+$0xFFFFFFB0] =	vst v5  }
0x3db: {  	v5 =	vld [tilespmem:s26+$0xFFFFFFD0];
	p5 =	slt.u32 s25, $0x1F80;
	[tilespmem:s15+$0xFFFFFFC0] =	vst v3  }
0x3dc: {  	v3 =	vld [tilespmem:s26+$0xFFFFFFE0];
	[tilespmem:s15+$0xFFFFFFD0] =	vst v0  }
0x3dd: {  	v0 =	vld [tilespmem:s26+$0xFFFFFFF0];
	[tilespmem:s15+$0xFFFFFFE0] =	vst v1  }
0x3de: {  	v1 =	vld [tilespmem:s26+$0x0];
	[tilespmem:s15+$0xFFFFFFF0] =	vst v2  }
0x3df: {  	v2 =	vld [tilespmem:s26+$0x10];
	[tilespmem:s15+$0xFFFFFF90] =	vst v4  }
0x3e0: {  	v4 =	vld [tilespmem:s26+$0x20]  }
0x3e1: {  	v7 =	vld [tilespmem:s26+$0xFFFFFFC0]  }
0x3e2: {  	v6 =	vld.idx.msk [tilespmem:v6+s14+$0x0], $0xffff  }
0x3e3: {  	v8 =	vld.idx.msk [tilespmem:v5+s14+$0x0], $0xffff  }
0x3e4: {  	v5 =	vld.idx.msk [tilespmem:v3+s14+$0x0], $0xffff  }
.Ltmp13:
0x3e5: {  	v3 =	vld.idx.msk [tilespmem:v0+s14+$0x0], $0xffff;
	(pc) =	sbr.rel @p5 .LBB2_28-.Ltmp13, $4  }
0x3e6: {  	v0 =	vld.idx.msk [tilespmem:v1+s14+$0x0], $0xffff  }
0x3e7: {  	s15 =	sadd.s32 $0x80, s15;
	v1 =	vld.idx.msk [tilespmem:v2+s14+$0x0], $0xffff  }
0x3e8: {  	v2 =	vld.idx.msk [tilespmem:v4+s14+$0x0], $0xffff;
	[tilespmem:s15+$0x0] =	vst v6  }
0x3e9: {  	s26 =	sadd.s32 $0x80, s26;
	v4 =	vld.idx.msk [tilespmem:v7+s14+$0x0], $0xffff;
	[tilespmem:s15+$0xFFFFFFA0] =	vst v8  }
0x3ea: {  	[tilespmem:s15+$0xFFFFFFB0] =	vst v5  }
0x3eb: {  	[tilespmem:s15+$0xFFFFFFC0] =	vst v3  }
0x3ec: {  	[tilespmem:s15+$0xFFFFFFD0] =	vst v0  }
0x3ed: {  	[tilespmem:s15+$0xFFFFFFE0] =	vst v1  }
0x3ee: {  	[tilespmem:s15+$0xFFFFFFF0] =	vst v2  }
0x3ef: {  	[tilespmem:s15+$0xFFFFFF90] =	vst v4  }
0x3f0: {  	s15 =	rddreg [dreg:$0xd]  }
0x3f1: {  	s26 =	rddreg [dreg:$0x1c]  }
0x3f2: {  	[hbm4b:s15+s2] =	stream.strided.scatter [tilespmem:s21], [sflag:$0x2], $0x4000, s3, s2, $0x38;
	[tilespmem:$0x1E900] =	vst v63  }
0x3f3: {  	s28 =	sld [smem:$0x7BD]  }
0x3f4: {  	[tilespmem:s14], [sflag:$0x1] =	stream.strided.gather [hbm4b:s26+s2], $0x18680, s3, s2, $0x38;
	[tilespmem:$0x1E900] =	vst v63  }
0x3f5: {  	s25 =	simm.s32 @!p6 $0x400;
	s15 =	simm.s32 @!p6 $0x80;
	s26 =	simm.s32 @!p6 $0x1E700  }
0x3f6: {  	[tilespmem:s26], [sflag:$0x3] =	stream.strided.gather @!p6 [hbm4b:s28+s15], $0x200, s25, s15, $0x38;
	[tilespmem:$0x1E900] =	vst v63  }
0x3f7: {  	s26 =	simm.s32 @!p6 $0x3  }
0x3f8: {  	_ =	swait.ge @!p6 [sflag:s26], $0x200  }
0x3f9: {  	s29 =	sld [smem:$0x7E0]  }
0x3fa: {  	[sflag:s26] =	ssyncset.done @!p6 $0x0  }
0x3fb: {  	s28 =	simm.s32 @!p6 $0x18700;
	[sflag:s26] =	ssyncadd.s32 @!p6 $0xFFFFFE00  }
0x3fc: {  	[tilespmem:s28], [sflag:$0x3] =	stream.strided.gather @!p6 [hbm4b:s29+s15], $0x2000, s25, s15, $0x38;
	[tilespmem:$0x1E900] =	vst v63  }
0x3fd: {  	_ =	swait.ge @!p6 [sflag:s26], $0x2000  }
0x3fe: {  	[sflag:s26] =	ssyncset.done @!p6 $0x0  }
0x3ff: {  	[sflag:s26] =	ssyncadd.s32 @!p6 $0xFFFFE000  }
0x400: {  	v0 =	vld [tilespmem:s11+$0x1E700];
	_ =	sdelay $0x2  }
0x401: {  	s28 =	sld [smem:$0x7FC];
	_ =	sdelay $0x1  }
0x402: {  	[tilespmem:$0x18680] =	vst v0  }
0x403: {  	v0 =	vld [tilespmem:s28+$0x10];
	_ =	sdelay $0x4  }
0x404: {  	[tilespmem:$0x18690] =	vst v0  }
0x405: {  	_ =	swait.ge [sflag:s20], $0x18680  }
0x406: {  	[sflag:s20] =	ssyncset.done $0x0  }
0x407: {  	[sflag:s20] =	ssyncadd.s32 $0xFFFE7980  }
0x408: {  	_ =	swait.ge [sflag:s22], $0x4000  }
0x409: {  	[sflag:s22] =	ssyncset.done $0x0  }
0x40a: {  	s29 =	simm.s32 $0x18740;
	[sflag:s22] =	ssyncadd.s32 $0xFFFFC000  }
0x40b: {  	v0 =	vld [tilespmem:s29+$0x30]  }
0x40c: {  	v1 =	vld [tilespmem:s29+$0xFFFFFFD0]  }
0x40d: {  	v2 =	vld [tilespmem:s29+$0xFFFFFFE0]  }
0x40e: {  	v3 =	vld [tilespmem:s29+$0xFFFFFFF0]  }
0x40f: {  	v4 =	vld [tilespmem:s29+$0x0]  }
0x410: {  	v6 =	vld [tilespmem:s29+$0x10]  }
0x411: {  	v7 =	vld [tilespmem:s29+$0x20]  }
0x412: {  	v8 =	vld [tilespmem:s29+$0xFFFFFFC0]  }
0x413: {  	v9 =	vld.idx.msk [tilespmem:v0+s14+$0x0], $0xffff  }
0x414: {  	v10 =	vld.idx.msk [tilespmem:v1+s14+$0x0], $0xffff  }
0x415: {  	v5 =	vld.idx.msk [tilespmem:v2+s14+$0x0], $0xffff  }
0x416: {  	v3 =	vld.idx.msk [tilespmem:v3+s14+$0x0], $0xffff  }
0x417: {  	v0 =	vld.idx.msk [tilespmem:v4+s14+$0x0], $0xffff  }
0x418: {  	s15 =	simm.s32 $0x1C770;
	v1 =	vld.idx.msk [tilespmem:v6+s14+$0x0], $0xffff  }
0x419: {  	v2 =	vld.idx.msk [tilespmem:v7+s14+$0x0], $0xffff;
	[tilespmem:s15+$0x0] =	vst v9  }
0x41a: {  	s25 =	simm.s32 $0x0;
	s26 =	simm.s32 $0x187C0;
	v4 =	vld.idx.msk [tilespmem:v8+s14+$0x0], $0xffff;
	[tilespmem:s15+$0xFFFFFFA0] =	vst v10  }
.LBB2_30:
0x41b: {  	v6 =	vld [tilespmem:s26+$0x30];
	s25 =	sadd.s32 $0x80, s25;
	[tilespmem:s15+$0xFFFFFFB0] =	vst v5  }
0x41c: {  	v5 =	vld [tilespmem:s26+$0xFFFFFFD0];
	p5 =	slt.u32 s25, $0x1F80;
	[tilespmem:s15+$0xFFFFFFC0] =	vst v3  }
0x41d: {  	v3 =	vld [tilespmem:s26+$0xFFFFFFE0];
	[tilespmem:s15+$0xFFFFFFD0] =	vst v0  }
0x41e: {  	v0 =	vld [tilespmem:s26+$0xFFFFFFF0];
	[tilespmem:s15+$0xFFFFFFE0] =	vst v1  }
0x41f: {  	v1 =	vld [tilespmem:s26+$0x0];
	[tilespmem:s15+$0xFFFFFFF0] =	vst v2  }
0x420: {  	v2 =	vld [tilespmem:s26+$0x10];
	[tilespmem:s15+$0xFFFFFF90] =	vst v4  }
0x421: {  	v4 =	vld [tilespmem:s26+$0x20]  }
0x422: {  	v7 =	vld [tilespmem:s26+$0xFFFFFFC0]  }
0x423: {  	v6 =	vld.idx.msk [tilespmem:v6+s14+$0x0], $0xffff  }
0x424: {  	v8 =	vld.idx.msk [tilespmem:v5+s14+$0x0], $0xffff  }
0x425: {  	v5 =	vld.idx.msk [tilespmem:v3+s14+$0x0], $0xffff  }
.Ltmp14:
0x426: {  	v3 =	vld.idx.msk [tilespmem:v0+s14+$0x0], $0xffff;
	(pc) =	sbr.rel @p5 .LBB2_30-.Ltmp14, $4  }
0x427: {  	v0 =	vld.idx.msk [tilespmem:v1+s14+$0x0], $0xffff  }
0x428: {  	s15 =	sadd.s32 $0x80, s15;
	v1 =	vld.idx.msk [tilespmem:v2+s14+$0x0], $0xffff  }
0x429: {  	v2 =	vld.idx.msk [tilespmem:v4+s14+$0x0], $0xffff;
	[tilespmem:s15+$0x0] =	vst v6  }
0x42a: {  	s26 =	sadd.s32 $0x80, s26;
	v4 =	vld.idx.msk [tilespmem:v7+s14+$0x0], $0xffff;
	[tilespmem:s15+$0xFFFFFFA0] =	vst v8  }
0x42b: {  	[tilespmem:s15+$0xFFFFFFB0] =	vst v5  }
0x42c: {  	[tilespmem:s15+$0xFFFFFFC0] =	vst v3  }
0x42d: {  	[tilespmem:s15+$0xFFFFFFD0] =	vst v0  }
0x42e: {  	[tilespmem:s15+$0xFFFFFFE0] =	vst v1  }
0x42f: {  	[tilespmem:s15+$0xFFFFFFF0] =	vst v2  }
0x430: {  	[tilespmem:s15+$0xFFFFFF90] =	vst v4  }
0x431: {  	s15 =	rddreg [dreg:$0xe]  }
0x432: {  	[tilespmem:s19], [sflag:$0x3] =	stream.strided.gather [hbm4b:s15+s2], $0x2000, s3, s2, $0x38;
	[tilespmem:$0x1E900] =	vst v63  }
0x433: {  	_ =	swait.ge [sflag:s4], $0x2000  }
0x434: {  	[sflag:s4] =	ssyncset.done $0x0  }
0x435: {  	s29 =	simm.s32 $0x18740;
	[sflag:s4] =	ssyncadd.s32 $0xFFFFE000  }
0x436: {  	v0 =	vld [tilespmem:s29+$0x30]  }
0x437: {  	v1 =	vld [tilespmem:s29+$0xFFFFFFD0]  }
0x438: {  	v2 =	vld [tilespmem:s29+$0xFFFFFFE0]  }
0x439: {  	v3 =	vld [tilespmem:s29+$0xFFFFFFF0]  }
0x43a: {  	v4 =	vld [tilespmem:s29+$0x0]  }
0x43b: {  	v6 =	vld [tilespmem:s29+$0x10]  }
0x43c: {  	v7 =	vld [tilespmem:s29+$0x20]  }
0x43d: {  	v8 =	vld [tilespmem:s29+$0xFFFFFFC0]  }
0x43e: {  	v9 =	vld.idx.msk [tilespmem:v0+s14+$0x0], $0xffff  }
0x43f: {  	v10 =	vld.idx.msk [tilespmem:v1+s14+$0x0], $0xffff  }
0x440: {  	v5 =	vld.idx.msk [tilespmem:v2+s14+$0x0], $0xffff  }
0x441: {  	v3 =	vld.idx.msk [tilespmem:v3+s14+$0x0], $0xffff  }
0x442: {  	v0 =	vld.idx.msk [tilespmem:v4+s14+$0x0], $0xffff  }
0x443: {  	s15 =	simm.s32 $0x1A740;
	v1 =	vld.idx.msk [tilespmem:v6+s14+$0x0], $0xffff  }
0x444: {  	v2 =	vld.idx.msk [tilespmem:v7+s14+$0x0], $0xffff;
	[tilespmem:s15+$0x30] =	vst v9  }
0x445: {  	s25 =	simm.s32 $0x0;
	s26 =	simm.s32 $0x187C0;
	v4 =	vld.idx.msk [tilespmem:v8+s14+$0x0], $0xffff;
	[tilespmem:s15+$0xFFFFFFD0] =	vst v10  }
.LBB2_32:
0x446: {  	v6 =	vld [tilespmem:s26+$0x30];
	s25 =	sadd.s32 $0x80, s25;
	[tilespmem:s15+$0xFFFFFFE0] =	vst v5  }
0x447: {  	v5 =	vld [tilespmem:s26+$0xFFFFFFD0];
	p5 =	slt.u32 s25, $0x1F80;
	[tilespmem:s15+$0xFFFFFFF0] =	vst v3  }
0x448: {  	v3 =	vld [tilespmem:s26+$0xFFFFFFE0];
	[tilespmem:s15+$0x0] =	vst v0  }
0x449: {  	v0 =	vld [tilespmem:s26+$0xFFFFFFF0];
	[tilespmem:s15+$0x10] =	vst v1  }
0x44a: {  	v1 =	vld [tilespmem:s26+$0x0];
	[tilespmem:s15+$0x20] =	vst v2  }
0x44b: {  	v2 =	vld [tilespmem:s26+$0x10];
	[tilespmem:s15+$0xFFFFFFC0] =	vst v4  }
0x44c: {  	v4 =	vld [tilespmem:s26+$0x20]  }
0x44d: {  	v7 =	vld [tilespmem:s26+$0xFFFFFFC0]  }
0x44e: {  	v6 =	vld.idx.msk [tilespmem:v6+s14+$0x0], $0xffff  }
0x44f: {  	v8 =	vld.idx.msk [tilespmem:v5+s14+$0x0], $0xffff  }
0x450: {  	v5 =	vld.idx.msk [tilespmem:v3+s14+$0x0], $0xffff  }
.Ltmp15:
0x451: {  	v3 =	vld.idx.msk [tilespmem:v0+s14+$0x0], $0xffff;
	(pc) =	sbr.rel @p5 .LBB2_32-.Ltmp15, $4  }
0x452: {  	v0 =	vld.idx.msk [tilespmem:v1+s14+$0x0], $0xffff  }
0x453: {  	s15 =	sadd.s32 $0x80, s15;
	v1 =	vld.idx.msk [tilespmem:v2+s14+$0x0], $0xffff  }
0x454: {  	v2 =	vld.idx.msk [tilespmem:v4+s14+$0x0], $0xffff;
	[tilespmem:s15+$0x30] =	vst v6  }
0x455: {  	s26 =	sadd.s32 $0x80, s26;
	v4 =	vld.idx.msk [tilespmem:v7+s14+$0x0], $0xffff;
	[tilespmem:s15+$0xFFFFFFD0] =	vst v8  }
0x456: {  	[tilespmem:s15+$0xFFFFFFE0] =	vst v5  }
0x457: {  	[tilespmem:s15+$0xFFFFFFF0] =	vst v3  }
0x458: {  	[tilespmem:s15+$0x0] =	vst v0  }
0x459: {  	[tilespmem:s15+$0x10] =	vst v1  }
0x45a: {  	[tilespmem:s15+$0x20] =	vst v2  }
0x45b: {  	[tilespmem:s15+$0xFFFFFFC0] =	vst v4  }
0x45c: {  	s15 =	rddreg [dreg:$0xf]  }
0x45d: {  	s26 =	rddreg [dreg:$0x1d]  }
0x45e: {  	[hbm4b:s15+s2] =	stream.strided.scatter [tilespmem:s21], [sflag:$0x2], $0x4000, s3, s2, $0x38;
	[tilespmem:$0x1E900] =	vst v63  }
0x45f: {  	s28 =	sld [smem:$0x7BE]  }
0x460: {  	[tilespmem:s14], [sflag:$0x1] =	stream.strided.gather [hbm4b:s26+s2], $0x18680, s3, s2, $0x38;
	[tilespmem:$0x1E900] =	vst v63  }
0x461: {  	s25 =	simm.s32 @!p0 $0x400;
	s15 =	simm.s32 @!p0 $0x80;
	s26 =	simm.s32 @!p0 $0x1E700  }
0x462: {  	[tilespmem:s26], [sflag:$0x3] =	stream.strided.gather @!p0 [hbm4b:s28+s15], $0x200, s25, s15, $0x38;
	[tilespmem:$0x1E900] =	vst v63  }
0x463: {  	s26 =	simm.s32 @!p0 $0x3  }
0x464: {  	_ =	swait.ge @!p0 [sflag:s26], $0x200  }
0x465: {  	s29 =	sld [smem:$0x7CE]  }
0x466: {  	[sflag:s26] =	ssyncset.done @!p0 $0x0  }
0x467: {  	s28 =	simm.s32 @!p0 $0x18700;
	[sflag:s26] =	ssyncadd.s32 @!p0 $0xFFFFFE00  }
0x468: {  	[tilespmem:s28], [sflag:$0x3] =	stream.strided.gather @!p0 [hbm4b:s29+s15], $0x2000, s25, s15, $0x38;
	[tilespmem:$0x1E900] =	vst v63  }
0x469: {  	_ =	swait.ge @!p0 [sflag:s26], $0x2000  }
0x46a: {  	[sflag:s26] =	ssyncset.done @!p0 $0x0  }
0x46b: {  	[sflag:s26] =	ssyncadd.s32 @!p0 $0xFFFFE000  }
0x46c: {  	v0 =	vld [tilespmem:s12+$0x1E700];
	_ =	sdelay $0x2  }
0x46d: {  	s28 =	sld [smem:$0x7FD];
	_ =	sdelay $0x1  }
0x46e: {  	[tilespmem:$0x18680] =	vst v0  }
0x46f: {  	v0 =	vld [tilespmem:s28+$0x10];
	_ =	sdelay $0x4  }
0x470: {  	[tilespmem:$0x18690] =	vst v0  }
0x471: {  	_ =	swait.ge [sflag:s20], $0x18680  }
0x472: {  	[sflag:s20] =	ssyncset.done $0x0  }
0x473: {  	[sflag:s20] =	ssyncadd.s32 $0xFFFE7980  }
0x474: {  	_ =	swait.ge [sflag:s22], $0x4000  }
0x475: {  	[sflag:s22] =	ssyncset.done $0x0  }
0x476: {  	s29 =	simm.s32 $0x18740;
	[sflag:s22] =	ssyncadd.s32 $0xFFFFC000  }
0x477: {  	v0 =	vld [tilespmem:s29+$0x30]  }
0x478: {  	v1 =	vld [tilespmem:s29+$0xFFFFFFD0]  }
0x479: {  	v2 =	vld [tilespmem:s29+$0xFFFFFFE0]  }
0x47a: {  	v3 =	vld [tilespmem:s29+$0xFFFFFFF0]  }
0x47b: {  	v4 =	vld [tilespmem:s29+$0x0]  }
0x47c: {  	v6 =	vld [tilespmem:s29+$0x10]  }
0x47d: {  	v7 =	vld [tilespmem:s29+$0x20]  }
0x47e: {  	v8 =	vld [tilespmem:s29+$0xFFFFFFC0]  }
0x47f: {  	v9 =	vld.idx.msk [tilespmem:v0+s14+$0x0], $0xffff  }
0x480: {  	v10 =	vld.idx.msk [tilespmem:v1+s14+$0x0], $0xffff  }
0x481: {  	v5 =	vld.idx.msk [tilespmem:v2+s14+$0x0], $0xffff  }
0x482: {  	v3 =	vld.idx.msk [tilespmem:v3+s14+$0x0], $0xffff  }
0x483: {  	v0 =	vld.idx.msk [tilespmem:v4+s14+$0x0], $0xffff  }
0x484: {  	s15 =	simm.s32 $0x1A740;
	v1 =	vld.idx.msk [tilespmem:v6+s14+$0x0], $0xffff  }
0x485: {  	v2 =	vld.idx.msk [tilespmem:v7+s14+$0x0], $0xffff;
	[tilespmem:s15+$0x30] =	vst v9  }
0x486: {  	s25 =	simm.s32 $0x0;
	s26 =	simm.s32 $0x187C0;
	v4 =	vld.idx.msk [tilespmem:v8+s14+$0x0], $0xffff;
	[tilespmem:s15+$0xFFFFFFD0] =	vst v10  }
.LBB2_34:
0x487: {  	v6 =	vld [tilespmem:s26+$0x30];
	s25 =	sadd.s32 $0x80, s25;
	[tilespmem:s15+$0xFFFFFFE0] =	vst v5  }
0x488: {  	v5 =	vld [tilespmem:s26+$0xFFFFFFD0];
	p5 =	slt.u32 s25, $0x1F80;
	[tilespmem:s15+$0xFFFFFFF0] =	vst v3  }
0x489: {  	v3 =	vld [tilespmem:s26+$0xFFFFFFE0];
	[tilespmem:s15+$0x0] =	vst v0  }
0x48a: {  	v0 =	vld [tilespmem:s26+$0xFFFFFFF0];
	[tilespmem:s15+$0x10] =	vst v1  }
0x48b: {  	v1 =	vld [tilespmem:s26+$0x0];
	[tilespmem:s15+$0x20] =	vst v2  }
0x48c: {  	v2 =	vld [tilespmem:s26+$0x10];
	[tilespmem:s15+$0xFFFFFFC0] =	vst v4  }
0x48d: {  	v4 =	vld [tilespmem:s26+$0x20]  }
0x48e: {  	v7 =	vld [tilespmem:s26+$0xFFFFFFC0]  }
0x48f: {  	v6 =	vld.idx.msk [tilespmem:v6+s14+$0x0], $0xffff  }
0x490: {  	v8 =	vld.idx.msk [tilespmem:v5+s14+$0x0], $0xffff  }
0x491: {  	v5 =	vld.idx.msk [tilespmem:v3+s14+$0x0], $0xffff  }
.Ltmp16:
0x492: {  	v3 =	vld.idx.msk [tilespmem:v0+s14+$0x0], $0xffff;
	(pc) =	sbr.rel @p5 .LBB2_34-.Ltmp16, $4  }
0x493: {  	v0 =	vld.idx.msk [tilespmem:v1+s14+$0x0], $0xffff  }
0x494: {  	s15 =	sadd.s32 $0x80, s15;
	v1 =	vld.idx.msk [tilespmem:v2+s14+$0x0], $0xffff  }
0x495: {  	v2 =	vld.idx.msk [tilespmem:v4+s14+$0x0], $0xffff;
	[tilespmem:s15+$0x30] =	vst v6  }
0x496: {  	s26 =	sadd.s32 $0x80, s26;
	v4 =	vld.idx.msk [tilespmem:v7+s14+$0x0], $0xffff;
	[tilespmem:s15+$0xFFFFFFD0] =	vst v8  }
0x497: {  	[tilespmem:s15+$0xFFFFFFE0] =	vst v5  }
0x498: {  	[tilespmem:s15+$0xFFFFFFF0] =	vst v3  }
0x499: {  	[tilespmem:s15+$0x0] =	vst v0  }
0x49a: {  	[tilespmem:s15+$0x10] =	vst v1  }
0x49b: {  	[tilespmem:s15+$0x20] =	vst v2  }
0x49c: {  	[tilespmem:s15+$0xFFFFFFC0] =	vst v4  }
0x49d: {  	s15 =	sld [smem:$0x7E2];
	_ =	sdelay $0x2  }
0x49e: {  	[tilespmem:s19], [sflag:$0x3] =	stream.strided.gather [hbm4b:s15+s2], $0x2000, s3, s2, $0x38;
	[tilespmem:$0x1E900] =	vst v63  }
0x49f: {  	_ =	swait.ge [sflag:s4], $0x2000  }
0x4a0: {  	[sflag:s4] =	ssyncset.done $0x0  }
0x4a1: {  	s29 =	simm.s32 $0x18740;
	[sflag:s4] =	ssyncadd.s32 $0xFFFFE000  }
0x4a2: {  	v0 =	vld [tilespmem:s29+$0x30]  }
0x4a3: {  	v1 =	vld [tilespmem:s29+$0xFFFFFFD0]  }
0x4a4: {  	v2 =	vld [tilespmem:s29+$0xFFFFFFE0]  }
0x4a5: {  	v3 =	vld [tilespmem:s29+$0xFFFFFFF0]  }
0x4a6: {  	v4 =	vld [tilespmem:s29+$0x0]  }
0x4a7: {  	v6 =	vld [tilespmem:s29+$0x10]  }
0x4a8: {  	v7 =	vld [tilespmem:s29+$0x20]  }
0x4a9: {  	v8 =	vld [tilespmem:s29+$0xFFFFFFC0]  }
0x4aa: {  	v9 =	vld.idx.msk [tilespmem:v0+s14+$0x0], $0xffff  }
0x4ab: {  	v10 =	vld.idx.msk [tilespmem:v1+s14+$0x0], $0xffff  }
0x4ac: {  	v5 =	vld.idx.msk [tilespmem:v2+s14+$0x0], $0xffff  }
0x4ad: {  	v3 =	vld.idx.msk [tilespmem:v3+s14+$0x0], $0xffff  }
0x4ae: {  	v0 =	vld.idx.msk [tilespmem:v4+s14+$0x0], $0xffff  }
0x4af: {  	s15 =	simm.s32 $0x1C770;
	v1 =	vld.idx.msk [tilespmem:v6+s14+$0x0], $0xffff  }
0x4b0: {  	v2 =	vld.idx.msk [tilespmem:v7+s14+$0x0], $0xffff;
	[tilespmem:s15+$0x0] =	vst v9  }
0x4b1: {  	s25 =	simm.s32 $0x0;
	s26 =	simm.s32 $0x187C0;
	v4 =	vld.idx.msk [tilespmem:v8+s14+$0x0], $0xffff;
	[tilespmem:s15+$0xFFFFFFA0] =	vst v10  }
.LBB2_36:
0x4b2: {  	v6 =	vld [tilespmem:s26+$0x30];
	s25 =	sadd.s32 $0x80, s25;
	[tilespmem:s15+$0xFFFFFFB0] =	vst v5  }
0x4b3: {  	v5 =	vld [tilespmem:s26+$0xFFFFFFD0];
	p5 =	slt.u32 s25, $0x1F80;
	[tilespmem:s15+$0xFFFFFFC0] =	vst v3  }
0x4b4: {  	v3 =	vld [tilespmem:s26+$0xFFFFFFE0];
	[tilespmem:s15+$0xFFFFFFD0] =	vst v0  }
0x4b5: {  	v0 =	vld [tilespmem:s26+$0xFFFFFFF0];
	[tilespmem:s15+$0xFFFFFFE0] =	vst v1  }
0x4b6: {  	v1 =	vld [tilespmem:s26+$0x0];
	[tilespmem:s15+$0xFFFFFFF0] =	vst v2  }
0x4b7: {  	v2 =	vld [tilespmem:s26+$0x10];
	[tilespmem:s15+$0xFFFFFF90] =	vst v4  }
0x4b8: {  	v4 =	vld [tilespmem:s26+$0x20]  }
0x4b9: {  	v7 =	vld [tilespmem:s26+$0xFFFFFFC0]  }
0x4ba: {  	v6 =	vld.idx.msk [tilespmem:v6+s14+$0x0], $0xffff  }
0x4bb: {  	v8 =	vld.idx.msk [tilespmem:v5+s14+$0x0], $0xffff  }
0x4bc: {  	v5 =	vld.idx.msk [tilespmem:v3+s14+$0x0], $0xffff  }
.Ltmp17:
0x4bd: {  	v3 =	vld.idx.msk [tilespmem:v0+s14+$0x0], $0xffff;
	(pc) =	sbr.rel @p5 .LBB2_36-.Ltmp17, $4  }
0x4be: {  	v0 =	vld.idx.msk [tilespmem:v1+s14+$0x0], $0xffff  }
0x4bf: {  	s15 =	sadd.s32 $0x80, s15;
	v1 =	vld.idx.msk [tilespmem:v2+s14+$0x0], $0xffff  }
0x4c0: {  	v2 =	vld.idx.msk [tilespmem:v4+s14+$0x0], $0xffff;
	[tilespmem:s15+$0x0] =	vst v6  }
0x4c1: {  	s26 =	sadd.s32 $0x80, s26;
	v4 =	vld.idx.msk [tilespmem:v7+s14+$0x0], $0xffff;
	[tilespmem:s15+$0xFFFFFFA0] =	vst v8  }
0x4c2: {  	[tilespmem:s15+$0xFFFFFFB0] =	vst v5  }
0x4c3: {  	[tilespmem:s15+$0xFFFFFFC0] =	vst v3  }
0x4c4: {  	[tilespmem:s15+$0xFFFFFFD0] =	vst v0  }
0x4c5: {  	[tilespmem:s15+$0xFFFFFFE0] =	vst v1  }
0x4c6: {  	[tilespmem:s15+$0xFFFFFFF0] =	vst v2  }
0x4c7: {  	[tilespmem:s15+$0xFFFFFF90] =	vst v4  }
0x4c8: {  	s15 =	sld [smem:$0x7C5];
	_ =	sdelay $0x2  }
0x4c9: {  	[hbm4b:s15+s2] =	stream.strided.scatter [tilespmem:s21], [sflag:$0x2], $0x4000, s3, s2, $0x38;
	[tilespmem:$0x1E900] =	vst v63  }
0x4ca: {  	s28 =	rddreg [dreg:$0x1e]  }
0x4cb: {  	[tilespmem:s14], [sflag:$0x1] =	stream.strided.gather [hbm4b:s28+s2], $0x18680, s3, s2, $0x38;
	[tilespmem:$0x1E900] =	vst v63  }
0x4cc: {  	s28 =	sld [smem:$0x7BF];
	_ =	sdelay $0x1  }
0x4cd: {  	s25 =	simm.s32 @!p1 $0x400;
	s26 =	simm.s32 @!p1 $0x1E700;
	s15 =	simm.s32 @!p1 $0x80  }
0x4ce: {  	[tilespmem:s26], [sflag:$0x3] =	stream.strided.gather @!p1 [hbm4b:s28+s15], $0x200, s25, s15, $0x38;
	[tilespmem:$0x1E900] =	vst v63  }
0x4cf: {  	s26 =	simm.s32 @!p1 $0x3  }
0x4d0: {  	_ =	swait.ge @!p1 [sflag:s26], $0x200  }
0x4d1: {  	s29 =	sld [smem:$0x7E4]  }
0x4d2: {  	[sflag:s26] =	ssyncset.done @!p1 $0x0  }
0x4d3: {  	s28 =	simm.s32 @!p1 $0x18700;
	[sflag:s26] =	ssyncadd.s32 @!p1 $0xFFFFFE00  }
0x4d4: {  	[tilespmem:s28], [sflag:$0x3] =	stream.strided.gather @!p1 [hbm4b:s29+s15], $0x2000, s25, s15, $0x38;
	[tilespmem:$0x1E900] =	vst v63  }
0x4d5: {  	_ =	swait.ge @!p1 [sflag:s26], $0x2000  }
0x4d6: {  	[sflag:s26] =	ssyncset.done @!p1 $0x0  }
0x4d7: {  	[sflag:s26] =	ssyncadd.s32 @!p1 $0xFFFFE000  }
0x4d8: {  	v0 =	vld [tilespmem:s13+$0x1E700];
	_ =	sdelay $0x4  }
0x4d9: {  	[tilespmem:$0x18680] =	vst v0  }
0x4da: {  	v0 =	vld [tilespmem:s30+$0x10];
	_ =	sdelay $0x4  }
0x4db: {  	[tilespmem:$0x18690] =	vst v0  }
0x4dc: {  	_ =	swait.ge [sflag:s20], $0x18680  }
0x4dd: {  	[sflag:s20] =	ssyncset.done $0x0  }
0x4de: {  	[sflag:s20] =	ssyncadd.s32 $0xFFFE7980  }
0x4df: {  	_ =	swait.ge [sflag:s22], $0x4000  }
0x4e0: {  	[sflag:s22] =	ssyncset.done $0x0  }
0x4e1: {  	s29 =	simm.s32 $0x18740;
	[sflag:s22] =	ssyncadd.s32 $0xFFFFC000  }
0x4e2: {  	v0 =	vld [tilespmem:s29+$0x30]  }
0x4e3: {  	v1 =	vld [tilespmem:s29+$0xFFFFFFD0]  }
0x4e4: {  	v2 =	vld [tilespmem:s29+$0xFFFFFFE0]  }
0x4e5: {  	v3 =	vld [tilespmem:s29+$0xFFFFFFF0]  }
0x4e6: {  	v4 =	vld [tilespmem:s29+$0x0]  }
0x4e7: {  	v6 =	vld [tilespmem:s29+$0x10]  }
0x4e8: {  	v7 =	vld [tilespmem:s29+$0x20]  }
0x4e9: {  	v8 =	vld [tilespmem:s29+$0xFFFFFFC0]  }
0x4ea: {  	v9 =	vld.idx.msk [tilespmem:v0+s14+$0x0], $0xffff  }
0x4eb: {  	v10 =	vld.idx.msk [tilespmem:v1+s14+$0x0], $0xffff  }
0x4ec: {  	v5 =	vld.idx.msk [tilespmem:v2+s14+$0x0], $0xffff  }
0x4ed: {  	v3 =	vld.idx.msk [tilespmem:v3+s14+$0x0], $0xffff  }
0x4ee: {  	v0 =	vld.idx.msk [tilespmem:v4+s14+$0x0], $0xffff  }
0x4ef: {  	s15 =	simm.s32 $0x1C770;
	v1 =	vld.idx.msk [tilespmem:v6+s14+$0x0], $0xffff  }
0x4f0: {  	v2 =	vld.idx.msk [tilespmem:v7+s14+$0x0], $0xffff;
	[tilespmem:s15+$0x0] =	vst v9  }
0x4f1: {  	s25 =	simm.s32 $0x0;
	s26 =	simm.s32 $0x187C0;
	v4 =	vld.idx.msk [tilespmem:v8+s14+$0x0], $0xffff;
	[tilespmem:s15+$0xFFFFFFA0] =	vst v10  }
.LBB2_38:
0x4f2: {  	v6 =	vld [tilespmem:s26+$0x30];
	s25 =	sadd.s32 $0x80, s25;
	[tilespmem:s15+$0xFFFFFFB0] =	vst v5  }
0x4f3: {  	v5 =	vld [tilespmem:s26+$0xFFFFFFD0];
	p5 =	slt.u32 s25, $0x1F80;
	[tilespmem:s15+$0xFFFFFFC0] =	vst v3  }
0x4f4: {  	v3 =	vld [tilespmem:s26+$0xFFFFFFE0];
	[tilespmem:s15+$0xFFFFFFD0] =	vst v0  }
0x4f5: {  	v0 =	vld [tilespmem:s26+$0xFFFFFFF0];
	[tilespmem:s15+$0xFFFFFFE0] =	vst v1  }
0x4f6: {  	v1 =	vld [tilespmem:s26+$0x0];
	[tilespmem:s15+$0xFFFFFFF0] =	vst v2  }
0x4f7: {  	v2 =	vld [tilespmem:s26+$0x10];
	[tilespmem:s15+$0xFFFFFF90] =	vst v4  }
0x4f8: {  	v4 =	vld [tilespmem:s26+$0x20]  }
0x4f9: {  	v7 =	vld [tilespmem:s26+$0xFFFFFFC0]  }
0x4fa: {  	v6 =	vld.idx.msk [tilespmem:v6+s14+$0x0], $0xffff  }
0x4fb: {  	v8 =	vld.idx.msk [tilespmem:v5+s14+$0x0], $0xffff  }
0x4fc: {  	v5 =	vld.idx.msk [tilespmem:v3+s14+$0x0], $0xffff  }
.Ltmp18:
0x4fd: {  	v3 =	vld.idx.msk [tilespmem:v0+s14+$0x0], $0xffff;
	(pc) =	sbr.rel @p5 .LBB2_38-.Ltmp18, $4  }
0x4fe: {  	v0 =	vld.idx.msk [tilespmem:v1+s14+$0x0], $0xffff  }
0x4ff: {  	s15 =	sadd.s32 $0x80, s15;
	v1 =	vld.idx.msk [tilespmem:v2+s14+$0x0], $0xffff  }
0x500: {  	v2 =	vld.idx.msk [tilespmem:v4+s14+$0x0], $0xffff;
	[tilespmem:s15+$0x0] =	vst v6  }
0x501: {  	s26 =	sadd.s32 $0x80, s26;
	v4 =	vld.idx.msk [tilespmem:v7+s14+$0x0], $0xffff;
	[tilespmem:s15+$0xFFFFFFA0] =	vst v8  }
0x502: {  	[tilespmem:s15+$0xFFFFFFB0] =	vst v5  }
0x503: {  	[tilespmem:s15+$0xFFFFFFC0] =	vst v3  }
0x504: {  	[tilespmem:s15+$0xFFFFFFD0] =	vst v0  }
0x505: {  	[tilespmem:s15+$0xFFFFFFE0] =	vst v1  }
0x506: {  	[tilespmem:s15+$0xFFFFFFF0] =	vst v2  }
0x507: {  	[tilespmem:s15+$0xFFFFFF90] =	vst v4  }
0x508: {  	s15 =	rddreg [dreg:$0x10]  }
0x509: {  	[tilespmem:s19], [sflag:$0x3] =	stream.strided.gather [hbm4b:s15+s2], $0x2000, s3, s2, $0x38;
	[tilespmem:$0x1E900] =	vst v63  }
0x50a: {  	_ =	swait.ge [sflag:s4], $0x2000  }
0x50b: {  	[sflag:s4] =	ssyncset.done $0x0  }
0x50c: {  	s29 =	simm.s32 $0x18740;
	[sflag:s4] =	ssyncadd.s32 $0xFFFFE000  }
0x50d: {  	v0 =	vld [tilespmem:s29+$0x30]  }
0x50e: {  	v1 =	vld [tilespmem:s29+$0xFFFFFFD0]  }
0x50f: {  	v2 =	vld [tilespmem:s29+$0xFFFFFFE0]  }
0x510: {  	v3 =	vld [tilespmem:s29+$0xFFFFFFF0]  }
0x511: {  	v4 =	vld [tilespmem:s29+$0x0]  }
0x512: {  	v6 =	vld [tilespmem:s29+$0x10]  }
0x513: {  	v7 =	vld [tilespmem:s29+$0x20]  }
0x514: {  	v8 =	vld [tilespmem:s29+$0xFFFFFFC0]  }
0x515: {  	v9 =	vld.idx.msk [tilespmem:v0+s14+$0x0], $0xffff  }
0x516: {  	v10 =	vld.idx.msk [tilespmem:v1+s14+$0x0], $0xffff  }
0x517: {  	v5 =	vld.idx.msk [tilespmem:v2+s14+$0x0], $0xffff  }
0x518: {  	v3 =	vld.idx.msk [tilespmem:v3+s14+$0x0], $0xffff  }
0x519: {  	v0 =	vld.idx.msk [tilespmem:v4+s14+$0x0], $0xffff  }
0x51a: {  	s15 =	simm.s32 $0x1A740;
	v1 =	vld.idx.msk [tilespmem:v6+s14+$0x0], $0xffff  }
0x51b: {  	v2 =	vld.idx.msk [tilespmem:v7+s14+$0x0], $0xffff;
	[tilespmem:s15+$0x30] =	vst v9  }
0x51c: {  	s25 =	simm.s32 $0x0;
	s26 =	simm.s32 $0x187C0;
	v4 =	vld.idx.msk [tilespmem:v8+s14+$0x0], $0xffff;
	[tilespmem:s15+$0xFFFFFFD0] =	vst v10  }
.LBB2_40:
0x51d: {  	v6 =	vld [tilespmem:s26+$0x30];
	s25 =	sadd.s32 $0x80, s25;
	[tilespmem:s15+$0xFFFFFFE0] =	vst v5  }
0x51e: {  	v5 =	vld [tilespmem:s26+$0xFFFFFFD0];
	p5 =	slt.u32 s25, $0x1F80;
	[tilespmem:s15+$0xFFFFFFF0] =	vst v3  }
0x51f: {  	v3 =	vld [tilespmem:s26+$0xFFFFFFE0];
	[tilespmem:s15+$0x0] =	vst v0  }
0x520: {  	v0 =	vld [tilespmem:s26+$0xFFFFFFF0];
	[tilespmem:s15+$0x10] =	vst v1  }
0x521: {  	v1 =	vld [tilespmem:s26+$0x0];
	[tilespmem:s15+$0x20] =	vst v2  }
0x522: {  	v2 =	vld [tilespmem:s26+$0x10];
	[tilespmem:s15+$0xFFFFFFC0] =	vst v4  }
0x523: {  	v4 =	vld [tilespmem:s26+$0x20]  }
0x524: {  	v7 =	vld [tilespmem:s26+$0xFFFFFFC0]  }
0x525: {  	v6 =	vld.idx.msk [tilespmem:v6+s14+$0x0], $0xffff  }
0x526: {  	v8 =	vld.idx.msk [tilespmem:v5+s14+$0x0], $0xffff  }
0x527: {  	v5 =	vld.idx.msk [tilespmem:v3+s14+$0x0], $0xffff  }
.Ltmp19:
0x528: {  	v3 =	vld.idx.msk [tilespmem:v0+s14+$0x0], $0xffff;
	(pc) =	sbr.rel @p5 .LBB2_40-.Ltmp19, $4  }
0x529: {  	v0 =	vld.idx.msk [tilespmem:v1+s14+$0x0], $0xffff  }
0x52a: {  	s15 =	sadd.s32 $0x80, s15;
	v1 =	vld.idx.msk [tilespmem:v2+s14+$0x0], $0xffff  }
0x52b: {  	v2 =	vld.idx.msk [tilespmem:v4+s14+$0x0], $0xffff;
	[tilespmem:s15+$0x30] =	vst v6  }
0x52c: {  	s26 =	sadd.s32 $0x80, s26;
	v4 =	vld.idx.msk [tilespmem:v7+s14+$0x0], $0xffff;
	[tilespmem:s15+$0xFFFFFFD0] =	vst v8  }
0x52d: {  	[tilespmem:s15+$0xFFFFFFE0] =	vst v5  }
0x52e: {  	[tilespmem:s15+$0xFFFFFFF0] =	vst v3  }
0x52f: {  	[tilespmem:s15+$0x0] =	vst v0  }
0x530: {  	[tilespmem:s15+$0x10] =	vst v1  }
0x531: {  	[tilespmem:s15+$0x20] =	vst v2  }
0x532: {  	[tilespmem:s15+$0xFFFFFFC0] =	vst v4  }
0x533: {  	s15 =	rddreg [dreg:$0x11]  }
0x534: {  	[hbm4b:s15+s2] =	stream.strided.scatter [tilespmem:s21], [sflag:$0x2], $0x4000, s3, s2, $0x38;
	[tilespmem:$0x1E900] =	vst v63  }
0x535: {  	s28 =	rddreg [dreg:$0x1f]  }
0x536: {  	[tilespmem:s14], [sflag:$0x1] =	stream.strided.gather [hbm4b:s28+s2], $0x18680, s3, s2, $0x38;
	[tilespmem:$0x1E900] =	vst v63  }
0x537: {  	s28 =	sld [smem:$0x7C0];
	_ =	sdelay $0x1  }
0x538: {  	s25 =	simm.s32 @!p2 $0x400;
	s26 =	simm.s32 @!p2 $0x1E700;
	s15 =	simm.s32 @!p2 $0x80  }
0x539: {  	[tilespmem:s26], [sflag:$0x3] =	stream.strided.gather @!p2 [hbm4b:s28+s15], $0x200, s25, s15, $0x38;
	[tilespmem:$0x1E900] =	vst v63  }
0x53a: {  	s26 =	simm.s32 @!p2 $0x3  }
0x53b: {  	_ =	swait.ge @!p2 [sflag:s26], $0x200  }
0x53c: {  	s29 =	sld [smem:$0x7CF]  }
0x53d: {  	[sflag:s26] =	ssyncset.done @!p2 $0x0  }
0x53e: {  	s28 =	simm.s32 @!p2 $0x18700;
	[sflag:s26] =	ssyncadd.s32 @!p2 $0xFFFFFE00  }
0x53f: {  	[tilespmem:s28], [sflag:$0x3] =	stream.strided.gather @!p2 [hbm4b:s29+s15], $0x2000, s25, s15, $0x38;
	[tilespmem:$0x1E900] =	vst v63  }
0x540: {  	_ =	swait.ge @!p2 [sflag:s26], $0x2000  }
0x541: {  	[sflag:s26] =	ssyncset.done @!p2 $0x0  }
0x542: {  	[sflag:s26] =	ssyncadd.s32 @!p2 $0xFFFFE000  }
0x543: {  	v0 =	vld [tilespmem:s16+$0x1E700];
	_ =	sdelay $0x4  }
0x544: {  	[tilespmem:$0x18680] =	vst v0  }
0x545: {  	v0 =	vld [tilespmem:s31+$0x10];
	_ =	sdelay $0x4  }
0x546: {  	[tilespmem:$0x18690] =	vst v0  }
0x547: {  	_ =	swait.ge [sflag:s20], $0x18680  }
0x548: {  	[sflag:s20] =	ssyncset.done $0x0  }
0x549: {  	[sflag:s20] =	ssyncadd.s32 $0xFFFE7980  }
0x54a: {  	_ =	swait.ge [sflag:s22], $0x4000  }
0x54b: {  	[sflag:s22] =	ssyncset.done $0x0  }
0x54c: {  	s29 =	simm.s32 $0x18740;
	[sflag:s22] =	ssyncadd.s32 $0xFFFFC000  }
0x54d: {  	v0 =	vld [tilespmem:s29+$0x30]  }
0x54e: {  	v1 =	vld [tilespmem:s29+$0xFFFFFFD0]  }
0x54f: {  	v2 =	vld [tilespmem:s29+$0xFFFFFFE0]  }
0x550: {  	v3 =	vld [tilespmem:s29+$0xFFFFFFF0]  }
0x551: {  	v4 =	vld [tilespmem:s29+$0x0]  }
0x552: {  	v6 =	vld [tilespmem:s29+$0x10]  }
0x553: {  	v7 =	vld [tilespmem:s29+$0x20]  }
0x554: {  	v8 =	vld [tilespmem:s29+$0xFFFFFFC0]  }
0x555: {  	v9 =	vld.idx.msk [tilespmem:v0+s14+$0x0], $0xffff  }
0x556: {  	v10 =	vld.idx.msk [tilespmem:v1+s14+$0x0], $0xffff  }
0x557: {  	v5 =	vld.idx.msk [tilespmem:v2+s14+$0x0], $0xffff  }
0x558: {  	v3 =	vld.idx.msk [tilespmem:v3+s14+$0x0], $0xffff  }
0x559: {  	v0 =	vld.idx.msk [tilespmem:v4+s14+$0x0], $0xffff  }
0x55a: {  	s15 =	simm.s32 $0x1A740;
	v1 =	vld.idx.msk [tilespmem:v6+s14+$0x0], $0xffff  }
0x55b: {  	v2 =	vld.idx.msk [tilespmem:v7+s14+$0x0], $0xffff;
	[tilespmem:s15+$0x30] =	vst v9  }
0x55c: {  	s25 =	simm.s32 $0x0;
	s26 =	simm.s32 $0x187C0;
	v4 =	vld.idx.msk [tilespmem:v8+s14+$0x0], $0xffff;
	[tilespmem:s15+$0xFFFFFFD0] =	vst v10  }
.LBB2_42:
0x55d: {  	v6 =	vld [tilespmem:s26+$0x30];
	s25 =	sadd.s32 $0x80, s25;
	[tilespmem:s15+$0xFFFFFFE0] =	vst v5  }
0x55e: {  	v5 =	vld [tilespmem:s26+$0xFFFFFFD0];
	p5 =	slt.u32 s25, $0x1F80;
	[tilespmem:s15+$0xFFFFFFF0] =	vst v3  }
0x55f: {  	v3 =	vld [tilespmem:s26+$0xFFFFFFE0];
	[tilespmem:s15+$0x0] =	vst v0  }
0x560: {  	v0 =	vld [tilespmem:s26+$0xFFFFFFF0];
	[tilespmem:s15+$0x10] =	vst v1  }
0x561: {  	v1 =	vld [tilespmem:s26+$0x0];
	[tilespmem:s15+$0x20] =	vst v2  }
0x562: {  	v2 =	vld [tilespmem:s26+$0x10];
	[tilespmem:s15+$0xFFFFFFC0] =	vst v4  }
0x563: {  	v4 =	vld [tilespmem:s26+$0x20]  }
0x564: {  	v7 =	vld [tilespmem:s26+$0xFFFFFFC0]  }
0x565: {  	v6 =	vld.idx.msk [tilespmem:v6+s14+$0x0], $0xffff  }
0x566: {  	v8 =	vld.idx.msk [tilespmem:v5+s14+$0x0], $0xffff  }
0x567: {  	v5 =	vld.idx.msk [tilespmem:v3+s14+$0x0], $0xffff  }
.Ltmp20:
0x568: {  	v3 =	vld.idx.msk [tilespmem:v0+s14+$0x0], $0xffff;
	(pc) =	sbr.rel @p5 .LBB2_42-.Ltmp20, $4  }
0x569: {  	v0 =	vld.idx.msk [tilespmem:v1+s14+$0x0], $0xffff  }
0x56a: {  	s15 =	sadd.s32 $0x80, s15;
	v1 =	vld.idx.msk [tilespmem:v2+s14+$0x0], $0xffff  }
0x56b: {  	v2 =	vld.idx.msk [tilespmem:v4+s14+$0x0], $0xffff;
	[tilespmem:s15+$0x30] =	vst v6  }
0x56c: {  	s26 =	sadd.s32 $0x80, s26;
	v4 =	vld.idx.msk [tilespmem:v7+s14+$0x0], $0xffff;
	[tilespmem:s15+$0xFFFFFFD0] =	vst v8  }
0x56d: {  	[tilespmem:s15+$0xFFFFFFE0] =	vst v5  }
0x56e: {  	[tilespmem:s15+$0xFFFFFFF0] =	vst v3  }
0x56f: {  	[tilespmem:s15+$0x0] =	vst v0  }
0x570: {  	[tilespmem:s15+$0x10] =	vst v1  }
0x571: {  	[tilespmem:s15+$0x20] =	vst v2  }
0x572: {  	[tilespmem:s15+$0xFFFFFFC0] =	vst v4  }
0x573: {  	s15 =	sld [smem:$0x7E5];
	_ =	sdelay $0x2  }
0x574: {  	[tilespmem:s19], [sflag:$0x3] =	stream.strided.gather [hbm4b:s15+s2], $0x2000, s3, s2, $0x38;
	[tilespmem:$0x1E900] =	vst v63  }
0x575: {  	_ =	swait.ge [sflag:s4], $0x2000  }
0x576: {  	[sflag:s4] =	ssyncset.done $0x0  }
0x577: {  	s29 =	simm.s32 $0x18740;
	[sflag:s4] =	ssyncadd.s32 $0xFFFFE000  }
0x578: {  	v0 =	vld [tilespmem:s29+$0x30]  }
0x579: {  	v1 =	vld [tilespmem:s29+$0xFFFFFFD0]  }
0x57a: {  	v2 =	vld [tilespmem:s29+$0xFFFFFFE0]  }
0x57b: {  	v3 =	vld [tilespmem:s29+$0xFFFFFFF0]  }
0x57c: {  	v4 =	vld [tilespmem:s29+$0x0]  }
0x57d: {  	v6 =	vld [tilespmem:s29+$0x10]  }
0x57e: {  	v7 =	vld [tilespmem:s29+$0x20]  }
0x57f: {  	v8 =	vld [tilespmem:s29+$0xFFFFFFC0]  }
0x580: {  	v9 =	vld.idx.msk [tilespmem:v0+s14+$0x0], $0xffff  }
0x581: {  	v10 =	vld.idx.msk [tilespmem:v1+s14+$0x0], $0xffff  }
0x582: {  	v5 =	vld.idx.msk [tilespmem:v2+s14+$0x0], $0xffff  }
0x583: {  	v3 =	vld.idx.msk [tilespmem:v3+s14+$0x0], $0xffff  }
0x584: {  	v0 =	vld.idx.msk [tilespmem:v4+s14+$0x0], $0xffff  }
0x585: {  	s15 =	simm.s32 $0x1C770;
	v1 =	vld.idx.msk [tilespmem:v6+s14+$0x0], $0xffff  }
0x586: {  	v2 =	vld.idx.msk [tilespmem:v7+s14+$0x0], $0xffff;
	[tilespmem:s15+$0x0] =	vst v9  }
0x587: {  	s25 =	simm.s32 $0x0;
	s26 =	simm.s32 $0x187C0;
	v4 =	vld.idx.msk [tilespmem:v8+s14+$0x0], $0xffff;
	[tilespmem:s15+$0xFFFFFFA0] =	vst v10  }
.LBB2_44:
0x588: {  	v6 =	vld [tilespmem:s26+$0x30];
	s25 =	sadd.s32 $0x80, s25;
	[tilespmem:s15+$0xFFFFFFB0] =	vst v5  }
0x589: {  	v5 =	vld [tilespmem:s26+$0xFFFFFFD0];
	p5 =	slt.u32 s25, $0x1F80;
	[tilespmem:s15+$0xFFFFFFC0] =	vst v3  }
0x58a: {  	v3 =	vld [tilespmem:s26+$0xFFFFFFE0];
	[tilespmem:s15+$0xFFFFFFD0] =	vst v0  }
0x58b: {  	v0 =	vld [tilespmem:s26+$0xFFFFFFF0];
	[tilespmem:s15+$0xFFFFFFE0] =	vst v1  }
0x58c: {  	v1 =	vld [tilespmem:s26+$0x0];
	[tilespmem:s15+$0xFFFFFFF0] =	vst v2  }
0x58d: {  	v2 =	vld [tilespmem:s26+$0x10];
	[tilespmem:s15+$0xFFFFFF90] =	vst v4  }
0x58e: {  	v4 =	vld [tilespmem:s26+$0x20]  }
0x58f: {  	v7 =	vld [tilespmem:s26+$0xFFFFFFC0]  }
0x590: {  	v6 =	vld.idx.msk [tilespmem:v6+s14+$0x0], $0xffff  }
0x591: {  	v8 =	vld.idx.msk [tilespmem:v5+s14+$0x0], $0xffff  }
0x592: {  	v5 =	vld.idx.msk [tilespmem:v3+s14+$0x0], $0xffff  }
.Ltmp21:
0x593: {  	v3 =	vld.idx.msk [tilespmem:v0+s14+$0x0], $0xffff;
	(pc) =	sbr.rel @p5 .LBB2_44-.Ltmp21, $4  }
0x594: {  	v0 =	vld.idx.msk [tilespmem:v1+s14+$0x0], $0xffff  }
0x595: {  	s15 =	sadd.s32 $0x80, s15;
	v1 =	vld.idx.msk [tilespmem:v2+s14+$0x0], $0xffff  }
0x596: {  	v2 =	vld.idx.msk [tilespmem:v4+s14+$0x0], $0xffff;
	[tilespmem:s15+$0x0] =	vst v6  }
0x597: {  	s26 =	sadd.s32 $0x80, s26;
	v4 =	vld.idx.msk [tilespmem:v7+s14+$0x0], $0xffff;
	[tilespmem:s15+$0xFFFFFFA0] =	vst v8  }
0x598: {  	[tilespmem:s15+$0xFFFFFFB0] =	vst v5  }
0x599: {  	[tilespmem:s15+$0xFFFFFFC0] =	vst v3  }
0x59a: {  	[tilespmem:s15+$0xFFFFFFD0] =	vst v0  }
0x59b: {  	[tilespmem:s15+$0xFFFFFFE0] =	vst v1  }
0x59c: {  	[tilespmem:s15+$0xFFFFFFF0] =	vst v2  }
0x59d: {  	[tilespmem:s15+$0xFFFFFF90] =	vst v4  }
0x59e: {  	s15 =	rddreg [dreg:$0x12]  }
0x59f: {  	s28 =	sld [smem:$0x7AC]  }
0x5a0: {  	[hbm4b:s15+s2] =	stream.strided.scatter [tilespmem:s21], [sflag:$0x2], $0x4000, s3, s2, $0x38;
	[tilespmem:$0x1E900] =	vst v63  }
0x5a1: {  	_ = 	snop  }
0x5a2: {  	[tilespmem:s14], [sflag:$0x1] =	stream.strided.gather [hbm4b:s28+s2], $0x18680, s3, s2, $0x38;
	[tilespmem:$0x1E900] =	vst v63  }
0x5a3: {  	s28 =	sld [smem:$0x7C1];
	_ =	sdelay $0x1  }
0x5a4: {  	s25 =	simm.s32 @!p3 $0x400;
	s26 =	simm.s32 @!p3 $0x1E700;
	s15 =	simm.s32 @!p3 $0x80  }
0x5a5: {  	[tilespmem:s26], [sflag:$0x3] =	stream.strided.gather @!p3 [hbm4b:s28+s15], $0x200, s25, s15, $0x38;
	[tilespmem:$0x1E900] =	vst v63  }
0x5a6: {  	s26 =	simm.s32 @!p3 $0x3  }
0x5a7: {  	_ =	swait.ge @!p3 [sflag:s26], $0x200  }
0x5a8: {  	s29 =	sld [smem:$0x7E6]  }
0x5a9: {  	[sflag:s26] =	ssyncset.done @!p3 $0x0  }
0x5aa: {  	s28 =	simm.s32 @!p3 $0x18700;
	[sflag:s26] =	ssyncadd.s32 @!p3 $0xFFFFFE00  }
0x5ab: {  	[tilespmem:s28], [sflag:$0x3] =	stream.strided.gather @!p3 [hbm4b:s29+s15], $0x2000, s25, s15, $0x38;
	[tilespmem:$0x1E900] =	vst v63  }
0x5ac: {  	_ =	swait.ge @!p3 [sflag:s26], $0x2000  }
0x5ad: {  	[sflag:s26] =	ssyncset.done @!p3 $0x0  }
0x5ae: {  	[sflag:s26] =	ssyncadd.s32 @!p3 $0xFFFFE000  }
0x5af: {  	v0 =	vld [tilespmem:s17+$0x1E700];
	_ =	sdelay $0x4  }
0x5b0: {  	[tilespmem:$0x18680] =	vst v0  }
0x5b1: {  	v0 =	vld [tilespmem:s0+$0x10];
	_ =	sdelay $0x4  }
0x5b2: {  	[tilespmem:$0x18690] =	vst v0  }
0x5b3: {  	_ =	swait.ge [sflag:s20], $0x18680  }
0x5b4: {  	[sflag:s20] =	ssyncset.done $0x0  }
0x5b5: {  	[sflag:s20] =	ssyncadd.s32 $0xFFFE7980  }
0x5b6: {  	_ =	swait.ge [sflag:s22], $0x4000  }
0x5b7: {  	[sflag:s22] =	ssyncset.done $0x0  }
0x5b8: {  	s29 =	simm.s32 $0x18740;
	[sflag:s22] =	ssyncadd.s32 $0xFFFFC000  }
0x5b9: {  	v0 =	vld [tilespmem:s29+$0x30]  }
0x5ba: {  	v1 =	vld [tilespmem:s29+$0xFFFFFFD0]  }
0x5bb: {  	v2 =	vld [tilespmem:s29+$0xFFFFFFE0]  }
0x5bc: {  	v3 =	vld [tilespmem:s29+$0xFFFFFFF0]  }
0x5bd: {  	v4 =	vld [tilespmem:s29+$0x0]  }
0x5be: {  	v6 =	vld [tilespmem:s29+$0x10]  }
0x5bf: {  	v7 =	vld [tilespmem:s29+$0x20]  }
0x5c0: {  	v8 =	vld [tilespmem:s29+$0xFFFFFFC0]  }
0x5c1: {  	v9 =	vld.idx.msk [tilespmem:v0+s14+$0x0], $0xffff  }
0x5c2: {  	v10 =	vld.idx.msk [tilespmem:v1+s14+$0x0], $0xffff  }
0x5c3: {  	v5 =	vld.idx.msk [tilespmem:v2+s14+$0x0], $0xffff  }
0x5c4: {  	v3 =	vld.idx.msk [tilespmem:v3+s14+$0x0], $0xffff  }
0x5c5: {  	v0 =	vld.idx.msk [tilespmem:v4+s14+$0x0], $0xffff  }
0x5c6: {  	s15 =	simm.s32 $0x1C770;
	v1 =	vld.idx.msk [tilespmem:v6+s14+$0x0], $0xffff  }
0x5c7: {  	v2 =	vld.idx.msk [tilespmem:v7+s14+$0x0], $0xffff;
	[tilespmem:s15+$0x0] =	vst v9  }
0x5c8: {  	s25 =	simm.s32 $0x0;
	s26 =	simm.s32 $0x187C0;
	v4 =	vld.idx.msk [tilespmem:v8+s14+$0x0], $0xffff;
	[tilespmem:s15+$0xFFFFFFA0] =	vst v10  }
.LBB2_46:
0x5c9: {  	v6 =	vld [tilespmem:s26+$0x30];
	s25 =	sadd.s32 $0x80, s25;
	[tilespmem:s15+$0xFFFFFFB0] =	vst v5  }
0x5ca: {  	v5 =	vld [tilespmem:s26+$0xFFFFFFD0];
	p5 =	slt.u32 s25, $0x1F80;
	[tilespmem:s15+$0xFFFFFFC0] =	vst v3  }
0x5cb: {  	v3 =	vld [tilespmem:s26+$0xFFFFFFE0];
	[tilespmem:s15+$0xFFFFFFD0] =	vst v0  }
0x5cc: {  	v0 =	vld [tilespmem:s26+$0xFFFFFFF0];
	[tilespmem:s15+$0xFFFFFFE0] =	vst v1  }
0x5cd: {  	v1 =	vld [tilespmem:s26+$0x0];
	[tilespmem:s15+$0xFFFFFFF0] =	vst v2  }
0x5ce: {  	v2 =	vld [tilespmem:s26+$0x10];
	[tilespmem:s15+$0xFFFFFF90] =	vst v4  }
0x5cf: {  	v4 =	vld [tilespmem:s26+$0x20]  }
0x5d0: {  	v7 =	vld [tilespmem:s26+$0xFFFFFFC0]  }
0x5d1: {  	v6 =	vld.idx.msk [tilespmem:v6+s14+$0x0], $0xffff  }
0x5d2: {  	v8 =	vld.idx.msk [tilespmem:v5+s14+$0x0], $0xffff  }
0x5d3: {  	v5 =	vld.idx.msk [tilespmem:v3+s14+$0x0], $0xffff  }
.Ltmp22:
0x5d4: {  	v3 =	vld.idx.msk [tilespmem:v0+s14+$0x0], $0xffff;
	(pc) =	sbr.rel @p5 .LBB2_46-.Ltmp22, $4  }
0x5d5: {  	v0 =	vld.idx.msk [tilespmem:v1+s14+$0x0], $0xffff  }
0x5d6: {  	s15 =	sadd.s32 $0x80, s15;
	v1 =	vld.idx.msk [tilespmem:v2+s14+$0x0], $0xffff  }
0x5d7: {  	v2 =	vld.idx.msk [tilespmem:v4+s14+$0x0], $0xffff;
	[tilespmem:s15+$0x0] =	vst v6  }
0x5d8: {  	s26 =	sadd.s32 $0x80, s26;
	v4 =	vld.idx.msk [tilespmem:v7+s14+$0x0], $0xffff;
	[tilespmem:s15+$0xFFFFFFA0] =	vst v8  }
0x5d9: {  	[tilespmem:s15+$0xFFFFFFB0] =	vst v5  }
0x5da: {  	[tilespmem:s15+$0xFFFFFFC0] =	vst v3  }
0x5db: {  	[tilespmem:s15+$0xFFFFFFD0] =	vst v0  }
0x5dc: {  	[tilespmem:s15+$0xFFFFFFE0] =	vst v1  }
0x5dd: {  	[tilespmem:s15+$0xFFFFFFF0] =	vst v2  }
0x5de: {  	[tilespmem:s15+$0xFFFFFF90] =	vst v4  }
0x5df: {  	s15 =	rddreg [dreg:$0x13]  }
0x5e0: {  	[tilespmem:s19], [sflag:$0x3] =	stream.strided.gather [hbm4b:s15+s2], $0x2000, s3, s2, $0x38;
	[tilespmem:$0x1E900] =	vst v63  }
0x5e1: {  	_ =	swait.ge [sflag:s4], $0x2000  }
0x5e2: {  	[sflag:s4] =	ssyncset.done $0x0  }
0x5e3: {  	s29 =	simm.s32 $0x18740;
	[sflag:s4] =	ssyncadd.s32 $0xFFFFE000  }
0x5e4: {  	v0 =	vld [tilespmem:s29+$0x30]  }
0x5e5: {  	v1 =	vld [tilespmem:s29+$0xFFFFFFD0]  }
0x5e6: {  	v2 =	vld [tilespmem:s29+$0xFFFFFFE0]  }
0x5e7: {  	v3 =	vld [tilespmem:s29+$0xFFFFFFF0]  }
0x5e8: {  	v4 =	vld [tilespmem:s29+$0x0]  }
0x5e9: {  	v6 =	vld [tilespmem:s29+$0x10]  }
0x5ea: {  	v7 =	vld [tilespmem:s29+$0x20]  }
0x5eb: {  	v8 =	vld [tilespmem:s29+$0xFFFFFFC0]  }
0x5ec: {  	v9 =	vld.idx.msk [tilespmem:v0+s14+$0x0], $0xffff  }
0x5ed: {  	v10 =	vld.idx.msk [tilespmem:v1+s14+$0x0], $0xffff  }
0x5ee: {  	v5 =	vld.idx.msk [tilespmem:v2+s14+$0x0], $0xffff  }
0x5ef: {  	v3 =	vld.idx.msk [tilespmem:v3+s14+$0x0], $0xffff  }
0x5f0: {  	v0 =	vld.idx.msk [tilespmem:v4+s14+$0x0], $0xffff  }
0x5f1: {  	s15 =	simm.s32 $0x1A740;
	v1 =	vld.idx.msk [tilespmem:v6+s14+$0x0], $0xffff  }
0x5f2: {  	v2 =	vld.idx.msk [tilespmem:v7+s14+$0x0], $0xffff;
	[tilespmem:s15+$0x30] =	vst v9  }
0x5f3: {  	s25 =	simm.s32 $0x0;
	s26 =	simm.s32 $0x187C0;
	v4 =	vld.idx.msk [tilespmem:v8+s14+$0x0], $0xffff;
	[tilespmem:s15+$0xFFFFFFD0] =	vst v10  }
.LBB2_48:
0x5f4: {  	v6 =	vld [tilespmem:s26+$0x30];
	s25 =	sadd.s32 $0x80, s25;
	[tilespmem:s15+$0xFFFFFFE0] =	vst v5  }
0x5f5: {  	v5 =	vld [tilespmem:s26+$0xFFFFFFD0];
	p5 =	slt.u32 s25, $0x1F80;
	[tilespmem:s15+$0xFFFFFFF0] =	vst v3  }
0x5f6: {  	v3 =	vld [tilespmem:s26+$0xFFFFFFE0];
	[tilespmem:s15+$0x0] =	vst v0  }
0x5f7: {  	v0 =	vld [tilespmem:s26+$0xFFFFFFF0];
	[tilespmem:s15+$0x10] =	vst v1  }
0x5f8: {  	v1 =	vld [tilespmem:s26+$0x0];
	[tilespmem:s15+$0x20] =	vst v2  }
0x5f9: {  	v2 =	vld [tilespmem:s26+$0x10];
	[tilespmem:s15+$0xFFFFFFC0] =	vst v4  }
0x5fa: {  	v4 =	vld [tilespmem:s26+$0x20]  }
0x5fb: {  	v7 =	vld [tilespmem:s26+$0xFFFFFFC0]  }
0x5fc: {  	v6 =	vld.idx.msk [tilespmem:v6+s14+$0x0], $0xffff  }
0x5fd: {  	v8 =	vld.idx.msk [tilespmem:v5+s14+$0x0], $0xffff  }
0x5fe: {  	v5 =	vld.idx.msk [tilespmem:v3+s14+$0x0], $0xffff  }
.Ltmp23:
0x5ff: {  	v3 =	vld.idx.msk [tilespmem:v0+s14+$0x0], $0xffff;
	(pc) =	sbr.rel @p5 .LBB2_48-.Ltmp23, $4  }
0x600: {  	v0 =	vld.idx.msk [tilespmem:v1+s14+$0x0], $0xffff  }
0x601: {  	s15 =	sadd.s32 $0x80, s15;
	v1 =	vld.idx.msk [tilespmem:v2+s14+$0x0], $0xffff  }
0x602: {  	v2 =	vld.idx.msk [tilespmem:v4+s14+$0x0], $0xffff;
	[tilespmem:s15+$0x30] =	vst v6  }
0x603: {  	s26 =	sadd.s32 $0x80, s26;
	v4 =	vld.idx.msk [tilespmem:v7+s14+$0x0], $0xffff;
	[tilespmem:s15+$0xFFFFFFD0] =	vst v8  }
0x604: {  	[tilespmem:s15+$0xFFFFFFE0] =	vst v5  }
0x605: {  	[tilespmem:s15+$0xFFFFFFF0] =	vst v3  }
0x606: {  	[tilespmem:s15+$0x0] =	vst v0  }
0x607: {  	[tilespmem:s15+$0x10] =	vst v1  }
0x608: {  	[tilespmem:s15+$0x20] =	vst v2  }
0x609: {  	[tilespmem:s15+$0xFFFFFFC0] =	vst v4  }
0x60a: {  	s15 =	rddreg [dreg:$0x14]  }
0x60b: {  	s28 =	sld [smem:$0x7AD]  }
0x60c: {  	[hbm4b:s15+s2] =	stream.strided.scatter [tilespmem:s21], [sflag:$0x2], $0x4000, s3, s2, $0x38;
	[tilespmem:$0x1E900] =	vst v63  }
0x60d: {  	_ = 	snop  }
0x60e: {  	[tilespmem:s14], [sflag:$0x1] =	stream.strided.gather [hbm4b:s28+s2], $0x18680, s3, s2, $0x38;
	[tilespmem:$0x1E900] =	vst v63  }
0x60f: {  	s28 =	sld [smem:$0x7C2];
	_ =	sdelay $0x1  }
0x610: {  	s25 =	simm.s32 @!p4 $0x400;
	s26 =	simm.s32 @!p4 $0x1E700;
	s15 =	simm.s32 @!p4 $0x80  }
0x611: {  	[tilespmem:s26], [sflag:$0x3] =	stream.strided.gather @!p4 [hbm4b:s28+s15], $0x200, s25, s15, $0x38;
	[tilespmem:$0x1E900] =	vst v63  }
0x612: {  	s26 =	simm.s32 @!p4 $0x3  }
0x613: {  	_ =	swait.ge @!p4 [sflag:s26], $0x200  }
0x614: {  	s29 =	sld [smem:$0x7D0]  }
0x615: {  	[sflag:s26] =	ssyncset.done @!p4 $0x0  }
0x616: {  	s28 =	simm.s32 @!p4 $0x18700;
	[sflag:s26] =	ssyncadd.s32 @!p4 $0xFFFFFE00  }
0x617: {  	[tilespmem:s28], [sflag:$0x3] =	stream.strided.gather @!p4 [hbm4b:s29+s15], $0x2000, s25, s15, $0x38;
	[tilespmem:$0x1E900] =	vst v63  }
0x618: {  	_ =	swait.ge @!p4 [sflag:s26], $0x2000  }
0x619: {  	[sflag:s26] =	ssyncset.done @!p4 $0x0  }
0x61a: {  	[sflag:s26] =	ssyncadd.s32 @!p4 $0xFFFFE000  }
0x61b: {  	v0 =	vld [tilespmem:s18+$0x1E700];
	_ =	sdelay $0x4  }
0x61c: {  	[tilespmem:$0x18680] =	vst v0  }
0x61d: {  	v0 =	vld [tilespmem:s1+$0x10];
	_ =	sdelay $0x4  }
0x61e: {  	[tilespmem:$0x18690] =	vst v0  }
0x61f: {  	_ =	swait.ge [sflag:s20], $0x18680  }
0x620: {  	[sflag:s20] =	ssyncset.done $0x0  }
0x621: {  	[sflag:s20] =	ssyncadd.s32 $0xFFFE7980  }
0x622: {  	_ =	swait.ge [sflag:s22], $0x4000  }
0x623: {  	[sflag:s22] =	ssyncset.done $0x0  }
0x624: {  	s29 =	simm.s32 $0x18740;
	[sflag:s22] =	ssyncadd.s32 $0xFFFFC000  }
0x625: {  	v0 =	vld [tilespmem:s29+$0x30]  }
0x626: {  	v1 =	vld [tilespmem:s29+$0xFFFFFFD0]  }
0x627: {  	v2 =	vld [tilespmem:s29+$0xFFFFFFE0]  }
0x628: {  	v3 =	vld [tilespmem:s29+$0xFFFFFFF0]  }
0x629: {  	v4 =	vld [tilespmem:s29+$0x0]  }
0x62a: {  	v6 =	vld [tilespmem:s29+$0x10]  }
0x62b: {  	v7 =	vld [tilespmem:s29+$0x20]  }
0x62c: {  	v8 =	vld [tilespmem:s29+$0xFFFFFFC0]  }
0x62d: {  	v9 =	vld.idx.msk [tilespmem:v0+s14+$0x0], $0xffff  }
0x62e: {  	v10 =	vld.idx.msk [tilespmem:v1+s14+$0x0], $0xffff  }
0x62f: {  	v5 =	vld.idx.msk [tilespmem:v2+s14+$0x0], $0xffff  }
0x630: {  	v3 =	vld.idx.msk [tilespmem:v3+s14+$0x0], $0xffff  }
0x631: {  	v0 =	vld.idx.msk [tilespmem:v4+s14+$0x0], $0xffff  }
0x632: {  	s15 =	simm.s32 $0x1A740;
	v1 =	vld.idx.msk [tilespmem:v6+s14+$0x0], $0xffff  }
0x633: {  	v2 =	vld.idx.msk [tilespmem:v7+s14+$0x0], $0xffff;
	[tilespmem:s15+$0x30] =	vst v9  }
0x634: {  	s25 =	simm.s32 $0x0;
	s26 =	simm.s32 $0x187C0;
	v4 =	vld.idx.msk [tilespmem:v8+s14+$0x0], $0xffff;
	[tilespmem:s15+$0xFFFFFFD0] =	vst v10  }
.LBB2_50:
0x635: {  	v6 =	vld [tilespmem:s26+$0x30];
	s25 =	sadd.s32 $0x80, s25;
	[tilespmem:s15+$0xFFFFFFE0] =	vst v5  }
0x636: {  	v5 =	vld [tilespmem:s26+$0xFFFFFFD0];
	p5 =	slt.u32 s25, $0x1F80;
	[tilespmem:s15+$0xFFFFFFF0] =	vst v3  }
0x637: {  	v3 =	vld [tilespmem:s26+$0xFFFFFFE0];
	[tilespmem:s15+$0x0] =	vst v0  }
0x638: {  	v0 =	vld [tilespmem:s26+$0xFFFFFFF0];
	[tilespmem:s15+$0x10] =	vst v1  }
0x639: {  	v1 =	vld [tilespmem:s26+$0x0];
	[tilespmem:s15+$0x20] =	vst v2  }
0x63a: {  	v2 =	vld [tilespmem:s26+$0x10];
	[tilespmem:s15+$0xFFFFFFC0] =	vst v4  }
0x63b: {  	v4 =	vld [tilespmem:s26+$0x20]  }
0x63c: {  	v7 =	vld [tilespmem:s26+$0xFFFFFFC0]  }
0x63d: {  	v6 =	vld.idx.msk [tilespmem:v6+s14+$0x0], $0xffff  }
0x63e: {  	v8 =	vld.idx.msk [tilespmem:v5+s14+$0x0], $0xffff  }
0x63f: {  	v5 =	vld.idx.msk [tilespmem:v3+s14+$0x0], $0xffff  }
.Ltmp24:
0x640: {  	v3 =	vld.idx.msk [tilespmem:v0+s14+$0x0], $0xffff;
	(pc) =	sbr.rel @p5 .LBB2_50-.Ltmp24, $4  }
0x641: {  	v0 =	vld.idx.msk [tilespmem:v1+s14+$0x0], $0xffff  }
0x642: {  	s15 =	sadd.s32 $0x80, s15;
	v1 =	vld.idx.msk [tilespmem:v2+s14+$0x0], $0xffff  }
0x643: {  	v2 =	vld.idx.msk [tilespmem:v4+s14+$0x0], $0xffff;
	[tilespmem:s15+$0x30] =	vst v6  }
0x644: {  	s26 =	sadd.s32 $0x80, s26;
	v4 =	vld.idx.msk [tilespmem:v7+s14+$0x0], $0xffff;
	[tilespmem:s15+$0xFFFFFFD0] =	vst v8  }
0x645: {  	[tilespmem:s15+$0xFFFFFFE0] =	vst v5  }
0x646: {  	[tilespmem:s15+$0xFFFFFFF0] =	vst v3  }
0x647: {  	[tilespmem:s15+$0x0] =	vst v0  }
0x648: {  	[tilespmem:s15+$0x10] =	vst v1  }
0x649: {  	[tilespmem:s15+$0x20] =	vst v2  }
0x64a: {  	[tilespmem:s15+$0xFFFFFFC0] =	vst v4  }
0x64b: {  	s15 =	sld [smem:$0x7E7];
	_ =	sdelay $0x2  }
0x64c: {  	[tilespmem:s19], [sflag:$0x3] =	stream.strided.gather [hbm4b:s15+s2], $0x2000, s3, s2, $0x38;
	[tilespmem:$0x1E900] =	vst v63  }
0x64d: {  	_ =	swait.ge [sflag:s4], $0x2000  }
0x64e: {  	[sflag:s4] =	ssyncset.done $0x0  }
0x64f: {  	s29 =	simm.s32 $0x18740;
	[sflag:s4] =	ssyncadd.s32 $0xFFFFE000  }
0x650: {  	v0 =	vld [tilespmem:s29+$0x30]  }
0x651: {  	v1 =	vld [tilespmem:s29+$0xFFFFFFD0]  }
0x652: {  	v2 =	vld [tilespmem:s29+$0xFFFFFFE0]  }
0x653: {  	v3 =	vld [tilespmem:s29+$0xFFFFFFF0]  }
0x654: {  	v4 =	vld [tilespmem:s29+$0x0]  }
0x655: {  	v6 =	vld [tilespmem:s29+$0x10]  }
0x656: {  	v7 =	vld [tilespmem:s29+$0x20]  }
0x657: {  	v8 =	vld [tilespmem:s29+$0xFFFFFFC0]  }
0x658: {  	v9 =	vld.idx.msk [tilespmem:v0+s14+$0x0], $0xffff  }
0x659: {  	v10 =	vld.idx.msk [tilespmem:v1+s14+$0x0], $0xffff  }
0x65a: {  	v5 =	vld.idx.msk [tilespmem:v2+s14+$0x0], $0xffff  }
0x65b: {  	v3 =	vld.idx.msk [tilespmem:v3+s14+$0x0], $0xffff  }
0x65c: {  	v0 =	vld.idx.msk [tilespmem:v4+s14+$0x0], $0xffff  }
0x65d: {  	s15 =	simm.s32 $0x1C770;
	v1 =	vld.idx.msk [tilespmem:v6+s14+$0x0], $0xffff  }
0x65e: {  	v2 =	vld.idx.msk [tilespmem:v7+s14+$0x0], $0xffff;
	[tilespmem:s15+$0x0] =	vst v9  }
0x65f: {  	s25 =	simm.s32 $0x0;
	s26 =	simm.s32 $0x187C0;
	v4 =	vld.idx.msk [tilespmem:v8+s14+$0x0], $0xffff;
	[tilespmem:s15+$0xFFFFFFA0] =	vst v10  }
.LBB2_52:
0x660: {  	v6 =	vld [tilespmem:s26+$0x30];
	s25 =	sadd.s32 $0x80, s25;
	[tilespmem:s15+$0xFFFFFFB0] =	vst v5  }
0x661: {  	v5 =	vld [tilespmem:s26+$0xFFFFFFD0];
	p5 =	slt.u32 s25, $0x1F80;
	[tilespmem:s15+$0xFFFFFFC0] =	vst v3  }
0x662: {  	v3 =	vld [tilespmem:s26+$0xFFFFFFE0];
	[tilespmem:s15+$0xFFFFFFD0] =	vst v0  }
0x663: {  	v0 =	vld [tilespmem:s26+$0xFFFFFFF0];
	[tilespmem:s15+$0xFFFFFFE0] =	vst v1  }
0x664: {  	v1 =	vld [tilespmem:s26+$0x0];
	[tilespmem:s15+$0xFFFFFFF0] =	vst v2  }
0x665: {  	v2 =	vld [tilespmem:s26+$0x10];
	[tilespmem:s15+$0xFFFFFF90] =	vst v4  }
0x666: {  	v4 =	vld [tilespmem:s26+$0x20]  }
0x667: {  	v7 =	vld [tilespmem:s26+$0xFFFFFFC0]  }
0x668: {  	v6 =	vld.idx.msk [tilespmem:v6+s14+$0x0], $0xffff  }
0x669: {  	v8 =	vld.idx.msk [tilespmem:v5+s14+$0x0], $0xffff  }
0x66a: {  	v5 =	vld.idx.msk [tilespmem:v3+s14+$0x0], $0xffff  }
.Ltmp25:
0x66b: {  	v3 =	vld.idx.msk [tilespmem:v0+s14+$0x0], $0xffff;
	(pc) =	sbr.rel @p5 .LBB2_52-.Ltmp25, $4  }
0x66c: {  	v0 =	vld.idx.msk [tilespmem:v1+s14+$0x0], $0xffff  }
0x66d: {  	s15 =	sadd.s32 $0x80, s15;
	v1 =	vld.idx.msk [tilespmem:v2+s14+$0x0], $0xffff  }
0x66e: {  	v2 =	vld.idx.msk [tilespmem:v4+s14+$0x0], $0xffff;
	[tilespmem:s15+$0x0] =	vst v6  }
0x66f: {  	s26 =	sadd.s32 $0x80, s26;
	v4 =	vld.idx.msk [tilespmem:v7+s14+$0x0], $0xffff;
	[tilespmem:s15+$0xFFFFFFA0] =	vst v8  }
0x670: {  	[tilespmem:s15+$0xFFFFFFB0] =	vst v5  }
0x671: {  	[tilespmem:s15+$0xFFFFFFC0] =	vst v3  }
0x672: {  	[tilespmem:s15+$0xFFFFFFD0] =	vst v0  }
0x673: {  	[tilespmem:s15+$0xFFFFFFE0] =	vst v1  }
0x674: {  	[tilespmem:s15+$0xFFFFFFF0] =	vst v2  }
0x675: {  	[tilespmem:s15+$0xFFFFFF90] =	vst v4  }
0x676: {  	s15 =	sld [smem:$0x7E8];
	_ =	sdelay $0x2  }
0x677: {  	[hbm4b:s15+s2] =	stream.strided.scatter [tilespmem:s21], [sflag:$0x2], $0x4000, s3, s2, $0x38;
	[tilespmem:$0x1E900] =	vst v63  }
0x678: {  	_ =	swait.ge [sflag:s22], $0x4000  }
0x679: {  	s29 =	sld [smem:$0x7F4];
	_ =	sdelay $0x1  }
0x67a: {  	s23 =	sadd.s32 $0x1, s23  }
0x67b: {  	p5 =	sne.s32 s23, s29  }
.Ltmp26:
0x67c: {  	_ = 	snop;
	(pc) =	sbr.rel @p5 .LBB2_1-.Ltmp26, $3  }
0x67d: {  	_ =	sdelay $0x1  }
0x67e: {  	[sflag:s22] =	ssyncset.done $0x0  }
0x67f: {  	[sflag:s22] =	ssyncadd.s32 $0xFFFFC000  }
0x680: {  	_ =	sfence.sel $0x180000  }
0x681: {  	[bflag:$0x0] =	sbarrier.arrive $0xFFFF  }
0x682: {  	_ =	strace $0x90000047  }
0x683: {  	s0 =	stileid.u32;
	[bflag:$0x2] =	sbarrier.arrive $0xFFFF  }
0x684: {  	p0 =	sne.s32 s0, $0x0;
	s0 =	rddreg [dreg:$0x4]  }
0x685: {  	s0 =	sadd.s32 @!p0 $0x100000, s0  }
0x686: {  	[sflag:s0] =	ssyncadd.tile.s32 @!p0 $0x1;
	_ =	shalt  }
.Lfunc_end2:
_tile_overlayer_lowered:
.L_overlay_start_2:
0x687: {  	(tag) =	ssettag $0x2  }
0x688: {  	s0 =	rddreg [dreg:$0x0];
	s2 =	stileid.u32  }
0x689: {  	s1 =	rddreg [dreg:$0x1];
	p0 =	sne.s32 s2, $0x0  }
0x68a: {  	s3 =	rddreg [dreg:$0x2];
	[bflag:$0x3] =	sbarrier.arrive $0xFFFF;
	s2 =	simm.s32 @!p0 $0x1C03  }
0x68b: {  	[timem:s3], [sflag:s2] =	dma.local @!p0 [hbm:s0], s1  }
0x68c: {  	s0 =	simm.s32 @!p0 $0x3  }
0x68d: {  	_ =	swait.ge @!p0 [sflag:s0], s1  }
0x68e: {  	s1 =	ssub.s32 @!p0 $0x0, s1;
	[sflag:s0] =	ssyncset.done @!p0 $0x0  }
0x68f: {  	[sflag:s0] =	ssyncadd.s32 @!p0 s1  }
0x690: {  	[bflag:$0x3] =	sbarrier.arrive $0xFFFF  }
0x691: {  	_ =	shalt  }

</sc_bundles>
